<compile_context>
chip_gen: v7x
topology: tpu7x:2x2x1
jax: 0.10.2.dev20260603
libtpu: 0.0.44.dev20260713+nightly
codegen_flags: <defaults>
</compile_context>

<pallas_src>
import functools

import jax
import jax.numpy as jnp
from jax import lax
from jax.experimental import pallas as pl
from jax.experimental.pallas import tpu as pltpu
from jax.experimental.pallas import tpu_sc as plsc

N = 10000
E = 320000
D_FEAT = 128
D_EDGE = 16
D_GLOBAL = 16
EMBED = 128
HEADS = 8
HEAD_DIM = EMBED // HEADS

NC, NS = 2, 16
NW = NC * NS
PT = E // NW
CH = 128
NCH = 80
PTP = NCH * CH
EP = NW * PTP
PAD = PTP - PT
REAL_LAST = 16
RND = 2
NCHR = NCH // RND
ND = 10240

BN = 2000
GN = N // BN
BE = 2048
GE = EP // BE

_MESH = plsc.VectorSubcoreMesh(
    core_axis_name="c", subcore_axis_name="s", num_cores=NC, num_subcores=NS)

_F32 = jnp.float32


def _wid():
    return lax.axis_index("c") * NS + lax.axis_index("s")


@functools.partial(
    pl.kernel,
    out_type=jax.ShapeDtypeStruct((4 * ND,), _F32),
    mesh=_MESH,
    scratch_types=[
        pltpu.VMEM((NCH, CH), jnp.int32),
        pltpu.VMEM((NCH, CH), jnp.int32),
        pltpu.VMEM((CH,), _F32),
        pltpu.VMEM((CH,), _F32),
        pltpu.VMEM_SHARED((ND,), _F32),
        pltpu.VMEM_SHARED((ND,), _F32),
    ],
)
def _sc_degrees(sidx_hbm, ridx_hbm, z1_hbm, out_hbm,
                sidx_v, ridx_v, ones_v, onesp_v, dsend, drecv):
    c = lax.axis_index("c")
    s = lax.axis_index("s")
    w = _wid()
    for i in range(CH // 16):
        ones_v[pl.ds(i * 16, 16)] = jnp.ones((16,), _F32)
        onesp_v[pl.ds(i * 16, 16)] = (
            jnp.ones((16,), _F32) if i < REAL_LAST // 16 else jnp.zeros((16,), _F32))
    zoff = s * 640
    pltpu.sync_copy(z1_hbm.at[pl.ds(zoff, 640)], dsend.at[pl.ds(zoff, 640)])
    pltpu.sync_copy(z1_hbm.at[pl.ds(zoff, 640)], drecv.at[pl.ds(zoff, 640)])

    pltpu.sync_copy(sidx_hbm.at[w], sidx_v)
    pltpu.sync_copy(ridx_hbm.at[w], ridx_v)
    plsc.subcore_barrier()

    def body(j, carry):
        pltpu.sync_copy(ones_v, dsend.at[sidx_v.at[j]], add=True)
        pltpu.sync_copy(ones_v, drecv.at[ridx_v.at[j]], add=True)
        return carry

    lax.fori_loop(0, NCH - 2, body, 0)
    pltpu.sync_copy(onesp_v, dsend.at[sidx_v.at[NCH - 2]], add=True)
    pltpu.sync_copy(onesp_v, drecv.at[ridx_v.at[NCH - 2]], add=True)
    plsc.subcore_barrier()

    pltpu.sync_copy(dsend.at[pl.ds(zoff, 640)],
                    out_hbm.at[pl.ds((c * 2) * ND + zoff, 640)])
    pltpu.sync_copy(drecv.at[pl.ds(zoff, 640)],
                    out_hbm.at[pl.ds((c * 2 + 1) * ND + zoff, 640)])


@functools.partial(
    pl.kernel,
    out_type=jax.ShapeDtypeStruct((NW, NCH, CH), _F32),
    mesh=_MESH,
    scratch_types=[
        pltpu.VMEM((NCH, CH), jnp.int32),
        pltpu.VMEM((NCH, CH), _F32),
        pltpu.SemaphoreType.DMA,
    ],
)
def _sc_gather_a(a_hbm, sidx_hbm, out_hbm, idx_v, vals_v, sem):
    w = _wid()
    pltpu.sync_copy(sidx_hbm.at[w], idx_v)

    def body(j, carry):
        pltpu.async_copy(a_hbm.at[idx_v.at[j]], vals_v.at[j], sem)
        return carry

    lax.fori_loop(0, NCH, body, 0)
    pltpu.make_async_copy(out_hbm.at[w], vals_v, sem).wait()
    pltpu.sync_copy(vals_v, out_hbm.at[w])


def _acc_zero(z2_hbm, acc, s):
    pltpu.sync_copy(z2_hbm.at[pl.ds(s * 640, 640)], acc.at[pl.ds(s * 640, 640)])


def _acc_writeback(acc, out_hbm, c, s):
    pltpu.sync_copy(acc.at[pl.ds(s * 640, 640)],
                    out_hbm.at[pl.ds(c * ND + s * 640, 640)])


_SCATTER_SCRATCH = [
    pltpu.VMEM((NCH, CH), jnp.int32),
    pltpu.VMEM((CH, EMBED), _F32),
    pltpu.VMEM((CH, EMBED), _F32),
    pltpu.VMEM_SHARED((ND, EMBED), _F32),
    pltpu.SemaphoreType.DMA,
    pltpu.SemaphoreType.DMA,
]


@functools.partial(
    pl.kernel,
    out_type=jax.ShapeDtypeStruct((2 * ND, EMBED), _F32),
    mesh=_MESH,
    scratch_types=_SCATTER_SCRATCH,
)
def _sc_esum(efs_hbm, ridx_hbm, z2_hbm, out_hbm,
             ridx_v, bufa, bufb, acc, sema, semb):
    c = lax.axis_index("c")
    s = lax.axis_index("s")
    w = _wid()
    _acc_zero(z2_hbm, acc, s)
    pltpu.sync_copy(ridx_hbm.at[w], ridx_v)
    plsc.subcore_barrier()
    base = w * PTP
    pltpu.async_copy(efs_hbm.at[pl.ds(base, CH)], bufa, sema)

    def body(j, carry):
        even = (j % 2) == 0
        nxt = j + 1

        @pl.when(jnp.logical_and(even, nxt < NCH))
        def _():
            pltpu.async_copy(efs_hbm.at[pl.ds(base + nxt * CH, CH)], bufb, semb)

        @pl.when(jnp.logical_and(jnp.logical_not(even), nxt < NCH))
        def _():
            pltpu.async_copy(efs_hbm.at[pl.ds(base + nxt * CH, CH)], bufa, sema)

        @pl.when(even)
        def _():
            pltpu.make_async_copy(efs_hbm.at[pl.ds(base, CH)], bufa, sema).wait()
            pltpu.sync_copy(bufa, acc.at[ridx_v.at[j]], add=True)

        @pl.when(jnp.logical_not(even))
        def _():
            pltpu.make_async_copy(efs_hbm.at[pl.ds(base, CH)], bufb, semb).wait()
            pltpu.sync_copy(bufb, acc.at[ridx_v.at[j]], add=True)

        return carry

    lax.fori_loop(0, NCH, body, 0)
    plsc.subcore_barrier()
    _acc_writeback(acc, out_hbm, c, s)


@functools.partial(
    pl.kernel,
    out_type=jax.ShapeDtypeStruct((2 * ND, EMBED), _F32),
    mesh=_MESH,
    scratch_types=[
        pltpu.VMEM((NCHR, CH), jnp.int32),
        pltpu.VMEM((NCHR, CH), jnp.int32),
        pltpu.VMEM((CH, EMBED), _F32),
        pltpu.VMEM((CH, EMBED), _F32),
        pltpu.VMEM_SHARED((ND, EMBED), _F32),
        pltpu.SemaphoreType.DMA,
        pltpu.SemaphoreType.DMA,
    ],
)
def _sc_layer(mm_hbm, sidx_hbm, ridx_hbm, z2_hbm, out_hbm,
              sidx_v, ridx_v, bufa, bufb, acc, sema, semb):
    c = lax.axis_index("c")
    s = lax.axis_index("s")
    w = _wid()
    _acc_zero(z2_hbm, acc, s)
    plsc.subcore_barrier()
    for r in range(RND):
        pltpu.sync_copy(sidx_hbm.at[RND * w + r], sidx_v)
        pltpu.sync_copy(ridx_hbm.at[RND * w + r], ridx_v)
        pltpu.async_copy(mm_hbm.at[sidx_v.at[0]], bufa, sema)

        def body(j, carry):
            even = (j % 2) == 0
            nxt = j + 1

            @pl.when(jnp.logical_and(even, nxt < NCHR))
            def _():
                pltpu.async_copy(mm_hbm.at[sidx_v.at[nxt]], bufb, semb)

            @pl.when(jnp.logical_and(jnp.logical_not(even), nxt < NCHR))
            def _():
                pltpu.async_copy(mm_hbm.at[sidx_v.at[nxt]], bufa, sema)

            @pl.when(even)
            def _():
                pltpu.make_async_copy(mm_hbm.at[pl.ds(0, CH)], bufa, sema).wait()
                pltpu.sync_copy(bufa, acc.at[ridx_v.at[j]], add=True)

            @pl.when(jnp.logical_not(even))
            def _():
                pltpu.make_async_copy(mm_hbm.at[pl.ds(0, CH)], bufb, semb).wait()
                pltpu.sync_copy(bufb, acc.at[ridx_v.at[j]], add=True)

            return carry

        lax.fori_loop(0, NCHR, body, 0)
    plsc.subcore_barrier()
    _acc_writeback(acc, out_hbm, c, s)


def _ln(x, scale, bias):
    mu = jnp.mean(x, axis=-1, keepdims=True)
    var = jnp.mean((x - mu) ** 2, axis=-1, keepdims=True)
    return (x - mu) * lax.rsqrt(var + 1e-6) * scale + bias


def _dot(a, b):
    return jnp.dot(a, b, preferred_element_type=_F32,
                   precision=jax.lax.Precision.HIGHEST)


def _tc_ab(degparts):
    def body(dp_ref, a_ref, b_ref):
        ds = dp_ref[0:1, :] + dp_ref[2:3, :]
        dr = dp_ref[1:2, :] + dp_ref[3:4, :]
        a_ref[...] = lax.rsqrt(jnp.maximum(ds, 1.0))
        b_ref[...] = lax.rsqrt(jnp.maximum(dr, 1.0))

    return pl.pallas_call(
        body,
        out_shape=[jax.ShapeDtypeStruct((1, ND), _F32),
                   jax.ShapeDtypeStruct((1, ND), _F32)],
    )(degparts)


def _tc_node_encoder(node_features, g, W1, W2, b):
    def body(x_ref, g_ref, w1_ref, w2_ref, b_ref, o_ref):
        o_ref[...] = (_dot(x_ref[...], w1_ref[...])
                      + _dot(g_ref[...], w2_ref[...]) + b_ref[...])

    return pl.pallas_call(
        body,
        grid=(GN,),
        in_specs=[
            pl.BlockSpec((BN, D_FEAT), lambda i: (i, 0)),
            pl.BlockSpec((1, D_GLOBAL), lambda i: (0, 0)),
            pl.BlockSpec((D_FEAT, EMBED), lambda i: (0, 0)),
            pl.BlockSpec((D_GLOBAL, EMBED), lambda i: (0, 0)),
            pl.BlockSpec((1, EMBED), lambda i: (0, 0)),
        ],
        out_specs=pl.BlockSpec((BN, EMBED), lambda i: (i, 0)),
        out_shape=jax.ShapeDtypeStruct((N, EMBED), _F32),
    )(node_features, g, W1, W2, b)


def _tc_edge_encoder(efeat_p, a_s, We, be, lns, lnb):
    def body(x_ref, as_ref, w_ref, b_ref, s_ref, t_ref, o_ref):
        y = _dot(x_ref[...], w_ref[...]) + b_ref[...]
        y = _ln(y, s_ref[...], t_ref[...])
        o_ref[...] = jnp.maximum(y, 0.0) * as_ref[...]

    return pl.pallas_call(
        body,
        grid=(GE,),
        in_specs=[
            pl.BlockSpec((BE, D_EDGE), lambda i: (i, 0)),
            pl.BlockSpec((BE, 1), lambda i: (i, 0)),
            pl.BlockSpec((D_EDGE, EMBED), lambda i: (0, 0)),
            pl.BlockSpec((1, EMBED), lambda i: (0, 0)),
            pl.BlockSpec((1, EMBED), lambda i: (0, 0)),
            pl.BlockSpec((1, EMBED), lambda i: (0, 0)),
        ],
        out_specs=pl.BlockSpec((BE, EMBED), lambda i: (i, 0)),
        out_shape=jax.ShapeDtypeStruct((EP, EMBED), _F32),
    )(efeat_p, a_s, We, be, lns, lnb)


_NODE_FULL = [
    pl.BlockSpec((BN, EMBED), lambda i: (i, 0)),
]


def _tc_layer_first(nf0, lns, lnb, W, b, acol):
    def body(nf_ref, s_ref, t_ref, w_ref, b_ref, a_ref, h_ref, mm_ref):
        h = jnp.maximum(_ln(nf_ref[...], s_ref[...], t_ref[...]), 0.0)
        h_ref[...] = h
        mm_ref[...] = (_dot(h, w_ref[...]) + b_ref[...]) * a_ref[...]

    return pl.pallas_call(
        body,
        grid=(GN,),
        in_specs=[
            pl.BlockSpec((BN, EMBED), lambda i: (i, 0)),
            pl.BlockSpec((1, EMBED), lambda i: (0, 0)),
            pl.BlockSpec((1, EMBED), lambda i: (0, 0)),
            pl.BlockSpec((EMBED, EMBED), lambda i: (0, 0)),
            pl.BlockSpec((1, EMBED), lambda i: (0, 0)),
            pl.BlockSpec((BN, 1), lambda i: (i, 0)),
        ],
        out_specs=[pl.BlockSpec((BN, EMBED), lambda i: (i, 0)),
                   pl.BlockSpec((BN, EMBED), lambda i: (i, 0))],
        out_shape=[jax.ShapeDtypeStruct((N, EMBED), _F32),
                   jax.ShapeDtypeStruct((N, EMBED), _F32)],
    )(nf0, lns, lnb, W, b, acol)


def _tc_layer_next(h_prev, p0, p1, e0, e1, bcol, lns, lnb, W, b, acol):
    def body(h_ref, p0_ref, p1_ref, e0_ref, e1_ref, bc_ref,
             s_ref, t_ref, w_ref, b_ref, a_ref, h_out, mm_out):
        nf = h_ref[...] + bc_ref[...] * (
            p0_ref[...] + p1_ref[...] + e0_ref[...] + e1_ref[...])
        h = jnp.maximum(_ln(nf, s_ref[...], t_ref[...]), 0.0)
        h_out[...] = h
        mm_out[...] = (_dot(h, w_ref[...]) + b_ref[...]) * a_ref[...]

    tile = pl.BlockSpec((BN, EMBED), lambda i: (i, 0))
    vec = pl.BlockSpec((1, EMBED), lambda i: (0, 0))
    return pl.pallas_call(
        body,
        grid=(GN,),
        in_specs=[tile, tile, tile, tile, tile,
                  pl.BlockSpec((BN, 1), lambda i: (i, 0)),
                  vec, vec,
                  pl.BlockSpec((EMBED, EMBED), lambda i: (0, 0)),
                  vec,
                  pl.BlockSpec((BN, 1), lambda i: (i, 0))],
        out_specs=[tile, tile],
        out_shape=[jax.ShapeDtypeStruct((N, EMBED), _F32),
                   jax.ShapeDtypeStruct((N, EMBED), _F32)],
    )(h_prev, p0, p1, e0, e1, bcol, lns, lnb, W, b, acol)


def _tc_final_kv(h3, p0, p1, e0, e1, bcol, lnks, lnkb, Wk, bk, Wv, bv, agent_idx):
    def body(idx_ref, h_ref, p0_ref, p1_ref, e0_ref, e1_ref, bc_ref,
             s_ref, t_ref, wk_ref, bk_ref, wv_ref, bv_ref,
             k_out, v_out, agent_out):
        i = pl.program_id(0)
        nf = h_ref[...] + bc_ref[...] * (
            p0_ref[...] + p1_ref[...] + e0_ref[...] + e1_ref[...])
        kn = _ln(nf, s_ref[...], t_ref[...])
        k_out[...] = _dot(kn, wk_ref[...]) + bk_ref[...]
        v_out[...] = _dot(kn, wv_ref[...]) + bv_ref[...]
        rows = lax.broadcasted_iota(jnp.int32, (BN, 1), 0) + i * BN
        msk = (rows == idx_ref[0]).astype(_F32)
        part = jnp.sum(nf * msk, axis=0, keepdims=True)

        @pl.when(i == 0)
        def _():
            agent_out[...] = jnp.zeros_like(agent_out)

        agent_out[...] += part

    tile = pl.BlockSpec((BN, EMBED), lambda i: (i, 0))
    vec = pl.BlockSpec((1, EMBED), lambda i: (0, 0))
    mat = pl.BlockSpec((EMBED, EMBED), lambda i: (0, 0))
    return pl.pallas_call(
        body,
        grid=(GN,),
        in_specs=[pl.BlockSpec(memory_space=pltpu.SMEM),
                  tile, tile, tile, tile, tile,
                  pl.BlockSpec((BN, 1), lambda i: (i, 0)),
                  vec, vec, mat, vec, mat, vec],
        out_specs=[tile, tile, pl.BlockSpec((1, EMBED), lambda i: (0, 0))],
        out_shape=[jax.ShapeDtypeStruct((N, EMBED), _F32),
                   jax.ShapeDtypeStruct((N, EMBED), _F32),
                   jax.ShapeDtypeStruct((1, EMBED), _F32)],
    )(agent_idx, h3, p0, p1, e0, e1, bcol, lnks, lnkb, Wk, bk, Wv, bv)


def _tc_attention(agent, k, v, Mh, MhT, lnqs, lnqb, Wq, bq, Wo, bo, os_, ob_):
    def body(ag_ref, k_ref, v_ref, mh_ref, mht_ref,
             qs_ref, qb_ref, wq_ref, bq_ref, wo_ref, bo_ref,
             olns_ref, olnb_ref, o_ref):
        agent_row = ag_ref[...]
        q = _dot(_ln(agent_row, qs_ref[...], qb_ref[...]), wq_ref[...]) + bq_ref[...]
        kk = k_ref[...]
        logits = _dot(kk * q, mh_ref[...]) * (1.0 / 4.0)
        m = jnp.max(logits, axis=0, keepdims=True)
        ex = jnp.exp(logits - m)
        ssum = jnp.sum(ex, axis=0, keepdims=True)
        attn = ex / ssum
        w128 = _dot(attn, mht_ref[...])
        out = jnp.sum(v_ref[...] * w128, axis=0, keepdims=True)
        o = _dot(out, wo_ref[...]) + bo_ref[...] + agent_row
        o_ref[...] = jnp.maximum(_ln(o, olns_ref[...], olnb_ref[...]), 0.0)

    return pl.pallas_call(
        body,
        out_shape=jax.ShapeDtypeStruct((1, EMBED), _F32),
    )(agent, k, v, Mh, MhT, lnqs, lnqb, Wq, bq, Wo, bo, os_, ob_)


def kernel(current_agent_node_ind, edge_features, edge_list, edge_mask,
           global_features, node_features, node_mask, params):
    del edge_mask, node_mask

    senders = edge_list[:, 0].astype(jnp.int32).reshape(NW, PT)
    receivers = edge_list[:, 1].astype(jnp.int32).reshape(NW, PT)
    sidx_p = jnp.pad(senders, ((0, 0), (0, PAD)), constant_values=0)
    ridx_p = jnp.pad(receivers, ((0, 0), (0, PAD)), constant_values=N)
    sidx3 = sidx_p.reshape(NW, NCH, CH)
    ridx3 = ridx_p.reshape(NW, NCH, CH)
    sidxL = sidx_p.reshape(RND * NW, NCHR, CH)
    ridxL = ridx_p.reshape(RND * NW, NCHR, CH)

    z1 = jnp.zeros((ND,), _F32)
    z2 = jnp.zeros((ND, EMBED), _F32)

    degparts = _sc_degrees(sidx3, ridx3, z1)
    a_row, b_row = _tc_ab(degparts.reshape(4, ND))
    a_col = a_row[0, :N].reshape(N, 1)
    b_col = b_row[0, :N].reshape(N, 1)

    a_s = _sc_gather_a(a_row.reshape(ND)[:PTP], sidx3).reshape(EP, 1)

    Wn = params['node_dense']['W']
    nf0 = _tc_node_encoder(node_features, global_features,
                           Wn[:D_FEAT], Wn[D_FEAT:],
                           params['node_dense']['b'].reshape(1, EMBED))

    efeat_p = jnp.pad(edge_features.reshape(NW, PT, D_EDGE),
                      ((0, 0), (0, PAD), (0, 0))).reshape(EP, D_EDGE)
    efs = _tc_edge_encoder(efeat_p, a_s,
                           params['edge_dense']['W'],
                           params['edge_dense']['b'].reshape(1, EMBED),
                           params['edge_ln']['scale'].reshape(1, EMBED),
                           params['edge_ln']['bias'].reshape(1, EMBED))

    eparts = _sc_esum(efs, ridx3, z2)
    e0, e1 = eparts[:N], eparts[ND:ND + N]

    lp = params['layers'][0]
    h, mm = _tc_layer_first(nf0, lp['ln_scale'].reshape(1, EMBED),
                            lp['ln_bias'].reshape(1, EMBED), lp['W'],
                            lp['b'].reshape(1, EMBED), a_col)
    parts = _sc_layer(mm, sidxL, ridxL, z2)
    for li in (1, 2):
        lp = params['layers'][li]
        h, mm = _tc_layer_next(h, parts[:N], parts[ND:ND + N], e0, e1, b_col,
                               lp['ln_scale'].reshape(1, EMBED),
                               lp['ln_bias'].reshape(1, EMBED), lp['W'],
                               lp['b'].reshape(1, EMBED), a_col)
        parts = _sc_layer(mm, sidxL, ridxL, z2)

    pg = params['pgat']
    k, v, agent = _tc_final_kv(
        h, parts[:N], parts[ND:ND + N], e0, e1, b_col,
        pg['ln_k_scale'].reshape(1, EMBED), pg['ln_k_bias'].reshape(1, EMBED),
        pg['Wk'], pg['bk'].reshape(1, EMBED),
        pg['Wv'], pg['bv'].reshape(1, EMBED),
        current_agent_node_ind.astype(jnp.int32))

    Mh = jnp.repeat(jnp.eye(HEADS, dtype=_F32), HEAD_DIM, axis=0)
    out = _tc_attention(agent, k, v, Mh, Mh.T,
                        pg['ln_q_scale'].reshape(1, EMBED),
                        pg['ln_q_bias'].reshape(1, EMBED),
                        pg['Wq'], pg['bq'].reshape(1, EMBED),
                        pg['Wo'], pg['bo'].reshape(1, EMBED),
                        params['out_ln']['scale'].reshape(1, EMBED),
                        params['out_ln']['bias'].reshape(1, EMBED))
    return out.reshape(-1)

# --- scband reference (transcript-rebuilt; emitter-appended) ---
"""Pipeline reference for scband-graph-encoder-18236431139069 (READ-ONLY COPY).

The authoritative reference and input builder live on the scoring server;
editing this copy changes nothing except your own understanding.
"""

import jax, jax.numpy as jnp
import numpy as np

N = 10000
E = 320000
D_FEAT = 128
D_EDGE = 16
D_GLOBAL = 16
EMBED = 128
LAYERS = 3
HEADS = 8
A = 1
HEAD_DIM = EMBED // HEADS


def _layer_norm(x, scale, bias):
    mu = jnp.mean(x, axis=-1, keepdims=True)
    var = jnp.var(x, axis=-1, keepdims=True)
    return (x - mu) / jnp.sqrt(var + 1e-6) * scale + bias


def _xavier(key, shape):
    std = np.sqrt(2.0 / (shape[0] + shape[1]))
    return jax.random.normal(key, shape, jnp.float32) * std


def setup_inputs(seed: int = 0):
    key = jax.random.key(seed)
    ks = jax.random.split(key, 40)
    node_features = jax.random.normal(ks[0], (N, D_FEAT), jnp.float32)
    edge_features = jax.random.normal(ks[1], (E, D_EDGE), jnp.float32)
    global_features = jax.random.normal(ks[2], (1, D_GLOBAL), jnp.float32)
    edge_list = jax.random.randint(ks[3], (E, 2), 0, N)
    edge_mask = jnp.ones((E,), dtype=bool)
    node_mask = jnp.ones((N,), dtype=bool)
    current_agent_node_ind = jax.random.randint(ks[4], (A,), 0, N)
    params = {
        'node_dense': {'W': _xavier(ks[5], (D_FEAT + D_GLOBAL, EMBED)), 'b': jnp.zeros((EMBED,), jnp.float32)},
        'edge_dense': {'W': _xavier(ks[6], (D_EDGE, EMBED)), 'b': jnp.zeros((EMBED,), jnp.float32)},
        'edge_ln': {'scale': jnp.ones((EMBED,), jnp.float32), 'bias': jnp.zeros((EMBED,), jnp.float32)},
        'layers': [
            {'ln_scale': jnp.ones((EMBED,), jnp.float32), 'ln_bias': jnp.zeros((EMBED,), jnp.float32),
             'W': _xavier(ks[7 + i], (EMBED, EMBED)), 'b': jnp.zeros((EMBED,), jnp.float32)}
            for i in range(LAYERS)
        ],
        'pgat': {
            'ln_q_scale': jnp.ones((EMBED,), jnp.float32), 'ln_q_bias': jnp.zeros((EMBED,), jnp.float32),
            'ln_k_scale': jnp.ones((EMBED,), jnp.float32), 'ln_k_bias': jnp.zeros((EMBED,), jnp.float32),
            'Wq': _xavier(ks[20], (EMBED, EMBED)), 'bq': jnp.zeros((EMBED,), jnp.float32),
            'Wk': _xavier(ks[21], (EMBED, EMBED)), 'bk': jnp.zeros((EMBED,), jnp.float32),
            'Wv': _xavier(ks[22], (EMBED, EMBED)), 'bv': jnp.zeros((EMBED,), jnp.float32),
            'Wo': _xavier(ks[23], (EMBED, EMBED)), 'bo': jnp.zeros((EMBED,), jnp.float32),
        },
        'out_ln': {'scale': jnp.ones((EMBED,), jnp.float32), 'bias': jnp.zeros((EMBED,), jnp.float32)},
    }
    return {
        'current_agent_node_ind': current_agent_node_ind,
        'edge_features': edge_features,
        'edge_list': edge_list,
        'edge_mask': edge_mask,
        'global_features': global_features,
        'node_features': node_features,
        'node_mask': node_mask,
        'params': params,
    }


def _forward(node_features, edge_features, global_features, params, current_agent_node_ind, edge_list, edge_mask, node_mask):
    senders = edge_list[..., 0]
    receivers = edge_list[..., 1]
    num_nodes = node_features.shape[-2]
    # concat global features onto every node
    nf = jnp.concatenate([node_features, jnp.repeat(global_features, num_nodes, axis=-2)], axis=-1)
    nf = nf @ params['node_dense']['W'] + params['node_dense']['b']
    ef = edge_features @ params['edge_dense']['W'] + params['edge_dense']['b']
    ef = jax.nn.relu(_layer_norm(ef, params['edge_ln']['scale'], params['edge_ln']['bias']))
    valid = edge_mask.astype(jnp.float32)
    send_c = jnp.where(edge_mask, senders, 0)
    recv_c = jnp.where(edge_mask, receivers, 0)
    deg_send = jax.ops.segment_sum(valid, send_c, num_segments=num_nodes)
    deg_recv = jax.ops.segment_sum(valid, recv_c, num_segments=num_nodes)
    norm = 1.0 / jnp.sqrt(jnp.maximum(deg_send[send_c], 1.0) * jnp.maximum(deg_recv[recv_c], 1.0))
    edge_scale = (norm * valid)[:, None]
    for lp in params['layers']:
        h = jax.nn.relu(_layer_norm(nf, lp['ln_scale'], lp['ln_bias']))
        msg_src = h @ lp['W'] + lp['b']
        msgs = (jnp.take(msg_src, send_c, axis=0) + ef) * edge_scale
        agg = jax.ops.segment_sum(msgs, recv_c, num_segments=num_nodes)
        nf = h + agg  # residual GCN layer
    # gather current agent node(s)
    agent = jnp.take(nf, current_agent_node_ind, axis=0)  # [A, EMBED]
    pg = params['pgat']
    qn = _layer_norm(agent, pg['ln_q_scale'], pg['ln_q_bias'])
    kn = _layer_norm(nf, pg['ln_k_scale'], pg['ln_k_bias'])
    q = (qn @ pg['Wq'] + pg['bq']).reshape(-1, HEADS, HEAD_DIM)
    k = (kn @ pg['Wk'] + pg['bk']).reshape(-1, HEADS, HEAD_DIM)
    v = (kn @ pg['Wv'] + pg['bv']).reshape(-1, HEADS, HEAD_DIM)
    logits = jnp.einsum('qhd,khd->hqk', q, k) / np.sqrt(HEAD_DIM)
    logits = jnp.where(node_mask[None, None, :], logits, -1e9)
    attn = jax.nn.softmax(logits, axis=-1)
    out = jnp.einsum('hqk,khd->qhd', attn, v).reshape(-1, EMBED)
    out = out @ pg['Wo'] + pg['bo'] + agent  # residual
    x = jax.nn.relu(_layer_norm(out, params['out_ln']['scale'], params['out_ln']['bias']))
    return x.reshape(-1)  # rearrange '... n d -> ... (n d)'


def reference(current_agent_node_ind, edge_features, edge_list, edge_mask, global_features, node_features, node_mask, params):
    return _forward(node_features, edge_features, global_features, params, current_agent_node_ind, edge_list, edge_mask, node_mask)

if __name__ == "__main__":
    import jax
    _d = setup_inputs()
    print(jax.jit(kernel)(*tuple(_d.values())))

</pallas_src>

<mosaic_0001>
#map = affine_map<(d0, d1) -> (0, 0)>
#map1 = affine_map<(d0, d1) -> (0, 0, 0)>
module attributes {stable_mosaic.version = 14 : i64} {
  func.func @_sc_esum(%arg0: i32, %arg1: i32, %arg2: memref<327680x128xf32, #tpu.memory_space<hbm>>, %arg3: memref<32x80x128xi32, #tpu.memory_space<hbm>>, %arg4: memref<10240x128xf32, #tpu.memory_space<hbm>>, %arg5: memref<20480x128xf32, #tpu.memory_space<hbm>>, %arg6: memref<80x128xi32, #tpu.memory_space<vmem>>, %arg7: memref<128x128xf32, #tpu.memory_space<vmem>>, %arg8: memref<128x128xf32, #tpu.memory_space<vmem>>, %arg9: memref<10240x128xf32, #tpu.memory_space<vmem_shared>>, %arg10: memref<!tpu.dma_semaphore, #tpu.memory_space<semaphore_mem>>, %arg11: memref<!tpu.dma_semaphore, #tpu.memory_space<semaphore_mem>>) attributes {dimension_semantics = [#tpu.dimension_semantics<core_parallel>, #tpu.dimension_semantics<subcore_parallel>], iteration_bounds = array<i64: 2, 16>, scalar_prefetch = 0 : i64, scratch_operands = 6 : i64, tpu.core_type = #tpu.core_type<sc_vector_subcore>, window_params = [{transform_indices = #map}, {transform_indices = #map1}, {transform_indices = #map}, {transform_indices = #map}]} {
    %mul3A = arith.constant 16 : i32
    %mul3A_0 = arith.muli %arg0, %mul3A : i32
    %add3A = arith.addi %mul3A_0, %arg1 : i32
    %mul3A_1 = arith.constant 640 : i32
    %mul3A_2 = arith.muli %arg1, %mul3A_1 : i32
    %mul3A_3 = arith.constant 640 : i32
    %mul3A_4 = arith.muli %arg1, %mul3A_3 : i32
    "tpu.region"() ({
      %run_scoped3A = tpu.sem_alloc : memref<!tpu.dma_semaphore, #tpu.memory_space<semaphore_mem>>
      %dma_start3A_23 = arith.constant 0 : i32
      %dma_start3A_24 = tpu.memref_slice %arg9[%mul3A_4, %dma_start3A_23] : memref<10240x128xf32, #tpu.memory_space<vmem_shared>> -> memref<640x128xf32, #tpu.memory_space<vmem_shared>>
      %dma_start3A_25 = arith.constant 0 : i32
      %dma_start3A_26 = tpu.memref_slice %arg4[%mul3A_2, %dma_start3A_25] : memref<10240x128xf32, #tpu.memory_space<hbm>> -> memref<640x128xf32, #tpu.memory_space<hbm>>
      tpu.enqueue_dma source(%dma_start3A_26 : memref<640x128xf32, #tpu.memory_space<hbm>>) target(%dma_start3A_24 : memref<640x128xf32, #tpu.memory_space<vmem_shared>>) target_semaphore(%run_scoped3A : memref<!tpu.dma_semaphore, #tpu.memory_space<semaphore_mem>>)
      %dma_wait3A = arith.constant 0 : i32
      %dma_wait3A_27 = tpu.memref_slice %arg9[%mul3A_4, %dma_wait3A] : memref<10240x128xf32, #tpu.memory_space<vmem_shared>> -> memref<640x128xf32, #tpu.memory_space<vmem_shared>>
      %dma_wait3A_28 = arith.constant 0 : i32
      %dma_wait3A_29 = tpu.memref_slice %arg4[%mul3A_2, %dma_wait3A_28] : memref<10240x128xf32, #tpu.memory_space<hbm>> -> memref<640x128xf32, #tpu.memory_space<hbm>>
      tpu.wait_dma2 semaphore(%run_scoped3A : memref<!tpu.dma_semaphore, #tpu.memory_space<semaphore_mem>>) src(%dma_wait3A_29 : memref<640x128xf32, #tpu.memory_space<hbm>>) dst(%dma_wait3A_27 : memref<640x128xf32, #tpu.memory_space<vmem_shared>>)
      tpu.yield
    }) : () -> ()
    "tpu.region"() ({
      %run_scoped3A = tpu.sem_alloc : memref<!tpu.dma_semaphore, #tpu.memory_space<semaphore_mem>>
      %dma_start3A_23 = arith.constant 0 : i32
      %dma_start3A_24 = arith.constant 0 : i32
      %dma_start3A_25 = tpu.memref_slice %arg3[%add3A, %dma_start3A_23, %dma_start3A_24] : memref<32x80x128xi32, #tpu.memory_space<hbm>> -> memref<1x80x128xi32, #tpu.memory_space<hbm>>
      %dma_start3A_26 = tpu.memref_squeeze %dma_start3A_25 : memref<1x80x128xi32, #tpu.memory_space<hbm>> -> memref<80x128xi32, #tpu.memory_space<hbm>>
      %dma_start3A_27 = arith.constant 0 : i32
      %dma_start3A_28 = arith.constant 0 : i32
      %dma_start3A_29 = tpu.memref_slice %arg3[%add3A, %dma_start3A_27, %dma_start3A_28] : memref<32x80x128xi32, #tpu.memory_space<hbm>> -> memref<1x80x128xi32, #tpu.memory_space<hbm>>
      %dma_start3A_30 = tpu.memref_squeeze %dma_start3A_29 : memref<1x80x128xi32, #tpu.memory_space<hbm>> -> memref<80x128xi32, #tpu.memory_space<hbm>>
      tpu.enqueue_dma source(%dma_start3A_30 : memref<80x128xi32, #tpu.memory_space<hbm>>) target(%arg6 : memref<80x128xi32, #tpu.memory_space<vmem>>) target_semaphore(%run_scoped3A : memref<!tpu.dma_semaphore, #tpu.memory_space<semaphore_mem>>)
      %dma_wait3A = arith.constant 0 : i32
      %dma_wait3A_31 = arith.constant 0 : i32
      %dma_wait3A_32 = tpu.memref_slice %arg3[%add3A, %dma_wait3A, %dma_wait3A_31] : memref<32x80x128xi32, #tpu.memory_space<hbm>> -> memref<1x80x128xi32, #tpu.memory_space<hbm>>
      %dma_wait3A_33 = tpu.memref_squeeze %dma_wait3A_32 : memref<1x80x128xi32, #tpu.memory_space<hbm>> -> memref<80x128xi32, #tpu.memory_space<hbm>>
      %dma_wait3A_34 = arith.constant 0 : i32
      %dma_wait3A_35 = arith.constant 0 : i32
      %dma_wait3A_36 = tpu.memref_slice %arg3[%add3A, %dma_wait3A_34, %dma_wait3A_35] : memref<32x80x128xi32, #tpu.memory_space<hbm>> -> memref<1x80x128xi32, #tpu.memory_space<hbm>>
      %dma_wait3A_37 = tpu.memref_squeeze %dma_wait3A_36 : memref<1x80x128xi32, #tpu.memory_space<hbm>> -> memref<80x128xi32, #tpu.memory_space<hbm>>
      tpu.wait_dma2 semaphore(%run_scoped3A : memref<!tpu.dma_semaphore, #tpu.memory_space<semaphore_mem>>) src(%dma_wait3A_37 : memref<80x128xi32, #tpu.memory_space<hbm>>) dst(%arg6 : memref<80x128xi32, #tpu.memory_space<vmem>>)
      tpu.yield
    }) : () -> ()
    %barrier3A = arith.constant 0 : index
    tpu.barrier barrier_id(%barrier3A)
    %mul3A_5 = arith.constant 10240 : i32
    %mul3A_6 = arith.muli %add3A, %mul3A_5 : i32
    %dma_start3A = arith.constant 0 : i32
    %dma_start3A_7 = tpu.memref_slice %arg2[%mul3A_6, %dma_start3A] : memref<327680x128xf32, #tpu.memory_space<hbm>> -> memref<128x128xf32, #tpu.memory_space<hbm>>
    %dma_start3A_8 = arith.constant 0 : i32
    %dma_start3A_9 = tpu.memref_slice %arg2[%mul3A_6, %dma_start3A_8] : memref<327680x128xf32, #tpu.memory_space<hbm>> -> memref<128x128xf32, #tpu.memory_space<hbm>>
    tpu.enqueue_dma source(%dma_start3A_9 : memref<128x128xf32, #tpu.memory_space<hbm>>) target(%arg7 : memref<128x128xf32, #tpu.memory_space<vmem>>) target_semaphore(%arg10 : memref<!tpu.dma_semaphore, #tpu.memory_space<semaphore_mem>>)
    %scan3A = arith.constant 0 : i32
    %scan3A_10 = arith.constant 0 : i32
    %scan3A_11 = arith.constant 80 : i32
    %scan3A_12 = arith.addi %scan3A_10, %scan3A_11 : i32
    %scan3A_13 = arith.constant 1 : i32
    scf.for %scan3A_23 = %scan3A_10 to %scan3A_12 step %scan3A_13  : i32 {
      %jit3A = arith.constant 2 : i32
      %eq3A = arith.constant 0 : i32
      %eq3A_24 = arith.cmpi eq, %jit3A, %eq3A : i32
      %jit3A_25 = arith.constant 1 : i32
      %select_n3A = arith.select %eq3A_24, %jit3A_25, %jit3A : i32
      %rem3A = arith.remsi %scan3A_23, %select_n3A : i32
      %ne3A = arith.constant 0 : i32
      %ne3A_26 = arith.cmpi ne, %rem3A, %ne3A : i32
      %lt3A = arith.constant 0 : i32
      %lt3A_27 = arith.cmpi slt, %rem3A, %lt3A : i32
      %lt3A_28 = arith.constant 0 : i32
      %lt3A_29 = arith.cmpi slt, %select_n3A, %lt3A_28 : i32
      %ne3A_30 = arith.xori %lt3A_27, %lt3A_29 : i1
      %and3A = arith.andi %ne3A_30, %ne3A_26 : i1
      %add3A_31 = arith.addi %rem3A, %select_n3A : i32
      %select_n3A_32 = arith.select %and3A, %add3A_31, %rem3A : i32
      %eq3A_33 = arith.constant 0 : i32
      %eq3A_34 = arith.cmpi eq, %select_n3A_32, %eq3A_33 : i32
      %add3A_35 = arith.constant 1 : i32
      %add3A_36 = arith.addi %scan3A_23, %add3A_35 : i32
      %lt3A_37 = arith.constant 80 : i32
      %lt3A_38 = arith.cmpi slt, %add3A_36, %lt3A_37 : i32
      %and3A_39 = arith.andi %eq3A_34, %lt3A_38 : i1
      %convert_element_type3A = arith.extui %and3A_39 : i1 to i32
      %cond3A = arith.constant 0 : i32
      %cond3A_40 = arith.cmpi ne, %convert_element_type3A, %cond3A : i32
      scf.if %cond3A_40 {
        %mul3A_56 = arith.constant 128 : i32
        %mul3A_57 = arith.muli %add3A_36, %mul3A_56 : i32
        %add3A_58 = arith.addi %mul3A_6, %mul3A_57 : i32
        %dma_start3A_59 = arith.constant 0 : i32
        %dma_start3A_60 = tpu.memref_slice %arg2[%add3A_58, %dma_start3A_59] : memref<327680x128xf32, #tpu.memory_space<hbm>> -> memref<128x128xf32, #tpu.memory_space<hbm>>
        %dma_start3A_61 = arith.constant 0 : i32
        %dma_start3A_62 = tpu.memref_slice %arg2[%add3A_58, %dma_start3A_61] : memref<327680x128xf32, #tpu.memory_space<hbm>> -> memref<128x128xf32, #tpu.memory_space<hbm>>
        tpu.enqueue_dma source(%dma_start3A_62 : memref<128x128xf32, #tpu.memory_space<hbm>>) target(%arg8 : memref<128x128xf32, #tpu.memory_space<vmem>>) target_semaphore(%arg11 : memref<!tpu.dma_semaphore, #tpu.memory_space<semaphore_mem>>)
      } else {
      }
      %not3A = arith.constant true
      %not3A_41 = arith.xori %eq3A_34, %not3A : i1
      %lt3A_42 = arith.constant 80 : i32
      %lt3A_43 = arith.cmpi slt, %add3A_36, %lt3A_42 : i32
      %and3A_44 = arith.andi %not3A_41, %lt3A_43 : i1
      %convert_element_type3A_45 = arith.extui %and3A_44 : i1 to i32
      %cond3A_46 = arith.constant 0 : i32
      %cond3A_47 = arith.cmpi ne, %convert_element_type3A_45, %cond3A_46 : i32
      scf.if %cond3A_47 {
        %mul3A_56 = arith.constant 128 : i32
        %mul3A_57 = arith.muli %add3A_36, %mul3A_56 : i32
        %add3A_58 = arith.addi %mul3A_6, %mul3A_57 : i32
        %dma_start3A_59 = arith.constant 0 : i32
        %dma_start3A_60 = tpu.memref_slice %arg2[%add3A_58, %dma_start3A_59] : memref<327680x128xf32, #tpu.memory_space<hbm>> -> memref<128x128xf32, #tpu.memory_space<hbm>>
        %dma_start3A_61 = arith.constant 0 : i32
        %dma_start3A_62 = tpu.memref_slice %arg2[%add3A_58, %dma_start3A_61] : memref<327680x128xf32, #tpu.memory_space<hbm>> -> memref<128x128xf32, #tpu.memory_space<hbm>>
        tpu.enqueue_dma source(%dma_start3A_62 : memref<128x128xf32, #tpu.memory_space<hbm>>) target(%arg7 : memref<128x128xf32, #tpu.memory_space<vmem>>) target_semaphore(%arg10 : memref<!tpu.dma_semaphore, #tpu.memory_space<semaphore_mem>>)
      } else {
      }
      %convert_element_type3A_48 = arith.extui %eq3A_34 : i1 to i32
      %cond3A_49 = arith.constant 0 : i32
      %cond3A_50 = arith.cmpi ne, %convert_element_type3A_48, %cond3A_49 : i32
      scf.if %cond3A_50 {
        %dma_wait3A = arith.constant 0 : i32
        %dma_wait3A_56 = tpu.memref_slice %arg2[%mul3A_6, %dma_wait3A] : memref<327680x128xf32, #tpu.memory_space<hbm>> -> memref<128x128xf32, #tpu.memory_space<hbm>>
        %dma_wait3A_57 = arith.constant 0 : i32
        %dma_wait3A_58 = tpu.memref_slice %arg2[%mul3A_6, %dma_wait3A_57] : memref<327680x128xf32, #tpu.memory_space<hbm>> -> memref<128x128xf32, #tpu.memory_space<hbm>>
        tpu.wait_dma2 semaphore(%arg10 : memref<!tpu.dma_semaphore, #tpu.memory_space<semaphore_mem>>) src(%dma_wait3A_58 : memref<128x128xf32, #tpu.memory_space<hbm>>) dst(%arg7 : memref<128x128xf32, #tpu.memory_space<vmem>>)
        "tpu.region"() ({
          %run_scoped3A = tpu.sem_alloc : memref<!tpu.dma_semaphore, #tpu.memory_space<semaphore_mem>>
          %dma_start3A_59 = arith.constant 0 : i32
          %dma_start3A_60 = tpu.memref_slice %arg6[%scan3A_23, %dma_start3A_59] : memref<80x128xi32, #tpu.memory_space<vmem>> -> memref<1x128xi32, #tpu.memory_space<vmem>>
          %dma_start3A_61 = tpu.memref_squeeze %dma_start3A_60 : memref<1x128xi32, #tpu.memory_space<vmem>> -> memref<128xi32, #tpu.memory_space<vmem>>
          %dma_start3A_62 = arith.constant 0 : i32
          %dma_start3A_63 = arith.constant 0 : i32
          %dma_start3A_64 = tpu.memref_slice %arg9[%dma_start3A_62, %dma_start3A_63] : memref<10240x128xf32, #tpu.memory_space<vmem_shared>> -> memref<10240x128xf32, #tpu.memory_space<vmem_shared>>
          tpu.enqueue_indirect_dma source(%arg7 : memref<128x128xf32, #tpu.memory_space<vmem>>) target(%dma_start3A_64 : memref<10240x128xf32, #tpu.memory_space<vmem_shared>>) offsets(%dma_start3A_61 : memref<128xi32, #tpu.memory_space<vmem>>) semaphore(%run_scoped3A : memref<!tpu.dma_semaphore, #tpu.memory_space<semaphore_mem>>) {add = true}
          %dma_wait3A_65 = arith.constant 0 : i32
          %dma_wait3A_66 = tpu.memref_slice %arg6[%scan3A_23, %dma_wait3A_65] : memref<80x128xi32, #tpu.memory_space<vmem>> -> memref<1x128xi32, #tpu.memory_space<vmem>>
          %dma_wait3A_67 = tpu.memref_squeeze %dma_wait3A_66 : memref<1x128xi32, #tpu.memory_space<vmem>> -> memref<128xi32, #tpu.memory_space<vmem>>
          %dma_wait3A_68 = arith.constant 0 : i32
          %dma_wait3A_69 = arith.constant 0 : i32
          %dma_wait3A_70 = tpu.memref_slice %arg9[%dma_wait3A_68, %dma_wait3A_69] : memref<10240x128xf32, #tpu.memory_space<vmem_shared>> -> memref<10240x128xf32, #tpu.memory_space<vmem_shared>>
          tpu.wait_indirect_dma semaphore(%run_scoped3A : memref<!tpu.dma_semaphore, #tpu.memory_space<semaphore_mem>>) src(%arg7 : memref<128x128xf32, #tpu.memory_space<vmem>>) dst(%dma_wait3A_70 : memref<10240x128xf32, #tpu.memory_space<vmem_shared>>)
          tpu.yield
        }) : () -> ()
      } else {
      }
      %not3A_51 = arith.constant true
      %not3A_52 = arith.xori %eq3A_34, %not3A_51 : i1
      %convert_element_type3A_53 = arith.extui %not3A_52 : i1 to i32
      %cond3A_54 = arith.constant 0 : i32
      %cond3A_55 = arith.cmpi ne, %convert_element_type3A_53, %cond3A_54 : i32
      scf.if %cond3A_55 {
        %dma_wait3A = arith.constant 0 : i32
        %dma_wait3A_56 = tpu.memref_slice %arg2[%mul3A_6, %dma_wait3A] : memref<327680x128xf32, #tpu.memory_space<hbm>> -> memref<128x128xf32, #tpu.memory_space<hbm>>
        %dma_wait3A_57 = arith.constant 0 : i32
        %dma_wait3A_58 = tpu.memref_slice %arg2[%mul3A_6, %dma_wait3A_57] : memref<327680x128xf32, #tpu.memory_space<hbm>> -> memref<128x128xf32, #tpu.memory_space<hbm>>
        tpu.wait_dma2 semaphore(%arg11 : memref<!tpu.dma_semaphore, #tpu.memory_space<semaphore_mem>>) src(%dma_wait3A_58 : memref<128x128xf32, #tpu.memory_space<hbm>>) dst(%arg8 : memref<128x128xf32, #tpu.memory_space<vmem>>)
        "tpu.region"() ({
          %run_scoped3A = tpu.sem_alloc : memref<!tpu.dma_semaphore, #tpu.memory_space<semaphore_mem>>
          %dma_start3A_59 = arith.constant 0 : i32
          %dma_start3A_60 = tpu.memref_slice %arg6[%scan3A_23, %dma_start3A_59] : memref<80x128xi32, #tpu.memory_space<vmem>> -> memref<1x128xi32, #tpu.memory_space<vmem>>
          %dma_start3A_61 = tpu.memref_squeeze %dma_start3A_60 : memref<1x128xi32, #tpu.memory_space<vmem>> -> memref<128xi32, #tpu.memory_space<vmem>>
          %dma_start3A_62 = arith.constant 0 : i32
          %dma_start3A_63 = arith.constant 0 : i32
          %dma_start3A_64 = tpu.memref_slice %arg9[%dma_start3A_62, %dma_start3A_63] : memref<10240x128xf32, #tpu.memory_space<vmem_shared>> -> memref<10240x128xf32, #tpu.memory_space<vmem_shared>>
          tpu.enqueue_indirect_dma source(%arg8 : memref<128x128xf32, #tpu.memory_space<vmem>>) target(%dma_start3A_64 : memref<10240x128xf32, #tpu.memory_space<vmem_shared>>) offsets(%dma_start3A_61 : memref<128xi32, #tpu.memory_space<vmem>>) semaphore(%run_scoped3A : memref<!tpu.dma_semaphore, #tpu.memory_space<semaphore_mem>>) {add = true}
          %dma_wait3A_65 = arith.constant 0 : i32
          %dma_wait3A_66 = tpu.memref_slice %arg6[%scan3A_23, %dma_wait3A_65] : memref<80x128xi32, #tpu.memory_space<vmem>> -> memref<1x128xi32, #tpu.memory_space<vmem>>
          %dma_wait3A_67 = tpu.memref_squeeze %dma_wait3A_66 : memref<1x128xi32, #tpu.memory_space<vmem>> -> memref<128xi32, #tpu.memory_space<vmem>>
          %dma_wait3A_68 = arith.constant 0 : i32
          %dma_wait3A_69 = arith.constant 0 : i32
          %dma_wait3A_70 = tpu.memref_slice %arg9[%dma_wait3A_68, %dma_wait3A_69] : memref<10240x128xf32, #tpu.memory_space<vmem_shared>> -> memref<10240x128xf32, #tpu.memory_space<vmem_shared>>
          tpu.wait_indirect_dma semaphore(%run_scoped3A : memref<!tpu.dma_semaphore, #tpu.memory_space<semaphore_mem>>) src(%arg8 : memref<128x128xf32, #tpu.memory_space<vmem>>) dst(%dma_wait3A_70 : memref<10240x128xf32, #tpu.memory_space<vmem_shared>>)
          tpu.yield
        }) : () -> ()
      } else {
      }
    }
    %scan3A_14 = arith.constant 80 : i32
    %barrier3A_15 = arith.constant 0 : index
    tpu.barrier barrier_id(%barrier3A_15)
    %mul3A_16 = arith.constant 640 : i32
    %mul3A_17 = arith.muli %arg1, %mul3A_16 : i32
    %mul3A_18 = arith.constant 10240 : i32
    %mul3A_19 = arith.muli %arg0, %mul3A_18 : i32
    %mul3A_20 = arith.constant 640 : i32
    %mul3A_21 = arith.muli %arg1, %mul3A_20 : i32
    %add3A_22 = arith.addi %mul3A_19, %mul3A_21 : i32
    "tpu.region"() ({
      %run_scoped3A = tpu.sem_alloc : memref<!tpu.dma_semaphore, #tpu.memory_space<semaphore_mem>>
      %dma_start3A_23 = arith.constant 0 : i32
      %dma_start3A_24 = tpu.memref_slice %arg5[%add3A_22, %dma_start3A_23] : memref<20480x128xf32, #tpu.memory_space<hbm>> -> memref<640x128xf32, #tpu.memory_space<hbm>>
      %dma_start3A_25 = arith.constant 0 : i32
      %dma_start3A_26 = tpu.memref_slice %arg9[%mul3A_17, %dma_start3A_25] : memref<10240x128xf32, #tpu.memory_space<vmem_shared>> -> memref<640x128xf32, #tpu.memory_space<vmem_shared>>
      tpu.enqueue_dma source(%dma_start3A_26 : memref<640x128xf32, #tpu.memory_space<vmem_shared>>) target(%dma_start3A_24 : memref<640x128xf32, #tpu.memory_space<hbm>>) target_semaphore(%run_scoped3A : memref<!tpu.dma_semaphore, #tpu.memory_space<semaphore_mem>>)
      %dma_wait3A = arith.constant 0 : i32
      %dma_wait3A_27 = tpu.memref_slice %arg5[%add3A_22, %dma_wait3A] : memref<20480x128xf32, #tpu.memory_space<hbm>> -> memref<640x128xf32, #tpu.memory_space<hbm>>
      %dma_wait3A_28 = arith.constant 0 : i32
      %dma_wait3A_29 = tpu.memref_slice %arg9[%mul3A_17, %dma_wait3A_28] : memref<10240x128xf32, #tpu.memory_space<vmem_shared>> -> memref<640x128xf32, #tpu.memory_space<vmem_shared>>
      tpu.wait_dma2 semaphore(%run_scoped3A : memref<!tpu.dma_semaphore, #tpu.memory_space<semaphore_mem>>) src(%dma_wait3A_29 : memref<640x128xf32, #tpu.memory_space<vmem_shared>>) dst(%dma_wait3A_27 : memref<640x128xf32, #tpu.memory_space<hbm>>)
      tpu.yield
    }) : () -> ()
    return
  }
}

#map = affine_map<(d0, d1) -> (0, 0, 0)>
#map1 = affine_map<(d0, d1) -> (0)>
module attributes {stable_mosaic.version = 14 : i64} {
  func.func @_sc_degrees(%arg0: i32, %arg1: i32, %arg2: memref<32x80x128xi32, #tpu.memory_space<hbm>>, %arg3: memref<32x80x128xi32, #tpu.memory_space<hbm>>, %arg4: memref<10240xf32, #tpu.memory_space<hbm>>, %arg5: memref<40960xf32, #tpu.memory_space<hbm>>, %arg6: memref<80x128xi32, #tpu.memory_space<vmem>>, %arg7: memref<80x128xi32, #tpu.memory_space<vmem>>, %arg8: memref<128xf32, #tpu.memory_space<vmem>>, %arg9: memref<128xf32, #tpu.memory_space<vmem>>, %arg10: memref<10240xf32, #tpu.memory_space<vmem_shared>>, %arg11: memref<10240xf32, #tpu.memory_space<vmem_shared>>) attributes {dimension_semantics = [#tpu.dimension_semantics<core_parallel>, #tpu.dimension_semantics<subcore_parallel>], iteration_bounds = array<i64: 2, 16>, scalar_prefetch = 0 : i64, scratch_operands = 6 : i64, tpu.core_type = #tpu.core_type<sc_vector_subcore>, window_params = [{transform_indices = #map}, {transform_indices = #map}, {transform_indices = #map1}, {transform_indices = #map1}]} {
    %mul3A = arith.constant 16 : i32
    %mul3A_0 = arith.muli %arg0, %mul3A : i32
    %add3A = arith.addi %mul3A_0, %arg1 : i32
    %broadcast_in_dim3A = arith.constant 1.000000e+00 : f32
    %broadcast_in_dim3A_1 = vector.broadcast %broadcast_in_dim3A : f32 to vector<16xf32>
    %swap3A = arith.constant 0 : index
    %swap3A_2 = tpu.vector_load %arg8[%swap3A] {strides = array<i32>} : memref<128xf32, #tpu.memory_space<vmem>>, vector<16xf32>,
    %swap3A_3 = vector.shape_cast %swap3A_2 : vector<16xf32> to vector<16xf32>
    %swap3A_4 = vector.shape_cast %broadcast_in_dim3A_1 : vector<16xf32> to vector<16xf32>
    tpu.vector_store %arg8[%swap3A], %swap3A_4 {strides = array<i32>} : memref<128xf32, #tpu.memory_space<vmem>>, vector<16xf32>,
    %broadcast_in_dim3A_5 = arith.constant 1.000000e+00 : f32
    %broadcast_in_dim3A_6 = vector.broadcast %broadcast_in_dim3A_5 : f32 to vector<16xf32>
    %swap3A_7 = arith.constant 0 : index
    %swap3A_8 = tpu.vector_load %arg9[%swap3A_7] {strides = array<i32>} : memref<128xf32, #tpu.memory_space<vmem>>, vector<16xf32>,
    %swap3A_9 = vector.shape_cast %swap3A_8 : vector<16xf32> to vector<16xf32>
    %swap3A_10 = vector.shape_cast %broadcast_in_dim3A_6 : vector<16xf32> to vector<16xf32>
    tpu.vector_store %arg9[%swap3A_7], %swap3A_10 {strides = array<i32>} : memref<128xf32, #tpu.memory_space<vmem>>, vector<16xf32>,
    %broadcast_in_dim3A_11 = arith.constant 1.000000e+00 : f32
    %broadcast_in_dim3A_12 = vector.broadcast %broadcast_in_dim3A_11 : f32 to vector<16xf32>
    %swap3A_13 = arith.constant 16 : index
    %swap3A_14 = tpu.vector_load %arg8[%swap3A_13] {strides = array<i32>} : memref<128xf32, #tpu.memory_space<vmem>>, vector<16xf32>,
    %swap3A_15 = vector.shape_cast %swap3A_14 : vector<16xf32> to vector<16xf32>
    %swap3A_16 = vector.shape_cast %broadcast_in_dim3A_12 : vector<16xf32> to vector<16xf32>
    tpu.vector_store %arg8[%swap3A_13], %swap3A_16 {strides = array<i32>} : memref<128xf32, #tpu.memory_space<vmem>>, vector<16xf32>,
    %broadcast_in_dim3A_17 = arith.constant 0.000000e+00 : f32
    %broadcast_in_dim3A_18 = vector.broadcast %broadcast_in_dim3A_17 : f32 to vector<16xf32>
    %swap3A_19 = arith.constant 16 : index
    %swap3A_20 = tpu.vector_load %arg9[%swap3A_19] {strides = array<i32>} : memref<128xf32, #tpu.memory_space<vmem>>, vector<16xf32>,
    %swap3A_21 = vector.shape_cast %swap3A_20 : vector<16xf32> to vector<16xf32>
    %swap3A_22 = vector.shape_cast %broadcast_in_dim3A_18 : vector<16xf32> to vector<16xf32>
    tpu.vector_store %arg9[%swap3A_19], %swap3A_22 {strides = array<i32>} : memref<128xf32, #tpu.memory_space<vmem>>, vector<16xf32>,
    %broadcast_in_dim3A_23 = arith.constant 1.000000e+00 : f32
    %broadcast_in_dim3A_24 = vector.broadcast %broadcast_in_dim3A_23 : f32 to vector<16xf32>
    %swap3A_25 = arith.constant 32 : index
    %swap3A_26 = tpu.vector_load %arg8[%swap3A_25] {strides = array<i32>} : memref<128xf32, #tpu.memory_space<vmem>>, vector<16xf32>,
    %swap3A_27 = vector.shape_cast %swap3A_26 : vector<16xf32> to vector<16xf32>
    %swap3A_28 = vector.shape_cast %broadcast_in_dim3A_24 : vector<16xf32> to vector<16xf32>
    tpu.vector_store %arg8[%swap3A_25], %swap3A_28 {strides = array<i32>} : memref<128xf32, #tpu.memory_space<vmem>>, vector<16xf32>,
    %broadcast_in_dim3A_29 = arith.constant 0.000000e+00 : f32
    %broadcast_in_dim3A_30 = vector.broadcast %broadcast_in_dim3A_29 : f32 to vector<16xf32>
    %swap3A_31 = arith.constant 32 : index
    %swap3A_32 = tpu.vector_load %arg9[%swap3A_31] {strides = array<i32>} : memref<128xf32, #tpu.memory_space<vmem>>, vector<16xf32>,
    %swap3A_33 = vector.shape_cast %swap3A_32 : vector<16xf32> to vector<16xf32>
    %swap3A_34 = vector.shape_cast %broadcast_in_dim3A_30 : vector<16xf32> to vector<16xf32>
    tpu.vector_store %arg9[%swap3A_31], %swap3A_34 {strides = array<i32>} : memref<128xf32, #tpu.memory_space<vmem>>, vector<16xf32>,
    %broadcast_in_dim3A_35 = arith.constant 1.000000e+00 : f32
    %broadcast_in_dim3A_36 = vector.broadcast %broadcast_in_dim3A_35 : f32 to vector<16xf32>
    %swap3A_37 = arith.constant 48 : index
    %swap3A_38 = tpu.vector_load %arg8[%swap3A_37] {strides = array<i32>} : memref<128xf32, #tpu.memory_space<vmem>>, vector<16xf32>,
    %swap3A_39 = vector.shape_cast %swap3A_38 : vector<16xf32> to vector<16xf32>
    %swap3A_40 = vector.shape_cast %broadcast_in_dim3A_36 : vector<16xf32> to vector<16xf32>
    tpu.vector_store %arg8[%swap3A_37], %swap3A_40 {strides = array<i32>} : memref<128xf32, #tpu.memory_space<vmem>>, vector<16xf32>,
    %broadcast_in_dim3A_41 = arith.constant 0.000000e+00 : f32
    %broadcast_in_dim3A_42 = vector.broadcast %broadcast_in_dim3A_41 : f32 to vector<16xf32>
    %swap3A_43 = arith.constant 48 : index
    %swap3A_44 = tpu.vector_load %arg9[%swap3A_43] {strides = array<i32>} : memref<128xf32, #tpu.memory_space<vmem>>, vector<16xf32>,
    %swap3A_45 = vector.shape_cast %swap3A_44 : vector<16xf32> to vector<16xf32>
    %swap3A_46 = vector.shape_cast %broadcast_in_dim3A_42 : vector<16xf32> to vector<16xf32>
    tpu.vector_store %arg9[%swap3A_43], %swap3A_46 {strides = array<i32>} : memref<128xf32, #tpu.memory_space<vmem>>, vector<16xf32>,
    %broadcast_in_dim3A_47 = arith.constant 1.000000e+00 : f32
    %broadcast_in_dim3A_48 = vector.broadcast %broadcast_in_dim3A_47 : f32 to vector<16xf32>
    %swap3A_49 = arith.constant 64 : index
    %swap3A_50 = tpu.vector_load %arg8[%swap3A_49] {strides = array<i32>} : memref<128xf32, #tpu.memory_space<vmem>>, vector<16xf32>,
    %swap3A_51 = vector.shape_cast %swap3A_50 : vector<16xf32> to vector<16xf32>
    %swap3A_52 = vector.shape_cast %broadcast_in_dim3A_48 : vector<16xf32> to vector<16xf32>
    tpu.vector_store %arg8[%swap3A_49], %swap3A_52 {strides = array<i32>} : memref<128xf32, #tpu.memory_space<vmem>>, vector<16xf32>,
    %broadcast_in_dim3A_53 = arith.constant 0.000000e+00 : f32
    %broadcast_in_dim3A_54 = vector.broadcast %broadcast_in_dim3A_53 : f32 to vector<16xf32>
    %swap3A_55 = arith.constant 64 : index
    %swap3A_56 = tpu.vector_load %arg9[%swap3A_55] {strides = array<i32>} : memref<128xf32, #tpu.memory_space<vmem>>, vector<16xf32>,
    %swap3A_57 = vector.shape_cast %swap3A_56 : vector<16xf32> to vector<16xf32>
    %swap3A_58 = vector.shape_cast %broadcast_in_dim3A_54 : vector<16xf32> to vector<16xf32>
    tpu.vector_store %arg9[%swap3A_55], %swap3A_58 {strides = array<i32>} : memref<128xf32, #tpu.memory_space<vmem>>, vector<16xf32>,
    %broadcast_in_dim3A_59 = arith.constant 1.000000e+00 : f32
    %broadcast_in_dim3A_60 = vector.broadcast %broadcast_in_dim3A_59 : f32 to vector<16xf32>
    %swap3A_61 = arith.constant 80 : index
    %swap3A_62 = tpu.vector_load %arg8[%swap3A_61] {strides = array<i32>} : memref<128xf32, #tpu.memory_space<vmem>>, vector<16xf32>,
    %swap3A_63 = vector.shape_cast %swap3A_62 : vector<16xf32> to vector<16xf32>
    %swap3A_64 = vector.shape_cast %broadcast_in_dim3A_60 : vector<16xf32> to vector<16xf32>
    tpu.vector_store %arg8[%swap3A_61], %swap3A_64 {strides = array<i32>} : memref<128xf32, #tpu.memory_space<vmem>>, vector<16xf32>,
    %broadcast_in_dim3A_65 = arith.constant 0.000000e+00 : f32
    %broadcast_in_dim3A_66 = vector.broadcast %broadcast_in_dim3A_65 : f32 to vector<16xf32>
    %swap3A_67 = arith.constant 80 : index
    %swap3A_68 = tpu.vector_load %arg9[%swap3A_67] {strides = array<i32>} : memref<128xf32, #tpu.memory_space<vmem>>, vector<16xf32>,
    %swap3A_69 = vector.shape_cast %swap3A_68 : vector<16xf32> to vector<16xf32>
    %swap3A_70 = vector.shape_cast %broadcast_in_dim3A_66 : vector<16xf32> to vector<16xf32>
    tpu.vector_store %arg9[%swap3A_67], %swap3A_70 {strides = array<i32>} : memref<128xf32, #tpu.memory_space<vmem>>, vector<16xf32>,
    %broadcast_in_dim3A_71 = arith.constant 1.000000e+00 : f32
    %broadcast_in_dim3A_72 = vector.broadcast %broadcast_in_dim3A_71 : f32 to vector<16xf32>
    %swap3A_73 = arith.constant 96 : index
    %swap3A_74 = tpu.vector_load %arg8[%swap3A_73] {strides = array<i32>} : memref<128xf32, #tpu.memory_space<vmem>>, vector<16xf32>,
    %swap3A_75 = vector.shape_cast %swap3A_74 : vector<16xf32> to vector<16xf32>
    %swap3A_76 = vector.shape_cast %broadcast_in_dim3A_72 : vector<16xf32> to vector<16xf32>
    tpu.vector_store %arg8[%swap3A_73], %swap3A_76 {strides = array<i32>} : memref<128xf32, #tpu.memory_space<vmem>>, vector<16xf32>,
    %broadcast_in_dim3A_77 = arith.constant 0.000000e+00 : f32
    %broadcast_in_dim3A_78 = vector.broadcast %broadcast_in_dim3A_77 : f32 to vector<16xf32>
    %swap3A_79 = arith.constant 96 : index
    %swap3A_80 = tpu.vector_load %arg9[%swap3A_79] {strides = array<i32>} : memref<128xf32, #tpu.memory_space<vmem>>, vector<16xf32>,
    %swap3A_81 = vector.shape_cast %swap3A_80 : vector<16xf32> to vector<16xf32>
    %swap3A_82 = vector.shape_cast %broadcast_in_dim3A_78 : vector<16xf32> to vector<16xf32>
    tpu.vector_store %arg9[%swap3A_79], %swap3A_82 {strides = array<i32>} : memref<128xf32, #tpu.memory_space<vmem>>, vector<16xf32>,
    %broadcast_in_dim3A_83 = arith.constant 1.000000e+00 : f32
    %broadcast_in_dim3A_84 = vector.broadcast %broadcast_in_dim3A_83 : f32 to vector<16xf32>
    %swap3A_85 = arith.constant 112 : index
    %swap3A_86 = tpu.vector_load %arg8[%swap3A_85] {strides = array<i32>} : memref<128xf32, #tpu.memory_space<vmem>>, vector<16xf32>,
    %swap3A_87 = vector.shape_cast %swap3A_86 : vector<16xf32> to vector<16xf32>
    %swap3A_88 = vector.shape_cast %broadcast_in_dim3A_84 : vector<16xf32> to vector<16xf32>
    tpu.vector_store %arg8[%swap3A_85], %swap3A_88 {strides = array<i32>} : memref<128xf32, #tpu.memory_space<vmem>>, vector<16xf32>,
    %broadcast_in_dim3A_89 = arith.constant 0.000000e+00 : f32
    %broadcast_in_dim3A_90 = vector.broadcast %broadcast_in_dim3A_89 : f32 to vector<16xf32>
    %swap3A_91 = arith.constant 112 : index
    %swap3A_92 = tpu.vector_load %arg9[%swap3A_91] {strides = array<i32>} : memref<128xf32, #tpu.memory_space<vmem>>, vector<16xf32>,
    %swap3A_93 = vector.shape_cast %swap3A_92 : vector<16xf32> to vector<16xf32>
    %swap3A_94 = vector.shape_cast %broadcast_in_dim3A_90 : vector<16xf32> to vector<16xf32>
    tpu.vector_store %arg9[%swap3A_91], %swap3A_94 {strides = array<i32>} : memref<128xf32, #tpu.memory_space<vmem>>, vector<16xf32>,
    %mul3A_95 = arith.constant 640 : i32
    %mul3A_96 = arith.muli %arg1, %mul3A_95 : i32
    "tpu.region"() ({
      %run_scoped3A_116 = tpu.sem_alloc : memref<!tpu.dma_semaphore, #tpu.memory_space<semaphore_mem>>
      %dma_start3A = tpu.memref_slice %arg10[%mul3A_96] : memref<10240xf32, #tpu.memory_space<vmem_shared>> -> memref<640xf32, #tpu.memory_space<vmem_shared>>
      %dma_start3A_117 = tpu.memref_slice %arg4[%mul3A_96] : memref<10240xf32, #tpu.memory_space<hbm>> -> memref<640xf32, #tpu.memory_space<hbm>>
      tpu.enqueue_dma source(%dma_start3A_117 : memref<640xf32, #tpu.memory_space<hbm>>) target(%dma_start3A : memref<640xf32, #tpu.memory_space<vmem_shared>>) target_semaphore(%run_scoped3A_116 : memref<!tpu.dma_semaphore, #tpu.memory_space<semaphore_mem>>)
      %dma_wait3A = tpu.memref_slice %arg10[%mul3A_96] : memref<10240xf32, #tpu.memory_space<vmem_shared>> -> memref<640xf32, #tpu.memory_space<vmem_shared>>
      %dma_wait3A_118 = tpu.memref_slice %arg4[%mul3A_96] : memref<10240xf32, #tpu.memory_space<hbm>> -> memref<640xf32, #tpu.memory_space<hbm>>
      tpu.wait_dma2 semaphore(%run_scoped3A_116 : memref<!tpu.dma_semaphore, #tpu.memory_space<semaphore_mem>>) src(%dma_wait3A_118 : memref<640xf32, #tpu.memory_space<hbm>>) dst(%dma_wait3A : memref<640xf32, #tpu.memory_space<vmem_shared>>)
      tpu.yield
    }) : () -> ()
    "tpu.region"() ({
      %run_scoped3A_116 = tpu.sem_alloc : memref<!tpu.dma_semaphore, #tpu.memory_space<semaphore_mem>>
      %dma_start3A = tpu.memref_slice %arg11[%mul3A_96] : memref<10240xf32, #tpu.memory_space<vmem_shared>> -> memref<640xf32, #tpu.memory_space<vmem_shared>>
      %dma_start3A_117 = tpu.memref_slice %arg4[%mul3A_96] : memref<10240xf32, #tpu.memory_space<hbm>> -> memref<640xf32, #tpu.memory_space<hbm>>
      tpu.enqueue_dma source(%dma_start3A_117 : memref<640xf32, #tpu.memory_space<hbm>>) target(%dma_start3A : memref<640xf32, #tpu.memory_space<vmem_shared>>) target_semaphore(%run_scoped3A_116 : memref<!tpu.dma_semaphore, #tpu.memory_space<semaphore_mem>>)
      %dma_wait3A = tpu.memref_slice %arg11[%mul3A_96] : memref<10240xf32, #tpu.memory_space<vmem_shared>> -> memref<640xf32, #tpu.memory_space<vmem_shared>>
      %dma_wait3A_118 = tpu.memref_slice %arg4[%mul3A_96] : memref<10240xf32, #tpu.memory_space<hbm>> -> memref<640xf32, #tpu.memory_space<hbm>>
      tpu.wait_dma2 semaphore(%run_scoped3A_116 : memref<!tpu.dma_semaphore, #tpu.memory_space<semaphore_mem>>) src(%dma_wait3A_118 : memref<640xf32, #tpu.memory_space<hbm>>) dst(%dma_wait3A : memref<640xf32, #tpu.memory_space<vmem_shared>>)
      tpu.yield
    }) : () -> ()
    "tpu.region"() ({
      %run_scoped3A_116 = tpu.sem_alloc : memref<!tpu.dma_semaphore, #tpu.memory_space<semaphore_mem>>
      %dma_start3A = arith.constant 0 : i32
      %dma_start3A_117 = arith.constant 0 : i32
      %dma_start3A_118 = tpu.memref_slice %arg2[%add3A, %dma_start3A, %dma_start3A_117] : memref<32x80x128xi32, #tpu.memory_space<hbm>> -> memref<1x80x128xi32, #tpu.memory_space<hbm>>
      %dma_start3A_119 = tpu.memref_squeeze %dma_start3A_118 : memref<1x80x128xi32, #tpu.memory_space<hbm>> -> memref<80x128xi32, #tpu.memory_space<hbm>>
      %dma_start3A_120 = arith.constant 0 : i32
      %dma_start3A_121 = arith.constant 0 : i32
      %dma_start3A_122 = tpu.memref_slice %arg2[%add3A, %dma_start3A_120, %dma_start3A_121] : memref<32x80x128xi32, #tpu.memory_space<hbm>> -> memref<1x80x128xi32, #tpu.memory_space<hbm>>
      %dma_start3A_123 = tpu.memref_squeeze %dma_start3A_122 : memref<1x80x128xi32, #tpu.memory_space<hbm>> -> memref<80x128xi32, #tpu.memory_space<hbm>>
      tpu.enqueue_dma source(%dma_start3A_123 : memref<80x128xi32, #tpu.memory_space<hbm>>) target(%arg6 : memref<80x128xi32, #tpu.memory_space<vmem>>) target_semaphore(%run_scoped3A_116 : memref<!tpu.dma_semaphore, #tpu.memory_space<semaphore_mem>>)
      %dma_wait3A = arith.constant 0 : i32
      %dma_wait3A_124 = arith.constant 0 : i32
      %dma_wait3A_125 = tpu.memref_slice %arg2[%add3A, %dma_wait3A, %dma_wait3A_124] : memref<32x80x128xi32, #tpu.memory_space<hbm>> -> memref<1x80x128xi32, #tpu.memory_space<hbm>>
      %dma_wait3A_126 = tpu.memref_squeeze %dma_wait3A_125 : memref<1x80x128xi32, #tpu.memory_space<hbm>> -> memref<80x128xi32, #tpu.memory_space<hbm>>
      %dma_wait3A_127 = arith.constant 0 : i32
      %dma_wait3A_128 = arith.constant 0 : i32
      %dma_wait3A_129 = tpu.memref_slice %arg2[%add3A, %dma_wait3A_127, %dma_wait3A_128] : memref<32x80x128xi32, #tpu.memory_space<hbm>> -> memref<1x80x128xi32, #tpu.memory_space<hbm>>
      %dma_wait3A_130 = tpu.memref_squeeze %dma_wait3A_129 : memref<1x80x128xi32, #tpu.memory_space<hbm>> -> memref<80x128xi32, #tpu.memory_space<hbm>>
      tpu.wait_dma2 semaphore(%run_scoped3A_116 : memref<!tpu.dma_semaphore, #tpu.memory_space<semaphore_mem>>) src(%dma_wait3A_130 : memref<80x128xi32, #tpu.memory_space<hbm>>) dst(%arg6 : memref<80x128xi32, #tpu.memory_space<vmem>>)
      tpu.yield
    }) : () -> ()
    "tpu.region"() ({
      %run_scoped3A_116 = tpu.sem_alloc : memref<!tpu.dma_semaphore, #tpu.memory_space<semaphore_mem>>
      %dma_start3A = arith.constant 0 : i32
      %dma_start3A_117 = arith.constant 0 : i32
      %dma_start3A_118 = tpu.memref_slice %arg3[%add3A, %dma_start3A, %dma_start3A_117] : memref<32x80x128xi32, #tpu.memory_space<hbm>> -> memref<1x80x128xi32, #tpu.memory_space<hbm>>
      %dma_start3A_119 = tpu.memref_squeeze %dma_start3A_118 : memref<1x80x128xi32, #tpu.memory_space<hbm>> -> memref<80x128xi32, #tpu.memory_space<hbm>>
      %dma_start3A_120 = arith.constant 0 : i32
      %dma_start3A_121 = arith.constant 0 : i32
      %dma_start3A_122 = tpu.memref_slice %arg3[%add3A, %dma_start3A_120, %dma_start3A_121] : memref<32x80x128xi32, #tpu.memory_space<hbm>> -> memref<1x80x128xi32, #tpu.memory_space<hbm>>
      %dma_start3A_123 = tpu.memref_squeeze %dma_start3A_122 : memref<1x80x128xi32, #tpu.memory_space<hbm>> -> memref<80x128xi32, #tpu.memory_space<hbm>>
      tpu.enqueue_dma source(%dma_start3A_123 : memref<80x128xi32, #tpu.memory_space<hbm>>) target(%arg7 : memref<80x128xi32, #tpu.memory_space<vmem>>) target_semaphore(%run_scoped3A_116 : memref<!tpu.dma_semaphore, #tpu.memory_space<semaphore_mem>>)
      %dma_wait3A = arith.constant 0 : i32
      %dma_wait3A_124 = arith.constant 0 : i32
      %dma_wait3A_125 = tpu.memref_slice %arg3[%add3A, %dma_wait3A, %dma_wait3A_124] : memref<32x80x128xi32, #tpu.memory_space<hbm>> -> memref<1x80x128xi32, #tpu.memory_space<hbm>>
      %dma_wait3A_126 = tpu.memref_squeeze %dma_wait3A_125 : memref<1x80x128xi32, #tpu.memory_space<hbm>> -> memref<80x128xi32, #tpu.memory_space<hbm>>
      %dma_wait3A_127 = arith.constant 0 : i32
      %dma_wait3A_128 = arith.constant 0 : i32
      %dma_wait3A_129 = tpu.memref_slice %arg3[%add3A, %dma_wait3A_127, %dma_wait3A_128] : memref<32x80x128xi32, #tpu.memory_space<hbm>> -> memref<1x80x128xi32, #tpu.memory_space<hbm>>
      %dma_wait3A_130 = tpu.memref_squeeze %dma_wait3A_129 : memref<1x80x128xi32, #tpu.memory_space<hbm>> -> memref<80x128xi32, #tpu.memory_space<hbm>>
      tpu.wait_dma2 semaphore(%run_scoped3A_116 : memref<!tpu.dma_semaphore, #tpu.memory_space<semaphore_mem>>) src(%dma_wait3A_130 : memref<80x128xi32, #tpu.memory_space<hbm>>) dst(%arg7 : memref<80x128xi32, #tpu.memory_space<vmem>>)
      tpu.yield
    }) : () -> ()
    %barrier3A = arith.constant 0 : index
    tpu.barrier barrier_id(%barrier3A)
    %scan3A = arith.constant 0 : i32
    %scan3A_97 = arith.constant 0 : i32
    %scan3A_98 = arith.constant 78 : i32
    %scan3A_99 = arith.addi %scan3A_97, %scan3A_98 : i32
    %scan3A_100 = arith.constant 1 : i32
    scf.for %scan3A_116 = %scan3A_97 to %scan3A_99 step %scan3A_100  : i32 {
      "tpu.region"() ({
        %run_scoped3A_117 = tpu.sem_alloc : memref<!tpu.dma_semaphore, #tpu.memory_space<semaphore_mem>>
        %dma_start3A = arith.constant 0 : i32
        %dma_start3A_118 = tpu.memref_slice %arg6[%scan3A_116, %dma_start3A] : memref<80x128xi32, #tpu.memory_space<vmem>> -> memref<1x128xi32, #tpu.memory_space<vmem>>
        %dma_start3A_119 = tpu.memref_squeeze %dma_start3A_118 : memref<1x128xi32, #tpu.memory_space<vmem>> -> memref<128xi32, #tpu.memory_space<vmem>>
        %dma_start3A_120 = arith.constant 0 : i32
        %dma_start3A_121 = tpu.memref_slice %arg10[%dma_start3A_120] : memref<10240xf32, #tpu.memory_space<vmem_shared>> -> memref<10240xf32, #tpu.memory_space<vmem_shared>>
        tpu.enqueue_indirect_dma source(%arg8 : memref<128xf32, #tpu.memory_space<vmem>>) target(%dma_start3A_121 : memref<10240xf32, #tpu.memory_space<vmem_shared>>) offsets(%dma_start3A_119 : memref<128xi32, #tpu.memory_space<vmem>>) semaphore(%run_scoped3A_117 : memref<!tpu.dma_semaphore, #tpu.memory_space<semaphore_mem>>) {add = true}
        %dma_wait3A = arith.constant 0 : i32
        %dma_wait3A_122 = tpu.memref_slice %arg6[%scan3A_116, %dma_wait3A] : memref<80x128xi32, #tpu.memory_space<vmem>> -> memref<1x128xi32, #tpu.memory_space<vmem>>
        %dma_wait3A_123 = tpu.memref_squeeze %dma_wait3A_122 : memref<1x128xi32, #tpu.memory_space<vmem>> -> memref<128xi32, #tpu.memory_space<vmem>>
        %dma_wait3A_124 = arith.constant 0 : i32
        %dma_wait3A_125 = tpu.memref_slice %arg10[%dma_wait3A_124] : memref<10240xf32, #tpu.memory_space<vmem_shared>> -> memref<10240xf32, #tpu.memory_space<vmem_shared>>
        tpu.wait_indirect_dma semaphore(%run_scoped3A_117 : memref<!tpu.dma_semaphore, #tpu.memory_space<semaphore_mem>>) src(%arg8 : memref<128xf32, #tpu.memory_space<vmem>>) dst(%dma_wait3A_125 : memref<10240xf32, #tpu.memory_space<vmem_shared>>)
        tpu.yield
      }) : () -> ()
      "tpu.region"() ({
        %run_scoped3A_117 = tpu.sem_alloc : memref<!tpu.dma_semaphore, #tpu.memory_space<semaphore_mem>>
        %dma_start3A = arith.constant 0 : i32
        %dma_start3A_118 = tpu.memref_slice %arg7[%scan3A_116, %dma_start3A] : memref<80x128xi32, #tpu.memory_space<vmem>> -> memref<1x128xi32, #tpu.memory_space<vmem>>
        %dma_start3A_119 = tpu.memref_squeeze %dma_start3A_118 : memref<1x128xi32, #tpu.memory_space<vmem>> -> memref<128xi32, #tpu.memory_space<vmem>>
        %dma_start3A_120 = arith.constant 0 : i32
        %dma_start3A_121 = tpu.memref_slice %arg11[%dma_start3A_120] : memref<10240xf32, #tpu.memory_space<vmem_shared>> -> memref<10240xf32, #tpu.memory_space<vmem_shared>>
        tpu.enqueue_indirect_dma source(%arg8 : memref<128xf32, #tpu.memory_space<vmem>>) target(%dma_start3A_121 : memref<10240xf32, #tpu.memory_space<vmem_shared>>) offsets(%dma_start3A_119 : memref<128xi32, #tpu.memory_space<vmem>>) semaphore(%run_scoped3A_117 : memref<!tpu.dma_semaphore, #tpu.memory_space<semaphore_mem>>) {add = true}
        %dma_wait3A = arith.constant 0 : i32
        %dma_wait3A_122 = tpu.memref_slice %arg7[%scan3A_116, %dma_wait3A] : memref<80x128xi32, #tpu.memory_space<vmem>> -> memref<1x128xi32, #tpu.memory_space<vmem>>
        %dma_wait3A_123 = tpu.memref_squeeze %dma_wait3A_122 : memref<1x128xi32, #tpu.memory_space<vmem>> -> memref<128xi32, #tpu.memory_space<vmem>>
        %dma_wait3A_124 = arith.constant 0 : i32
        %dma_wait3A_125 = tpu.memref_slice %arg11[%dma_wait3A_124] : memref<10240xf32, #tpu.memory_space<vmem_shared>> -> memref<10240xf32, #tpu.memory_space<vmem_shared>>
        tpu.wait_indirect_dma semaphore(%run_scoped3A_117 : memref<!tpu.dma_semaphore, #tpu.memory_space<semaphore_mem>>) src(%arg8 : memref<128xf32, #tpu.memory_space<vmem>>) dst(%dma_wait3A_125 : memref<10240xf32, #tpu.memory_space<vmem_shared>>)
        tpu.yield
      }) : () -> ()
    }
    %scan3A_101 = arith.constant 78 : i32
    %run_scoped3A = arith.constant 78 : i32
    "tpu.region"() ({
      %run_scoped3A_116 = tpu.sem_alloc : memref<!tpu.dma_semaphore, #tpu.memory_space<semaphore_mem>>
      %dma_start3A = arith.constant 0 : i32
      %dma_start3A_117 = tpu.memref_slice %arg6[%run_scoped3A, %dma_start3A] : memref<80x128xi32, #tpu.memory_space<vmem>> -> memref<1x128xi32, #tpu.memory_space<vmem>>
      %dma_start3A_118 = tpu.memref_squeeze %dma_start3A_117 : memref<1x128xi32, #tpu.memory_space<vmem>> -> memref<128xi32, #tpu.memory_space<vmem>>
      %dma_start3A_119 = arith.constant 0 : i32
      %dma_start3A_120 = tpu.memref_slice %arg10[%dma_start3A_119] : memref<10240xf32, #tpu.memory_space<vmem_shared>> -> memref<10240xf32, #tpu.memory_space<vmem_shared>>
      tpu.enqueue_indirect_dma source(%arg9 : memref<128xf32, #tpu.memory_space<vmem>>) target(%dma_start3A_120 : memref<10240xf32, #tpu.memory_space<vmem_shared>>) offsets(%dma_start3A_118 : memref<128xi32, #tpu.memory_space<vmem>>) semaphore(%run_scoped3A_116 : memref<!tpu.dma_semaphore, #tpu.memory_space<semaphore_mem>>) {add = true}
      %dma_wait3A = arith.constant 0 : i32
      %dma_wait3A_121 = tpu.memref_slice %arg6[%run_scoped3A, %dma_wait3A] : memref<80x128xi32, #tpu.memory_space<vmem>> -> memref<1x128xi32, #tpu.memory_space<vmem>>
      %dma_wait3A_122 = tpu.memref_squeeze %dma_wait3A_121 : memref<1x128xi32, #tpu.memory_space<vmem>> -> memref<128xi32, #tpu.memory_space<vmem>>
      %dma_wait3A_123 = arith.constant 0 : i32
      %dma_wait3A_124 = tpu.memref_slice %arg10[%dma_wait3A_123] : memref<10240xf32, #tpu.memory_space<vmem_shared>> -> memref<10240xf32, #tpu.memory_space<vmem_shared>>
      tpu.wait_indirect_dma semaphore(%run_scoped3A_116 : memref<!tpu.dma_semaphore, #tpu.memory_space<semaphore_mem>>) src(%arg9 : memref<128xf32, #tpu.memory_space<vmem>>) dst(%dma_wait3A_124 : memref<10240xf32, #tpu.memory_space<vmem_shared>>)
      tpu.yield
    }) : () -> ()
    %run_scoped3A_102 = arith.constant 78 : i32
    "tpu.region"() ({
      %run_scoped3A_116 = tpu.sem_alloc : memref<!tpu.dma_semaphore, #tpu.memory_space<semaphore_mem>>
      %dma_start3A = arith.constant 0 : i32
      %dma_start3A_117 = tpu.memref_slice %arg7[%run_scoped3A_102, %dma_start3A] : memref<80x128xi32, #tpu.memory_space<vmem>> -> memref<1x128xi32, #tpu.memory_space<vmem>>
      %dma_start3A_118 = tpu.memref_squeeze %dma_start3A_117 : memref<1x128xi32, #tpu.memory_space<vmem>> -> memref<128xi32, #tpu.memory_space<vmem>>
      %dma_start3A_119 = arith.constant 0 : i32
      %dma_start3A_120 = tpu.memref_slice %arg11[%dma_start3A_119] : memref<10240xf32, #tpu.memory_space<vmem_shared>> -> memref<10240xf32, #tpu.memory_space<vmem_shared>>
      tpu.enqueue_indirect_dma source(%arg9 : memref<128xf32, #tpu.memory_space<vmem>>) target(%dma_start3A_120 : memref<10240xf32, #tpu.memory_space<vmem_shared>>) offsets(%dma_start3A_118 : memref<128xi32, #tpu.memory_space<vmem>>) semaphore(%run_scoped3A_116 : memref<!tpu.dma_semaphore, #tpu.memory_space<semaphore_mem>>) {add = true}
      %dma_wait3A = arith.constant 0 : i32
      %dma_wait3A_121 = tpu.memref_slice %arg7[%run_scoped3A_102, %dma_wait3A] : memref<80x128xi32, #tpu.memory_space<vmem>> -> memref<1x128xi32, #tpu.memory_space<vmem>>
      %dma_wait3A_122 = tpu.memref_squeeze %dma_wait3A_121 : memref<1x128xi32, #tpu.memory_space<vmem>> -> memref<128xi32, #tpu.memory_space<vmem>>
      %dma_wait3A_123 = arith.constant 0 : i32
      %dma_wait3A_124 = tpu.memref_slice %arg11[%dma_wait3A_123] : memref<10240xf32, #tpu.memory_space<vmem_shared>> -> memref<10240xf32, #tpu.memory_space<vmem_shared>>
      tpu.wait_indirect_dma semaphore(%run_scoped3A_116 : memref<!tpu.dma_semaphore, #tpu.memory_space<semaphore_mem>>) src(%arg9 : memref<128xf32, #tpu.memory_space<vmem>>) dst(%dma_wait3A_124 : memref<10240xf32, #tpu.memory_space<vmem_shared>>)
      tpu.yield
    }) : () -> ()
    %barrier3A_103 = arith.constant 0 : index
    tpu.barrier barrier_id(%barrier3A_103)
    %mul3A_104 = arith.constant 2 : i32
    %mul3A_105 = arith.muli %arg0, %mul3A_104 : i32
    %mul3A_106 = arith.constant 10240 : i32
    %mul3A_107 = arith.muli %mul3A_105, %mul3A_106 : i32
    %add3A_108 = arith.addi %mul3A_107, %mul3A_96 : i32
    "tpu.region"() ({
      %run_scoped3A_116 = tpu.sem_alloc : memref<!tpu.dma_semaphore, #tpu.memory_space<semaphore_mem>>
      %dma_start3A = tpu.memref_slice %arg5[%add3A_108] : memref<40960xf32, #tpu.memory_space<hbm>> -> memref<640xf32, #tpu.memory_space<hbm>>
      %dma_start3A_117 = tpu.memref_slice %arg10[%mul3A_96] : memref<10240xf32, #tpu.memory_space<vmem_shared>> -> memref<640xf32, #tpu.memory_space<vmem_shared>>
      tpu.enqueue_dma source(%dma_start3A_117 : memref<640xf32, #tpu.memory_space<vmem_shared>>) target(%dma_start3A : memref<640xf32, #tpu.memory_space<hbm>>) target_semaphore(%run_scoped3A_116 : memref<!tpu.dma_semaphore, #tpu.memory_space<semaphore_mem>>)
      %dma_wait3A = tpu.memref_slice %arg5[%add3A_108] : memref<40960xf32, #tpu.memory_space<hbm>> -> memref<640xf32, #tpu.memory_space<hbm>>
      %dma_wait3A_118 = tpu.memref_slice %arg10[%mul3A_96] : memref<10240xf32, #tpu.memory_space<vmem_shared>> -> memref<640xf32, #tpu.memory_space<vmem_shared>>
      tpu.wait_dma2 semaphore(%run_scoped3A_116 : memref<!tpu.dma_semaphore, #tpu.memory_space<semaphore_mem>>) src(%dma_wait3A_118 : memref<640xf32, #tpu.memory_space<vmem_shared>>) dst(%dma_wait3A : memref<640xf32, #tpu.memory_space<hbm>>)
      tpu.yield
    }) : () -> ()
    %mul3A_109 = arith.constant 2 : i32
    %mul3A_110 = arith.muli %arg0, %mul3A_109 : i32
    %add3A_111 = arith.constant 1 : i32
    %add3A_112 = arith.addi %mul3A_110, %add3A_111 : i32
    %mul3A_113 = arith.constant 10240 : i32
    %mul3A_114 = arith.muli %add3A_112, %mul3A_113 : i32
    %add3A_115 = arith.addi %mul3A_114, %mul3A_96 : i32
    "tpu.region"() ({
      %run_scoped3A_116 = tpu.sem_alloc : memref<!tpu.dma_semaphore, #tpu.memory_space<semaphore_mem>>
      %dma_start3A = tpu.memref_slice %arg5[%add3A_115] : memref<40960xf32, #tpu.memory_space<hbm>> -> memref<640xf32, #tpu.memory_space<hbm>>
      %dma_start3A_117 = tpu.memref_slice %arg11[%mul3A_96] : memref<10240xf32, #tpu.memory_space<vmem_shared>> -> memref<640xf32, #tpu.memory_space<vmem_shared>>
      tpu.enqueue_dma source(%dma_start3A_117 : memref<640xf32, #tpu.memory_space<vmem_shared>>) target(%dma_start3A : memref<640xf32, #tpu.memory_space<hbm>>) target_semaphore(%run_scoped3A_116 : memref<!tpu.dma_semaphore, #tpu.memory_space<semaphore_mem>>)
      %dma_wait3A = tpu.memref_slice %arg5[%add3A_115] : memref<40960xf32, #tpu.memory_space<hbm>> -> memref<640xf32, #tpu.memory_space<hbm>>
      %dma_wait3A_118 = tpu.memref_slice %arg11[%mul3A_96] : memref<10240xf32, #tpu.memory_space<vmem_shared>> -> memref<640xf32, #tpu.memory_space<vmem_shared>>
      tpu.wait_dma2 semaphore(%run_scoped3A_116 : memref<!tpu.dma_semaphore, #tpu.memory_space<semaphore_mem>>) src(%dma_wait3A_118 : memref<640xf32, #tpu.memory_space<vmem_shared>>) dst(%dma_wait3A : memref<640xf32, #tpu.memory_space<hbm>>)
      tpu.yield
    }) : () -> ()
    return
  }
}

#map = affine_map<(d0, d1) -> (0)>
#map1 = affine_map<(d0, d1) -> (0, 0, 0)>
module attributes {stable_mosaic.version = 14 : i64} {
  func.func @_sc_gather_a(%arg0: i32, %arg1: i32, %arg2: memref<10240xf32, #tpu.memory_space<hbm>>, %arg3: memref<32x80x128xi32, #tpu.memory_space<hbm>>, %arg4: memref<32x80x128xf32, #tpu.memory_space<hbm>>, %arg5: memref<80x128xi32, #tpu.memory_space<vmem>>, %arg6: memref<80x128xf32, #tpu.memory_space<vmem>>, %arg7: memref<!tpu.dma_semaphore, #tpu.memory_space<semaphore_mem>>) attributes {dimension_semantics = [#tpu.dimension_semantics<core_parallel>, #tpu.dimension_semantics<subcore_parallel>], iteration_bounds = array<i64: 2, 16>, scalar_prefetch = 0 : i64, scratch_operands = 3 : i64, tpu.core_type = #tpu.core_type<sc_vector_subcore>, window_params = [{transform_indices = #map}, {transform_indices = #map1}, {transform_indices = #map1}]} {
    %mul3A = arith.constant 16 : i32
    %mul3A_0 = arith.muli %arg0, %mul3A : i32
    %add3A = arith.addi %mul3A_0, %arg1 : i32
    "tpu.region"() ({
      %run_scoped3A = tpu.sem_alloc : memref<!tpu.dma_semaphore, #tpu.memory_space<semaphore_mem>>
      %dma_start3A = arith.constant 0 : i32
      %dma_start3A_13 = arith.constant 0 : i32
      %dma_start3A_14 = tpu.memref_slice %arg3[%add3A, %dma_start3A, %dma_start3A_13] : memref<32x80x128xi32, #tpu.memory_space<hbm>> -> memref<1x80x128xi32, #tpu.memory_space<hbm>>
      %dma_start3A_15 = tpu.memref_squeeze %dma_start3A_14 : memref<1x80x128xi32, #tpu.memory_space<hbm>> -> memref<80x128xi32, #tpu.memory_space<hbm>>
      %dma_start3A_16 = arith.constant 0 : i32
      %dma_start3A_17 = arith.constant 0 : i32
      %dma_start3A_18 = tpu.memref_slice %arg3[%add3A, %dma_start3A_16, %dma_start3A_17] : memref<32x80x128xi32, #tpu.memory_space<hbm>> -> memref<1x80x128xi32, #tpu.memory_space<hbm>>
      %dma_start3A_19 = tpu.memref_squeeze %dma_start3A_18 : memref<1x80x128xi32, #tpu.memory_space<hbm>> -> memref<80x128xi32, #tpu.memory_space<hbm>>
      tpu.enqueue_dma source(%dma_start3A_19 : memref<80x128xi32, #tpu.memory_space<hbm>>) target(%arg5 : memref<80x128xi32, #tpu.memory_space<vmem>>) target_semaphore(%run_scoped3A : memref<!tpu.dma_semaphore, #tpu.memory_space<semaphore_mem>>)
      %dma_wait3A_20 = arith.constant 0 : i32
      %dma_wait3A_21 = arith.constant 0 : i32
      %dma_wait3A_22 = tpu.memref_slice %arg3[%add3A, %dma_wait3A_20, %dma_wait3A_21] : memref<32x80x128xi32, #tpu.memory_space<hbm>> -> memref<1x80x128xi32, #tpu.memory_space<hbm>>
      %dma_wait3A_23 = tpu.memref_squeeze %dma_wait3A_22 : memref<1x80x128xi32, #tpu.memory_space<hbm>> -> memref<80x128xi32, #tpu.memory_space<hbm>>
      %dma_wait3A_24 = arith.constant 0 : i32
      %dma_wait3A_25 = arith.constant 0 : i32
      %dma_wait3A_26 = tpu.memref_slice %arg3[%add3A, %dma_wait3A_24, %dma_wait3A_25] : memref<32x80x128xi32, #tpu.memory_space<hbm>> -> memref<1x80x128xi32, #tpu.memory_space<hbm>>
      %dma_wait3A_27 = tpu.memref_squeeze %dma_wait3A_26 : memref<1x80x128xi32, #tpu.memory_space<hbm>> -> memref<80x128xi32, #tpu.memory_space<hbm>>
      tpu.wait_dma2 semaphore(%run_scoped3A : memref<!tpu.dma_semaphore, #tpu.memory_space<semaphore_mem>>) src(%dma_wait3A_27 : memref<80x128xi32, #tpu.memory_space<hbm>>) dst(%arg5 : memref<80x128xi32, #tpu.memory_space<vmem>>)
      tpu.yield
    }) : () -> ()
    %scan3A = arith.constant 0 : i32
    %scan3A_1 = arith.constant 0 : i32
    %scan3A_2 = arith.constant 80 : i32
    %scan3A_3 = arith.addi %scan3A_1, %scan3A_2 : i32
    %scan3A_4 = arith.constant 1 : i32
    scf.for %scan3A_13 = %scan3A_1 to %scan3A_3 step %scan3A_4  : i32 {
      %dma_start3A = arith.constant 0 : i32
      %dma_start3A_14 = tpu.memref_slice %arg6[%scan3A_13, %dma_start3A] : memref<80x128xf32, #tpu.memory_space<vmem>> -> memref<1x128xf32, #tpu.memory_space<vmem>>
      %dma_start3A_15 = tpu.memref_squeeze %dma_start3A_14 : memref<1x128xf32, #tpu.memory_space<vmem>> -> memref<128xf32, #tpu.memory_space<vmem>>
      %dma_start3A_16 = arith.constant 0 : i32
      %dma_start3A_17 = tpu.memref_slice %arg5[%scan3A_13, %dma_start3A_16] : memref<80x128xi32, #tpu.memory_space<vmem>> -> memref<1x128xi32, #tpu.memory_space<vmem>>
      %dma_start3A_18 = tpu.memref_squeeze %dma_start3A_17 : memref<1x128xi32, #tpu.memory_space<vmem>> -> memref<128xi32, #tpu.memory_space<vmem>>
      %dma_start3A_19 = arith.constant 0 : i32
      %dma_start3A_20 = tpu.memref_slice %arg2[%dma_start3A_19] : memref<10240xf32, #tpu.memory_space<hbm>> -> memref<10240xf32, #tpu.memory_space<hbm>>
      tpu.enqueue_indirect_dma source(%dma_start3A_20 : memref<10240xf32, #tpu.memory_space<hbm>>) target(%dma_start3A_15 : memref<128xf32, #tpu.memory_space<vmem>>) offsets(%dma_start3A_18 : memref<128xi32, #tpu.memory_space<vmem>>) semaphore(%arg7 : memref<!tpu.dma_semaphore, #tpu.memory_space<semaphore_mem>>)
    }
    %scan3A_5 = arith.constant 80 : i32
    %dma_wait3A = arith.constant 0 : i32
    %dma_wait3A_6 = arith.constant 0 : i32
    %dma_wait3A_7 = tpu.memref_slice %arg4[%add3A, %dma_wait3A, %dma_wait3A_6] : memref<32x80x128xf32, #tpu.memory_space<hbm>> -> memref<1x80x128xf32, #tpu.memory_space<hbm>>
    %dma_wait3A_8 = tpu.memref_squeeze %dma_wait3A_7 : memref<1x80x128xf32, #tpu.memory_space<hbm>> -> memref<80x128xf32, #tpu.memory_space<hbm>>
    %dma_wait3A_9 = arith.constant 0 : i32
    %dma_wait3A_10 = arith.constant 0 : i32
    %dma_wait3A_11 = tpu.memref_slice %arg4[%add3A, %dma_wait3A_9, %dma_wait3A_10] : memref<32x80x128xf32, #tpu.memory_space<hbm>> -> memref<1x80x128xf32, #tpu.memory_space<hbm>>
    %dma_wait3A_12 = tpu.memref_squeeze %dma_wait3A_11 : memref<1x80x128xf32, #tpu.memory_space<hbm>> -> memref<80x128xf32, #tpu.memory_space<hbm>>
    tpu.wait_dma2 semaphore(%arg7 : memref<!tpu.dma_semaphore, #tpu.memory_space<semaphore_mem>>) src(%dma_wait3A_12 : memref<80x128xf32, #tpu.memory_space<hbm>>) dst(%arg6 : memref<80x128xf32, #tpu.memory_space<vmem>>)
    "tpu.region"() ({
      %run_scoped3A = tpu.sem_alloc : memref<!tpu.dma_semaphore, #tpu.memory_space<semaphore_mem>>
      %dma_start3A = arith.constant 0 : i32
      %dma_start3A_13 = arith.constant 0 : i32
      %dma_start3A_14 = tpu.memref_slice %arg4[%add3A, %dma_start3A, %dma_start3A_13] : memref<32x80x128xf32, #tpu.memory_space<hbm>> -> memref<1x80x128xf32, #tpu.memory_space<hbm>>
      %dma_start3A_15 = tpu.memref_squeeze %dma_start3A_14 : memref<1x80x128xf32, #tpu.memory_space<hbm>> -> memref<80x128xf32, #tpu.memory_space<hbm>>
      %dma_start3A_16 = arith.constant 0 : i32
      %dma_start3A_17 = arith.constant 0 : i32
      %dma_start3A_18 = tpu.memref_slice %arg4[%add3A, %dma_start3A_16, %dma_start3A_17] : memref<32x80x128xf32, #tpu.memory_space<hbm>> -> memref<1x80x128xf32, #tpu.memory_space<hbm>>
      %dma_start3A_19 = tpu.memref_squeeze %dma_start3A_18 : memref<1x80x128xf32, #tpu.memory_space<hbm>> -> memref<80x128xf32, #tpu.memory_space<hbm>>
      tpu.enqueue_dma source(%arg6 : memref<80x128xf32, #tpu.memory_space<vmem>>) target(%dma_start3A_19 : memref<80x128xf32, #tpu.memory_space<hbm>>) target_semaphore(%run_scoped3A : memref<!tpu.dma_semaphore, #tpu.memory_space<semaphore_mem>>)
      %dma_wait3A_20 = arith.constant 0 : i32
      %dma_wait3A_21 = arith.constant 0 : i32
      %dma_wait3A_22 = tpu.memref_slice %arg4[%add3A, %dma_wait3A_20, %dma_wait3A_21] : memref<32x80x128xf32, #tpu.memory_space<hbm>> -> memref<1x80x128xf32, #tpu.memory_space<hbm>>
      %dma_wait3A_23 = tpu.memref_squeeze %dma_wait3A_22 : memref<1x80x128xf32, #tpu.memory_space<hbm>> -> memref<80x128xf32, #tpu.memory_space<hbm>>
      %dma_wait3A_24 = arith.constant 0 : i32
      %dma_wait3A_25 = arith.constant 0 : i32
      %dma_wait3A_26 = tpu.memref_slice %arg4[%add3A, %dma_wait3A_24, %dma_wait3A_25] : memref<32x80x128xf32, #tpu.memory_space<hbm>> -> memref<1x80x128xf32, #tpu.memory_space<hbm>>
      %dma_wait3A_27 = tpu.memref_squeeze %dma_wait3A_26 : memref<1x80x128xf32, #tpu.memory_space<hbm>> -> memref<80x128xf32, #tpu.memory_space<hbm>>
      tpu.wait_dma2 semaphore(%run_scoped3A : memref<!tpu.dma_semaphore, #tpu.memory_space<semaphore_mem>>) src(%arg6 : memref<80x128xf32, #tpu.memory_space<vmem>>) dst(%dma_wait3A_27 : memref<80x128xf32, #tpu.memory_space<hbm>>)
      tpu.yield
    }) : () -> ()
    return
  }
}

#map = affine_map<(d0, d1) -> (0, 0)>
#map1 = affine_map<(d0, d1) -> (0, 0, 0)>
module attributes {stable_mosaic.version = 14 : i64} {
  func.func @_sc_layer(%arg0: i32, %arg1: i32, %arg2: memref<10000x128xf32, #tpu.memory_space<hbm>>, %arg3: memref<64x40x128xi32, #tpu.memory_space<hbm>>, %arg4: memref<64x40x128xi32, #tpu.memory_space<hbm>>, %arg5: memref<10240x128xf32, #tpu.memory_space<hbm>>, %arg6: memref<20480x128xf32, #tpu.memory_space<hbm>>, %arg7: memref<40x128xi32, #tpu.memory_space<vmem>>, %arg8: memref<40x128xi32, #tpu.memory_space<vmem>>, %arg9: memref<128x128xf32, #tpu.memory_space<vmem>>, %arg10: memref<128x128xf32, #tpu.memory_space<vmem>>, %arg11: memref<10240x128xf32, #tpu.memory_space<vmem_shared>>, %arg12: memref<!tpu.dma_semaphore, #tpu.memory_space<semaphore_mem>>, %arg13: memref<!tpu.dma_semaphore, #tpu.memory_space<semaphore_mem>>) attributes {dimension_semantics = [#tpu.dimension_semantics<core_parallel>, #tpu.dimension_semantics<subcore_parallel>], iteration_bounds = array<i64: 2, 16>, scalar_prefetch = 0 : i64, scratch_operands = 7 : i64, tpu.core_type = #tpu.core_type<sc_vector_subcore>, window_params = [{transform_indices = #map}, {transform_indices = #map1}, {transform_indices = #map1}, {transform_indices = #map}, {transform_indices = #map}]} {
    %mul3A = arith.constant 16 : i32
    %mul3A_0 = arith.muli %arg0, %mul3A : i32
    %add3A = arith.addi %mul3A_0, %arg1 : i32
    %mul3A_1 = arith.constant 640 : i32
    %mul3A_2 = arith.muli %arg1, %mul3A_1 : i32
    %mul3A_3 = arith.constant 640 : i32
    %mul3A_4 = arith.muli %arg1, %mul3A_3 : i32
    "tpu.region"() ({
      %run_scoped3A = tpu.sem_alloc : memref<!tpu.dma_semaphore, #tpu.memory_space<semaphore_mem>>
      %dma_start3A_53 = arith.constant 0 : i32
      %dma_start3A_54 = tpu.memref_slice %arg11[%mul3A_4, %dma_start3A_53] : memref<10240x128xf32, #tpu.memory_space<vmem_shared>> -> memref<640x128xf32, #tpu.memory_space<vmem_shared>>
      %dma_start3A_55 = arith.constant 0 : i32
      %dma_start3A_56 = tpu.memref_slice %arg5[%mul3A_2, %dma_start3A_55] : memref<10240x128xf32, #tpu.memory_space<hbm>> -> memref<640x128xf32, #tpu.memory_space<hbm>>
      tpu.enqueue_dma source(%dma_start3A_56 : memref<640x128xf32, #tpu.memory_space<hbm>>) target(%dma_start3A_54 : memref<640x128xf32, #tpu.memory_space<vmem_shared>>) target_semaphore(%run_scoped3A : memref<!tpu.dma_semaphore, #tpu.memory_space<semaphore_mem>>)
      %dma_wait3A = arith.constant 0 : i32
      %dma_wait3A_57 = tpu.memref_slice %arg11[%mul3A_4, %dma_wait3A] : memref<10240x128xf32, #tpu.memory_space<vmem_shared>> -> memref<640x128xf32, #tpu.memory_space<vmem_shared>>
      %dma_wait3A_58 = arith.constant 0 : i32
      %dma_wait3A_59 = tpu.memref_slice %arg5[%mul3A_2, %dma_wait3A_58] : memref<10240x128xf32, #tpu.memory_space<hbm>> -> memref<640x128xf32, #tpu.memory_space<hbm>>
      tpu.wait_dma2 semaphore(%run_scoped3A : memref<!tpu.dma_semaphore, #tpu.memory_space<semaphore_mem>>) src(%dma_wait3A_59 : memref<640x128xf32, #tpu.memory_space<hbm>>) dst(%dma_wait3A_57 : memref<640x128xf32, #tpu.memory_space<vmem_shared>>)
      tpu.yield
    }) : () -> ()
    %barrier3A = arith.constant 0 : index
    tpu.barrier barrier_id(%barrier3A)
    %mul3A_5 = arith.constant 2 : i32
    %mul3A_6 = arith.muli %mul3A_5, %add3A : i32
    %add3A_7 = arith.constant 0 : i32
    %add3A_8 = arith.addi %mul3A_6, %add3A_7 : i32
    "tpu.region"() ({
      %run_scoped3A = tpu.sem_alloc : memref<!tpu.dma_semaphore, #tpu.memory_space<semaphore_mem>>
      %dma_start3A_53 = arith.constant 0 : i32
      %dma_start3A_54 = arith.constant 0 : i32
      %dma_start3A_55 = tpu.memref_slice %arg3[%add3A_8, %dma_start3A_53, %dma_start3A_54] : memref<64x40x128xi32, #tpu.memory_space<hbm>> -> memref<1x40x128xi32, #tpu.memory_space<hbm>>
      %dma_start3A_56 = tpu.memref_squeeze %dma_start3A_55 : memref<1x40x128xi32, #tpu.memory_space<hbm>> -> memref<40x128xi32, #tpu.memory_space<hbm>>
      %dma_start3A_57 = arith.constant 0 : i32
      %dma_start3A_58 = arith.constant 0 : i32
      %dma_start3A_59 = tpu.memref_slice %arg3[%add3A_8, %dma_start3A_57, %dma_start3A_58] : memref<64x40x128xi32, #tpu.memory_space<hbm>> -> memref<1x40x128xi32, #tpu.memory_space<hbm>>
      %dma_start3A_60 = tpu.memref_squeeze %dma_start3A_59 : memref<1x40x128xi32, #tpu.memory_space<hbm>> -> memref<40x128xi32, #tpu.memory_space<hbm>>
      tpu.enqueue_dma source(%dma_start3A_60 : memref<40x128xi32, #tpu.memory_space<hbm>>) target(%arg7 : memref<40x128xi32, #tpu.memory_space<vmem>>) target_semaphore(%run_scoped3A : memref<!tpu.dma_semaphore, #tpu.memory_space<semaphore_mem>>)
      %dma_wait3A = arith.constant 0 : i32
      %dma_wait3A_61 = arith.constant 0 : i32
      %dma_wait3A_62 = tpu.memref_slice %arg3[%add3A_8, %dma_wait3A, %dma_wait3A_61] : memref<64x40x128xi32, #tpu.memory_space<hbm>> -> memref<1x40x128xi32, #tpu.memory_space<hbm>>
      %dma_wait3A_63 = tpu.memref_squeeze %dma_wait3A_62 : memref<1x40x128xi32, #tpu.memory_space<hbm>> -> memref<40x128xi32, #tpu.memory_space<hbm>>
      %dma_wait3A_64 = arith.constant 0 : i32
      %dma_wait3A_65 = arith.constant 0 : i32
      %dma_wait3A_66 = tpu.memref_slice %arg3[%add3A_8, %dma_wait3A_64, %dma_wait3A_65] : memref<64x40x128xi32, #tpu.memory_space<hbm>> -> memref<1x40x128xi32, #tpu.memory_space<hbm>>
      %dma_wait3A_67 = tpu.memref_squeeze %dma_wait3A_66 : memref<1x40x128xi32, #tpu.memory_space<hbm>> -> memref<40x128xi32, #tpu.memory_space<hbm>>
      tpu.wait_dma2 semaphore(%run_scoped3A : memref<!tpu.dma_semaphore, #tpu.memory_space<semaphore_mem>>) src(%dma_wait3A_67 : memref<40x128xi32, #tpu.memory_space<hbm>>) dst(%arg7 : memref<40x128xi32, #tpu.memory_space<vmem>>)
      tpu.yield
    }) : () -> ()
    %mul3A_9 = arith.constant 2 : i32
    %mul3A_10 = arith.muli %mul3A_9, %add3A : i32
    %add3A_11 = arith.constant 0 : i32
    %add3A_12 = arith.addi %mul3A_10, %add3A_11 : i32
    "tpu.region"() ({
      %run_scoped3A = tpu.sem_alloc : memref<!tpu.dma_semaphore, #tpu.memory_space<semaphore_mem>>
      %dma_start3A_53 = arith.constant 0 : i32
      %dma_start3A_54 = arith.constant 0 : i32
      %dma_start3A_55 = tpu.memref_slice %arg4[%add3A_12, %dma_start3A_53, %dma_start3A_54] : memref<64x40x128xi32, #tpu.memory_space<hbm>> -> memref<1x40x128xi32, #tpu.memory_space<hbm>>
      %dma_start3A_56 = tpu.memref_squeeze %dma_start3A_55 : memref<1x40x128xi32, #tpu.memory_space<hbm>> -> memref<40x128xi32, #tpu.memory_space<hbm>>
      %dma_start3A_57 = arith.constant 0 : i32
      %dma_start3A_58 = arith.constant 0 : i32
      %dma_start3A_59 = tpu.memref_slice %arg4[%add3A_12, %dma_start3A_57, %dma_start3A_58] : memref<64x40x128xi32, #tpu.memory_space<hbm>> -> memref<1x40x128xi32, #tpu.memory_space<hbm>>
      %dma_start3A_60 = tpu.memref_squeeze %dma_start3A_59 : memref<1x40x128xi32, #tpu.memory_space<hbm>> -> memref<40x128xi32, #tpu.memory_space<hbm>>
      tpu.enqueue_dma source(%dma_start3A_60 : memref<40x128xi32, #tpu.memory_space<hbm>>) target(%arg8 : memref<40x128xi32, #tpu.memory_space<vmem>>) target_semaphore(%run_scoped3A : memref<!tpu.dma_semaphore, #tpu.memory_space<semaphore_mem>>)
      %dma_wait3A = arith.constant 0 : i32
      %dma_wait3A_61 = arith.constant 0 : i32
      %dma_wait3A_62 = tpu.memref_slice %arg4[%add3A_12, %dma_wait3A, %dma_wait3A_61] : memref<64x40x128xi32, #tpu.memory_space<hbm>> -> memref<1x40x128xi32, #tpu.memory_space<hbm>>
      %dma_wait3A_63 = tpu.memref_squeeze %dma_wait3A_62 : memref<1x40x128xi32, #tpu.memory_space<hbm>> -> memref<40x128xi32, #tpu.memory_space<hbm>>
      %dma_wait3A_64 = arith.constant 0 : i32
      %dma_wait3A_65 = arith.constant 0 : i32
      %dma_wait3A_66 = tpu.memref_slice %arg4[%add3A_12, %dma_wait3A_64, %dma_wait3A_65] : memref<64x40x128xi32, #tpu.memory_space<hbm>> -> memref<1x40x128xi32, #tpu.memory_space<hbm>>
      %dma_wait3A_67 = tpu.memref_squeeze %dma_wait3A_66 : memref<1x40x128xi32, #tpu.memory_space<hbm>> -> memref<40x128xi32, #tpu.memory_space<hbm>>
      tpu.wait_dma2 semaphore(%run_scoped3A : memref<!tpu.dma_semaphore, #tpu.memory_space<semaphore_mem>>) src(%dma_wait3A_67 : memref<40x128xi32, #tpu.memory_space<hbm>>) dst(%arg8 : memref<40x128xi32, #tpu.memory_space<vmem>>)
      tpu.yield
    }) : () -> ()
    %dma_start3A = arith.constant 0 : i32
    %dma_start3A_13 = arith.constant 0 : i32
    %dma_start3A_14 = tpu.memref_slice %arg7[%dma_start3A, %dma_start3A_13] : memref<40x128xi32, #tpu.memory_space<vmem>> -> memref<1x128xi32, #tpu.memory_space<vmem>>
    %dma_start3A_15 = tpu.memref_squeeze %dma_start3A_14 : memref<1x128xi32, #tpu.memory_space<vmem>> -> memref<128xi32, #tpu.memory_space<vmem>>
    %dma_start3A_16 = arith.constant 0 : i32
    %dma_start3A_17 = arith.constant 0 : i32
    %dma_start3A_18 = tpu.memref_slice %arg2[%dma_start3A_16, %dma_start3A_17] : memref<10000x128xf32, #tpu.memory_space<hbm>> -> memref<10000x128xf32, #tpu.memory_space<hbm>>
    tpu.enqueue_indirect_dma source(%dma_start3A_18 : memref<10000x128xf32, #tpu.memory_space<hbm>>) target(%arg9 : memref<128x128xf32, #tpu.memory_space<vmem>>) offsets(%dma_start3A_15 : memref<128xi32, #tpu.memory_space<vmem>>) semaphore(%arg12 : memref<!tpu.dma_semaphore, #tpu.memory_space<semaphore_mem>>)
    %scan3A = arith.constant 0 : i32
    %scan3A_19 = arith.constant 0 : i32
    %scan3A_20 = arith.constant 40 : i32
    %scan3A_21 = arith.addi %scan3A_19, %scan3A_20 : i32
    %scan3A_22 = arith.constant 1 : i32
    scf.for %scan3A_53 = %scan3A_19 to %scan3A_21 step %scan3A_22  : i32 {
      %jit3A = arith.constant 2 : i32
      %eq3A = arith.constant 0 : i32
      %eq3A_54 = arith.cmpi eq, %jit3A, %eq3A : i32
      %jit3A_55 = arith.constant 1 : i32
      %select_n3A = arith.select %eq3A_54, %jit3A_55, %jit3A : i32
      %rem3A = arith.remsi %scan3A_53, %select_n3A : i32
      %ne3A = arith.constant 0 : i32
      %ne3A_56 = arith.cmpi ne, %rem3A, %ne3A : i32
      %lt3A = arith.constant 0 : i32
      %lt3A_57 = arith.cmpi slt, %rem3A, %lt3A : i32
      %lt3A_58 = arith.constant 0 : i32
      %lt3A_59 = arith.cmpi slt, %select_n3A, %lt3A_58 : i32
      %ne3A_60 = arith.xori %lt3A_57, %lt3A_59 : i1
      %and3A = arith.andi %ne3A_60, %ne3A_56 : i1
      %add3A_61 = arith.addi %rem3A, %select_n3A : i32
      %select_n3A_62 = arith.select %and3A, %add3A_61, %rem3A : i32
      %eq3A_63 = arith.constant 0 : i32
      %eq3A_64 = arith.cmpi eq, %select_n3A_62, %eq3A_63 : i32
      %add3A_65 = arith.constant 1 : i32
      %add3A_66 = arith.addi %scan3A_53, %add3A_65 : i32
      %lt3A_67 = arith.constant 40 : i32
      %lt3A_68 = arith.cmpi slt, %add3A_66, %lt3A_67 : i32
      %and3A_69 = arith.andi %eq3A_64, %lt3A_68 : i1
      %convert_element_type3A = arith.extui %and3A_69 : i1 to i32
      %cond3A = arith.constant 0 : i32
      %cond3A_70 = arith.cmpi ne, %convert_element_type3A, %cond3A : i32
      scf.if %cond3A_70 {
        %dma_start3A_86 = arith.constant 0 : i32
        %dma_start3A_87 = tpu.memref_slice %arg7[%add3A_66, %dma_start3A_86] : memref<40x128xi32, #tpu.memory_space<vmem>> -> memref<1x128xi32, #tpu.memory_space<vmem>>
        %dma_start3A_88 = tpu.memref_squeeze %dma_start3A_87 : memref<1x128xi32, #tpu.memory_space<vmem>> -> memref<128xi32, #tpu.memory_space<vmem>>
        %dma_start3A_89 = arith.constant 0 : i32
        %dma_start3A_90 = arith.constant 0 : i32
        %dma_start3A_91 = tpu.memref_slice %arg2[%dma_start3A_89, %dma_start3A_90] : memref<10000x128xf32, #tpu.memory_space<hbm>> -> memref<10000x128xf32, #tpu.memory_space<hbm>>
        tpu.enqueue_indirect_dma source(%dma_start3A_91 : memref<10000x128xf32, #tpu.memory_space<hbm>>) target(%arg10 : memref<128x128xf32, #tpu.memory_space<vmem>>) offsets(%dma_start3A_88 : memref<128xi32, #tpu.memory_space<vmem>>) semaphore(%arg13 : memref<!tpu.dma_semaphore, #tpu.memory_space<semaphore_mem>>)
      } else {
      }
      %not3A = arith.constant true
      %not3A_71 = arith.xori %eq3A_64, %not3A : i1
      %lt3A_72 = arith.constant 40 : i32
      %lt3A_73 = arith.cmpi slt, %add3A_66, %lt3A_72 : i32
      %and3A_74 = arith.andi %not3A_71, %lt3A_73 : i1
      %convert_element_type3A_75 = arith.extui %and3A_74 : i1 to i32
      %cond3A_76 = arith.constant 0 : i32
      %cond3A_77 = arith.cmpi ne, %convert_element_type3A_75, %cond3A_76 : i32
      scf.if %cond3A_77 {
        %dma_start3A_86 = arith.constant 0 : i32
        %dma_start3A_87 = tpu.memref_slice %arg7[%add3A_66, %dma_start3A_86] : memref<40x128xi32, #tpu.memory_space<vmem>> -> memref<1x128xi32, #tpu.memory_space<vmem>>
        %dma_start3A_88 = tpu.memref_squeeze %dma_start3A_87 : memref<1x128xi32, #tpu.memory_space<vmem>> -> memref<128xi32, #tpu.memory_space<vmem>>
        %dma_start3A_89 = arith.constant 0 : i32
        %dma_start3A_90 = arith.constant 0 : i32
        %dma_start3A_91 = tpu.memref_slice %arg2[%dma_start3A_89, %dma_start3A_90] : memref<10000x128xf32, #tpu.memory_space<hbm>> -> memref<10000x128xf32, #tpu.memory_space<hbm>>
        tpu.enqueue_indirect_dma source(%dma_start3A_91 : memref<10000x128xf32, #tpu.memory_space<hbm>>) target(%arg9 : memref<128x128xf32, #tpu.memory_space<vmem>>) offsets(%dma_start3A_88 : memref<128xi32, #tpu.memory_space<vmem>>) semaphore(%arg12 : memref<!tpu.dma_semaphore, #tpu.memory_space<semaphore_mem>>)
      } else {
      }
      %convert_element_type3A_78 = arith.extui %eq3A_64 : i1 to i32
      %cond3A_79 = arith.constant 0 : i32
      %cond3A_80 = arith.cmpi ne, %convert_element_type3A_78, %cond3A_79 : i32
      scf.if %cond3A_80 {
        %dma_wait3A = arith.constant 0 : i32
        %dma_wait3A_86 = arith.constant 0 : i32
        %dma_wait3A_87 = tpu.memref_slice %arg2[%dma_wait3A, %dma_wait3A_86] : memref<10000x128xf32, #tpu.memory_space<hbm>> -> memref<128x128xf32, #tpu.memory_space<hbm>>
        %dma_wait3A_88 = arith.constant 0 : i32
        %dma_wait3A_89 = arith.constant 0 : i32
        %dma_wait3A_90 = tpu.memref_slice %arg2[%dma_wait3A_88, %dma_wait3A_89] : memref<10000x128xf32, #tpu.memory_space<hbm>> -> memref<128x128xf32, #tpu.memory_space<hbm>>
        tpu.wait_dma2 semaphore(%arg12 : memref<!tpu.dma_semaphore, #tpu.memory_space<semaphore_mem>>) src(%dma_wait3A_90 : memref<128x128xf32, #tpu.memory_space<hbm>>) dst(%arg9 : memref<128x128xf32, #tpu.memory_space<vmem>>)
        "tpu.region"() ({
          %run_scoped3A = tpu.sem_alloc : memref<!tpu.dma_semaphore, #tpu.memory_space<semaphore_mem>>
          %dma_start3A_91 = arith.constant 0 : i32
          %dma_start3A_92 = tpu.memref_slice %arg8[%scan3A_53, %dma_start3A_91] : memref<40x128xi32, #tpu.memory_space<vmem>> -> memref<1x128xi32, #tpu.memory_space<vmem>>
          %dma_start3A_93 = tpu.memref_squeeze %dma_start3A_92 : memref<1x128xi32, #tpu.memory_space<vmem>> -> memref<128xi32, #tpu.memory_space<vmem>>
          %dma_start3A_94 = arith.constant 0 : i32
          %dma_start3A_95 = arith.constant 0 : i32
          %dma_start3A_96 = tpu.memref_slice %arg11[%dma_start3A_94, %dma_start3A_95] : memref<10240x128xf32, #tpu.memory_space<vmem_shared>> -> memref<10240x128xf32, #tpu.memory_space<vmem_shared>>
          tpu.enqueue_indirect_dma source(%arg9 : memref<128x128xf32, #tpu.memory_space<vmem>>) target(%dma_start3A_96 : memref<10240x128xf32, #tpu.memory_space<vmem_shared>>) offsets(%dma_start3A_93 : memref<128xi32, #tpu.memory_space<vmem>>) semaphore(%run_scoped3A : memref<!tpu.dma_semaphore, #tpu.memory_space<semaphore_mem>>) {add = true}
          %dma_wait3A_97 = arith.constant 0 : i32
          %dma_wait3A_98 = tpu.memref_slice %arg8[%scan3A_53, %dma_wait3A_97] : memref<40x128xi32, #tpu.memory_space<vmem>> -> memref<1x128xi32, #tpu.memory_space<vmem>>
          %dma_wait3A_99 = tpu.memref_squeeze %dma_wait3A_98 : memref<1x128xi32, #tpu.memory_space<vmem>> -> memref<128xi32, #tpu.memory_space<vmem>>
          %dma_wait3A_100 = arith.constant 0 : i32
          %dma_wait3A_101 = arith.constant 0 : i32
          %dma_wait3A_102 = tpu.memref_slice %arg11[%dma_wait3A_100, %dma_wait3A_101] : memref<10240x128xf32, #tpu.memory_space<vmem_shared>> -> memref<10240x128xf32, #tpu.memory_space<vmem_shared>>
          tpu.wait_indirect_dma semaphore(%run_scoped3A : memref<!tpu.dma_semaphore, #tpu.memory_space<semaphore_mem>>) src(%arg9 : memref<128x128xf32, #tpu.memory_space<vmem>>) dst(%dma_wait3A_102 : memref<10240x128xf32, #tpu.memory_space<vmem_shared>>)
          tpu.yield
        }) : () -> ()
      } else {
      }
      %not3A_81 = arith.constant true
      %not3A_82 = arith.xori %eq3A_64, %not3A_81 : i1
      %convert_element_type3A_83 = arith.extui %not3A_82 : i1 to i32
      %cond3A_84 = arith.constant 0 : i32
      %cond3A_85 = arith.cmpi ne, %convert_element_type3A_83, %cond3A_84 : i32
      scf.if %cond3A_85 {
        %dma_wait3A = arith.constant 0 : i32
        %dma_wait3A_86 = arith.constant 0 : i32
        %dma_wait3A_87 = tpu.memref_slice %arg2[%dma_wait3A, %dma_wait3A_86] : memref<10000x128xf32, #tpu.memory_space<hbm>> -> memref<128x128xf32, #tpu.memory_space<hbm>>
        %dma_wait3A_88 = arith.constant 0 : i32
        %dma_wait3A_89 = arith.constant 0 : i32
        %dma_wait3A_90 = tpu.memref_slice %arg2[%dma_wait3A_88, %dma_wait3A_89] : memref<10000x128xf32, #tpu.memory_space<hbm>> -> memref<128x128xf32, #tpu.memory_space<hbm>>
        tpu.wait_dma2 semaphore(%arg13 : memref<!tpu.dma_semaphore, #tpu.memory_space<semaphore_mem>>) src(%dma_wait3A_90 : memref<128x128xf32, #tpu.memory_space<hbm>>) dst(%arg10 : memref<128x128xf32, #tpu.memory_space<vmem>>)
        "tpu.region"() ({
          %run_scoped3A = tpu.sem_alloc : memref<!tpu.dma_semaphore, #tpu.memory_space<semaphore_mem>>
          %dma_start3A_91 = arith.constant 0 : i32
          %dma_start3A_92 = tpu.memref_slice %arg8[%scan3A_53, %dma_start3A_91] : memref<40x128xi32, #tpu.memory_space<vmem>> -> memref<1x128xi32, #tpu.memory_space<vmem>>
          %dma_start3A_93 = tpu.memref_squeeze %dma_start3A_92 : memref<1x128xi32, #tpu.memory_space<vmem>> -> memref<128xi32, #tpu.memory_space<vmem>>
          %dma_start3A_94 = arith.constant 0 : i32
          %dma_start3A_95 = arith.constant 0 : i32
          %dma_start3A_96 = tpu.memref_slice %arg11[%dma_start3A_94, %dma_start3A_95] : memref<10240x128xf32, #tpu.memory_space<vmem_shared>> -> memref<10240x128xf32, #tpu.memory_space<vmem_shared>>
          tpu.enqueue_indirect_dma source(%arg10 : memref<128x128xf32, #tpu.memory_space<vmem>>) target(%dma_start3A_96 : memref<10240x128xf32, #tpu.memory_space<vmem_shared>>) offsets(%dma_start3A_93 : memref<128xi32, #tpu.memory_space<vmem>>) semaphore(%run_scoped3A : memref<!tpu.dma_semaphore, #tpu.memory_space<semaphore_mem>>) {add = true}
          %dma_wait3A_97 = arith.constant 0 : i32
          %dma_wait3A_98 = tpu.memref_slice %arg8[%scan3A_53, %dma_wait3A_97] : memref<40x128xi32, #tpu.memory_space<vmem>> -> memref<1x128xi32, #tpu.memory_space<vmem>>
          %dma_wait3A_99 = tpu.memref_squeeze %dma_wait3A_98 : memref<1x128xi32, #tpu.memory_space<vmem>> -> memref<128xi32, #tpu.memory_space<vmem>>
          %dma_wait3A_100 = arith.constant 0 : i32
          %dma_wait3A_101 = arith.constant 0 : i32
          %dma_wait3A_102 = tpu.memref_slice %arg11[%dma_wait3A_100, %dma_wait3A_101] : memref<10240x128xf32, #tpu.memory_space<vmem_shared>> -> memref<10240x128xf32, #tpu.memory_space<vmem_shared>>
          tpu.wait_indirect_dma semaphore(%run_scoped3A : memref<!tpu.dma_semaphore, #tpu.memory_space<semaphore_mem>>) src(%arg10 : memref<128x128xf32, #tpu.memory_space<vmem>>) dst(%dma_wait3A_102 : memref<10240x128xf32, #tpu.memory_space<vmem_shared>>)
          tpu.yield
        }) : () -> ()
      } else {
      }
    }
    %scan3A_23 = arith.constant 40 : i32
    %mul3A_24 = arith.constant 2 : i32
    %mul3A_25 = arith.muli %mul3A_24, %add3A : i32
    %add3A_26 = arith.constant 1 : i32
    %add3A_27 = arith.addi %mul3A_25, %add3A_26 : i32
    "tpu.region"() ({
      %run_scoped3A = tpu.sem_alloc : memref<!tpu.dma_semaphore, #tpu.memory_space<semaphore_mem>>
      %dma_start3A_53 = arith.constant 0 : i32
      %dma_start3A_54 = arith.constant 0 : i32
      %dma_start3A_55 = tpu.memref_slice %arg3[%add3A_27, %dma_start3A_53, %dma_start3A_54] : memref<64x40x128xi32, #tpu.memory_space<hbm>> -> memref<1x40x128xi32, #tpu.memory_space<hbm>>
      %dma_start3A_56 = tpu.memref_squeeze %dma_start3A_55 : memref<1x40x128xi32, #tpu.memory_space<hbm>> -> memref<40x128xi32, #tpu.memory_space<hbm>>
      %dma_start3A_57 = arith.constant 0 : i32
      %dma_start3A_58 = arith.constant 0 : i32
      %dma_start3A_59 = tpu.memref_slice %arg3[%add3A_27, %dma_start3A_57, %dma_start3A_58] : memref<64x40x128xi32, #tpu.memory_space<hbm>> -> memref<1x40x128xi32, #tpu.memory_space<hbm>>
      %dma_start3A_60 = tpu.memref_squeeze %dma_start3A_59 : memref<1x40x128xi32, #tpu.memory_space<hbm>> -> memref<40x128xi32, #tpu.memory_space<hbm>>
      tpu.enqueue_dma source(%dma_start3A_60 : memref<40x128xi32, #tpu.memory_space<hbm>>) target(%arg7 : memref<40x128xi32, #tpu.memory_space<vmem>>) target_semaphore(%run_scoped3A : memref<!tpu.dma_semaphore, #tpu.memory_space<semaphore_mem>>)
      %dma_wait3A = arith.constant 0 : i32
      %dma_wait3A_61 = arith.constant 0 : i32
      %dma_wait3A_62 = tpu.memref_slice %arg3[%add3A_27, %dma_wait3A, %dma_wait3A_61] : memref<64x40x128xi32, #tpu.memory_space<hbm>> -> memref<1x40x128xi32, #tpu.memory_space<hbm>>
      %dma_wait3A_63 = tpu.memref_squeeze %dma_wait3A_62 : memref<1x40x128xi32, #tpu.memory_space<hbm>> -> memref<40x128xi32, #tpu.memory_space<hbm>>
      %dma_wait3A_64 = arith.constant 0 : i32
      %dma_wait3A_65 = arith.constant 0 : i32
      %dma_wait3A_66 = tpu.memref_slice %arg3[%add3A_27, %dma_wait3A_64, %dma_wait3A_65] : memref<64x40x128xi32, #tpu.memory_space<hbm>> -> memref<1x40x128xi32, #tpu.memory_space<hbm>>
      %dma_wait3A_67 = tpu.memref_squeeze %dma_wait3A_66 : memref<1x40x128xi32, #tpu.memory_space<hbm>> -> memref<40x128xi32, #tpu.memory_space<hbm>>
      tpu.wait_dma2 semaphore(%run_scoped3A : memref<!tpu.dma_semaphore, #tpu.memory_space<semaphore_mem>>) src(%dma_wait3A_67 : memref<40x128xi32, #tpu.memory_space<hbm>>) dst(%arg7 : memref<40x128xi32, #tpu.memory_space<vmem>>)
      tpu.yield
    }) : () -> ()
    %mul3A_28 = arith.constant 2 : i32
    %mul3A_29 = arith.muli %mul3A_28, %add3A : i32
    %add3A_30 = arith.constant 1 : i32
    %add3A_31 = arith.addi %mul3A_29, %add3A_30 : i32
    "tpu.region"() ({
      %run_scoped3A = tpu.sem_alloc : memref<!tpu.dma_semaphore, #tpu.memory_space<semaphore_mem>>
      %dma_start3A_53 = arith.constant 0 : i32
      %dma_start3A_54 = arith.constant 0 : i32
      %dma_start3A_55 = tpu.memref_slice %arg4[%add3A_31, %dma_start3A_53, %dma_start3A_54] : memref<64x40x128xi32, #tpu.memory_space<hbm>> -> memref<1x40x128xi32, #tpu.memory_space<hbm>>
      %dma_start3A_56 = tpu.memref_squeeze %dma_start3A_55 : memref<1x40x128xi32, #tpu.memory_space<hbm>> -> memref<40x128xi32, #tpu.memory_space<hbm>>
      %dma_start3A_57 = arith.constant 0 : i32
      %dma_start3A_58 = arith.constant 0 : i32
      %dma_start3A_59 = tpu.memref_slice %arg4[%add3A_31, %dma_start3A_57, %dma_start3A_58] : memref<64x40x128xi32, #tpu.memory_space<hbm>> -> memref<1x40x128xi32, #tpu.memory_space<hbm>>
      %dma_start3A_60 = tpu.memref_squeeze %dma_start3A_59 : memref<1x40x128xi32, #tpu.memory_space<hbm>> -> memref<40x128xi32, #tpu.memory_space<hbm>>
      tpu.enqueue_dma source(%dma_start3A_60 : memref<40x128xi32, #tpu.memory_space<hbm>>) target(%arg8 : memref<40x128xi32, #tpu.memory_space<vmem>>) target_semaphore(%run_scoped3A : memref<!tpu.dma_semaphore, #tpu.memory_space<semaphore_mem>>)
      %dma_wait3A = arith.constant 0 : i32
      %dma_wait3A_61 = arith.constant 0 : i32
      %dma_wait3A_62 = tpu.memref_slice %arg4[%add3A_31, %dma_wait3A, %dma_wait3A_61] : memref<64x40x128xi32, #tpu.memory_space<hbm>> -> memref<1x40x128xi32, #tpu.memory_space<hbm>>
      %dma_wait3A_63 = tpu.memref_squeeze %dma_wait3A_62 : memref<1x40x128xi32, #tpu.memory_space<hbm>> -> memref<40x128xi32, #tpu.memory_space<hbm>>
      %dma_wait3A_64 = arith.constant 0 : i32
      %dma_wait3A_65 = arith.constant 0 : i32
      %dma_wait3A_66 = tpu.memref_slice %arg4[%add3A_31, %dma_wait3A_64, %dma_wait3A_65] : memref<64x40x128xi32, #tpu.memory_space<hbm>> -> memref<1x40x128xi32, #tpu.memory_space<hbm>>
      %dma_wait3A_67 = tpu.memref_squeeze %dma_wait3A_66 : memref<1x40x128xi32, #tpu.memory_space<hbm>> -> memref<40x128xi32, #tpu.memory_space<hbm>>
      tpu.wait_dma2 semaphore(%run_scoped3A : memref<!tpu.dma_semaphore, #tpu.memory_space<semaphore_mem>>) src(%dma_wait3A_67 : memref<40x128xi32, #tpu.memory_space<hbm>>) dst(%arg8 : memref<40x128xi32, #tpu.memory_space<vmem>>)
      tpu.yield
    }) : () -> ()
    %dma_start3A_32 = arith.constant 0 : i32
    %dma_start3A_33 = arith.constant 0 : i32
    %dma_start3A_34 = tpu.memref_slice %arg7[%dma_start3A_32, %dma_start3A_33] : memref<40x128xi32, #tpu.memory_space<vmem>> -> memref<1x128xi32, #tpu.memory_space<vmem>>
    %dma_start3A_35 = tpu.memref_squeeze %dma_start3A_34 : memref<1x128xi32, #tpu.memory_space<vmem>> -> memref<128xi32, #tpu.memory_space<vmem>>
    %dma_start3A_36 = arith.constant 0 : i32
    %dma_start3A_37 = arith.constant 0 : i32
    %dma_start3A_38 = tpu.memref_slice %arg2[%dma_start3A_36, %dma_start3A_37] : memref<10000x128xf32, #tpu.memory_space<hbm>> -> memref<10000x128xf32, #tpu.memory_space<hbm>>
    tpu.enqueue_indirect_dma source(%dma_start3A_38 : memref<10000x128xf32, #tpu.memory_space<hbm>>) target(%arg9 : memref<128x128xf32, #tpu.memory_space<vmem>>) offsets(%dma_start3A_35 : memref<128xi32, #tpu.memory_space<vmem>>) semaphore(%arg12 : memref<!tpu.dma_semaphore, #tpu.memory_space<semaphore_mem>>)
    %scan3A_39 = arith.constant 0 : i32
    %scan3A_40 = arith.constant 0 : i32
    %scan3A_41 = arith.constant 40 : i32
    %scan3A_42 = arith.addi %scan3A_40, %scan3A_41 : i32
    %scan3A_43 = arith.constant 1 : i32
    scf.for %scan3A_53 = %scan3A_40 to %scan3A_42 step %scan3A_43  : i32 {
      %jit3A = arith.constant 2 : i32
      %eq3A = arith.constant 0 : i32
      %eq3A_54 = arith.cmpi eq, %jit3A, %eq3A : i32
      %jit3A_55 = arith.constant 1 : i32
      %select_n3A = arith.select %eq3A_54, %jit3A_55, %jit3A : i32
      %rem3A = arith.remsi %scan3A_53, %select_n3A : i32
      %ne3A = arith.constant 0 : i32
      %ne3A_56 = arith.cmpi ne, %rem3A, %ne3A : i32
      %lt3A = arith.constant 0 : i32
      %lt3A_57 = arith.cmpi slt, %rem3A, %lt3A : i32
      %lt3A_58 = arith.constant 0 : i32
      %lt3A_59 = arith.cmpi slt, %select_n3A, %lt3A_58 : i32
      %ne3A_60 = arith.xori %lt3A_57, %lt3A_59 : i1
      %and3A = arith.andi %ne3A_60, %ne3A_56 : i1
      %add3A_61 = arith.addi %rem3A, %select_n3A : i32
      %select_n3A_62 = arith.select %and3A, %add3A_61, %rem3A : i32
      %eq3A_63 = arith.constant 0 : i32
      %eq3A_64 = arith.cmpi eq, %select_n3A_62, %eq3A_63 : i32
      %add3A_65 = arith.constant 1 : i32
      %add3A_66 = arith.addi %scan3A_53, %add3A_65 : i32
      %lt3A_67 = arith.constant 40 : i32
      %lt3A_68 = arith.cmpi slt, %add3A_66, %lt3A_67 : i32
      %and3A_69 = arith.andi %eq3A_64, %lt3A_68 : i1
      %convert_element_type3A = arith.extui %and3A_69 : i1 to i32
      %cond3A = arith.constant 0 : i32
      %cond3A_70 = arith.cmpi ne, %convert_element_type3A, %cond3A : i32
      scf.if %cond3A_70 {
        %dma_start3A_86 = arith.constant 0 : i32
        %dma_start3A_87 = tpu.memref_slice %arg7[%add3A_66, %dma_start3A_86] : memref<40x128xi32, #tpu.memory_space<vmem>> -> memref<1x128xi32, #tpu.memory_space<vmem>>
        %dma_start3A_88 = tpu.memref_squeeze %dma_start3A_87 : memref<1x128xi32, #tpu.memory_space<vmem>> -> memref<128xi32, #tpu.memory_space<vmem>>
        %dma_start3A_89 = arith.constant 0 : i32
        %dma_start3A_90 = arith.constant 0 : i32
        %dma_start3A_91 = tpu.memref_slice %arg2[%dma_start3A_89, %dma_start3A_90] : memref<10000x128xf32, #tpu.memory_space<hbm>> -> memref<10000x128xf32, #tpu.memory_space<hbm>>
        tpu.enqueue_indirect_dma source(%dma_start3A_91 : memref<10000x128xf32, #tpu.memory_space<hbm>>) target(%arg10 : memref<128x128xf32, #tpu.memory_space<vmem>>) offsets(%dma_start3A_88 : memref<128xi32, #tpu.memory_space<vmem>>) semaphore(%arg13 : memref<!tpu.dma_semaphore, #tpu.memory_space<semaphore_mem>>)
      } else {
      }
      %not3A = arith.constant true
      %not3A_71 = arith.xori %eq3A_64, %not3A : i1
      %lt3A_72 = arith.constant 40 : i32
      %lt3A_73 = arith.cmpi slt, %add3A_66, %lt3A_72 : i32
      %and3A_74 = arith.andi %not3A_71, %lt3A_73 : i1
      %convert_element_type3A_75 = arith.extui %and3A_74 : i1 to i32
      %cond3A_76 = arith.constant 0 : i32
      %cond3A_77 = arith.cmpi ne, %convert_element_type3A_75, %cond3A_76 : i32
      scf.if %cond3A_77 {
        %dma_start3A_86 = arith.constant 0 : i32
        %dma_start3A_87 = tpu.memref_slice %arg7[%add3A_66, %dma_start3A_86] : memref<40x128xi32, #tpu.memory_space<vmem>> -> memref<1x128xi32, #tpu.memory_space<vmem>>
        %dma_start3A_88 = tpu.memref_squeeze %dma_start3A_87 : memref<1x128xi32, #tpu.memory_space<vmem>> -> memref<128xi32, #tpu.memory_space<vmem>>
        %dma_start3A_89 = arith.constant 0 : i32
        %dma_start3A_90 = arith.constant 0 : i32
        %dma_start3A_91 = tpu.memref_slice %arg2[%dma_start3A_89, %dma_start3A_90] : memref<10000x128xf32, #tpu.memory_space<hbm>> -> memref<10000x128xf32, #tpu.memory_space<hbm>>
        tpu.enqueue_indirect_dma source(%dma_start3A_91 : memref<10000x128xf32, #tpu.memory_space<hbm>>) target(%arg9 : memref<128x128xf32, #tpu.memory_space<vmem>>) offsets(%dma_start3A_88 : memref<128xi32, #tpu.memory_space<vmem>>) semaphore(%arg12 : memref<!tpu.dma_semaphore, #tpu.memory_space<semaphore_mem>>)
      } else {
      }
      %convert_element_type3A_78 = arith.extui %eq3A_64 : i1 to i32
      %cond3A_79 = arith.constant 0 : i32
      %cond3A_80 = arith.cmpi ne, %convert_element_type3A_78, %cond3A_79 : i32
      scf.if %cond3A_80 {
        %dma_wait3A = arith.constant 0 : i32
        %dma_wait3A_86 = arith.constant 0 : i32
        %dma_wait3A_87 = tpu.memref_slice %arg2[%dma_wait3A, %dma_wait3A_86] : memref<10000x128xf32, #tpu.memory_space<hbm>> -> memref<128x128xf32, #tpu.memory_space<hbm>>
        %dma_wait3A_88 = arith.constant 0 : i32
        %dma_wait3A_89 = arith.constant 0 : i32
        %dma_wait3A_90 = tpu.memref_slice %arg2[%dma_wait3A_88, %dma_wait3A_89] : memref<10000x128xf32, #tpu.memory_space<hbm>> -> memref<128x128xf32, #tpu.memory_space<hbm>>
        tpu.wait_dma2 semaphore(%arg12 : memref<!tpu.dma_semaphore, #tpu.memory_space<semaphore_mem>>) src(%dma_wait3A_90 : memref<128x128xf32, #tpu.memory_space<hbm>>) dst(%arg9 : memref<128x128xf32, #tpu.memory_space<vmem>>)
        "tpu.region"() ({
          %run_scoped3A = tpu.sem_alloc : memref<!tpu.dma_semaphore, #tpu.memory_space<semaphore_mem>>
          %dma_start3A_91 = arith.constant 0 : i32
          %dma_start3A_92 = tpu.memref_slice %arg8[%scan3A_53, %dma_start3A_91] : memref<40x128xi32, #tpu.memory_space<vmem>> -> memref<1x128xi32, #tpu.memory_space<vmem>>
          %dma_start3A_93 = tpu.memref_squeeze %dma_start3A_92 : memref<1x128xi32, #tpu.memory_space<vmem>> -> memref<128xi32, #tpu.memory_space<vmem>>
          %dma_start3A_94 = arith.constant 0 : i32
          %dma_start3A_95 = arith.constant 0 : i32
          %dma_start3A_96 = tpu.memref_slice %arg11[%dma_start3A_94, %dma_start3A_95] : memref<10240x128xf32, #tpu.memory_space<vmem_shared>> -> memref<10240x128xf32, #tpu.memory_space<vmem_shared>>
          tpu.enqueue_indirect_dma source(%arg9 : memref<128x128xf32, #tpu.memory_space<vmem>>) target(%dma_start3A_96 : memref<10240x128xf32, #tpu.memory_space<vmem_shared>>) offsets(%dma_start3A_93 : memref<128xi32, #tpu.memory_space<vmem>>) semaphore(%run_scoped3A : memref<!tpu.dma_semaphore, #tpu.memory_space<semaphore_mem>>) {add = true}
          %dma_wait3A_97 = arith.constant 0 : i32
          %dma_wait3A_98 = tpu.memref_slice %arg8[%scan3A_53, %dma_wait3A_97] : memref<40x128xi32, #tpu.memory_space<vmem>> -> memref<1x128xi32, #tpu.memory_space<vmem>>
          %dma_wait3A_99 = tpu.memref_squeeze %dma_wait3A_98 : memref<1x128xi32, #tpu.memory_space<vmem>> -> memref<128xi32, #tpu.memory_space<vmem>>
          %dma_wait3A_100 = arith.constant 0 : i32
          %dma_wait3A_101 = arith.constant 0 : i32
          %dma_wait3A_102 = tpu.memref_slice %arg11[%dma_wait3A_100, %dma_wait3A_101] : memref<10240x128xf32, #tpu.memory_space<vmem_shared>> -> memref<10240x128xf32, #tpu.memory_space<vmem_shared>>
          tpu.wait_indirect_dma semaphore(%run_scoped3A : memref<!tpu.dma_semaphore, #tpu.memory_space<semaphore_mem>>) src(%arg9 : memref<128x128xf32, #tpu.memory_space<vmem>>) dst(%dma_wait3A_102 : memref<10240x128xf32, #tpu.memory_space<vmem_shared>>)
          tpu.yield
        }) : () -> ()
      } else {
      }
      %not3A_81 = arith.constant true
      %not3A_82 = arith.xori %eq3A_64, %not3A_81 : i1
      %convert_element_type3A_83 = arith.extui %not3A_82 : i1 to i32
      %cond3A_84 = arith.constant 0 : i32
      %cond3A_85 = arith.cmpi ne, %convert_element_type3A_83, %cond3A_84 : i32
      scf.if %cond3A_85 {
        %dma_wait3A = arith.constant 0 : i32
        %dma_wait3A_86 = arith.constant 0 : i32
        %dma_wait3A_87 = tpu.memref_slice %arg2[%dma_wait3A, %dma_wait3A_86] : memref<10000x128xf32, #tpu.memory_space<hbm>> -> memref<128x128xf32, #tpu.memory_space<hbm>>
        %dma_wait3A_88 = arith.constant 0 : i32
        %dma_wait3A_89 = arith.constant 0 : i32
        %dma_wait3A_90 = tpu.memref_slice %arg2[%dma_wait3A_88, %dma_wait3A_89] : memref<10000x128xf32, #tpu.memory_space<hbm>> -> memref<128x128xf32, #tpu.memory_space<hbm>>
        tpu.wait_dma2 semaphore(%arg13 : memref<!tpu.dma_semaphore, #tpu.memory_space<semaphore_mem>>) src(%dma_wait3A_90 : memref<128x128xf32, #tpu.memory_space<hbm>>) dst(%arg10 : memref<128x128xf32, #tpu.memory_space<vmem>>)
        "tpu.region"() ({
          %run_scoped3A = tpu.sem_alloc : memref<!tpu.dma_semaphore, #tpu.memory_space<semaphore_mem>>
          %dma_start3A_91 = arith.constant 0 : i32
          %dma_start3A_92 = tpu.memref_slice %arg8[%scan3A_53, %dma_start3A_91] : memref<40x128xi32, #tpu.memory_space<vmem>> -> memref<1x128xi32, #tpu.memory_space<vmem>>
          %dma_start3A_93 = tpu.memref_squeeze %dma_start3A_92 : memref<1x128xi32, #tpu.memory_space<vmem>> -> memref<128xi32, #tpu.memory_space<vmem>>
          %dma_start3A_94 = arith.constant 0 : i32
          %dma_start3A_95 = arith.constant 0 : i32
          %dma_start3A_96 = tpu.memref_slice %arg11[%dma_start3A_94, %dma_start3A_95] : memref<10240x128xf32, #tpu.memory_space<vmem_shared>> -> memref<10240x128xf32, #tpu.memory_space<vmem_shared>>
          tpu.enqueue_indirect_dma source(%arg10 : memref<128x128xf32, #tpu.memory_space<vmem>>) target(%dma_start3A_96 : memref<10240x128xf32, #tpu.memory_space<vmem_shared>>) offsets(%dma_start3A_93 : memref<128xi32, #tpu.memory_space<vmem>>) semaphore(%run_scoped3A : memref<!tpu.dma_semaphore, #tpu.memory_space<semaphore_mem>>) {add = true}
          %dma_wait3A_97 = arith.constant 0 : i32
          %dma_wait3A_98 = tpu.memref_slice %arg8[%scan3A_53, %dma_wait3A_97] : memref<40x128xi32, #tpu.memory_space<vmem>> -> memref<1x128xi32, #tpu.memory_space<vmem>>
          %dma_wait3A_99 = tpu.memref_squeeze %dma_wait3A_98 : memref<1x128xi32, #tpu.memory_space<vmem>> -> memref<128xi32, #tpu.memory_space<vmem>>
          %dma_wait3A_100 = arith.constant 0 : i32
          %dma_wait3A_101 = arith.constant 0 : i32
          %dma_wait3A_102 = tpu.memref_slice %arg11[%dma_wait3A_100, %dma_wait3A_101] : memref<10240x128xf32, #tpu.memory_space<vmem_shared>> -> memref<10240x128xf32, #tpu.memory_space<vmem_shared>>
          tpu.wait_indirect_dma semaphore(%run_scoped3A : memref<!tpu.dma_semaphore, #tpu.memory_space<semaphore_mem>>) src(%arg10 : memref<128x128xf32, #tpu.memory_space<vmem>>) dst(%dma_wait3A_102 : memref<10240x128xf32, #tpu.memory_space<vmem_shared>>)
          tpu.yield
        }) : () -> ()
      } else {
      }
    }
    %scan3A_44 = arith.constant 40 : i32
    %barrier3A_45 = arith.constant 0 : index
    tpu.barrier barrier_id(%barrier3A_45)
    %mul3A_46 = arith.constant 640 : i32
    %mul3A_47 = arith.muli %arg1, %mul3A_46 : i32
    %mul3A_48 = arith.constant 10240 : i32
    %mul3A_49 = arith.muli %arg0, %mul3A_48 : i32
    %mul3A_50 = arith.constant 640 : i32
    %mul3A_51 = arith.muli %arg1, %mul3A_50 : i32
    %add3A_52 = arith.addi %mul3A_49, %mul3A_51 : i32
    "tpu.region"() ({
      %run_scoped3A = tpu.sem_alloc : memref<!tpu.dma_semaphore, #tpu.memory_space<semaphore_mem>>
      %dma_start3A_53 = arith.constant 0 : i32
      %dma_start3A_54 = tpu.memref_slice %arg6[%add3A_52, %dma_start3A_53] : memref<20480x128xf32, #tpu.memory_space<hbm>> -> memref<640x128xf32, #tpu.memory_space<hbm>>
      %dma_start3A_55 = arith.constant 0 : i32
      %dma_start3A_56 = tpu.memref_slice %arg11[%mul3A_47, %dma_start3A_55] : memref<10240x128xf32, #tpu.memory_space<vmem_shared>> -> memref<640x128xf32, #tpu.memory_space<vmem_shared>>
      tpu.enqueue_dma source(%dma_start3A_56 : memref<640x128xf32, #tpu.memory_space<vmem_shared>>) target(%dma_start3A_54 : memref<640x128xf32, #tpu.memory_space<hbm>>) target_semaphore(%run_scoped3A : memref<!tpu.dma_semaphore, #tpu.memory_space<semaphore_mem>>)
      %dma_wait3A = arith.constant 0 : i32
      %dma_wait3A_57 = tpu.memref_slice %arg6[%add3A_52, %dma_wait3A] : memref<20480x128xf32, #tpu.memory_space<hbm>> -> memref<640x128xf32, #tpu.memory_space<hbm>>
      %dma_wait3A_58 = arith.constant 0 : i32
      %dma_wait3A_59 = tpu.memref_slice %arg11[%mul3A_47, %dma_wait3A_58] : memref<10240x128xf32, #tpu.memory_space<vmem_shared>> -> memref<640x128xf32, #tpu.memory_space<vmem_shared>>
      tpu.wait_dma2 semaphore(%run_scoped3A : memref<!tpu.dma_semaphore, #tpu.memory_space<semaphore_mem>>) src(%dma_wait3A_59 : memref<640x128xf32, #tpu.memory_space<vmem_shared>>) dst(%dma_wait3A_57 : memref<640x128xf32, #tpu.memory_space<hbm>>)
      tpu.yield
    }) : () -> ()
    return
  }
}

#map = affine_map<(d0, d1) -> (0, 0)>
#map1 = affine_map<(d0, d1) -> (0, 0, 0)>
module attributes {stable_mosaic.version = 14 : i64} {
  func.func @_sc_layer(%arg0: i32, %arg1: i32, %arg2: memref<10000x128xf32, #tpu.memory_space<hbm>>, %arg3: memref<64x40x128xi32, #tpu.memory_space<hbm>>, %arg4: memref<64x40x128xi32, #tpu.memory_space<hbm>>, %arg5: memref<10240x128xf32, #tpu.memory_space<hbm>>, %arg6: memref<20480x128xf32, #tpu.memory_space<hbm>>, %arg7: memref<40x128xi32, #tpu.memory_space<vmem>>, %arg8: memref<40x128xi32, #tpu.memory_space<vmem>>, %arg9: memref<128x128xf32, #tpu.memory_space<vmem>>, %arg10: memref<128x128xf32, #tpu.memory_space<vmem>>, %arg11: memref<10240x128xf32, #tpu.memory_space<vmem_shared>>, %arg12: memref<!tpu.dma_semaphore, #tpu.memory_space<semaphore_mem>>, %arg13: memref<!tpu.dma_semaphore, #tpu.memory_space<semaphore_mem>>) attributes {dimension_semantics = [#tpu.dimension_semantics<core_parallel>, #tpu.dimension_semantics<subcore_parallel>], iteration_bounds = array<i64: 2, 16>, scalar_prefetch = 0 : i64, scratch_operands = 7 : i64, tpu.core_type = #tpu.core_type<sc_vector_subcore>, window_params = [{transform_indices = #map}, {transform_indices = #map1}, {transform_indices = #map1}, {transform_indices = #map}, {transform_indices = #map}]} {
    %mul3A = arith.constant 16 : i32
    %mul3A_0 = arith.muli %arg0, %mul3A : i32
    %add3A = arith.addi %mul3A_0, %arg1 : i32
    %mul3A_1 = arith.constant 640 : i32
    %mul3A_2 = arith.muli %arg1, %mul3A_1 : i32
    %mul3A_3 = arith.constant 640 : i32
    %mul3A_4 = arith.muli %arg1, %mul3A_3 : i32
    "tpu.region"() ({
      %run_scoped3A = tpu.sem_alloc : memref<!tpu.dma_semaphore, #tpu.memory_space<semaphore_mem>>
      %dma_start3A_53 = arith.constant 0 : i32
      %dma_start3A_54 = tpu.memref_slice %arg11[%mul3A_4, %dma_start3A_53] : memref<10240x128xf32, #tpu.memory_space<vmem_shared>> -> memref<640x128xf32, #tpu.memory_space<vmem_shared>>
      %dma_start3A_55 = arith.constant 0 : i32
      %dma_start3A_56 = tpu.memref_slice %arg5[%mul3A_2, %dma_start3A_55] : memref<10240x128xf32, #tpu.memory_space<hbm>> -> memref<640x128xf32, #tpu.memory_space<hbm>>
      tpu.enqueue_dma source(%dma_start3A_56 : memref<640x128xf32, #tpu.memory_space<hbm>>) target(%dma_start3A_54 : memref<640x128xf32, #tpu.memory_space<vmem_shared>>) target_semaphore(%run_scoped3A : memref<!tpu.dma_semaphore, #tpu.memory_space<semaphore_mem>>)
      %dma_wait3A = arith.constant 0 : i32
      %dma_wait3A_57 = tpu.memref_slice %arg11[%mul3A_4, %dma_wait3A] : memref<10240x128xf32, #tpu.memory_space<vmem_shared>> -> memref<640x128xf32, #tpu.memory_space<vmem_shared>>
      %dma_wait3A_58 = arith.constant 0 : i32
      %dma_wait3A_59 = tpu.memref_slice %arg5[%mul3A_2, %dma_wait3A_58] : memref<10240x128xf32, #tpu.memory_space<hbm>> -> memref<640x128xf32, #tpu.memory_space<hbm>>
      tpu.wait_dma2 semaphore(%run_scoped3A : memref<!tpu.dma_semaphore, #tpu.memory_space<semaphore_mem>>) src(%dma_wait3A_59 : memref<640x128xf32, #tpu.memory_space<hbm>>) dst(%dma_wait3A_57 : memref<640x128xf32, #tpu.memory_space<vmem_shared>>)
      tpu.yield
    }) : () -> ()
    %barrier3A = arith.constant 0 : index
    tpu.barrier barrier_id(%barrier3A)
    %mul3A_5 = arith.constant 2 : i32
    %mul3A_6 = arith.muli %mul3A_5, %add3A : i32
    %add3A_7 = arith.constant 0 : i32
    %add3A_8 = arith.addi %mul3A_6, %add3A_7 : i32
    "tpu.region"() ({
      %run_scoped3A = tpu.sem_alloc : memref<!tpu.dma_semaphore, #tpu.memory_space<semaphore_mem>>
      %dma_start3A_53 = arith.constant 0 : i32
      %dma_start3A_54 = arith.constant 0 : i32
      %dma_start3A_55 = tpu.memref_slice %arg3[%add3A_8, %dma_start3A_53, %dma_start3A_54] : memref<64x40x128xi32, #tpu.memory_space<hbm>> -> memref<1x40x128xi32, #tpu.memory_space<hbm>>
      %dma_start3A_56 = tpu.memref_squeeze %dma_start3A_55 : memref<1x40x128xi32, #tpu.memory_space<hbm>> -> memref<40x128xi32, #tpu.memory_space<hbm>>
      %dma_start3A_57 = arith.constant 0 : i32
      %dma_start3A_58 = arith.constant 0 : i32
      %dma_start3A_59 = tpu.memref_slice %arg3[%add3A_8, %dma_start3A_57, %dma_start3A_58] : memref<64x40x128xi32, #tpu.memory_space<hbm>> -> memref<1x40x128xi32, #tpu.memory_space<hbm>>
      %dma_start3A_60 = tpu.memref_squeeze %dma_start3A_59 : memref<1x40x128xi32, #tpu.memory_space<hbm>> -> memref<40x128xi32, #tpu.memory_space<hbm>>
      tpu.enqueue_dma source(%dma_start3A_60 : memref<40x128xi32, #tpu.memory_space<hbm>>) target(%arg7 : memref<40x128xi32, #tpu.memory_space<vmem>>) target_semaphore(%run_scoped3A : memref<!tpu.dma_semaphore, #tpu.memory_space<semaphore_mem>>)
      %dma_wait3A = arith.constant 0 : i32
      %dma_wait3A_61 = arith.constant 0 : i32
      %dma_wait3A_62 = tpu.memref_slice %arg3[%add3A_8, %dma_wait3A, %dma_wait3A_61] : memref<64x40x128xi32, #tpu.memory_space<hbm>> -> memref<1x40x128xi32, #tpu.memory_space<hbm>>
      %dma_wait3A_63 = tpu.memref_squeeze %dma_wait3A_62 : memref<1x40x128xi32, #tpu.memory_space<hbm>> -> memref<40x128xi32, #tpu.memory_space<hbm>>
      %dma_wait3A_64 = arith.constant 0 : i32
      %dma_wait3A_65 = arith.constant 0 : i32
      %dma_wait3A_66 = tpu.memref_slice %arg3[%add3A_8, %dma_wait3A_64, %dma_wait3A_65] : memref<64x40x128xi32, #tpu.memory_space<hbm>> -> memref<1x40x128xi32, #tpu.memory_space<hbm>>
      %dma_wait3A_67 = tpu.memref_squeeze %dma_wait3A_66 : memref<1x40x128xi32, #tpu.memory_space<hbm>> -> memref<40x128xi32, #tpu.memory_space<hbm>>
      tpu.wait_dma2 semaphore(%run_scoped3A : memref<!tpu.dma_semaphore, #tpu.memory_space<semaphore_mem>>) src(%dma_wait3A_67 : memref<40x128xi32, #tpu.memory_space<hbm>>) dst(%arg7 : memref<40x128xi32, #tpu.memory_space<vmem>>)
      tpu.yield
    }) : () -> ()
    %mul3A_9 = arith.constant 2 : i32
    %mul3A_10 = arith.muli %mul3A_9, %add3A : i32
    %add3A_11 = arith.constant 0 : i32
    %add3A_12 = arith.addi %mul3A_10, %add3A_11 : i32
    "tpu.region"() ({
      %run_scoped3A = tpu.sem_alloc : memref<!tpu.dma_semaphore, #tpu.memory_space<semaphore_mem>>
      %dma_start3A_53 = arith.constant 0 : i32
      %dma_start3A_54 = arith.constant 0 : i32
      %dma_start3A_55 = tpu.memref_slice %arg4[%add3A_12, %dma_start3A_53, %dma_start3A_54] : memref<64x40x128xi32, #tpu.memory_space<hbm>> -> memref<1x40x128xi32, #tpu.memory_space<hbm>>
      %dma_start3A_56 = tpu.memref_squeeze %dma_start3A_55 : memref<1x40x128xi32, #tpu.memory_space<hbm>> -> memref<40x128xi32, #tpu.memory_space<hbm>>
      %dma_start3A_57 = arith.constant 0 : i32
      %dma_start3A_58 = arith.constant 0 : i32
      %dma_start3A_59 = tpu.memref_slice %arg4[%add3A_12, %dma_start3A_57, %dma_start3A_58] : memref<64x40x128xi32, #tpu.memory_space<hbm>> -> memref<1x40x128xi32, #tpu.memory_space<hbm>>
      %dma_start3A_60 = tpu.memref_squeeze %dma_start3A_59 : memref<1x40x128xi32, #tpu.memory_space<hbm>> -> memref<40x128xi32, #tpu.memory_space<hbm>>
      tpu.enqueue_dma source(%dma_start3A_60 : memref<40x128xi32, #tpu.memory_space<hbm>>) target(%arg8 : memref<40x128xi32, #tpu.memory_space<vmem>>) target_semaphore(%run_scoped3A : memref<!tpu.dma_semaphore, #tpu.memory_space<semaphore_mem>>)
      %dma_wait3A = arith.constant 0 : i32
      %dma_wait3A_61 = arith.constant 0 : i32
      %dma_wait3A_62 = tpu.memref_slice %arg4[%add3A_12, %dma_wait3A, %dma_wait3A_61] : memref<64x40x128xi32, #tpu.memory_space<hbm>> -> memref<1x40x128xi32, #tpu.memory_space<hbm>>
      %dma_wait3A_63 = tpu.memref_squeeze %dma_wait3A_62 : memref<1x40x128xi32, #tpu.memory_space<hbm>> -> memref<40x128xi32, #tpu.memory_space<hbm>>
      %dma_wait3A_64 = arith.constant 0 : i32
      %dma_wait3A_65 = arith.constant 0 : i32
      %dma_wait3A_66 = tpu.memref_slice %arg4[%add3A_12, %dma_wait3A_64, %dma_wait3A_65] : memref<64x40x128xi32, #tpu.memory_space<hbm>> -> memref<1x40x128xi32, #tpu.memory_space<hbm>>
      %dma_wait3A_67 = tpu.memref_squeeze %dma_wait3A_66 : memref<1x40x128xi32, #tpu.memory_space<hbm>> -> memref<40x128xi32, #tpu.memory_space<hbm>>
      tpu.wait_dma2 semaphore(%run_scoped3A : memref<!tpu.dma_semaphore, #tpu.memory_space<semaphore_mem>>) src(%dma_wait3A_67 : memref<40x128xi32, #tpu.memory_space<hbm>>) dst(%arg8 : memref<40x128xi32, #tpu.memory_space<vmem>>)
      tpu.yield
    }) : () -> ()
    %dma_start3A = arith.constant 0 : i32
    %dma_start3A_13 = arith.constant 0 : i32
    %dma_start3A_14 = tpu.memref_slice %arg7[%dma_start3A, %dma_start3A_13] : memref<40x128xi32, #tpu.memory_space<vmem>> -> memref<1x128xi32, #tpu.memory_space<vmem>>
    %dma_start3A_15 = tpu.memref_squeeze %dma_start3A_14 : memref<1x128xi32, #tpu.memory_space<vmem>> -> memref<128xi32, #tpu.memory_space<vmem>>
    %dma_start3A_16 = arith.constant 0 : i32
    %dma_start3A_17 = arith.constant 0 : i32
    %dma_start3A_18 = tpu.memref_slice %arg2[%dma_start3A_16, %dma_start3A_17] : memref<10000x128xf32, #tpu.memory_space<hbm>> -> memref<10000x128xf32, #tpu.memory_space<hbm>>
    tpu.enqueue_indirect_dma source(%dma_start3A_18 : memref<10000x128xf32, #tpu.memory_space<hbm>>) target(%arg9 : memref<128x128xf32, #tpu.memory_space<vmem>>) offsets(%dma_start3A_15 : memref<128xi32, #tpu.memory_space<vmem>>) semaphore(%arg12 : memref<!tpu.dma_semaphore, #tpu.memory_space<semaphore_mem>>)
    %scan3A = arith.constant 0 : i32
    %scan3A_19 = arith.constant 0 : i32
    %scan3A_20 = arith.constant 40 : i32
    %scan3A_21 = arith.addi %scan3A_19, %scan3A_20 : i32
    %scan3A_22 = arith.constant 1 : i32
    scf.for %scan3A_53 = %scan3A_19 to %scan3A_21 step %scan3A_22  : i32 {
      %jit3A = arith.constant 2 : i32
      %eq3A = arith.constant 0 : i32
      %eq3A_54 = arith.cmpi eq, %jit3A, %eq3A : i32
      %jit3A_55 = arith.constant 1 : i32
      %select_n3A = arith.select %eq3A_54, %jit3A_55, %jit3A : i32
      %rem3A = arith.remsi %scan3A_53, %select_n3A : i32
      %ne3A = arith.constant 0 : i32
      %ne3A_56 = arith.cmpi ne, %rem3A, %ne3A : i32
      %lt3A = arith.constant 0 : i32
      %lt3A_57 = arith.cmpi slt, %rem3A, %lt3A : i32
      %lt3A_58 = arith.constant 0 : i32
      %lt3A_59 = arith.cmpi slt, %select_n3A, %lt3A_58 : i32
      %ne3A_60 = arith.xori %lt3A_57, %lt3A_59 : i1
      %and3A = arith.andi %ne3A_60, %ne3A_56 : i1
      %add3A_61 = arith.addi %rem3A, %select_n3A : i32
      %select_n3A_62 = arith.select %and3A, %add3A_61, %rem3A : i32
      %eq3A_63 = arith.constant 0 : i32
      %eq3A_64 = arith.cmpi eq, %select_n3A_62, %eq3A_63 : i32
      %add3A_65 = arith.constant 1 : i32
      %add3A_66 = arith.addi %scan3A_53, %add3A_65 : i32
      %lt3A_67 = arith.constant 40 : i32
      %lt3A_68 = arith.cmpi slt, %add3A_66, %lt3A_67 : i32
      %and3A_69 = arith.andi %eq3A_64, %lt3A_68 : i1
      %convert_element_type3A = arith.extui %and3A_69 : i1 to i32
      %cond3A = arith.constant 0 : i32
      %cond3A_70 = arith.cmpi ne, %convert_element_type3A, %cond3A : i32
      scf.if %cond3A_70 {
        %dma_start3A_86 = arith.constant 0 : i32
        %dma_start3A_87 = tpu.memref_slice %arg7[%add3A_66, %dma_start3A_86] : memref<40x128xi32, #tpu.memory_space<vmem>> -> memref<1x128xi32, #tpu.memory_space<vmem>>
        %dma_start3A_88 = tpu.memref_squeeze %dma_start3A_87 : memref<1x128xi32, #tpu.memory_space<vmem>> -> memref<128xi32, #tpu.memory_space<vmem>>
        %dma_start3A_89 = arith.constant 0 : i32
        %dma_start3A_90 = arith.constant 0 : i32
        %dma_start3A_91 = tpu.memref_slice %arg2[%dma_start3A_89, %dma_start3A_90] : memref<10000x128xf32, #tpu.memory_space<hbm>> -> memref<10000x128xf32, #tpu.memory_space<hbm>>
        tpu.enqueue_indirect_dma source(%dma_start3A_91 : memref<10000x128xf32, #tpu.memory_space<hbm>>) target(%arg10 : memref<128x128xf32, #tpu.memory_space<vmem>>) offsets(%dma_start3A_88 : memref<128xi32, #tpu.memory_space<vmem>>) semaphore(%arg13 : memref<!tpu.dma_semaphore, #tpu.memory_space<semaphore_mem>>)
      } else {
      }
      %not3A = arith.constant true
      %not3A_71 = arith.xori %eq3A_64, %not3A : i1
      %lt3A_72 = arith.constant 40 : i32
      %lt3A_73 = arith.cmpi slt, %add3A_66, %lt3A_72 : i32
      %and3A_74 = arith.andi %not3A_71, %lt3A_73 : i1
      %convert_element_type3A_75 = arith.extui %and3A_74 : i1 to i32
      %cond3A_76 = arith.constant 0 : i32
      %cond3A_77 = arith.cmpi ne, %convert_element_type3A_75, %cond3A_76 : i32
      scf.if %cond3A_77 {
        %dma_start3A_86 = arith.constant 0 : i32
        %dma_start3A_87 = tpu.memref_slice %arg7[%add3A_66, %dma_start3A_86] : memref<40x128xi32, #tpu.memory_space<vmem>> -> memref<1x128xi32, #tpu.memory_space<vmem>>
        %dma_start3A_88 = tpu.memref_squeeze %dma_start3A_87 : memref<1x128xi32, #tpu.memory_space<vmem>> -> memref<128xi32, #tpu.memory_space<vmem>>
        %dma_start3A_89 = arith.constant 0 : i32
        %dma_start3A_90 = arith.constant 0 : i32
        %dma_start3A_91 = tpu.memref_slice %arg2[%dma_start3A_89, %dma_start3A_90] : memref<10000x128xf32, #tpu.memory_space<hbm>> -> memref<10000x128xf32, #tpu.memory_space<hbm>>
        tpu.enqueue_indirect_dma source(%dma_start3A_91 : memref<10000x128xf32, #tpu.memory_space<hbm>>) target(%arg9 : memref<128x128xf32, #tpu.memory_space<vmem>>) offsets(%dma_start3A_88 : memref<128xi32, #tpu.memory_space<vmem>>) semaphore(%arg12 : memref<!tpu.dma_semaphore, #tpu.memory_space<semaphore_mem>>)
      } else {
      }
      %convert_element_type3A_78 = arith.extui %eq3A_64 : i1 to i32
      %cond3A_79 = arith.constant 0 : i32
      %cond3A_80 = arith.cmpi ne, %convert_element_type3A_78, %cond3A_79 : i32
      scf.if %cond3A_80 {
        %dma_wait3A = arith.constant 0 : i32
        %dma_wait3A_86 = arith.constant 0 : i32
        %dma_wait3A_87 = tpu.memref_slice %arg2[%dma_wait3A, %dma_wait3A_86] : memref<10000x128xf32, #tpu.memory_space<hbm>> -> memref<128x128xf32, #tpu.memory_space<hbm>>
        %dma_wait3A_88 = arith.constant 0 : i32
        %dma_wait3A_89 = arith.constant 0 : i32
        %dma_wait3A_90 = tpu.memref_slice %arg2[%dma_wait3A_88, %dma_wait3A_89] : memref<10000x128xf32, #tpu.memory_space<hbm>> -> memref<128x128xf32, #tpu.memory_space<hbm>>
        tpu.wait_dma2 semaphore(%arg12 : memref<!tpu.dma_semaphore, #tpu.memory_space<semaphore_mem>>) src(%dma_wait3A_90 : memref<128x128xf32, #tpu.memory_space<hbm>>) dst(%arg9 : memref<128x128xf32, #tpu.memory_space<vmem>>)
        "tpu.region"() ({
          %run_scoped3A = tpu.sem_alloc : memref<!tpu.dma_semaphore, #tpu.memory_space<semaphore_mem>>
          %dma_start3A_91 = arith.constant 0 : i32
          %dma_start3A_92 = tpu.memref_slice %arg8[%scan3A_53, %dma_start3A_91] : memref<40x128xi32, #tpu.memory_space<vmem>> -> memref<1x128xi32, #tpu.memory_space<vmem>>
          %dma_start3A_93 = tpu.memref_squeeze %dma_start3A_92 : memref<1x128xi32, #tpu.memory_space<vmem>> -> memref<128xi32, #tpu.memory_space<vmem>>
          %dma_start3A_94 = arith.constant 0 : i32
          %dma_start3A_95 = arith.constant 0 : i32
          %dma_start3A_96 = tpu.memref_slice %arg11[%dma_start3A_94, %dma_start3A_95] : memref<10240x128xf32, #tpu.memory_space<vmem_shared>> -> memref<10240x128xf32, #tpu.memory_space<vmem_shared>>
          tpu.enqueue_indirect_dma source(%arg9 : memref<128x128xf32, #tpu.memory_space<vmem>>) target(%dma_start3A_96 : memref<10240x128xf32, #tpu.memory_space<vmem_shared>>) offsets(%dma_start3A_93 : memref<128xi32, #tpu.memory_space<vmem>>) semaphore(%run_scoped3A : memref<!tpu.dma_semaphore, #tpu.memory_space<semaphore_mem>>) {add = true}
          %dma_wait3A_97 = arith.constant 0 : i32
          %dma_wait3A_98 = tpu.memref_slice %arg8[%scan3A_53, %dma_wait3A_97] : memref<40x128xi32, #tpu.memory_space<vmem>> -> memref<1x128xi32, #tpu.memory_space<vmem>>
          %dma_wait3A_99 = tpu.memref_squeeze %dma_wait3A_98 : memref<1x128xi32, #tpu.memory_space<vmem>> -> memref<128xi32, #tpu.memory_space<vmem>>
          %dma_wait3A_100 = arith.constant 0 : i32
          %dma_wait3A_101 = arith.constant 0 : i32
          %dma_wait3A_102 = tpu.memref_slice %arg11[%dma_wait3A_100, %dma_wait3A_101] : memref<10240x128xf32, #tpu.memory_space<vmem_shared>> -> memref<10240x128xf32, #tpu.memory_space<vmem_shared>>
          tpu.wait_indirect_dma semaphore(%run_scoped3A : memref<!tpu.dma_semaphore, #tpu.memory_space<semaphore_mem>>) src(%arg9 : memref<128x128xf32, #tpu.memory_space<vmem>>) dst(%dma_wait3A_102 : memref<10240x128xf32, #tpu.memory_space<vmem_shared>>)
          tpu.yield
        }) : () -> ()
      } else {
      }
      %not3A_81 = arith.constant true
      %not3A_82 = arith.xori %eq3A_64, %not3A_81 : i1
      %convert_element_type3A_83 = arith.extui %not3A_82 : i1 to i32
      %cond3A_84 = arith.constant 0 : i32
      %cond3A_85 = arith.cmpi ne, %convert_element_type3A_83, %cond3A_84 : i32
      scf.if %cond3A_85 {
        %dma_wait3A = arith.constant 0 : i32
        %dma_wait3A_86 = arith.constant 0 : i32
        %dma_wait3A_87 = tpu.memref_slice %arg2[%dma_wait3A, %dma_wait3A_86] : memref<10000x128xf32, #tpu.memory_space<hbm>> -> memref<128x128xf32, #tpu.memory_space<hbm>>
        %dma_wait3A_88 = arith.constant 0 : i32
        %dma_wait3A_89 = arith.constant 0 : i32
        %dma_wait3A_90 = tpu.memref_slice %arg2[%dma_wait3A_88, %dma_wait3A_89] : memref<10000x128xf32, #tpu.memory_space<hbm>> -> memref<128x128xf32, #tpu.memory_space<hbm>>
        tpu.wait_dma2 semaphore(%arg13 : memref<!tpu.dma_semaphore, #tpu.memory_space<semaphore_mem>>) src(%dma_wait3A_90 : memref<128x128xf32, #tpu.memory_space<hbm>>) dst(%arg10 : memref<128x128xf32, #tpu.memory_space<vmem>>)
        "tpu.region"() ({
          %run_scoped3A = tpu.sem_alloc : memref<!tpu.dma_semaphore, #tpu.memory_space<semaphore_mem>>
          %dma_start3A_91 = arith.constant 0 : i32
          %dma_start3A_92 = tpu.memref_slice %arg8[%scan3A_53, %dma_start3A_91] : memref<40x128xi32, #tpu.memory_space<vmem>> -> memref<1x128xi32, #tpu.memory_space<vmem>>
          %dma_start3A_93 = tpu.memref_squeeze %dma_start3A_92 : memref<1x128xi32, #tpu.memory_space<vmem>> -> memref<128xi32, #tpu.memory_space<vmem>>
          %dma_start3A_94 = arith.constant 0 : i32
          %dma_start3A_95 = arith.constant 0 : i32
          %dma_start3A_96 = tpu.memref_slice %arg11[%dma_start3A_94, %dma_start3A_95] : memref<10240x128xf32, #tpu.memory_space<vmem_shared>> -> memref<10240x128xf32, #tpu.memory_space<vmem_shared>>
          tpu.enqueue_indirect_dma source(%arg10 : memref<128x128xf32, #tpu.memory_space<vmem>>) target(%dma_start3A_96 : memref<10240x128xf32, #tpu.memory_space<vmem_shared>>) offsets(%dma_start3A_93 : memref<128xi32, #tpu.memory_space<vmem>>) semaphore(%run_scoped3A : memref<!tpu.dma_semaphore, #tpu.memory_space<semaphore_mem>>) {add = true}
          %dma_wait3A_97 = arith.constant 0 : i32
          %dma_wait3A_98 = tpu.memref_slice %arg8[%scan3A_53, %dma_wait3A_97] : memref<40x128xi32, #tpu.memory_space<vmem>> -> memref<1x128xi32, #tpu.memory_space<vmem>>
          %dma_wait3A_99 = tpu.memref_squeeze %dma_wait3A_98 : memref<1x128xi32, #tpu.memory_space<vmem>> -> memref<128xi32, #tpu.memory_space<vmem>>
          %dma_wait3A_100 = arith.constant 0 : i32
          %dma_wait3A_101 = arith.constant 0 : i32
          %dma_wait3A_102 = tpu.memref_slice %arg11[%dma_wait3A_100, %dma_wait3A_101] : memref<10240x128xf32, #tpu.memory_space<vmem_shared>> -> memref<10240x128xf32, #tpu.memory_space<vmem_shared>>
          tpu.wait_indirect_dma semaphore(%run_scoped3A : memref<!tpu.dma_semaphore, #tpu.memory_space<semaphore_mem>>) src(%arg10 : memref<128x128xf32, #tpu.memory_space<vmem>>) dst(%dma_wait3A_102 : memref<10240x128xf32, #tpu.memory_space<vmem_shared>>)
          tpu.yield
        }) : () -> ()
      } else {
      }
    }
    %scan3A_23 = arith.constant 40 : i32
    %mul3A_24 = arith.constant 2 : i32
    %mul3A_25 = arith.muli %mul3A_24, %add3A : i32
    %add3A_26 = arith.constant 1 : i32
    %add3A_27 = arith.addi %mul3A_25, %add3A_26 : i32
    "tpu.region"() ({
      %run_scoped3A = tpu.sem_alloc : memref<!tpu.dma_semaphore, #tpu.memory_space<semaphore_mem>>
      %dma_start3A_53 = arith.constant 0 : i32
      %dma_start3A_54 = arith.constant 0 : i32
      %dma_start3A_55 = tpu.memref_slice %arg3[%add3A_27, %dma_start3A_53, %dma_start3A_54] : memref<64x40x128xi32, #tpu.memory_space<hbm>> -> memref<1x40x128xi32, #tpu.memory_space<hbm>>
      %dma_start3A_56 = tpu.memref_squeeze %dma_start3A_55 : memref<1x40x128xi32, #tpu.memory_space<hbm>> -> memref<40x128xi32, #tpu.memory_space<hbm>>
      %dma_start3A_57 = arith.constant 0 : i32
      %dma_start3A_58 = arith.constant 0 : i32
      %dma_start3A_59 = tpu.memref_slice %arg3[%add3A_27, %dma_start3A_57, %dma_start3A_58] : memref<64x40x128xi32, #tpu.memory_space<hbm>> -> memref<1x40x128xi32, #tpu.memory_space<hbm>>
      %dma_start3A_60 = tpu.memref_squeeze %dma_start3A_59 : memref<1x40x128xi32, #tpu.memory_space<hbm>> -> memref<40x128xi32, #tpu.memory_space<hbm>>
      tpu.enqueue_dma source(%dma_start3A_60 : memref<40x128xi32, #tpu.memory_space<hbm>>) target(%arg7 : memref<40x128xi32, #tpu.memory_space<vmem>>) target_semaphore(%run_scoped3A : memref<!tpu.dma_semaphore, #tpu.memory_space<semaphore_mem>>)
      %dma_wait3A = arith.constant 0 : i32
      %dma_wait3A_61 = arith.constant 0 : i32
      %dma_wait3A_62 = tpu.memref_slice %arg3[%add3A_27, %dma_wait3A, %dma_wait3A_61] : memref<64x40x128xi32, #tpu.memory_space<hbm>> -> memref<1x40x128xi32, #tpu.memory_space<hbm>>
      %dma_wait3A_63 = tpu.memref_squeeze %dma_wait3A_62 : memref<1x40x128xi32, #tpu.memory_space<hbm>> -> memref<40x128xi32, #tpu.memory_space<hbm>>
      %dma_wait3A_64 = arith.constant 0 : i32
      %dma_wait3A_65 = arith.constant 0 : i32
      %dma_wait3A_66 = tpu.memref_slice %arg3[%add3A_27, %dma_wait3A_64, %dma_wait3A_65] : memref<64x40x128xi32, #tpu.memory_space<hbm>> -> memref<1x40x128xi32, #tpu.memory_space<hbm>>
      %dma_wait3A_67 = tpu.memref_squeeze %dma_wait3A_66 : memref<1x40x128xi32, #tpu.memory_space<hbm>> -> memref<40x128xi32, #tpu.memory_space<hbm>>
      tpu.wait_dma2 semaphore(%run_scoped3A : memref<!tpu.dma_semaphore, #tpu.memory_space<semaphore_mem>>) src(%dma_wait3A_67 : memref<40x128xi32, #tpu.memory_space<hbm>>) dst(%arg7 : memref<40x128xi32, #tpu.memory_space<vmem>>)
      tpu.yield
    }) : () -> ()
    %mul3A_28 = arith.constant 2 : i32
    %mul3A_29 = arith.muli %mul3A_28, %add3A : i32
    %add3A_30 = arith.constant 1 : i32
    %add3A_31 = arith.addi %mul3A_29, %add3A_30 : i32
    "tpu.region"() ({
      %run_scoped3A = tpu.sem_alloc : memref<!tpu.dma_semaphore, #tpu.memory_space<semaphore_mem>>
      %dma_start3A_53 = arith.constant 0 : i32
      %dma_start3A_54 = arith.constant 0 : i32
      %dma_start3A_55 = tpu.memref_slice %arg4[%add3A_31, %dma_start3A_53, %dma_start3A_54] : memref<64x40x128xi32, #tpu.memory_space<hbm>> -> memref<1x40x128xi32, #tpu.memory_space<hbm>>
      %dma_start3A_56 = tpu.memref_squeeze %dma_start3A_55 : memref<1x40x128xi32, #tpu.memory_space<hbm>> -> memref<40x128xi32, #tpu.memory_space<hbm>>
      %dma_start3A_57 = arith.constant 0 : i32
      %dma_start3A_58 = arith.constant 0 : i32
      %dma_start3A_59 = tpu.memref_slice %arg4[%add3A_31, %dma_start3A_57, %dma_start3A_58] : memref<64x40x128xi32, #tpu.memory_space<hbm>> -> memref<1x40x128xi32, #tpu.memory_space<hbm>>
      %dma_start3A_60 = tpu.memref_squeeze %dma_start3A_59 : memref<1x40x128xi32, #tpu.memory_space<hbm>> -> memref<40x128xi32, #tpu.memory_space<hbm>>
      tpu.enqueue_dma source(%dma_start3A_60 : memref<40x128xi32, #tpu.memory_space<hbm>>) target(%arg8 : memref<40x128xi32, #tpu.memory_space<vmem>>) target_semaphore(%run_scoped3A : memref<!tpu.dma_semaphore, #tpu.memory_space<semaphore_mem>>)
      %dma_wait3A = arith.constant 0 : i32
      %dma_wait3A_61 = arith.constant 0 : i32
      %dma_wait3A_62 = tpu.memref_slice %arg4[%add3A_31, %dma_wait3A, %dma_wait3A_61] : memref<64x40x128xi32, #tpu.memory_space<hbm>> -> memref<1x40x128xi32, #tpu.memory_space<hbm>>
      %dma_wait3A_63 = tpu.memref_squeeze %dma_wait3A_62 : memref<1x40x128xi32, #tpu.memory_space<hbm>> -> memref<40x128xi32, #tpu.memory_space<hbm>>
      %dma_wait3A_64 = arith.constant 0 : i32
      %dma_wait3A_65 = arith.constant 0 : i32
      %dma_wait3A_66 = tpu.memref_slice %arg4[%add3A_31, %dma_wait3A_64, %dma_wait3A_65] : memref<64x40x128xi32, #tpu.memory_space<hbm>> -> memref<1x40x128xi32, #tpu.memory_space<hbm>>
      %dma_wait3A_67 = tpu.memref_squeeze %dma_wait3A_66 : memref<1x40x128xi32, #tpu.memory_space<hbm>> -> memref<40x128xi32, #tpu.memory_space<hbm>>
      tpu.wait_dma2 semaphore(%run_scoped3A : memref<!tpu.dma_semaphore, #tpu.memory_space<semaphore_mem>>) src(%dma_wait3A_67 : memref<40x128xi32, #tpu.memory_space<hbm>>) dst(%arg8 : memref<40x128xi32, #tpu.memory_space<vmem>>)
      tpu.yield
    }) : () -> ()
    %dma_start3A_32 = arith.constant 0 : i32
    %dma_start3A_33 = arith.constant 0 : i32
    %dma_start3A_34 = tpu.memref_slice %arg7[%dma_start3A_32, %dma_start3A_33] : memref<40x128xi32, #tpu.memory_space<vmem>> -> memref<1x128xi32, #tpu.memory_space<vmem>>
    %dma_start3A_35 = tpu.memref_squeeze %dma_start3A_34 : memref<1x128xi32, #tpu.memory_space<vmem>> -> memref<128xi32, #tpu.memory_space<vmem>>
    %dma_start3A_36 = arith.constant 0 : i32
    %dma_start3A_37 = arith.constant 0 : i32
    %dma_start3A_38 = tpu.memref_slice %arg2[%dma_start3A_36, %dma_start3A_37] : memref<10000x128xf32, #tpu.memory_space<hbm>> -> memref<10000x128xf32, #tpu.memory_space<hbm>>
    tpu.enqueue_indirect_dma source(%dma_start3A_38 : memref<10000x128xf32, #tpu.memory_space<hbm>>) target(%arg9 : memref<128x128xf32, #tpu.memory_space<vmem>>) offsets(%dma_start3A_35 : memref<128xi32, #tpu.memory_space<vmem>>) semaphore(%arg12 : memref<!tpu.dma_semaphore, #tpu.memory_space<semaphore_mem>>)
    %scan3A_39 = arith.constant 0 : i32
    %scan3A_40 = arith.constant 0 : i32
    %scan3A_41 = arith.constant 40 : i32
    %scan3A_42 = arith.addi %scan3A_40, %scan3A_41 : i32
    %scan3A_43 = arith.constant 1 : i32
    scf.for %scan3A_53 = %scan3A_40 to %scan3A_42 step %scan3A_43  : i32 {
      %jit3A = arith.constant 2 : i32
      %eq3A = arith.constant 0 : i32
      %eq3A_54 = arith.cmpi eq, %jit3A, %eq3A : i32
      %jit3A_55 = arith.constant 1 : i32
      %select_n3A = arith.select %eq3A_54, %jit3A_55, %jit3A : i32
      %rem3A = arith.remsi %scan3A_53, %select_n3A : i32
      %ne3A = arith.constant 0 : i32
      %ne3A_56 = arith.cmpi ne, %rem3A, %ne3A : i32
      %lt3A = arith.constant 0 : i32
      %lt3A_57 = arith.cmpi slt, %rem3A, %lt3A : i32
      %lt3A_58 = arith.constant 0 : i32
      %lt3A_59 = arith.cmpi slt, %select_n3A, %lt3A_58 : i32
      %ne3A_60 = arith.xori %lt3A_57, %lt3A_59 : i1
      %and3A = arith.andi %ne3A_60, %ne3A_56 : i1
      %add3A_61 = arith.addi %rem3A, %select_n3A : i32
      %select_n3A_62 = arith.select %and3A, %add3A_61, %rem3A : i32
      %eq3A_63 = arith.constant 0 : i32
      %eq3A_64 = arith.cmpi eq, %select_n3A_62, %eq3A_63 : i32
      %add3A_65 = arith.constant 1 : i32
      %add3A_66 = arith.addi %scan3A_53, %add3A_65 : i32
      %lt3A_67 = arith.constant 40 : i32
      %lt3A_68 = arith.cmpi slt, %add3A_66, %lt3A_67 : i32
      %and3A_69 = arith.andi %eq3A_64, %lt3A_68 : i1
      %convert_element_type3A = arith.extui %and3A_69 : i1 to i32
      %cond3A = arith.constant 0 : i32
      %cond3A_70 = arith.cmpi ne, %convert_element_type3A, %cond3A : i32
      scf.if %cond3A_70 {
        %dma_start3A_86 = arith.constant 0 : i32
        %dma_start3A_87 = tpu.memref_slice %arg7[%add3A_66, %dma_start3A_86] : memref<40x128xi32, #tpu.memory_space<vmem>> -> memref<1x128xi32, #tpu.memory_space<vmem>>
        %dma_start3A_88 = tpu.memref_squeeze %dma_start3A_87 : memref<1x128xi32, #tpu.memory_space<vmem>> -> memref<128xi32, #tpu.memory_space<vmem>>
        %dma_start3A_89 = arith.constant 0 : i32
        %dma_start3A_90 = arith.constant 0 : i32
        %dma_start3A_91 = tpu.memref_slice %arg2[%dma_start3A_89, %dma_start3A_90] : memref<10000x128xf32, #tpu.memory_space<hbm>> -> memref<10000x128xf32, #tpu.memory_space<hbm>>
        tpu.enqueue_indirect_dma source(%dma_start3A_91 : memref<10000x128xf32, #tpu.memory_space<hbm>>) target(%arg10 : memref<128x128xf32, #tpu.memory_space<vmem>>) offsets(%dma_start3A_88 : memref<128xi32, #tpu.memory_space<vmem>>) semaphore(%arg13 : memref<!tpu.dma_semaphore, #tpu.memory_space<semaphore_mem>>)
      } else {
      }
      %not3A = arith.constant true
      %not3A_71 = arith.xori %eq3A_64, %not3A : i1
      %lt3A_72 = arith.constant 40 : i32
      %lt3A_73 = arith.cmpi slt, %add3A_66, %lt3A_72 : i32
      %and3A_74 = arith.andi %not3A_71, %lt3A_73 : i1
      %convert_element_type3A_75 = arith.extui %and3A_74 : i1 to i32
      %cond3A_76 = arith.constant 0 : i32
      %cond3A_77 = arith.cmpi ne, %convert_element_type3A_75, %cond3A_76 : i32
      scf.if %cond3A_77 {
        %dma_start3A_86 = arith.constant 0 : i32
        %dma_start3A_87 = tpu.memref_slice %arg7[%add3A_66, %dma_start3A_86] : memref<40x128xi32, #tpu.memory_space<vmem>> -> memref<1x128xi32, #tpu.memory_space<vmem>>
        %dma_start3A_88 = tpu.memref_squeeze %dma_start3A_87 : memref<1x128xi32, #tpu.memory_space<vmem>> -> memref<128xi32, #tpu.memory_space<vmem>>
        %dma_start3A_89 = arith.constant 0 : i32
        %dma_start3A_90 = arith.constant 0 : i32
        %dma_start3A_91 = tpu.memref_slice %arg2[%dma_start3A_89, %dma_start3A_90] : memref<10000x128xf32, #tpu.memory_space<hbm>> -> memref<10000x128xf32, #tpu.memory_space<hbm>>
        tpu.enqueue_indirect_dma source(%dma_start3A_91 : memref<10000x128xf32, #tpu.memory_space<hbm>>) target(%arg9 : memref<128x128xf32, #tpu.memory_space<vmem>>) offsets(%dma_start3A_88 : memref<128xi32, #tpu.memory_space<vmem>>) semaphore(%arg12 : memref<!tpu.dma_semaphore, #tpu.memory_space<semaphore_mem>>)
      } else {
      }
      %convert_element_type3A_78 = arith.extui %eq3A_64 : i1 to i32
      %cond3A_79 = arith.constant 0 : i32
      %cond3A_80 = arith.cmpi ne, %convert_element_type3A_78, %cond3A_79 : i32
      scf.if %cond3A_80 {
        %dma_wait3A = arith.constant 0 : i32
        %dma_wait3A_86 = arith.constant 0 : i32
        %dma_wait3A_87 = tpu.memref_slice %arg2[%dma_wait3A, %dma_wait3A_86] : memref<10000x128xf32, #tpu.memory_space<hbm>> -> memref<128x128xf32, #tpu.memory_space<hbm>>
        %dma_wait3A_88 = arith.constant 0 : i32
        %dma_wait3A_89 = arith.constant 0 : i32
        %dma_wait3A_90 = tpu.memref_slice %arg2[%dma_wait3A_88, %dma_wait3A_89] : memref<10000x128xf32, #tpu.memory_space<hbm>> -> memref<128x128xf32, #tpu.memory_space<hbm>>
        tpu.wait_dma2 semaphore(%arg12 : memref<!tpu.dma_semaphore, #tpu.memory_space<semaphore_mem>>) src(%dma_wait3A_90 : memref<128x128xf32, #tpu.memory_space<hbm>>) dst(%arg9 : memref<128x128xf32, #tpu.memory_space<vmem>>)
        "tpu.region"() ({
          %run_scoped3A = tpu.sem_alloc : memref<!tpu.dma_semaphore, #tpu.memory_space<semaphore_mem>>
          %dma_start3A_91 = arith.constant 0 : i32
          %dma_start3A_92 = tpu.memref_slice %arg8[%scan3A_53, %dma_start3A_91] : memref<40x128xi32, #tpu.memory_space<vmem>> -> memref<1x128xi32, #tpu.memory_space<vmem>>
          %dma_start3A_93 = tpu.memref_squeeze %dma_start3A_92 : memref<1x128xi32, #tpu.memory_space<vmem>> -> memref<128xi32, #tpu.memory_space<vmem>>
          %dma_start3A_94 = arith.constant 0 : i32
          %dma_start3A_95 = arith.constant 0 : i32
          %dma_start3A_96 = tpu.memref_slice %arg11[%dma_start3A_94, %dma_start3A_95] : memref<10240x128xf32, #tpu.memory_space<vmem_shared>> -> memref<10240x128xf32, #tpu.memory_space<vmem_shared>>
          tpu.enqueue_indirect_dma source(%arg9 : memref<128x128xf32, #tpu.memory_space<vmem>>) target(%dma_start3A_96 : memref<10240x128xf32, #tpu.memory_space<vmem_shared>>) offsets(%dma_start3A_93 : memref<128xi32, #tpu.memory_space<vmem>>) semaphore(%run_scoped3A : memref<!tpu.dma_semaphore, #tpu.memory_space<semaphore_mem>>) {add = true}
          %dma_wait3A_97 = arith.constant 0 : i32
          %dma_wait3A_98 = tpu.memref_slice %arg8[%scan3A_53, %dma_wait3A_97] : memref<40x128xi32, #tpu.memory_space<vmem>> -> memref<1x128xi32, #tpu.memory_space<vmem>>
          %dma_wait3A_99 = tpu.memref_squeeze %dma_wait3A_98 : memref<1x128xi32, #tpu.memory_space<vmem>> -> memref<128xi32, #tpu.memory_space<vmem>>
          %dma_wait3A_100 = arith.constant 0 : i32
          %dma_wait3A_101 = arith.constant 0 : i32
          %dma_wait3A_102 = tpu.memref_slice %arg11[%dma_wait3A_100, %dma_wait3A_101] : memref<10240x128xf32, #tpu.memory_space<vmem_shared>> -> memref<10240x128xf32, #tpu.memory_space<vmem_shared>>
          tpu.wait_indirect_dma semaphore(%run_scoped3A : memref<!tpu.dma_semaphore, #tpu.memory_space<semaphore_mem>>) src(%arg9 : memref<128x128xf32, #tpu.memory_space<vmem>>) dst(%dma_wait3A_102 : memref<10240x128xf32, #tpu.memory_space<vmem_shared>>)
          tpu.yield
        }) : () -> ()
      } else {
      }
      %not3A_81 = arith.constant true
      %not3A_82 = arith.xori %eq3A_64, %not3A_81 : i1
      %convert_element_type3A_83 = arith.extui %not3A_82 : i1 to i32
      %cond3A_84 = arith.constant 0 : i32
      %cond3A_85 = arith.cmpi ne, %convert_element_type3A_83, %cond3A_84 : i32
      scf.if %cond3A_85 {
        %dma_wait3A = arith.constant 0 : i32
        %dma_wait3A_86 = arith.constant 0 : i32
        %dma_wait3A_87 = tpu.memref_slice %arg2[%dma_wait3A, %dma_wait3A_86] : memref<10000x128xf32, #tpu.memory_space<hbm>> -> memref<128x128xf32, #tpu.memory_space<hbm>>
        %dma_wait3A_88 = arith.constant 0 : i32
        %dma_wait3A_89 = arith.constant 0 : i32
        %dma_wait3A_90 = tpu.memref_slice %arg2[%dma_wait3A_88, %dma_wait3A_89] : memref<10000x128xf32, #tpu.memory_space<hbm>> -> memref<128x128xf32, #tpu.memory_space<hbm>>
        tpu.wait_dma2 semaphore(%arg13 : memref<!tpu.dma_semaphore, #tpu.memory_space<semaphore_mem>>) src(%dma_wait3A_90 : memref<128x128xf32, #tpu.memory_space<hbm>>) dst(%arg10 : memref<128x128xf32, #tpu.memory_space<vmem>>)
        "tpu.region"() ({
          %run_scoped3A = tpu.sem_alloc : memref<!tpu.dma_semaphore, #tpu.memory_space<semaphore_mem>>
          %dma_start3A_91 = arith.constant 0 : i32
          %dma_start3A_92 = tpu.memref_slice %arg8[%scan3A_53, %dma_start3A_91] : memref<40x128xi32, #tpu.memory_space<vmem>> -> memref<1x128xi32, #tpu.memory_space<vmem>>
          %dma_start3A_93 = tpu.memref_squeeze %dma_start3A_92 : memref<1x128xi32, #tpu.memory_space<vmem>> -> memref<128xi32, #tpu.memory_space<vmem>>
          %dma_start3A_94 = arith.constant 0 : i32
          %dma_start3A_95 = arith.constant 0 : i32
          %dma_start3A_96 = tpu.memref_slice %arg11[%dma_start3A_94, %dma_start3A_95] : memref<10240x128xf32, #tpu.memory_space<vmem_shared>> -> memref<10240x128xf32, #tpu.memory_space<vmem_shared>>
          tpu.enqueue_indirect_dma source(%arg10 : memref<128x128xf32, #tpu.memory_space<vmem>>) target(%dma_start3A_96 : memref<10240x128xf32, #tpu.memory_space<vmem_shared>>) offsets(%dma_start3A_93 : memref<128xi32, #tpu.memory_space<vmem>>) semaphore(%run_scoped3A : memref<!tpu.dma_semaphore, #tpu.memory_space<semaphore_mem>>) {add = true}
          %dma_wait3A_97 = arith.constant 0 : i32
          %dma_wait3A_98 = tpu.memref_slice %arg8[%scan3A_53, %dma_wait3A_97] : memref<40x128xi32, #tpu.memory_space<vmem>> -> memref<1x128xi32, #tpu.memory_space<vmem>>
          %dma_wait3A_99 = tpu.memref_squeeze %dma_wait3A_98 : memref<1x128xi32, #tpu.memory_space<vmem>> -> memref<128xi32, #tpu.memory_space<vmem>>
          %dma_wait3A_100 = arith.constant 0 : i32
          %dma_wait3A_101 = arith.constant 0 : i32
          %dma_wait3A_102 = tpu.memref_slice %arg11[%dma_wait3A_100, %dma_wait3A_101] : memref<10240x128xf32, #tpu.memory_space<vmem_shared>> -> memref<10240x128xf32, #tpu.memory_space<vmem_shared>>
          tpu.wait_indirect_dma semaphore(%run_scoped3A : memref<!tpu.dma_semaphore, #tpu.memory_space<semaphore_mem>>) src(%arg10 : memref<128x128xf32, #tpu.memory_space<vmem>>) dst(%dma_wait3A_102 : memref<10240x128xf32, #tpu.memory_space<vmem_shared>>)
          tpu.yield
        }) : () -> ()
      } else {
      }
    }
    %scan3A_44 = arith.constant 40 : i32
    %barrier3A_45 = arith.constant 0 : index
    tpu.barrier barrier_id(%barrier3A_45)
    %mul3A_46 = arith.constant 640 : i32
    %mul3A_47 = arith.muli %arg1, %mul3A_46 : i32
    %mul3A_48 = arith.constant 10240 : i32
    %mul3A_49 = arith.muli %arg0, %mul3A_48 : i32
    %mul3A_50 = arith.constant 640 : i32
    %mul3A_51 = arith.muli %arg1, %mul3A_50 : i32
    %add3A_52 = arith.addi %mul3A_49, %mul3A_51 : i32
    "tpu.region"() ({
      %run_scoped3A = tpu.sem_alloc : memref<!tpu.dma_semaphore, #tpu.memory_space<semaphore_mem>>
      %dma_start3A_53 = arith.constant 0 : i32
      %dma_start3A_54 = tpu.memref_slice %arg6[%add3A_52, %dma_start3A_53] : memref<20480x128xf32, #tpu.memory_space<hbm>> -> memref<640x128xf32, #tpu.memory_space<hbm>>
      %dma_start3A_55 = arith.constant 0 : i32
      %dma_start3A_56 = tpu.memref_slice %arg11[%mul3A_47, %dma_start3A_55] : memref<10240x128xf32, #tpu.memory_space<vmem_shared>> -> memref<640x128xf32, #tpu.memory_space<vmem_shared>>
      tpu.enqueue_dma source(%dma_start3A_56 : memref<640x128xf32, #tpu.memory_space<vmem_shared>>) target(%dma_start3A_54 : memref<640x128xf32, #tpu.memory_space<hbm>>) target_semaphore(%run_scoped3A : memref<!tpu.dma_semaphore, #tpu.memory_space<semaphore_mem>>)
      %dma_wait3A = arith.constant 0 : i32
      %dma_wait3A_57 = tpu.memref_slice %arg6[%add3A_52, %dma_wait3A] : memref<20480x128xf32, #tpu.memory_space<hbm>> -> memref<640x128xf32, #tpu.memory_space<hbm>>
      %dma_wait3A_58 = arith.constant 0 : i32
      %dma_wait3A_59 = tpu.memref_slice %arg11[%mul3A_47, %dma_wait3A_58] : memref<10240x128xf32, #tpu.memory_space<vmem_shared>> -> memref<640x128xf32, #tpu.memory_space<vmem_shared>>
      tpu.wait_dma2 semaphore(%run_scoped3A : memref<!tpu.dma_semaphore, #tpu.memory_space<semaphore_mem>>) src(%dma_wait3A_59 : memref<640x128xf32, #tpu.memory_space<vmem_shared>>) dst(%dma_wait3A_57 : memref<640x128xf32, #tpu.memory_space<hbm>>)
      tpu.yield
    }) : () -> ()
    return
  }
}

#map = affine_map<(d0, d1) -> (0, 0)>
#map1 = affine_map<(d0, d1) -> (0, 0, 0)>
module attributes {stable_mosaic.version = 14 : i64} {
  func.func @_sc_layer(%arg0: i32, %arg1: i32, %arg2: memref<10000x128xf32, #tpu.memory_space<hbm>>, %arg3: memref<64x40x128xi32, #tpu.memory_space<hbm>>, %arg4: memref<64x40x128xi32, #tpu.memory_space<hbm>>, %arg5: memref<10240x128xf32, #tpu.memory_space<hbm>>, %arg6: memref<20480x128xf32, #tpu.memory_space<hbm>>, %arg7: memref<40x128xi32, #tpu.memory_space<vmem>>, %arg8: memref<40x128xi32, #tpu.memory_space<vmem>>, %arg9: memref<128x128xf32, #tpu.memory_space<vmem>>, %arg10: memref<128x128xf32, #tpu.memory_space<vmem>>, %arg11: memref<10240x128xf32, #tpu.memory_space<vmem_shared>>, %arg12: memref<!tpu.dma_semaphore, #tpu.memory_space<semaphore_mem>>, %arg13: memref<!tpu.dma_semaphore, #tpu.memory_space<semaphore_mem>>) attributes {dimension_semantics = [#tpu.dimension_semantics<core_parallel>, #tpu.dimension_semantics<subcore_parallel>], iteration_bounds = array<i64: 2, 16>, scalar_prefetch = 0 : i64, scratch_operands = 7 : i64, tpu.core_type = #tpu.core_type<sc_vector_subcore>, window_params = [{transform_indices = #map}, {transform_indices = #map1}, {transform_indices = #map1}, {transform_indices = #map}, {transform_indices = #map}]} {
    %mul3A = arith.constant 16 : i32
    %mul3A_0 = arith.muli %arg0, %mul3A : i32
    %add3A = arith.addi %mul3A_0, %arg1 : i32
    %mul3A_1 = arith.constant 640 : i32
    %mul3A_2 = arith.muli %arg1, %mul3A_1 : i32
    %mul3A_3 = arith.constant 640 : i32
    %mul3A_4 = arith.muli %arg1, %mul3A_3 : i32
    "tpu.region"() ({
      %run_scoped3A = tpu.sem_alloc : memref<!tpu.dma_semaphore, #tpu.memory_space<semaphore_mem>>
      %dma_start3A_53 = arith.constant 0 : i32
      %dma_start3A_54 = tpu.memref_slice %arg11[%mul3A_4, %dma_start3A_53] : memref<10240x128xf32, #tpu.memory_space<vmem_shared>> -> memref<640x128xf32, #tpu.memory_space<vmem_shared>>
      %dma_start3A_55 = arith.constant 0 : i32
      %dma_start3A_56 = tpu.memref_slice %arg5[%mul3A_2, %dma_start3A_55] : memref<10240x128xf32, #tpu.memory_space<hbm>> -> memref<640x128xf32, #tpu.memory_space<hbm>>
      tpu.enqueue_dma source(%dma_start3A_56 : memref<640x128xf32, #tpu.memory_space<hbm>>) target(%dma_start3A_54 : memref<640x128xf32, #tpu.memory_space<vmem_shared>>) target_semaphore(%run_scoped3A : memref<!tpu.dma_semaphore, #tpu.memory_space<semaphore_mem>>)
      %dma_wait3A = arith.constant 0 : i32
      %dma_wait3A_57 = tpu.memref_slice %arg11[%mul3A_4, %dma_wait3A] : memref<10240x128xf32, #tpu.memory_space<vmem_shared>> -> memref<640x128xf32, #tpu.memory_space<vmem_shared>>
      %dma_wait3A_58 = arith.constant 0 : i32
      %dma_wait3A_59 = tpu.memref_slice %arg5[%mul3A_2, %dma_wait3A_58] : memref<10240x128xf32, #tpu.memory_space<hbm>> -> memref<640x128xf32, #tpu.memory_space<hbm>>
      tpu.wait_dma2 semaphore(%run_scoped3A : memref<!tpu.dma_semaphore, #tpu.memory_space<semaphore_mem>>) src(%dma_wait3A_59 : memref<640x128xf32, #tpu.memory_space<hbm>>) dst(%dma_wait3A_57 : memref<640x128xf32, #tpu.memory_space<vmem_shared>>)
      tpu.yield
    }) : () -> ()
    %barrier3A = arith.constant 0 : index
    tpu.barrier barrier_id(%barrier3A)
    %mul3A_5 = arith.constant 2 : i32
    %mul3A_6 = arith.muli %mul3A_5, %add3A : i32
    %add3A_7 = arith.constant 0 : i32
    %add3A_8 = arith.addi %mul3A_6, %add3A_7 : i32
    "tpu.region"() ({
      %run_scoped3A = tpu.sem_alloc : memref<!tpu.dma_semaphore, #tpu.memory_space<semaphore_mem>>
      %dma_start3A_53 = arith.constant 0 : i32
      %dma_start3A_54 = arith.constant 0 : i32
      %dma_start3A_55 = tpu.memref_slice %arg3[%add3A_8, %dma_start3A_53, %dma_start3A_54] : memref<64x40x128xi32, #tpu.memory_space<hbm>> -> memref<1x40x128xi32, #tpu.memory_space<hbm>>
      %dma_start3A_56 = tpu.memref_squeeze %dma_start3A_55 : memref<1x40x128xi32, #tpu.memory_space<hbm>> -> memref<40x128xi32, #tpu.memory_space<hbm>>
      %dma_start3A_57 = arith.constant 0 : i32
      %dma_start3A_58 = arith.constant 0 : i32
      %dma_start3A_59 = tpu.memref_slice %arg3[%add3A_8, %dma_start3A_57, %dma_start3A_58] : memref<64x40x128xi32, #tpu.memory_space<hbm>> -> memref<1x40x128xi32, #tpu.memory_space<hbm>>
      %dma_start3A_60 = tpu.memref_squeeze %dma_start3A_59 : memref<1x40x128xi32, #tpu.memory_space<hbm>> -> memref<40x128xi32, #tpu.memory_space<hbm>>
      tpu.enqueue_dma source(%dma_start3A_60 : memref<40x128xi32, #tpu.memory_space<hbm>>) target(%arg7 : memref<40x128xi32, #tpu.memory_space<vmem>>) target_semaphore(%run_scoped3A : memref<!tpu.dma_semaphore, #tpu.memory_space<semaphore_mem>>)
      %dma_wait3A = arith.constant 0 : i32
      %dma_wait3A_61 = arith.constant 0 : i32
      %dma_wait3A_62 = tpu.memref_slice %arg3[%add3A_8, %dma_wait3A, %dma_wait3A_61] : memref<64x40x128xi32, #tpu.memory_space<hbm>> -> memref<1x40x128xi32, #tpu.memory_space<hbm>>
      %dma_wait3A_63 = tpu.memref_squeeze %dma_wait3A_62 : memref<1x40x128xi32, #tpu.memory_space<hbm>> -> memref<40x128xi32, #tpu.memory_space<hbm>>
      %dma_wait3A_64 = arith.constant 0 : i32
      %dma_wait3A_65 = arith.constant 0 : i32
      %dma_wait3A_66 = tpu.memref_slice %arg3[%add3A_8, %dma_wait3A_64, %dma_wait3A_65] : memref<64x40x128xi32, #tpu.memory_space<hbm>> -> memref<1x40x128xi32, #tpu.memory_space<hbm>>
      %dma_wait3A_67 = tpu.memref_squeeze %dma_wait3A_66 : memref<1x40x128xi32, #tpu.memory_space<hbm>> -> memref<40x128xi32, #tpu.memory_space<hbm>>
      tpu.wait_dma2 semaphore(%run_scoped3A : memref<!tpu.dma_semaphore, #tpu.memory_space<semaphore_mem>>) src(%dma_wait3A_67 : memref<40x128xi32, #tpu.memory_space<hbm>>) dst(%arg7 : memref<40x128xi32, #tpu.memory_space<vmem>>)
      tpu.yield
    }) : () -> ()
    %mul3A_9 = arith.constant 2 : i32
    %mul3A_10 = arith.muli %mul3A_9, %add3A : i32
    %add3A_11 = arith.constant 0 : i32
    %add3A_12 = arith.addi %mul3A_10, %add3A_11 : i32
    "tpu.region"() ({
      %run_scoped3A = tpu.sem_alloc : memref<!tpu.dma_semaphore, #tpu.memory_space<semaphore_mem>>
      %dma_start3A_53 = arith.constant 0 : i32
      %dma_start3A_54 = arith.constant 0 : i32
      %dma_start3A_55 = tpu.memref_slice %arg4[%add3A_12, %dma_start3A_53, %dma_start3A_54] : memref<64x40x128xi32, #tpu.memory_space<hbm>> -> memref<1x40x128xi32, #tpu.memory_space<hbm>>
      %dma_start3A_56 = tpu.memref_squeeze %dma_start3A_55 : memref<1x40x128xi32, #tpu.memory_space<hbm>> -> memref<40x128xi32, #tpu.memory_space<hbm>>
      %dma_start3A_57 = arith.constant 0 : i32
      %dma_start3A_58 = arith.constant 0 : i32
      %dma_start3A_59 = tpu.memref_slice %arg4[%add3A_12, %dma_start3A_57, %dma_start3A_58] : memref<64x40x128xi32, #tpu.memory_space<hbm>> -> memref<1x40x128xi32, #tpu.memory_space<hbm>>
      %dma_start3A_60 = tpu.memref_squeeze %dma_start3A_59 : memref<1x40x128xi32, #tpu.memory_space<hbm>> -> memref<40x128xi32, #tpu.memory_space<hbm>>
      tpu.enqueue_dma source(%dma_start3A_60 : memref<40x128xi32, #tpu.memory_space<hbm>>) target(%arg8 : memref<40x128xi32, #tpu.memory_space<vmem>>) target_semaphore(%run_scoped3A : memref<!tpu.dma_semaphore, #tpu.memory_space<semaphore_mem>>)
      %dma_wait3A = arith.constant 0 : i32
      %dma_wait3A_61 = arith.constant 0 : i32
      %dma_wait3A_62 = tpu.memref_slice %arg4[%add3A_12, %dma_wait3A, %dma_wait3A_61] : memref<64x40x128xi32, #tpu.memory_space<hbm>> -> memref<1x40x128xi32, #tpu.memory_space<hbm>>
      %dma_wait3A_63 = tpu.memref_squeeze %dma_wait3A_62 : memref<1x40x128xi32, #tpu.memory_space<hbm>> -> memref<40x128xi32, #tpu.memory_space<hbm>>
      %dma_wait3A_64 = arith.constant 0 : i32
      %dma_wait3A_65 = arith.constant 0 : i32
      %dma_wait3A_66 = tpu.memref_slice %arg4[%add3A_12, %dma_wait3A_64, %dma_wait3A_65] : memref<64x40x128xi32, #tpu.memory_space<hbm>> -> memref<1x40x128xi32, #tpu.memory_space<hbm>>
      %dma_wait3A_67 = tpu.memref_squeeze %dma_wait3A_66 : memref<1x40x128xi32, #tpu.memory_space<hbm>> -> memref<40x128xi32, #tpu.memory_space<hbm>>
      tpu.wait_dma2 semaphore(%run_scoped3A : memref<!tpu.dma_semaphore, #tpu.memory_space<semaphore_mem>>) src(%dma_wait3A_67 : memref<40x128xi32, #tpu.memory_space<hbm>>) dst(%arg8 : memref<40x128xi32, #tpu.memory_space<vmem>>)
      tpu.yield
    }) : () -> ()
    %dma_start3A = arith.constant 0 : i32
    %dma_start3A_13 = arith.constant 0 : i32
    %dma_start3A_14 = tpu.memref_slice %arg7[%dma_start3A, %dma_start3A_13] : memref<40x128xi32, #tpu.memory_space<vmem>> -> memref<1x128xi32, #tpu.memory_space<vmem>>
    %dma_start3A_15 = tpu.memref_squeeze %dma_start3A_14 : memref<1x128xi32, #tpu.memory_space<vmem>> -> memref<128xi32, #tpu.memory_space<vmem>>
    %dma_start3A_16 = arith.constant 0 : i32
    %dma_start3A_17 = arith.constant 0 : i32
    %dma_start3A_18 = tpu.memref_slice %arg2[%dma_start3A_16, %dma_start3A_17] : memref<10000x128xf32, #tpu.memory_space<hbm>> -> memref<10000x128xf32, #tpu.memory_space<hbm>>
    tpu.enqueue_indirect_dma source(%dma_start3A_18 : memref<10000x128xf32, #tpu.memory_space<hbm>>) target(%arg9 : memref<128x128xf32, #tpu.memory_space<vmem>>) offsets(%dma_start3A_15 : memref<128xi32, #tpu.memory_space<vmem>>) semaphore(%arg12 : memref<!tpu.dma_semaphore, #tpu.memory_space<semaphore_mem>>)
    %scan3A = arith.constant 0 : i32
    %scan3A_19 = arith.constant 0 : i32
    %scan3A_20 = arith.constant 40 : i32
    %scan3A_21 = arith.addi %scan3A_19, %scan3A_20 : i32
    %scan3A_22 = arith.constant 1 : i32
    scf.for %scan3A_53 = %scan3A_19 to %scan3A_21 step %scan3A_22  : i32 {
      %jit3A = arith.constant 2 : i32
      %eq3A = arith.constant 0 : i32
      %eq3A_54 = arith.cmpi eq, %jit3A, %eq3A : i32
      %jit3A_55 = arith.constant 1 : i32
      %select_n3A = arith.select %eq3A_54, %jit3A_55, %jit3A : i32
      %rem3A = arith.remsi %scan3A_53, %select_n3A : i32
      %ne3A = arith.constant 0 : i32
      %ne3A_56 = arith.cmpi ne, %rem3A, %ne3A : i32
      %lt3A = arith.constant 0 : i32
      %lt3A_57 = arith.cmpi slt, %rem3A, %lt3A : i32
      %lt3A_58 = arith.constant 0 : i32
      %lt3A_59 = arith.cmpi slt, %select_n3A, %lt3A_58 : i32
      %ne3A_60 = arith.xori %lt3A_57, %lt3A_59 : i1
      %and3A = arith.andi %ne3A_60, %ne3A_56 : i1
      %add3A_61 = arith.addi %rem3A, %select_n3A : i32
      %select_n3A_62 = arith.select %and3A, %add3A_61, %rem3A : i32
      %eq3A_63 = arith.constant 0 : i32
      %eq3A_64 = arith.cmpi eq, %select_n3A_62, %eq3A_63 : i32
      %add3A_65 = arith.constant 1 : i32
      %add3A_66 = arith.addi %scan3A_53, %add3A_65 : i32
      %lt3A_67 = arith.constant 40 : i32
      %lt3A_68 = arith.cmpi slt, %add3A_66, %lt3A_67 : i32
      %and3A_69 = arith.andi %eq3A_64, %lt3A_68 : i1
      %convert_element_type3A = arith.extui %and3A_69 : i1 to i32
      %cond3A = arith.constant 0 : i32
      %cond3A_70 = arith.cmpi ne, %convert_element_type3A, %cond3A : i32
      scf.if %cond3A_70 {
        %dma_start3A_86 = arith.constant 0 : i32
        %dma_start3A_87 = tpu.memref_slice %arg7[%add3A_66, %dma_start3A_86] : memref<40x128xi32, #tpu.memory_space<vmem>> -> memref<1x128xi32, #tpu.memory_space<vmem>>
        %dma_start3A_88 = tpu.memref_squeeze %dma_start3A_87 : memref<1x128xi32, #tpu.memory_space<vmem>> -> memref<128xi32, #tpu.memory_space<vmem>>
        %dma_start3A_89 = arith.constant 0 : i32
        %dma_start3A_90 = arith.constant 0 : i32
        %dma_start3A_91 = tpu.memref_slice %arg2[%dma_start3A_89, %dma_start3A_90] : memref<10000x128xf32, #tpu.memory_space<hbm>> -> memref<10000x128xf32, #tpu.memory_space<hbm>>
        tpu.enqueue_indirect_dma source(%dma_start3A_91 : memref<10000x128xf32, #tpu.memory_space<hbm>>) target(%arg10 : memref<128x128xf32, #tpu.memory_space<vmem>>) offsets(%dma_start3A_88 : memref<128xi32, #tpu.memory_space<vmem>>) semaphore(%arg13 : memref<!tpu.dma_semaphore, #tpu.memory_space<semaphore_mem>>)
      } else {
      }
      %not3A = arith.constant true
      %not3A_71 = arith.xori %eq3A_64, %not3A : i1
      %lt3A_72 = arith.constant 40 : i32
      %lt3A_73 = arith.cmpi slt, %add3A_66, %lt3A_72 : i32
      %and3A_74 = arith.andi %not3A_71, %lt3A_73 : i1
      %convert_element_type3A_75 = arith.extui %and3A_74 : i1 to i32
      %cond3A_76 = arith.constant 0 : i32
      %cond3A_77 = arith.cmpi ne, %convert_element_type3A_75, %cond3A_76 : i32
      scf.if %cond3A_77 {
        %dma_start3A_86 = arith.constant 0 : i32
        %dma_start3A_87 = tpu.memref_slice %arg7[%add3A_66, %dma_start3A_86] : memref<40x128xi32, #tpu.memory_space<vmem>> -> memref<1x128xi32, #tpu.memory_space<vmem>>
        %dma_start3A_88 = tpu.memref_squeeze %dma_start3A_87 : memref<1x128xi32, #tpu.memory_space<vmem>> -> memref<128xi32, #tpu.memory_space<vmem>>
        %dma_start3A_89 = arith.constant 0 : i32
        %dma_start3A_90 = arith.constant 0 : i32
        %dma_start3A_91 = tpu.memref_slice %arg2[%dma_start3A_89, %dma_start3A_90] : memref<10000x128xf32, #tpu.memory_space<hbm>> -> memref<10000x128xf32, #tpu.memory_space<hbm>>
        tpu.enqueue_indirect_dma source(%dma_start3A_91 : memref<10000x128xf32, #tpu.memory_space<hbm>>) target(%arg9 : memref<128x128xf32, #tpu.memory_space<vmem>>) offsets(%dma_start3A_88 : memref<128xi32, #tpu.memory_space<vmem>>) semaphore(%arg12 : memref<!tpu.dma_semaphore, #tpu.memory_space<semaphore_mem>>)
      } else {
      }
      %convert_element_type3A_78 = arith.extui %eq3A_64 : i1 to i32
      %cond3A_79 = arith.constant 0 : i32
      %cond3A_80 = arith.cmpi ne, %convert_element_type3A_78, %cond3A_79 : i32
      scf.if %cond3A_80 {
        %dma_wait3A = arith.constant 0 : i32
        %dma_wait3A_86 = arith.constant 0 : i32
        %dma_wait3A_87 = tpu.memref_slice %arg2[%dma_wait3A, %dma_wait3A_86] : memref<10000x128xf32, #tpu.memory_space<hbm>> -> memref<128x128xf32, #tpu.memory_space<hbm>>
        %dma_wait3A_88 = arith.constant 0 : i32
        %dma_wait3A_89 = arith.constant 0 : i32
        %dma_wait3A_90 = tpu.memref_slice %arg2[%dma_wait3A_88, %dma_wait3A_89] : memref<10000x128xf32, #tpu.memory_space<hbm>> -> memref<128x128xf32, #tpu.memory_space<hbm>>
        tpu.wait_dma2 semaphore(%arg12 : memref<!tpu.dma_semaphore, #tpu.memory_space<semaphore_mem>>) src(%dma_wait3A_90 : memref<128x128xf32, #tpu.memory_space<hbm>>) dst(%arg9 : memref<128x128xf32, #tpu.memory_space<vmem>>)
        "tpu.region"() ({
          %run_scoped3A = tpu.sem_alloc : memref<!tpu.dma_semaphore, #tpu.memory_space<semaphore_mem>>
          %dma_start3A_91 = arith.constant 0 : i32
          %dma_start3A_92 = tpu.memref_slice %arg8[%scan3A_53, %dma_start3A_91] : memref<40x128xi32, #tpu.memory_space<vmem>> -> memref<1x128xi32, #tpu.memory_space<vmem>>
          %dma_start3A_93 = tpu.memref_squeeze %dma_start3A_92 : memref<1x128xi32, #tpu.memory_space<vmem>> -> memref<128xi32, #tpu.memory_space<vmem>>
          %dma_start3A_94 = arith.constant 0 : i32
          %dma_start3A_95 = arith.constant 0 : i32
          %dma_start3A_96 = tpu.memref_slice %arg11[%dma_start3A_94, %dma_start3A_95] : memref<10240x128xf32, #tpu.memory_space<vmem_shared>> -> memref<10240x128xf32, #tpu.memory_space<vmem_shared>>
          tpu.enqueue_indirect_dma source(%arg9 : memref<128x128xf32, #tpu.memory_space<vmem>>) target(%dma_start3A_96 : memref<10240x128xf32, #tpu.memory_space<vmem_shared>>) offsets(%dma_start3A_93 : memref<128xi32, #tpu.memory_space<vmem>>) semaphore(%run_scoped3A : memref<!tpu.dma_semaphore, #tpu.memory_space<semaphore_mem>>) {add = true}
          %dma_wait3A_97 = arith.constant 0 : i32
          %dma_wait3A_98 = tpu.memref_slice %arg8[%scan3A_53, %dma_wait3A_97] : memref<40x128xi32, #tpu.memory_space<vmem>> -> memref<1x128xi32, #tpu.memory_space<vmem>>
          %dma_wait3A_99 = tpu.memref_squeeze %dma_wait3A_98 : memref<1x128xi32, #tpu.memory_space<vmem>> -> memref<128xi32, #tpu.memory_space<vmem>>
          %dma_wait3A_100 = arith.constant 0 : i32
          %dma_wait3A_101 = arith.constant 0 : i32
          %dma_wait3A_102 = tpu.memref_slice %arg11[%dma_wait3A_100, %dma_wait3A_101] : memref<10240x128xf32, #tpu.memory_space<vmem_shared>> -> memref<10240x128xf32, #tpu.memory_space<vmem_shared>>
          tpu.wait_indirect_dma semaphore(%run_scoped3A : memref<!tpu.dma_semaphore, #tpu.memory_space<semaphore_mem>>) src(%arg9 : memref<128x128xf32, #tpu.memory_space<vmem>>) dst(%dma_wait3A_102 : memref<10240x128xf32, #tpu.memory_space<vmem_shared>>)
          tpu.yield
        }) : () -> ()
      } else {
      }
      %not3A_81 = arith.constant true
      %not3A_82 = arith.xori %eq3A_64, %not3A_81 : i1
      %convert_element_type3A_83 = arith.extui %not3A_82 : i1 to i32
      %cond3A_84 = arith.constant 0 : i32
      %cond3A_85 = arith.cmpi ne, %convert_element_type3A_83, %cond3A_84 : i32
      scf.if %cond3A_85 {
        %dma_wait3A = arith.constant 0 : i32
        %dma_wait3A_86 = arith.constant 0 : i32
        %dma_wait3A_87 = tpu.memref_slice %arg2[%dma_wait3A, %dma_wait3A_86] : memref<10000x128xf32, #tpu.memory_space<hbm>> -> memref<128x128xf32, #tpu.memory_space<hbm>>
        %dma_wait3A_88 = arith.constant 0 : i32
        %dma_wait3A_89 = arith.constant 0 : i32
        %dma_wait3A_90 = tpu.memref_slice %arg2[%dma_wait3A_88, %dma_wait3A_89] : memref<10000x128xf32, #tpu.memory_space<hbm>> -> memref<128x128xf32, #tpu.memory_space<hbm>>
        tpu.wait_dma2 semaphore(%arg13 : memref<!tpu.dma_semaphore, #tpu.memory_space<semaphore_mem>>) src(%dma_wait3A_90 : memref<128x128xf32, #tpu.memory_space<hbm>>) dst(%arg10 : memref<128x128xf32, #tpu.memory_space<vmem>>)
        "tpu.region"() ({
          %run_scoped3A = tpu.sem_alloc : memref<!tpu.dma_semaphore, #tpu.memory_space<semaphore_mem>>
          %dma_start3A_91 = arith.constant 0 : i32
          %dma_start3A_92 = tpu.memref_slice %arg8[%scan3A_53, %dma_start3A_91] : memref<40x128xi32, #tpu.memory_space<vmem>> -> memref<1x128xi32, #tpu.memory_space<vmem>>
          %dma_start3A_93 = tpu.memref_squeeze %dma_start3A_92 : memref<1x128xi32, #tpu.memory_space<vmem>> -> memref<128xi32, #tpu.memory_space<vmem>>
          %dma_start3A_94 = arith.constant 0 : i32
          %dma_start3A_95 = arith.constant 0 : i32
          %dma_start3A_96 = tpu.memref_slice %arg11[%dma_start3A_94, %dma_start3A_95] : memref<10240x128xf32, #tpu.memory_space<vmem_shared>> -> memref<10240x128xf32, #tpu.memory_space<vmem_shared>>
          tpu.enqueue_indirect_dma source(%arg10 : memref<128x128xf32, #tpu.memory_space<vmem>>) target(%dma_start3A_96 : memref<10240x128xf32, #tpu.memory_space<vmem_shared>>) offsets(%dma_start3A_93 : memref<128xi32, #tpu.memory_space<vmem>>) semaphore(%run_scoped3A : memref<!tpu.dma_semaphore, #tpu.memory_space<semaphore_mem>>) {add = true}
          %dma_wait3A_97 = arith.constant 0 : i32
          %dma_wait3A_98 = tpu.memref_slice %arg8[%scan3A_53, %dma_wait3A_97] : memref<40x128xi32, #tpu.memory_space<vmem>> -> memref<1x128xi32, #tpu.memory_space<vmem>>
          %dma_wait3A_99 = tpu.memref_squeeze %dma_wait3A_98 : memref<1x128xi32, #tpu.memory_space<vmem>> -> memref<128xi32, #tpu.memory_space<vmem>>
          %dma_wait3A_100 = arith.constant 0 : i32
          %dma_wait3A_101 = arith.constant 0 : i32
          %dma_wait3A_102 = tpu.memref_slice %arg11[%dma_wait3A_100, %dma_wait3A_101] : memref<10240x128xf32, #tpu.memory_space<vmem_shared>> -> memref<10240x128xf32, #tpu.memory_space<vmem_shared>>
          tpu.wait_indirect_dma semaphore(%run_scoped3A : memref<!tpu.dma_semaphore, #tpu.memory_space<semaphore_mem>>) src(%arg10 : memref<128x128xf32, #tpu.memory_space<vmem>>) dst(%dma_wait3A_102 : memref<10240x128xf32, #tpu.memory_space<vmem_shared>>)
          tpu.yield
        }) : () -> ()
      } else {
      }
    }
    %scan3A_23 = arith.constant 40 : i32
    %mul3A_24 = arith.constant 2 : i32
    %mul3A_25 = arith.muli %mul3A_24, %add3A : i32
    %add3A_26 = arith.constant 1 : i32
    %add3A_27 = arith.addi %mul3A_25, %add3A_26 : i32
    "tpu.region"() ({
      %run_scoped3A = tpu.sem_alloc : memref<!tpu.dma_semaphore, #tpu.memory_space<semaphore_mem>>
      %dma_start3A_53 = arith.constant 0 : i32
      %dma_start3A_54 = arith.constant 0 : i32
      %dma_start3A_55 = tpu.memref_slice %arg3[%add3A_27, %dma_start3A_53, %dma_start3A_54] : memref<64x40x128xi32, #tpu.memory_space<hbm>> -> memref<1x40x128xi32, #tpu.memory_space<hbm>>
      %dma_start3A_56 = tpu.memref_squeeze %dma_start3A_55 : memref<1x40x128xi32, #tpu.memory_space<hbm>> -> memref<40x128xi32, #tpu.memory_space<hbm>>
      %dma_start3A_57 = arith.constant 0 : i32
      %dma_start3A_58 = arith.constant 0 : i32
      %dma_start3A_59 = tpu.memref_slice %arg3[%add3A_27, %dma_start3A_57, %dma_start3A_58] : memref<64x40x128xi32, #tpu.memory_space<hbm>> -> memref<1x40x128xi32, #tpu.memory_space<hbm>>
      %dma_start3A_60 = tpu.memref_squeeze %dma_start3A_59 : memref<1x40x128xi32, #tpu.memory_space<hbm>> -> memref<40x128xi32, #tpu.memory_space<hbm>>
      tpu.enqueue_dma source(%dma_start3A_60 : memref<40x128xi32, #tpu.memory_space<hbm>>) target(%arg7 : memref<40x128xi32, #tpu.memory_space<vmem>>) target_semaphore(%run_scoped3A : memref<!tpu.dma_semaphore, #tpu.memory_space<semaphore_mem>>)
      %dma_wait3A = arith.constant 0 : i32
      %dma_wait3A_61 = arith.constant 0 : i32
      %dma_wait3A_62 = tpu.memref_slice %arg3[%add3A_27, %dma_wait3A, %dma_wait3A_61] : memref<64x40x128xi32, #tpu.memory_space<hbm>> -> memref<1x40x128xi32, #tpu.memory_space<hbm>>
      %dma_wait3A_63 = tpu.memref_squeeze %dma_wait3A_62 : memref<1x40x128xi32, #tpu.memory_space<hbm>> -> memref<40x128xi32, #tpu.memory_space<hbm>>
      %dma_wait3A_64 = arith.constant 0 : i32
      %dma_wait3A_65 = arith.constant 0 : i32
      %dma_wait3A_66 = tpu.memref_slice %arg3[%add3A_27, %dma_wait3A_64, %dma_wait3A_65] : memref<64x40x128xi32, #tpu.memory_space<hbm>> -> memref<1x40x128xi32, #tpu.memory_space<hbm>>
      %dma_wait3A_67 = tpu.memref_squeeze %dma_wait3A_66 : memref<1x40x128xi32, #tpu.memory_space<hbm>> -> memref<40x128xi32, #tpu.memory_space<hbm>>
      tpu.wait_dma2 semaphore(%run_scoped3A : memref<!tpu.dma_semaphore, #tpu.memory_space<semaphore_mem>>) src(%dma_wait3A_67 : memref<40x128xi32, #tpu.memory_space<hbm>>) dst(%arg7 : memref<40x128xi32, #tpu.memory_space<vmem>>)
      tpu.yield
    }) : () -> ()
    %mul3A_28 = arith.constant 2 : i32
    %mul3A_29 = arith.muli %mul3A_28, %add3A : i32
    %add3A_30 = arith.constant 1 : i32
    %add3A_31 = arith.addi %mul3A_29, %add3A_30 : i32
    "tpu.region"() ({
      %run_scoped3A = tpu.sem_alloc : memref<!tpu.dma_semaphore, #tpu.memory_space<semaphore_mem>>
      %dma_start3A_53 = arith.constant 0 : i32
      %dma_start3A_54 = arith.constant 0 : i32
      %dma_start3A_55 = tpu.memref_slice %arg4[%add3A_31, %dma_start3A_53, %dma_start3A_54] : memref<64x40x128xi32, #tpu.memory_space<hbm>> -> memref<1x40x128xi32, #tpu.memory_space<hbm>>
      %dma_start3A_56 = tpu.memref_squeeze %dma_start3A_55 : memref<1x40x128xi32, #tpu.memory_space<hbm>> -> memref<40x128xi32, #tpu.memory_space<hbm>>
      %dma_start3A_57 = arith.constant 0 : i32
      %dma_start3A_58 = arith.constant 0 : i32
      %dma_start3A_59 = tpu.memref_slice %arg4[%add3A_31, %dma_start3A_57, %dma_start3A_58] : memref<64x40x128xi32, #tpu.memory_space<hbm>> -> memref<1x40x128xi32, #tpu.memory_space<hbm>>
      %dma_start3A_60 = tpu.memref_squeeze %dma_start3A_59 : memref<1x40x128xi32, #tpu.memory_space<hbm>> -> memref<40x128xi32, #tpu.memory_space<hbm>>
      tpu.enqueue_dma source(%dma_start3A_60 : memref<40x128xi32, #tpu.memory_space<hbm>>) target(%arg8 : memref<40x128xi32, #tpu.memory_space<vmem>>) target_semaphore(%run_scoped3A : memref<!tpu.dma_semaphore, #tpu.memory_space<semaphore_mem>>)
      %dma_wait3A = arith.constant 0 : i32
      %dma_wait3A_61 = arith.constant 0 : i32
      %dma_wait3A_62 = tpu.memref_slice %arg4[%add3A_31, %dma_wait3A, %dma_wait3A_61] : memref<64x40x128xi32, #tpu.memory_space<hbm>> -> memref<1x40x128xi32, #tpu.memory_space<hbm>>
      %dma_wait3A_63 = tpu.memref_squeeze %dma_wait3A_62 : memref<1x40x128xi32, #tpu.memory_space<hbm>> -> memref<40x128xi32, #tpu.memory_space<hbm>>
      %dma_wait3A_64 = arith.constant 0 : i32
      %dma_wait3A_65 = arith.constant 0 : i32
      %dma_wait3A_66 = tpu.memref_slice %arg4[%add3A_31, %dma_wait3A_64, %dma_wait3A_65] : memref<64x40x128xi32, #tpu.memory_space<hbm>> -> memref<1x40x128xi32, #tpu.memory_space<hbm>>
      %dma_wait3A_67 = tpu.memref_squeeze %dma_wait3A_66 : memref<1x40x128xi32, #tpu.memory_space<hbm>> -> memref<40x128xi32, #tpu.memory_space<hbm>>
      tpu.wait_dma2 semaphore(%run_scoped3A : memref<!tpu.dma_semaphore, #tpu.memory_space<semaphore_mem>>) src(%dma_wait3A_67 : memref<40x128xi32, #tpu.memory_space<hbm>>) dst(%arg8 : memref<40x128xi32, #tpu.memory_space<vmem>>)
      tpu.yield
    }) : () -> ()
    %dma_start3A_32 = arith.constant 0 : i32
    %dma_start3A_33 = arith.constant 0 : i32
    %dma_start3A_34 = tpu.memref_slice %arg7[%dma_start3A_32, %dma_start3A_33] : memref<40x128xi32, #tpu.memory_space<vmem>> -> memref<1x128xi32, #tpu.memory_space<vmem>>
    %dma_start3A_35 = tpu.memref_squeeze %dma_start3A_34 : memref<1x128xi32, #tpu.memory_space<vmem>> -> memref<128xi32, #tpu.memory_space<vmem>>
    %dma_start3A_36 = arith.constant 0 : i32
    %dma_start3A_37 = arith.constant 0 : i32
    %dma_start3A_38 = tpu.memref_slice %arg2[%dma_start3A_36, %dma_start3A_37] : memref<10000x128xf32, #tpu.memory_space<hbm>> -> memref<10000x128xf32, #tpu.memory_space<hbm>>
    tpu.enqueue_indirect_dma source(%dma_start3A_38 : memref<10000x128xf32, #tpu.memory_space<hbm>>) target(%arg9 : memref<128x128xf32, #tpu.memory_space<vmem>>) offsets(%dma_start3A_35 : memref<128xi32, #tpu.memory_space<vmem>>) semaphore(%arg12 : memref<!tpu.dma_semaphore, #tpu.memory_space<semaphore_mem>>)
    %scan3A_39 = arith.constant 0 : i32
    %scan3A_40 = arith.constant 0 : i32
    %scan3A_41 = arith.constant 40 : i32
    %scan3A_42 = arith.addi %scan3A_40, %scan3A_41 : i32
    %scan3A_43 = arith.constant 1 : i32
    scf.for %scan3A_53 = %scan3A_40 to %scan3A_42 step %scan3A_43  : i32 {
      %jit3A = arith.constant 2 : i32
      %eq3A = arith.constant 0 : i32
      %eq3A_54 = arith.cmpi eq, %jit3A, %eq3A : i32
      %jit3A_55 = arith.constant 1 : i32
      %select_n3A = arith.select %eq3A_54, %jit3A_55, %jit3A : i32
      %rem3A = arith.remsi %scan3A_53, %select_n3A : i32
      %ne3A = arith.constant 0 : i32
      %ne3A_56 = arith.cmpi ne, %rem3A, %ne3A : i32
      %lt3A = arith.constant 0 : i32
      %lt3A_57 = arith.cmpi slt, %rem3A, %lt3A : i32
      %lt3A_58 = arith.constant 0 : i32
      %lt3A_59 = arith.cmpi slt, %select_n3A, %lt3A_58 : i32
      %ne3A_60 = arith.xori %lt3A_57, %lt3A_59 : i1
      %and3A = arith.andi %ne3A_60, %ne3A_56 : i1
      %add3A_61 = arith.addi %rem3A, %select_n3A : i32
      %select_n3A_62 = arith.select %and3A, %add3A_61, %rem3A : i32
      %eq3A_63 = arith.constant 0 : i32
      %eq3A_64 = arith.cmpi eq, %select_n3A_62, %eq3A_63 : i32
      %add3A_65 = arith.constant 1 : i32
      %add3A_66 = arith.addi %scan3A_53, %add3A_65 : i32
      %lt3A_67 = arith.constant 40 : i32
      %lt3A_68 = arith.cmpi slt, %add3A_66, %lt3A_67 : i32
      %and3A_69 = arith.andi %eq3A_64, %lt3A_68 : i1
      %convert_element_type3A = arith.extui %and3A_69 : i1 to i32
      %cond3A = arith.constant 0 : i32
      %cond3A_70 = arith.cmpi ne, %convert_element_type3A, %cond3A : i32
      scf.if %cond3A_70 {
        %dma_start3A_86 = arith.constant 0 : i32
        %dma_start3A_87 = tpu.memref_slice %arg7[%add3A_66, %dma_start3A_86] : memref<40x128xi32, #tpu.memory_space<vmem>> -> memref<1x128xi32, #tpu.memory_space<vmem>>
        %dma_start3A_88 = tpu.memref_squeeze %dma_start3A_87 : memref<1x128xi32, #tpu.memory_space<vmem>> -> memref<128xi32, #tpu.memory_space<vmem>>
        %dma_start3A_89 = arith.constant 0 : i32
        %dma_start3A_90 = arith.constant 0 : i32
        %dma_start3A_91 = tpu.memref_slice %arg2[%dma_start3A_89, %dma_start3A_90] : memref<10000x128xf32, #tpu.memory_space<hbm>> -> memref<10000x128xf32, #tpu.memory_space<hbm>>
        tpu.enqueue_indirect_dma source(%dma_start3A_91 : memref<10000x128xf32, #tpu.memory_space<hbm>>) target(%arg10 : memref<128x128xf32, #tpu.memory_space<vmem>>) offsets(%dma_start3A_88 : memref<128xi32, #tpu.memory_space<vmem>>) semaphore(%arg13 : memref<!tpu.dma_semaphore, #tpu.memory_space<semaphore_mem>>)
      } else {
      }
      %not3A = arith.constant true
      %not3A_71 = arith.xori %eq3A_64, %not3A : i1
      %lt3A_72 = arith.constant 40 : i32
      %lt3A_73 = arith.cmpi slt, %add3A_66, %lt3A_72 : i32
      %and3A_74 = arith.andi %not3A_71, %lt3A_73 : i1
      %convert_element_type3A_75 = arith.extui %and3A_74 : i1 to i32
      %cond3A_76 = arith.constant 0 : i32
      %cond3A_77 = arith.cmpi ne, %convert_element_type3A_75, %cond3A_76 : i32
      scf.if %cond3A_77 {
        %dma_start3A_86 = arith.constant 0 : i32
        %dma_start3A_87 = tpu.memref_slice %arg7[%add3A_66, %dma_start3A_86] : memref<40x128xi32, #tpu.memory_space<vmem>> -> memref<1x128xi32, #tpu.memory_space<vmem>>
        %dma_start3A_88 = tpu.memref_squeeze %dma_start3A_87 : memref<1x128xi32, #tpu.memory_space<vmem>> -> memref<128xi32, #tpu.memory_space<vmem>>
        %dma_start3A_89 = arith.constant 0 : i32
        %dma_start3A_90 = arith.constant 0 : i32
        %dma_start3A_91 = tpu.memref_slice %arg2[%dma_start3A_89, %dma_start3A_90] : memref<10000x128xf32, #tpu.memory_space<hbm>> -> memref<10000x128xf32, #tpu.memory_space<hbm>>
        tpu.enqueue_indirect_dma source(%dma_start3A_91 : memref<10000x128xf32, #tpu.memory_space<hbm>>) target(%arg9 : memref<128x128xf32, #tpu.memory_space<vmem>>) offsets(%dma_start3A_88 : memref<128xi32, #tpu.memory_space<vmem>>) semaphore(%arg12 : memref<!tpu.dma_semaphore, #tpu.memory_space<semaphore_mem>>)
      } else {
      }
      %convert_element_type3A_78 = arith.extui %eq3A_64 : i1 to i32
      %cond3A_79 = arith.constant 0 : i32
      %cond3A_80 = arith.cmpi ne, %convert_element_type3A_78, %cond3A_79 : i32
      scf.if %cond3A_80 {
        %dma_wait3A = arith.constant 0 : i32
        %dma_wait3A_86 = arith.constant 0 : i32
        %dma_wait3A_87 = tpu.memref_slice %arg2[%dma_wait3A, %dma_wait3A_86] : memref<10000x128xf32, #tpu.memory_space<hbm>> -> memref<128x128xf32, #tpu.memory_space<hbm>>
        %dma_wait3A_88 = arith.constant 0 : i32
        %dma_wait3A_89 = arith.constant 0 : i32
        %dma_wait3A_90 = tpu.memref_slice %arg2[%dma_wait3A_88, %dma_wait3A_89] : memref<10000x128xf32, #tpu.memory_space<hbm>> -> memref<128x128xf32, #tpu.memory_space<hbm>>
        tpu.wait_dma2 semaphore(%arg12 : memref<!tpu.dma_semaphore, #tpu.memory_space<semaphore_mem>>) src(%dma_wait3A_90 : memref<128x128xf32, #tpu.memory_space<hbm>>) dst(%arg9 : memref<128x128xf32, #tpu.memory_space<vmem>>)
        "tpu.region"() ({
          %run_scoped3A = tpu.sem_alloc : memref<!tpu.dma_semaphore, #tpu.memory_space<semaphore_mem>>
          %dma_start3A_91 = arith.constant 0 : i32
          %dma_start3A_92 = tpu.memref_slice %arg8[%scan3A_53, %dma_start3A_91] : memref<40x128xi32, #tpu.memory_space<vmem>> -> memref<1x128xi32, #tpu.memory_space<vmem>>
          %dma_start3A_93 = tpu.memref_squeeze %dma_start3A_92 : memref<1x128xi32, #tpu.memory_space<vmem>> -> memref<128xi32, #tpu.memory_space<vmem>>
          %dma_start3A_94 = arith.constant 0 : i32
          %dma_start3A_95 = arith.constant 0 : i32
          %dma_start3A_96 = tpu.memref_slice %arg11[%dma_start3A_94, %dma_start3A_95] : memref<10240x128xf32, #tpu.memory_space<vmem_shared>> -> memref<10240x128xf32, #tpu.memory_space<vmem_shared>>
          tpu.enqueue_indirect_dma source(%arg9 : memref<128x128xf32, #tpu.memory_space<vmem>>) target(%dma_start3A_96 : memref<10240x128xf32, #tpu.memory_space<vmem_shared>>) offsets(%dma_start3A_93 : memref<128xi32, #tpu.memory_space<vmem>>) semaphore(%run_scoped3A : memref<!tpu.dma_semaphore, #tpu.memory_space<semaphore_mem>>) {add = true}
          %dma_wait3A_97 = arith.constant 0 : i32
          %dma_wait3A_98 = tpu.memref_slice %arg8[%scan3A_53, %dma_wait3A_97] : memref<40x128xi32, #tpu.memory_space<vmem>> -> memref<1x128xi32, #tpu.memory_space<vmem>>
          %dma_wait3A_99 = tpu.memref_squeeze %dma_wait3A_98 : memref<1x128xi32, #tpu.memory_space<vmem>> -> memref<128xi32, #tpu.memory_space<vmem>>
          %dma_wait3A_100 = arith.constant 0 : i32
          %dma_wait3A_101 = arith.constant 0 : i32
          %dma_wait3A_102 = tpu.memref_slice %arg11[%dma_wait3A_100, %dma_wait3A_101] : memref<10240x128xf32, #tpu.memory_space<vmem_shared>> -> memref<10240x128xf32, #tpu.memory_space<vmem_shared>>
          tpu.wait_indirect_dma semaphore(%run_scoped3A : memref<!tpu.dma_semaphore, #tpu.memory_space<semaphore_mem>>) src(%arg9 : memref<128x128xf32, #tpu.memory_space<vmem>>) dst(%dma_wait3A_102 : memref<10240x128xf32, #tpu.memory_space<vmem_shared>>)
          tpu.yield
        }) : () -> ()
      } else {
      }
      %not3A_81 = arith.constant true
      %not3A_82 = arith.xori %eq3A_64, %not3A_81 : i1
      %convert_element_type3A_83 = arith.extui %not3A_82 : i1 to i32
      %cond3A_84 = arith.constant 0 : i32
      %cond3A_85 = arith.cmpi ne, %convert_element_type3A_83, %cond3A_84 : i32
      scf.if %cond3A_85 {
        %dma_wait3A = arith.constant 0 : i32
        %dma_wait3A_86 = arith.constant 0 : i32
        %dma_wait3A_87 = tpu.memref_slice %arg2[%dma_wait3A, %dma_wait3A_86] : memref<10000x128xf32, #tpu.memory_space<hbm>> -> memref<128x128xf32, #tpu.memory_space<hbm>>
        %dma_wait3A_88 = arith.constant 0 : i32
        %dma_wait3A_89 = arith.constant 0 : i32
        %dma_wait3A_90 = tpu.memref_slice %arg2[%dma_wait3A_88, %dma_wait3A_89] : memref<10000x128xf32, #tpu.memory_space<hbm>> -> memref<128x128xf32, #tpu.memory_space<hbm>>
        tpu.wait_dma2 semaphore(%arg13 : memref<!tpu.dma_semaphore, #tpu.memory_space<semaphore_mem>>) src(%dma_wait3A_90 : memref<128x128xf32, #tpu.memory_space<hbm>>) dst(%arg10 : memref<128x128xf32, #tpu.memory_space<vmem>>)
        "tpu.region"() ({
          %run_scoped3A = tpu.sem_alloc : memref<!tpu.dma_semaphore, #tpu.memory_space<semaphore_mem>>
          %dma_start3A_91 = arith.constant 0 : i32
          %dma_start3A_92 = tpu.memref_slice %arg8[%scan3A_53, %dma_start3A_91] : memref<40x128xi32, #tpu.memory_space<vmem>> -> memref<1x128xi32, #tpu.memory_space<vmem>>
          %dma_start3A_93 = tpu.memref_squeeze %dma_start3A_92 : memref<1x128xi32, #tpu.memory_space<vmem>> -> memref<128xi32, #tpu.memory_space<vmem>>
          %dma_start3A_94 = arith.constant 0 : i32
          %dma_start3A_95 = arith.constant 0 : i32
          %dma_start3A_96 = tpu.memref_slice %arg11[%dma_start3A_94, %dma_start3A_95] : memref<10240x128xf32, #tpu.memory_space<vmem_shared>> -> memref<10240x128xf32, #tpu.memory_space<vmem_shared>>
          tpu.enqueue_indirect_dma source(%arg10 : memref<128x128xf32, #tpu.memory_space<vmem>>) target(%dma_start3A_96 : memref<10240x128xf32, #tpu.memory_space<vmem_shared>>) offsets(%dma_start3A_93 : memref<128xi32, #tpu.memory_space<vmem>>) semaphore(%run_scoped3A : memref<!tpu.dma_semaphore, #tpu.memory_space<semaphore_mem>>) {add = true}
          %dma_wait3A_97 = arith.constant 0 : i32
          %dma_wait3A_98 = tpu.memref_slice %arg8[%scan3A_53, %dma_wait3A_97] : memref<40x128xi32, #tpu.memory_space<vmem>> -> memref<1x128xi32, #tpu.memory_space<vmem>>
          %dma_wait3A_99 = tpu.memref_squeeze %dma_wait3A_98 : memref<1x128xi32, #tpu.memory_space<vmem>> -> memref<128xi32, #tpu.memory_space<vmem>>
          %dma_wait3A_100 = arith.constant 0 : i32
          %dma_wait3A_101 = arith.constant 0 : i32
          %dma_wait3A_102 = tpu.memref_slice %arg11[%dma_wait3A_100, %dma_wait3A_101] : memref<10240x128xf32, #tpu.memory_space<vmem_shared>> -> memref<10240x128xf32, #tpu.memory_space<vmem_shared>>
          tpu.wait_indirect_dma semaphore(%run_scoped3A : memref<!tpu.dma_semaphore, #tpu.memory_space<semaphore_mem>>) src(%arg10 : memref<128x128xf32, #tpu.memory_space<vmem>>) dst(%dma_wait3A_102 : memref<10240x128xf32, #tpu.memory_space<vmem_shared>>)
          tpu.yield
        }) : () -> ()
      } else {
      }
    }
    %scan3A_44 = arith.constant 40 : i32
    %barrier3A_45 = arith.constant 0 : index
    tpu.barrier barrier_id(%barrier3A_45)
    %mul3A_46 = arith.constant 640 : i32
    %mul3A_47 = arith.muli %arg1, %mul3A_46 : i32
    %mul3A_48 = arith.constant 10240 : i32
    %mul3A_49 = arith.muli %arg0, %mul3A_48 : i32
    %mul3A_50 = arith.constant 640 : i32
    %mul3A_51 = arith.muli %arg1, %mul3A_50 : i32
    %add3A_52 = arith.addi %mul3A_49, %mul3A_51 : i32
    "tpu.region"() ({
      %run_scoped3A = tpu.sem_alloc : memref<!tpu.dma_semaphore, #tpu.memory_space<semaphore_mem>>
      %dma_start3A_53 = arith.constant 0 : i32
      %dma_start3A_54 = tpu.memref_slice %arg6[%add3A_52, %dma_start3A_53] : memref<20480x128xf32, #tpu.memory_space<hbm>> -> memref<640x128xf32, #tpu.memory_space<hbm>>
      %dma_start3A_55 = arith.constant 0 : i32
      %dma_start3A_56 = tpu.memref_slice %arg11[%mul3A_47, %dma_start3A_55] : memref<10240x128xf32, #tpu.memory_space<vmem_shared>> -> memref<640x128xf32, #tpu.memory_space<vmem_shared>>
      tpu.enqueue_dma source(%dma_start3A_56 : memref<640x128xf32, #tpu.memory_space<vmem_shared>>) target(%dma_start3A_54 : memref<640x128xf32, #tpu.memory_space<hbm>>) target_semaphore(%run_scoped3A : memref<!tpu.dma_semaphore, #tpu.memory_space<semaphore_mem>>)
      %dma_wait3A = arith.constant 0 : i32
      %dma_wait3A_57 = tpu.memref_slice %arg6[%add3A_52, %dma_wait3A] : memref<20480x128xf32, #tpu.memory_space<hbm>> -> memref<640x128xf32, #tpu.memory_space<hbm>>
      %dma_wait3A_58 = arith.constant 0 : i32
      %dma_wait3A_59 = tpu.memref_slice %arg11[%mul3A_47, %dma_wait3A_58] : memref<10240x128xf32, #tpu.memory_space<vmem_shared>> -> memref<640x128xf32, #tpu.memory_space<vmem_shared>>
      tpu.wait_dma2 semaphore(%run_scoped3A : memref<!tpu.dma_semaphore, #tpu.memory_space<semaphore_mem>>) src(%dma_wait3A_59 : memref<640x128xf32, #tpu.memory_space<vmem_shared>>) dst(%dma_wait3A_57 : memref<640x128xf32, #tpu.memory_space<hbm>>)
      tpu.yield
    }) : () -> ()
    return
  }
}

module attributes {stable_mosaic.version = 14 : i64} {
  func.func @body(%arg0: memref<4x10240xf32, #tpu.memory_space<vmem>>, %arg1: memref<1x10240xf32, #tpu.memory_space<vmem>>, %arg2: memref<1x10240xf32, #tpu.memory_space<vmem>>) attributes {dimension_semantics = [], scalar_prefetch = 0 : i64, scratch_operands = 0 : i64, tpu.core_type = #tpu.core_type<tc>} {
    %get3A = arith.constant 0 : index
    %get3A_0 = arith.constant 0 : index
    %get3A_1 = vector.load %arg0[%get3A, %get3A_0] : memref<4x10240xf32, #tpu.memory_space<vmem>>, vector<1x10240xf32>
    %get3A_2 = arith.constant 2 : index
    %get3A_3 = arith.constant 0 : index
    %get3A_4 = vector.load %arg0[%get3A_2, %get3A_3] : memref<4x10240xf32, #tpu.memory_space<vmem>>, vector<1x10240xf32>
    %add3A = arith.addf %get3A_1, %get3A_4 : vector<1x10240xf32>
    %get3A_5 = arith.constant 1 : index
    %get3A_6 = arith.constant 0 : index
    %get3A_7 = vector.load %arg0[%get3A_5, %get3A_6] : memref<4x10240xf32, #tpu.memory_space<vmem>>, vector<1x10240xf32>
    %get3A_8 = arith.constant 3 : index
    %get3A_9 = arith.constant 0 : index
    %get3A_10 = vector.load %arg0[%get3A_8, %get3A_9] : memref<4x10240xf32, #tpu.memory_space<vmem>>, vector<1x10240xf32>
    %add3A_11 = arith.addf %get3A_7, %get3A_10 : vector<1x10240xf32>
    %max3A = arith.constant 1.000000e+00 : f32
    %max3A_12 = vector.broadcast %max3A : f32 to vector<1x10240xf32>
    %max3A_13 = arith.maximumf %add3A, %max3A_12 : vector<1x10240xf32>
    %rsqrt3A = math.rsqrt %max3A_13 : vector<1x10240xf32>
    %swap3A = arith.constant 0 : index
    %swap3A_14 = arith.constant 0 : index
    %swap3A_15 = vector.load %arg1[%swap3A, %swap3A_14] : memref<1x10240xf32, #tpu.memory_space<vmem>>, vector<1x10240xf32>
    tpu.vector_store %arg1[%swap3A, %swap3A_14], %rsqrt3A {strides = array<i32>} : memref<1x10240xf32, #tpu.memory_space<vmem>>, vector<1x10240xf32>,
    %max3A_16 = arith.constant 1.000000e+00 : f32
    %max3A_17 = vector.broadcast %max3A_16 : f32 to vector<1x10240xf32>
    %max3A_18 = arith.maximumf %add3A_11, %max3A_17 : vector<1x10240xf32>
    %rsqrt3A_19 = math.rsqrt %max3A_18 : vector<1x10240xf32>
    %swap3A_20 = arith.constant 0 : index
    %swap3A_21 = arith.constant 0 : index
    %swap3A_22 = vector.load %arg2[%swap3A_20, %swap3A_21] : memref<1x10240xf32, #tpu.memory_space<vmem>>, vector<1x10240xf32>
    tpu.vector_store %arg2[%swap3A_20, %swap3A_21], %rsqrt3A_19 {strides = array<i32>} : memref<1x10240xf32, #tpu.memory_space<vmem>>, vector<1x10240xf32>,
    return
  }
}

module attributes {stable_mosaic.version = 14 : i64} {
  func.func @body(%arg0: i32, %arg1: memref<2000x128xf32, #tpu.memory_space<vmem>>, %arg2: memref<1x16xf32, #tpu.memory_space<vmem>>, %arg3: memref<128x128xf32, #tpu.memory_space<vmem>>, %arg4: memref<16x128xf32, #tpu.memory_space<vmem>>, %arg5: memref<1x128xf32, #tpu.memory_space<vmem>>, %arg6: memref<2000x128xf32, #tpu.memory_space<vmem>>) attributes {dimension_semantics = [#tpu.dimension_semantics<arbitrary>], iteration_bounds = array<i64: 5>, scalar_prefetch = 0 : i64, scratch_operands = 0 : i64, tpu.core_type = #tpu.core_type<tc>, window_params = [{transform_indices = @transform_0, window_bounds = array<i64: 2000, 128>}, {pipeline_mode = #tpu.pipeline_mode<synchronous>, transform_indices = @transform_1, window_bounds = array<i64: 1, 16>}, {pipeline_mode = #tpu.pipeline_mode<synchronous>, transform_indices = @transform_2, window_bounds = array<i64: 128, 128>}, {pipeline_mode = #tpu.pipeline_mode<synchronous>, transform_indices = @transform_3, window_bounds = array<i64: 16, 128>}, {pipeline_mode = #tpu.pipeline_mode<synchronous>, transform_indices = @transform_4, window_bounds = array<i64: 1, 128>}, {transform_indices = @transform_5, window_bounds = array<i64: 2000, 128>}]} {
    %get3A = arith.constant 0 : index
    %get3A_0 = arith.constant 0 : index
    %get3A_1 = vector.load %arg1[%get3A, %get3A_0] : memref<2000x128xf32, #tpu.memory_space<vmem>>, vector<2000x128xf32>
    %get3A_2 = arith.constant 0 : index
    %get3A_3 = arith.constant 0 : index
    %get3A_4 = vector.load %arg3[%get3A_2, %get3A_3] : memref<128x128xf32, #tpu.memory_space<vmem>>, vector<128x128xf32>
    %dot_general3A = arith.constant dense<0.000000e+00> : vector<2000x128xf32>
    %dot_general3A_5 = tpu.matmul %get3A_1, %get3A_4, %dot_general3A {dimension_numbers = #tpu.dot_dimension_numbers<[1], [0], [0], [1], [0, 0, 1, 1], [], []>, precision = #tpu.contract_precision<fp32>, transpose_lhs_hint = false} : vector<2000x128xf32>, vector<128x128xf32>, vector<2000x128xf32> -> vector<2000x128xf32>
    %get3A_6 = arith.constant 0 : index
    %get3A_7 = arith.constant 0 : index
    %get3A_8 = vector.load %arg2[%get3A_6, %get3A_7] : memref<1x16xf32, #tpu.memory_space<vmem>>, vector<1x16xf32>
    %get3A_9 = arith.constant 0 : index
    %get3A_10 = arith.constant 0 : index
    %get3A_11 = vector.load %arg4[%get3A_9, %get3A_10] : memref<16x128xf32, #tpu.memory_space<vmem>>, vector<16x128xf32>
    %dot_general3A_12 = arith.constant dense<0.000000e+00> : vector<1x128xf32>
    %dot_general3A_13 = tpu.matmul %get3A_8, %get3A_11, %dot_general3A_12 {dimension_numbers = #tpu.dot_dimension_numbers<[1], [0], [0], [1], [0, 0, 1, 1], [], []>, precision = #tpu.contract_precision<fp32>, transpose_lhs_hint = false} : vector<1x16xf32>, vector<16x128xf32>, vector<1x128xf32> -> vector<1x128xf32>
    %add3A = vector.broadcast %dot_general3A_13 : vector<1x128xf32> to vector<2000x128xf32>
    %add3A_14 = arith.addf %dot_general3A_5, %add3A : vector<2000x128xf32>
    %get3A_15 = arith.constant 0 : index
    %get3A_16 = arith.constant 0 : index
    %get3A_17 = vector.load %arg5[%get3A_15, %get3A_16] : memref<1x128xf32, #tpu.memory_space<vmem>>, vector<1x128xf32>
    %add3A_18 = vector.broadcast %get3A_17 : vector<1x128xf32> to vector<2000x128xf32>
    %add3A_19 = arith.addf %add3A_14, %add3A_18 : vector<2000x128xf32>
    %swap3A = arith.constant 0 : index
    %swap3A_20 = arith.constant 0 : index
    %swap3A_21 = vector.load %arg6[%swap3A, %swap3A_20] : memref<2000x128xf32, #tpu.memory_space<vmem>>, vector<2000x128xf32>
    tpu.vector_store %arg6[%swap3A, %swap3A_20], %add3A_19 {strides = array<i32>} : memref<2000x128xf32, #tpu.memory_space<vmem>>, vector<2000x128xf32>,
    return
  }
  func.func @transform_0(%arg0: i32) -> (i32, i32) {
    %c0_i32 = arith.constant 0 : i32
    %c0_i32_0 = arith.constant 0 : i32
    return %arg0, %c0_i32 : i32, i32
  }
  func.func @transform_1(%arg0: i32) -> (i32, i32) {
    %c0_i32 = arith.constant 0 : i32
    %c0_i32_0 = arith.constant 0 : i32
    %c0_i32_1 = arith.constant 0 : i32
    return %c0_i32, %c0_i32_0 : i32, i32
  }
  func.func @transform_2(%arg0: i32) -> (i32, i32) {
    %c0_i32 = arith.constant 0 : i32
    %c0_i32_0 = arith.constant 0 : i32
    %c0_i32_1 = arith.constant 0 : i32
    return %c0_i32, %c0_i32_0 : i32, i32
  }
  func.func @transform_3(%arg0: i32) -> (i32, i32) {
    %c0_i32 = arith.constant 0 : i32
    %c0_i32_0 = arith.constant 0 : i32
    %c0_i32_1 = arith.constant 0 : i32
    return %c0_i32, %c0_i32_0 : i32, i32
  }
  func.func @transform_4(%arg0: i32) -> (i32, i32) {
    %c0_i32 = arith.constant 0 : i32
    %c0_i32_0 = arith.constant 0 : i32
    %c0_i32_1 = arith.constant 0 : i32
    return %c0_i32, %c0_i32_0 : i32, i32
  }
  func.func @transform_5(%arg0: i32) -> (i32, i32) {
    %c0_i32 = arith.constant 0 : i32
    %c0_i32_0 = arith.constant 0 : i32
    return %arg0, %c0_i32 : i32, i32
  }
}

module attributes {stable_mosaic.version = 14 : i64} {
  func.func @body(%arg0: i32, %arg1: memref<2000x128xf32, #tpu.memory_space<vmem>>, %arg2: memref<1x128xf32, #tpu.memory_space<vmem>>, %arg3: memref<1x128xf32, #tpu.memory_space<vmem>>, %arg4: memref<128x128xf32, #tpu.memory_space<vmem>>, %arg5: memref<1x128xf32, #tpu.memory_space<vmem>>, %arg6: memref<2000x1xf32, #tpu.memory_space<vmem>>, %arg7: memref<2000x128xf32, #tpu.memory_space<vmem>>, %arg8: memref<2000x128xf32, #tpu.memory_space<vmem>>) attributes {dimension_semantics = [#tpu.dimension_semantics<arbitrary>], iteration_bounds = array<i64: 5>, scalar_prefetch = 0 : i64, scratch_operands = 0 : i64, tpu.core_type = #tpu.core_type<tc>, window_params = [{transform_indices = @transform_0, window_bounds = array<i64: 2000, 128>}, {pipeline_mode = #tpu.pipeline_mode<synchronous>, transform_indices = @transform_1, window_bounds = array<i64: 1, 128>}, {pipeline_mode = #tpu.pipeline_mode<synchronous>, transform_indices = @transform_2, window_bounds = array<i64: 1, 128>}, {pipeline_mode = #tpu.pipeline_mode<synchronous>, transform_indices = @transform_3, window_bounds = array<i64: 128, 128>}, {pipeline_mode = #tpu.pipeline_mode<synchronous>, transform_indices = @transform_4, window_bounds = array<i64: 1, 128>}, {transform_indices = @transform_5, window_bounds = array<i64: 2000, 1>}, {transform_indices = @transform_6, window_bounds = array<i64: 2000, 128>}, {transform_indices = @transform_7, window_bounds = array<i64: 2000, 128>}]} {
    %get3A = arith.constant 0 : index
    %get3A_0 = arith.constant 0 : index
    %get3A_1 = vector.load %arg1[%get3A, %get3A_0] : memref<2000x128xf32, #tpu.memory_space<vmem>>, vector<2000x128xf32>
    %get3A_2 = arith.constant 0 : index
    %get3A_3 = arith.constant 0 : index
    %get3A_4 = vector.load %arg2[%get3A_2, %get3A_3] : memref<1x128xf32, #tpu.memory_space<vmem>>, vector<1x128xf32>
    %get3A_5 = arith.constant 0 : index
    %get3A_6 = arith.constant 0 : index
    %get3A_7 = vector.load %arg3[%get3A_5, %get3A_6] : memref<1x128xf32, #tpu.memory_space<vmem>>, vector<1x128xf32>
    %reduce_sum3A = arith.constant dense<0.000000e+00> : vector<2000xf32>
    %reduce_sum3A_8 = vector.multi_reduction <add>, %get3A_1, %reduce_sum3A [1] : vector<2000x128xf32> to vector<2000xf32>
    %broadcast_in_dim3A = vector.shape_cast %reduce_sum3A_8 : vector<2000xf32> to vector<2000x1xf32>
    %div3A = arith.constant 1.280000e+02 : f32
    %div3A_9 = vector.broadcast %div3A : f32 to vector<2000x1xf32>
    %div3A_10 = arith.divf %broadcast_in_dim3A, %div3A_9 : vector<2000x1xf32>
    %sub3A = vector.broadcast %div3A_10 : vector<2000x1xf32> to vector<2000x128xf32>
    %sub3A_11 = arith.subf %get3A_1, %sub3A : vector<2000x128xf32>
    %integer_pow3A = arith.mulf %sub3A_11, %sub3A_11 : vector<2000x128xf32>
    %reduce_sum3A_12 = arith.constant dense<0.000000e+00> : vector<2000xf32>
    %reduce_sum3A_13 = vector.multi_reduction <add>, %integer_pow3A, %reduce_sum3A_12 [1] : vector<2000x128xf32> to vector<2000xf32>
    %broadcast_in_dim3A_14 = vector.shape_cast %reduce_sum3A_13 : vector<2000xf32> to vector<2000x1xf32>
    %div3A_15 = arith.constant 1.280000e+02 : f32
    %div3A_16 = vector.broadcast %div3A_15 : f32 to vector<2000x1xf32>
    %div3A_17 = arith.divf %broadcast_in_dim3A_14, %div3A_16 : vector<2000x1xf32>
    %sub3A_18 = vector.broadcast %div3A_10 : vector<2000x1xf32> to vector<2000x128xf32>
    %sub3A_19 = arith.subf %get3A_1, %sub3A_18 : vector<2000x128xf32>
    %add3A = arith.constant 9.99999997E-7 : f32
    %add3A_20 = vector.broadcast %add3A : f32 to vector<2000x1xf32>
    %add3A_21 = arith.addf %div3A_17, %add3A_20 : vector<2000x1xf32>
    %rsqrt3A = math.rsqrt %add3A_21 : vector<2000x1xf32>
    %mul3A = vector.broadcast %rsqrt3A : vector<2000x1xf32> to vector<2000x128xf32>
    %mul3A_22 = arith.mulf %sub3A_19, %mul3A : vector<2000x128xf32>
    %mul3A_23 = vector.broadcast %get3A_4 : vector<1x128xf32> to vector<2000x128xf32>
    %mul3A_24 = arith.mulf %mul3A_22, %mul3A_23 : vector<2000x128xf32>
    %add3A_25 = vector.broadcast %get3A_7 : vector<1x128xf32> to vector<2000x128xf32>
    %add3A_26 = arith.addf %mul3A_24, %add3A_25 : vector<2000x128xf32>
    %max3A = arith.constant 0.000000e+00 : f32
    %max3A_27 = vector.broadcast %max3A : f32 to vector<2000x128xf32>
    %max3A_28 = arith.maximumf %add3A_26, %max3A_27 : vector<2000x128xf32>
    %swap3A = arith.constant 0 : index
    %swap3A_29 = arith.constant 0 : index
    %swap3A_30 = vector.load %arg7[%swap3A, %swap3A_29] : memref<2000x128xf32, #tpu.memory_space<vmem>>, vector<2000x128xf32>
    tpu.vector_store %arg7[%swap3A, %swap3A_29], %max3A_28 {strides = array<i32>} : memref<2000x128xf32, #tpu.memory_space<vmem>>, vector<2000x128xf32>,
    %get3A_31 = arith.constant 0 : index
    %get3A_32 = arith.constant 0 : index
    %get3A_33 = vector.load %arg4[%get3A_31, %get3A_32] : memref<128x128xf32, #tpu.memory_space<vmem>>, vector<128x128xf32>
    %dot_general3A = arith.constant dense<0.000000e+00> : vector<2000x128xf32>
    %dot_general3A_34 = tpu.matmul %max3A_28, %get3A_33, %dot_general3A {dimension_numbers = #tpu.dot_dimension_numbers<[1], [0], [0], [1], [0, 0, 1, 1], [], []>, precision = #tpu.contract_precision<fp32>, transpose_lhs_hint = false} : vector<2000x128xf32>, vector<128x128xf32>, vector<2000x128xf32> -> vector<2000x128xf32>
    %get3A_35 = arith.constant 0 : index
    %get3A_36 = arith.constant 0 : index
    %get3A_37 = vector.load %arg5[%get3A_35, %get3A_36] : memref<1x128xf32, #tpu.memory_space<vmem>>, vector<1x128xf32>
    %add3A_38 = vector.broadcast %get3A_37 : vector<1x128xf32> to vector<2000x128xf32>
    %add3A_39 = arith.addf %dot_general3A_34, %add3A_38 : vector<2000x128xf32>
    %get3A_40 = arith.constant 0 : index
    %get3A_41 = arith.constant 0 : index
    %get3A_42 = vector.load %arg6[%get3A_40, %get3A_41] : memref<2000x1xf32, #tpu.memory_space<vmem>>, vector<2000x1xf32>
    %mul3A_43 = vector.broadcast %get3A_42 : vector<2000x1xf32> to vector<2000x128xf32>
    %mul3A_44 = arith.mulf %add3A_39, %mul3A_43 : vector<2000x128xf32>
    %swap3A_45 = arith.constant 0 : index
    %swap3A_46 = arith.constant 0 : index
    %swap3A_47 = vector.load %arg8[%swap3A_45, %swap3A_46] : memref<2000x128xf32, #tpu.memory_space<vmem>>, vector<2000x128xf32>
    tpu.vector_store %arg8[%swap3A_45, %swap3A_46], %mul3A_44 {strides = array<i32>} : memref<2000x128xf32, #tpu.memory_space<vmem>>, vector<2000x128xf32>,
    return
  }
  func.func @transform_0(%arg0: i32) -> (i32, i32) {
    %c0_i32 = arith.constant 0 : i32
    %c0_i32_0 = arith.constant 0 : i32
    return %arg0, %c0_i32 : i32, i32
  }
  func.func @transform_1(%arg0: i32) -> (i32, i32) {
    %c0_i32 = arith.constant 0 : i32
    %c0_i32_0 = arith.constant 0 : i32
    %c0_i32_1 = arith.constant 0 : i32
    return %c0_i32, %c0_i32_0 : i32, i32
  }
  func.func @transform_2(%arg0: i32) -> (i32, i32) {
    %c0_i32 = arith.constant 0 : i32
    %c0_i32_0 = arith.constant 0 : i32
    %c0_i32_1 = arith.constant 0 : i32
    return %c0_i32, %c0_i32_0 : i32, i32
  }
  func.func @transform_3(%arg0: i32) -> (i32, i32) {
    %c0_i32 = arith.constant 0 : i32
    %c0_i32_0 = arith.constant 0 : i32
    %c0_i32_1 = arith.constant 0 : i32
    return %c0_i32, %c0_i32_0 : i32, i32
  }
  func.func @transform_4(%arg0: i32) -> (i32, i32) {
    %c0_i32 = arith.constant 0 : i32
    %c0_i32_0 = arith.constant 0 : i32
    %c0_i32_1 = arith.constant 0 : i32
    return %c0_i32, %c0_i32_0 : i32, i32
  }
  func.func @transform_5(%arg0: i32) -> (i32, i32) {
    %c0_i32 = arith.constant 0 : i32
    %c0_i32_0 = arith.constant 0 : i32
    return %arg0, %c0_i32 : i32, i32
  }
  func.func @transform_6(%arg0: i32) -> (i32, i32) {
    %c0_i32 = arith.constant 0 : i32
    %c0_i32_0 = arith.constant 0 : i32
    return %arg0, %c0_i32 : i32, i32
  }
  func.func @transform_7(%arg0: i32) -> (i32, i32) {
    %c0_i32 = arith.constant 0 : i32
    %c0_i32_0 = arith.constant 0 : i32
    return %arg0, %c0_i32 : i32, i32
  }
}

module attributes {stable_mosaic.version = 14 : i64} {
  func.func @body(%arg0: i32, %arg1: memref<2048x16xf32, #tpu.memory_space<vmem>>, %arg2: memref<2048x1xf32, #tpu.memory_space<vmem>>, %arg3: memref<16x128xf32, #tpu.memory_space<vmem>>, %arg4: memref<1x128xf32, #tpu.memory_space<vmem>>, %arg5: memref<1x128xf32, #tpu.memory_space<vmem>>, %arg6: memref<1x128xf32, #tpu.memory_space<vmem>>, %arg7: memref<2048x128xf32, #tpu.memory_space<vmem>>) attributes {dimension_semantics = [#tpu.dimension_semantics<arbitrary>], iteration_bounds = array<i64: 160>, scalar_prefetch = 0 : i64, scratch_operands = 0 : i64, tpu.core_type = #tpu.core_type<tc>, window_params = [{transform_indices = @transform_0, window_bounds = array<i64: 2048, 16>}, {transform_indices = @transform_1, window_bounds = array<i64: 2048, 1>}, {pipeline_mode = #tpu.pipeline_mode<synchronous>, transform_indices = @transform_2, window_bounds = array<i64: 16, 128>}, {pipeline_mode = #tpu.pipeline_mode<synchronous>, transform_indices = @transform_3, window_bounds = array<i64: 1, 128>}, {pipeline_mode = #tpu.pipeline_mode<synchronous>, transform_indices = @transform_4, window_bounds = array<i64: 1, 128>}, {pipeline_mode = #tpu.pipeline_mode<synchronous>, transform_indices = @transform_5, window_bounds = array<i64: 1, 128>}, {transform_indices = @transform_6, window_bounds = array<i64: 2048, 128>}]} {
    %get3A = arith.constant 0 : index
    %get3A_0 = arith.constant 0 : index
    %get3A_1 = vector.load %arg1[%get3A, %get3A_0] : memref<2048x16xf32, #tpu.memory_space<vmem>>, vector<2048x16xf32>
    %get3A_2 = arith.constant 0 : index
    %get3A_3 = arith.constant 0 : index
    %get3A_4 = vector.load %arg3[%get3A_2, %get3A_3] : memref<16x128xf32, #tpu.memory_space<vmem>>, vector<16x128xf32>
    %dot_general3A = arith.constant dense<0.000000e+00> : vector<2048x128xf32>
    %dot_general3A_5 = tpu.matmul %get3A_1, %get3A_4, %dot_general3A {dimension_numbers = #tpu.dot_dimension_numbers<[1], [0], [0], [1], [0, 0, 1, 1], [], []>, precision = #tpu.contract_precision<fp32>, transpose_lhs_hint = false} : vector<2048x16xf32>, vector<16x128xf32>, vector<2048x128xf32> -> vector<2048x128xf32>
    %get3A_6 = arith.constant 0 : index
    %get3A_7 = arith.constant 0 : index
    %get3A_8 = vector.load %arg4[%get3A_6, %get3A_7] : memref<1x128xf32, #tpu.memory_space<vmem>>, vector<1x128xf32>
    %add3A = vector.broadcast %get3A_8 : vector<1x128xf32> to vector<2048x128xf32>
    %add3A_9 = arith.addf %dot_general3A_5, %add3A : vector<2048x128xf32>
    %get3A_10 = arith.constant 0 : index
    %get3A_11 = arith.constant 0 : index
    %get3A_12 = vector.load %arg5[%get3A_10, %get3A_11] : memref<1x128xf32, #tpu.memory_space<vmem>>, vector<1x128xf32>
    %get3A_13 = arith.constant 0 : index
    %get3A_14 = arith.constant 0 : index
    %get3A_15 = vector.load %arg6[%get3A_13, %get3A_14] : memref<1x128xf32, #tpu.memory_space<vmem>>, vector<1x128xf32>
    %reduce_sum3A = arith.constant dense<0.000000e+00> : vector<2048xf32>
    %reduce_sum3A_16 = vector.multi_reduction <add>, %add3A_9, %reduce_sum3A [1] : vector<2048x128xf32> to vector<2048xf32>
    %broadcast_in_dim3A = vector.shape_cast %reduce_sum3A_16 : vector<2048xf32> to vector<2048x1xf32>
    %div3A = arith.constant 1.280000e+02 : f32
    %div3A_17 = vector.broadcast %div3A : f32 to vector<2048x1xf32>
    %div3A_18 = arith.divf %broadcast_in_dim3A, %div3A_17 : vector<2048x1xf32>
    %sub3A = vector.broadcast %div3A_18 : vector<2048x1xf32> to vector<2048x128xf32>
    %sub3A_19 = arith.subf %add3A_9, %sub3A : vector<2048x128xf32>
    %integer_pow3A = arith.mulf %sub3A_19, %sub3A_19 : vector<2048x128xf32>
    %reduce_sum3A_20 = arith.constant dense<0.000000e+00> : vector<2048xf32>
    %reduce_sum3A_21 = vector.multi_reduction <add>, %integer_pow3A, %reduce_sum3A_20 [1] : vector<2048x128xf32> to vector<2048xf32>
    %broadcast_in_dim3A_22 = vector.shape_cast %reduce_sum3A_21 : vector<2048xf32> to vector<2048x1xf32>
    %div3A_23 = arith.constant 1.280000e+02 : f32
    %div3A_24 = vector.broadcast %div3A_23 : f32 to vector<2048x1xf32>
    %div3A_25 = arith.divf %broadcast_in_dim3A_22, %div3A_24 : vector<2048x1xf32>
    %sub3A_26 = vector.broadcast %div3A_18 : vector<2048x1xf32> to vector<2048x128xf32>
    %sub3A_27 = arith.subf %add3A_9, %sub3A_26 : vector<2048x128xf32>
    %add3A_28 = arith.constant 9.99999997E-7 : f32
    %add3A_29 = vector.broadcast %add3A_28 : f32 to vector<2048x1xf32>
    %add3A_30 = arith.addf %div3A_25, %add3A_29 : vector<2048x1xf32>
    %rsqrt3A = math.rsqrt %add3A_30 : vector<2048x1xf32>
    %mul3A = vector.broadcast %rsqrt3A : vector<2048x1xf32> to vector<2048x128xf32>
    %mul3A_31 = arith.mulf %sub3A_27, %mul3A : vector<2048x128xf32>
    %mul3A_32 = vector.broadcast %get3A_12 : vector<1x128xf32> to vector<2048x128xf32>
    %mul3A_33 = arith.mulf %mul3A_31, %mul3A_32 : vector<2048x128xf32>
    %add3A_34 = vector.broadcast %get3A_15 : vector<1x128xf32> to vector<2048x128xf32>
    %add3A_35 = arith.addf %mul3A_33, %add3A_34 : vector<2048x128xf32>
    %max3A = arith.constant 0.000000e+00 : f32
    %max3A_36 = vector.broadcast %max3A : f32 to vector<2048x128xf32>
    %max3A_37 = arith.maximumf %add3A_35, %max3A_36 : vector<2048x128xf32>
    %get3A_38 = arith.constant 0 : index
    %get3A_39 = arith.constant 0 : index
    %get3A_40 = vector.load %arg2[%get3A_38, %get3A_39] : memref<2048x1xf32, #tpu.memory_space<vmem>>, vector<2048x1xf32>
    %mul3A_41 = vector.broadcast %get3A_40 : vector<2048x1xf32> to vector<2048x128xf32>
    %mul3A_42 = arith.mulf %max3A_37, %mul3A_41 : vector<2048x128xf32>
    %swap3A = arith.constant 0 : index
    %swap3A_43 = arith.constant 0 : index
    %swap3A_44 = vector.load %arg7[%swap3A, %swap3A_43] : memref<2048x128xf32, #tpu.memory_space<vmem>>, vector<2048x128xf32>
    tpu.vector_store %arg7[%swap3A, %swap3A_43], %mul3A_42 {strides = array<i32>} : memref<2048x128xf32, #tpu.memory_space<vmem>>, vector<2048x128xf32>,
    return
  }
  func.func @transform_0(%arg0: i32) -> (i32, i32) {
    %c0_i32 = arith.constant 0 : i32
    %c0_i32_0 = arith.constant 0 : i32
    return %arg0, %c0_i32 : i32, i32
  }
  func.func @transform_1(%arg0: i32) -> (i32, i32) {
    %c0_i32 = arith.constant 0 : i32
    %c0_i32_0 = arith.constant 0 : i32
    return %arg0, %c0_i32 : i32, i32
  }
  func.func @transform_2(%arg0: i32) -> (i32, i32) {
    %c0_i32 = arith.constant 0 : i32
    %c0_i32_0 = arith.constant 0 : i32
    %c0_i32_1 = arith.constant 0 : i32
    return %c0_i32, %c0_i32_0 : i32, i32
  }
  func.func @transform_3(%arg0: i32) -> (i32, i32) {
    %c0_i32 = arith.constant 0 : i32
    %c0_i32_0 = arith.constant 0 : i32
    %c0_i32_1 = arith.constant 0 : i32
    return %c0_i32, %c0_i32_0 : i32, i32
  }
  func.func @transform_4(%arg0: i32) -> (i32, i32) {
    %c0_i32 = arith.constant 0 : i32
    %c0_i32_0 = arith.constant 0 : i32
    %c0_i32_1 = arith.constant 0 : i32
    return %c0_i32, %c0_i32_0 : i32, i32
  }
  func.func @transform_5(%arg0: i32) -> (i32, i32) {
    %c0_i32 = arith.constant 0 : i32
    %c0_i32_0 = arith.constant 0 : i32
    %c0_i32_1 = arith.constant 0 : i32
    return %c0_i32, %c0_i32_0 : i32, i32
  }
  func.func @transform_6(%arg0: i32) -> (i32, i32) {
    %c0_i32 = arith.constant 0 : i32
    %c0_i32_0 = arith.constant 0 : i32
    return %arg0, %c0_i32 : i32, i32
  }
}

module attributes {stable_mosaic.version = 14 : i64} {
  func.func @body(%arg0: i32, %arg1: memref<2000x128xf32, #tpu.memory_space<vmem>>, %arg2: memref<2000x128xf32, #tpu.memory_space<vmem>>, %arg3: memref<2000x128xf32, #tpu.memory_space<vmem>>, %arg4: memref<2000x128xf32, #tpu.memory_space<vmem>>, %arg5: memref<2000x128xf32, #tpu.memory_space<vmem>>, %arg6: memref<2000x1xf32, #tpu.memory_space<vmem>>, %arg7: memref<1x128xf32, #tpu.memory_space<vmem>>, %arg8: memref<1x128xf32, #tpu.memory_space<vmem>>, %arg9: memref<128x128xf32, #tpu.memory_space<vmem>>, %arg10: memref<1x128xf32, #tpu.memory_space<vmem>>, %arg11: memref<2000x1xf32, #tpu.memory_space<vmem>>, %arg12: memref<2000x128xf32, #tpu.memory_space<vmem>>, %arg13: memref<2000x128xf32, #tpu.memory_space<vmem>>) attributes {dimension_semantics = [#tpu.dimension_semantics<arbitrary>], iteration_bounds = array<i64: 5>, scalar_prefetch = 0 : i64, scratch_operands = 0 : i64, tpu.core_type = #tpu.core_type<tc>, window_params = [{transform_indices = @transform_0, window_bounds = array<i64: 2000, 128>}, {transform_indices = @transform_1, window_bounds = array<i64: 2000, 128>}, {transform_indices = @transform_2, window_bounds = array<i64: 2000, 128>}, {transform_indices = @transform_3, window_bounds = array<i64: 2000, 128>}, {transform_indices = @transform_4, window_bounds = array<i64: 2000, 128>}, {transform_indices = @transform_5, window_bounds = array<i64: 2000, 1>}, {pipeline_mode = #tpu.pipeline_mode<synchronous>, transform_indices = @transform_6, window_bounds = array<i64: 1, 128>}, {pipeline_mode = #tpu.pipeline_mode<synchronous>, transform_indices = @transform_7, window_bounds = array<i64: 1, 128>}, {pipeline_mode = #tpu.pipeline_mode<synchronous>, transform_indices = @transform_8, window_bounds = array<i64: 128, 128>}, {pipeline_mode = #tpu.pipeline_mode<synchronous>, transform_indices = @transform_9, window_bounds = array<i64: 1, 128>}, {transform_indices = @transform_10, window_bounds = array<i64: 2000, 1>}, {transform_indices = @transform_11, window_bounds = array<i64: 2000, 128>}, {transform_indices = @transform_12, window_bounds = array<i64: 2000, 128>}]} {
    %get3A = arith.constant 0 : index
    %get3A_0 = arith.constant 0 : index
    %get3A_1 = vector.load %arg1[%get3A, %get3A_0] : memref<2000x128xf32, #tpu.memory_space<vmem>>, vector<2000x128xf32>
    %get3A_2 = arith.constant 0 : index
    %get3A_3 = arith.constant 0 : index
    %get3A_4 = vector.load %arg6[%get3A_2, %get3A_3] : memref<2000x1xf32, #tpu.memory_space<vmem>>, vector<2000x1xf32>
    %get3A_5 = arith.constant 0 : index
    %get3A_6 = arith.constant 0 : index
    %get3A_7 = vector.load %arg2[%get3A_5, %get3A_6] : memref<2000x128xf32, #tpu.memory_space<vmem>>, vector<2000x128xf32>
    %get3A_8 = arith.constant 0 : index
    %get3A_9 = arith.constant 0 : index
    %get3A_10 = vector.load %arg3[%get3A_8, %get3A_9] : memref<2000x128xf32, #tpu.memory_space<vmem>>, vector<2000x128xf32>
    %add3A = arith.addf %get3A_7, %get3A_10 : vector<2000x128xf32>
    %get3A_11 = arith.constant 0 : index
    %get3A_12 = arith.constant 0 : index
    %get3A_13 = vector.load %arg4[%get3A_11, %get3A_12] : memref<2000x128xf32, #tpu.memory_space<vmem>>, vector<2000x128xf32>
    %add3A_14 = arith.addf %add3A, %get3A_13 : vector<2000x128xf32>
    %get3A_15 = arith.constant 0 : index
    %get3A_16 = arith.constant 0 : index
    %get3A_17 = vector.load %arg5[%get3A_15, %get3A_16] : memref<2000x128xf32, #tpu.memory_space<vmem>>, vector<2000x128xf32>
    %add3A_18 = arith.addf %add3A_14, %get3A_17 : vector<2000x128xf32>
    %mul3A = vector.broadcast %get3A_4 : vector<2000x1xf32> to vector<2000x128xf32>
    %mul3A_19 = arith.mulf %mul3A, %add3A_18 : vector<2000x128xf32>
    %add3A_20 = arith.addf %get3A_1, %mul3A_19 : vector<2000x128xf32>
    %get3A_21 = arith.constant 0 : index
    %get3A_22 = arith.constant 0 : index
    %get3A_23 = vector.load %arg7[%get3A_21, %get3A_22] : memref<1x128xf32, #tpu.memory_space<vmem>>, vector<1x128xf32>
    %get3A_24 = arith.constant 0 : index
    %get3A_25 = arith.constant 0 : index
    %get3A_26 = vector.load %arg8[%get3A_24, %get3A_25] : memref<1x128xf32, #tpu.memory_space<vmem>>, vector<1x128xf32>
    %reduce_sum3A = arith.constant dense<0.000000e+00> : vector<2000xf32>
    %reduce_sum3A_27 = vector.multi_reduction <add>, %add3A_20, %reduce_sum3A [1] : vector<2000x128xf32> to vector<2000xf32>
    %broadcast_in_dim3A = vector.shape_cast %reduce_sum3A_27 : vector<2000xf32> to vector<2000x1xf32>
    %div3A = arith.constant 1.280000e+02 : f32
    %div3A_28 = vector.broadcast %div3A : f32 to vector<2000x1xf32>
    %div3A_29 = arith.divf %broadcast_in_dim3A, %div3A_28 : vector<2000x1xf32>
    %sub3A = vector.broadcast %div3A_29 : vector<2000x1xf32> to vector<2000x128xf32>
    %sub3A_30 = arith.subf %add3A_20, %sub3A : vector<2000x128xf32>
    %integer_pow3A = arith.mulf %sub3A_30, %sub3A_30 : vector<2000x128xf32>
    %reduce_sum3A_31 = arith.constant dense<0.000000e+00> : vector<2000xf32>
    %reduce_sum3A_32 = vector.multi_reduction <add>, %integer_pow3A, %reduce_sum3A_31 [1] : vector<2000x128xf32> to vector<2000xf32>
    %broadcast_in_dim3A_33 = vector.shape_cast %reduce_sum3A_32 : vector<2000xf32> to vector<2000x1xf32>
    %div3A_34 = arith.constant 1.280000e+02 : f32
    %div3A_35 = vector.broadcast %div3A_34 : f32 to vector<2000x1xf32>
    %div3A_36 = arith.divf %broadcast_in_dim3A_33, %div3A_35 : vector<2000x1xf32>
    %sub3A_37 = vector.broadcast %div3A_29 : vector<2000x1xf32> to vector<2000x128xf32>
    %sub3A_38 = arith.subf %add3A_20, %sub3A_37 : vector<2000x128xf32>
    %add3A_39 = arith.constant 9.99999997E-7 : f32
    %add3A_40 = vector.broadcast %add3A_39 : f32 to vector<2000x1xf32>
    %add3A_41 = arith.addf %div3A_36, %add3A_40 : vector<2000x1xf32>
    %rsqrt3A = math.rsqrt %add3A_41 : vector<2000x1xf32>
    %mul3A_42 = vector.broadcast %rsqrt3A : vector<2000x1xf32> to vector<2000x128xf32>
    %mul3A_43 = arith.mulf %sub3A_38, %mul3A_42 : vector<2000x128xf32>
    %mul3A_44 = vector.broadcast %get3A_23 : vector<1x128xf32> to vector<2000x128xf32>
    %mul3A_45 = arith.mulf %mul3A_43, %mul3A_44 : vector<2000x128xf32>
    %add3A_46 = vector.broadcast %get3A_26 : vector<1x128xf32> to vector<2000x128xf32>
    %add3A_47 = arith.addf %mul3A_45, %add3A_46 : vector<2000x128xf32>
    %max3A = arith.constant 0.000000e+00 : f32
    %max3A_48 = vector.broadcast %max3A : f32 to vector<2000x128xf32>
    %max3A_49 = arith.maximumf %add3A_47, %max3A_48 : vector<2000x128xf32>
    %swap3A = arith.constant 0 : index
    %swap3A_50 = arith.constant 0 : index
    %swap3A_51 = vector.load %arg12[%swap3A, %swap3A_50] : memref<2000x128xf32, #tpu.memory_space<vmem>>, vector<2000x128xf32>
    tpu.vector_store %arg12[%swap3A, %swap3A_50], %max3A_49 {strides = array<i32>} : memref<2000x128xf32, #tpu.memory_space<vmem>>, vector<2000x128xf32>,
    %get3A_52 = arith.constant 0 : index
    %get3A_53 = arith.constant 0 : index
    %get3A_54 = vector.load %arg9[%get3A_52, %get3A_53] : memref<128x128xf32, #tpu.memory_space<vmem>>, vector<128x128xf32>
    %dot_general3A = arith.constant dense<0.000000e+00> : vector<2000x128xf32>
    %dot_general3A_55 = tpu.matmul %max3A_49, %get3A_54, %dot_general3A {dimension_numbers = #tpu.dot_dimension_numbers<[1], [0], [0], [1], [0, 0, 1, 1], [], []>, precision = #tpu.contract_precision<fp32>, transpose_lhs_hint = false} : vector<2000x128xf32>, vector<128x128xf32>, vector<2000x128xf32> -> vector<2000x128xf32>
    %get3A_56 = arith.constant 0 : index
    %get3A_57 = arith.constant 0 : index
    %get3A_58 = vector.load %arg10[%get3A_56, %get3A_57] : memref<1x128xf32, #tpu.memory_space<vmem>>, vector<1x128xf32>
    %add3A_59 = vector.broadcast %get3A_58 : vector<1x128xf32> to vector<2000x128xf32>
    %add3A_60 = arith.addf %dot_general3A_55, %add3A_59 : vector<2000x128xf32>
    %get3A_61 = arith.constant 0 : index
    %get3A_62 = arith.constant 0 : index
    %get3A_63 = vector.load %arg11[%get3A_61, %get3A_62] : memref<2000x1xf32, #tpu.memory_space<vmem>>, vector<2000x1xf32>
    %mul3A_64 = vector.broadcast %get3A_63 : vector<2000x1xf32> to vector<2000x128xf32>
    %mul3A_65 = arith.mulf %add3A_60, %mul3A_64 : vector<2000x128xf32>
    %swap3A_66 = arith.constant 0 : index
    %swap3A_67 = arith.constant 0 : index
    %swap3A_68 = vector.load %arg13[%swap3A_66, %swap3A_67] : memref<2000x128xf32, #tpu.memory_space<vmem>>, vector<2000x128xf32>
    tpu.vector_store %arg13[%swap3A_66, %swap3A_67], %mul3A_65 {strides = array<i32>} : memref<2000x128xf32, #tpu.memory_space<vmem>>, vector<2000x128xf32>,
    return
  }
  func.func @transform_0(%arg0: i32) -> (i32, i32) {
    %c0_i32 = arith.constant 0 : i32
    %c0_i32_0 = arith.constant 0 : i32
    return %arg0, %c0_i32 : i32, i32
  }
  func.func @transform_1(%arg0: i32) -> (i32, i32) {
    %c0_i32 = arith.constant 0 : i32
    %c0_i32_0 = arith.constant 0 : i32
    return %arg0, %c0_i32 : i32, i32
  }
  func.func @transform_2(%arg0: i32) -> (i32, i32) {
    %c0_i32 = arith.constant 0 : i32
    %c0_i32_0 = arith.constant 0 : i32
    return %arg0, %c0_i32 : i32, i32
  }
  func.func @transform_3(%arg0: i32) -> (i32, i32) {
    %c0_i32 = arith.constant 0 : i32
    %c0_i32_0 = arith.constant 0 : i32
    return %arg0, %c0_i32 : i32, i32
  }
  func.func @transform_4(%arg0: i32) -> (i32, i32) {
    %c0_i32 = arith.constant 0 : i32
    %c0_i32_0 = arith.constant 0 : i32
    return %arg0, %c0_i32 : i32, i32
  }
  func.func @transform_5(%arg0: i32) -> (i32, i32) {
    %c0_i32 = arith.constant 0 : i32
    %c0_i32_0 = arith.constant 0 : i32
    return %arg0, %c0_i32 : i32, i32
  }
  func.func @transform_6(%arg0: i32) -> (i32, i32) {
    %c0_i32 = arith.constant 0 : i32
    %c0_i32_0 = arith.constant 0 : i32
    %c0_i32_1 = arith.constant 0 : i32
    return %c0_i32, %c0_i32_0 : i32, i32
  }
  func.func @transform_7(%arg0: i32) -> (i32, i32) {
    %c0_i32 = arith.constant 0 : i32
    %c0_i32_0 = arith.constant 0 : i32
    %c0_i32_1 = arith.constant 0 : i32
    return %c0_i32, %c0_i32_0 : i32, i32
  }
  func.func @transform_8(%arg0: i32) -> (i32, i32) {
    %c0_i32 = arith.constant 0 : i32
    %c0_i32_0 = arith.constant 0 : i32
    %c0_i32_1 = arith.constant 0 : i32
    return %c0_i32, %c0_i32_0 : i32, i32
  }
  func.func @transform_9(%arg0: i32) -> (i32, i32) {
    %c0_i32 = arith.constant 0 : i32
    %c0_i32_0 = arith.constant 0 : i32
    %c0_i32_1 = arith.constant 0 : i32
    return %c0_i32, %c0_i32_0 : i32, i32
  }
  func.func @transform_10(%arg0: i32) -> (i32, i32) {
    %c0_i32 = arith.constant 0 : i32
    %c0_i32_0 = arith.constant 0 : i32
    return %arg0, %c0_i32 : i32, i32
  }
  func.func @transform_11(%arg0: i32) -> (i32, i32) {
    %c0_i32 = arith.constant 0 : i32
    %c0_i32_0 = arith.constant 0 : i32
    return %arg0, %c0_i32 : i32, i32
  }
  func.func @transform_12(%arg0: i32) -> (i32, i32) {
    %c0_i32 = arith.constant 0 : i32
    %c0_i32_0 = arith.constant 0 : i32
    return %arg0, %c0_i32 : i32, i32
  }
}

module attributes {stable_mosaic.version = 14 : i64} {
  func.func @body(%arg0: i32, %arg1: memref<1xi32, #tpu.memory_space<smem>>, %arg2: memref<2000x128xf32, #tpu.memory_space<vmem>>, %arg3: memref<2000x128xf32, #tpu.memory_space<vmem>>, %arg4: memref<2000x128xf32, #tpu.memory_space<vmem>>, %arg5: memref<2000x128xf32, #tpu.memory_space<vmem>>, %arg6: memref<2000x128xf32, #tpu.memory_space<vmem>>, %arg7: memref<2000x1xf32, #tpu.memory_space<vmem>>, %arg8: memref<1x128xf32, #tpu.memory_space<vmem>>, %arg9: memref<1x128xf32, #tpu.memory_space<vmem>>, %arg10: memref<128x128xf32, #tpu.memory_space<vmem>>, %arg11: memref<1x128xf32, #tpu.memory_space<vmem>>, %arg12: memref<128x128xf32, #tpu.memory_space<vmem>>, %arg13: memref<1x128xf32, #tpu.memory_space<vmem>>, %arg14: memref<2000x128xf32, #tpu.memory_space<vmem>>, %arg15: memref<2000x128xf32, #tpu.memory_space<vmem>>, %arg16: memref<1x128xf32, #tpu.memory_space<vmem>>) attributes {dimension_semantics = [#tpu.dimension_semantics<arbitrary>], iteration_bounds = array<i64: 5>, scalar_prefetch = 0 : i64, scratch_operands = 0 : i64, tpu.core_type = #tpu.core_type<tc>, window_params = [{transform_indices = @transform_0, window_bounds = array<i64: 1>}, {transform_indices = @transform_1, window_bounds = array<i64: 2000, 128>}, {transform_indices = @transform_2, window_bounds = array<i64: 2000, 128>}, {transform_indices = @transform_3, window_bounds = array<i64: 2000, 128>}, {transform_indices = @transform_4, window_bounds = array<i64: 2000, 128>}, {transform_indices = @transform_5, window_bounds = array<i64: 2000, 128>}, {transform_indices = @transform_6, window_bounds = array<i64: 2000, 1>}, {pipeline_mode = #tpu.pipeline_mode<synchronous>, transform_indices = @transform_7, window_bounds = array<i64: 1, 128>}, {pipeline_mode = #tpu.pipeline_mode<synchronous>, transform_indices = @transform_8, window_bounds = array<i64: 1, 128>}, {pipeline_mode = #tpu.pipeline_mode<synchronous>, transform_indices = @transform_9, window_bounds = array<i64: 128, 128>}, {pipeline_mode = #tpu.pipeline_mode<synchronous>, transform_indices = @transform_10, window_bounds = array<i64: 1, 128>}, {pipeline_mode = #tpu.pipeline_mode<synchronous>, transform_indices = @transform_11, window_bounds = array<i64: 128, 128>}, {pipeline_mode = #tpu.pipeline_mode<synchronous>, transform_indices = @transform_12, window_bounds = array<i64: 1, 128>}, {transform_indices = @transform_13, window_bounds = array<i64: 2000, 128>}, {transform_indices = @transform_14, window_bounds = array<i64: 2000, 128>}, {pipeline_mode = #tpu.pipeline_mode<synchronous>, transform_indices = @transform_15, window_bounds = array<i64: 1, 128>}]} {
    %get3A = arith.constant 0 : index
    %get3A_0 = arith.constant 0 : index
    %get3A_1 = vector.load %arg2[%get3A, %get3A_0] : memref<2000x128xf32, #tpu.memory_space<vmem>>, vector<2000x128xf32>
    %get3A_2 = arith.constant 0 : index
    %get3A_3 = arith.constant 0 : index
    %get3A_4 = vector.load %arg7[%get3A_2, %get3A_3] : memref<2000x1xf32, #tpu.memory_space<vmem>>, vector<2000x1xf32>
    %get3A_5 = arith.constant 0 : index
    %get3A_6 = arith.constant 0 : index
    %get3A_7 = vector.load %arg3[%get3A_5, %get3A_6] : memref<2000x128xf32, #tpu.memory_space<vmem>>, vector<2000x128xf32>
    %get3A_8 = arith.constant 0 : index
    %get3A_9 = arith.constant 0 : index
    %get3A_10 = vector.load %arg4[%get3A_8, %get3A_9] : memref<2000x128xf32, #tpu.memory_space<vmem>>, vector<2000x128xf32>
    %add3A = arith.addf %get3A_7, %get3A_10 : vector<2000x128xf32>
    %get3A_11 = arith.constant 0 : index
    %get3A_12 = arith.constant 0 : index
    %get3A_13 = vector.load %arg5[%get3A_11, %get3A_12] : memref<2000x128xf32, #tpu.memory_space<vmem>>, vector<2000x128xf32>
    %add3A_14 = arith.addf %add3A, %get3A_13 : vector<2000x128xf32>
    %get3A_15 = arith.constant 0 : index
    %get3A_16 = arith.constant 0 : index
    %get3A_17 = vector.load %arg6[%get3A_15, %get3A_16] : memref<2000x128xf32, #tpu.memory_space<vmem>>, vector<2000x128xf32>
    %add3A_18 = arith.addf %add3A_14, %get3A_17 : vector<2000x128xf32>
    %mul3A = vector.broadcast %get3A_4 : vector<2000x1xf32> to vector<2000x128xf32>
    %mul3A_19 = arith.mulf %mul3A, %add3A_18 : vector<2000x128xf32>
    %add3A_20 = arith.addf %get3A_1, %mul3A_19 : vector<2000x128xf32>
    %get3A_21 = arith.constant 0 : index
    %get3A_22 = arith.constant 0 : index
    %get3A_23 = vector.load %arg8[%get3A_21, %get3A_22] : memref<1x128xf32, #tpu.memory_space<vmem>>, vector<1x128xf32>
    %get3A_24 = arith.constant 0 : index
    %get3A_25 = arith.constant 0 : index
    %get3A_26 = vector.load %arg9[%get3A_24, %get3A_25] : memref<1x128xf32, #tpu.memory_space<vmem>>, vector<1x128xf32>
    %reduce_sum3A = arith.constant dense<0.000000e+00> : vector<2000xf32>
    %reduce_sum3A_27 = vector.multi_reduction <add>, %add3A_20, %reduce_sum3A [1] : vector<2000x128xf32> to vector<2000xf32>
    %broadcast_in_dim3A = vector.shape_cast %reduce_sum3A_27 : vector<2000xf32> to vector<2000x1xf32>
    %div3A = arith.constant 1.280000e+02 : f32
    %div3A_28 = vector.broadcast %div3A : f32 to vector<2000x1xf32>
    %div3A_29 = arith.divf %broadcast_in_dim3A, %div3A_28 : vector<2000x1xf32>
    %sub3A = vector.broadcast %div3A_29 : vector<2000x1xf32> to vector<2000x128xf32>
    %sub3A_30 = arith.subf %add3A_20, %sub3A : vector<2000x128xf32>
    %integer_pow3A = arith.mulf %sub3A_30, %sub3A_30 : vector<2000x128xf32>
    %reduce_sum3A_31 = arith.constant dense<0.000000e+00> : vector<2000xf32>
    %reduce_sum3A_32 = vector.multi_reduction <add>, %integer_pow3A, %reduce_sum3A_31 [1] : vector<2000x128xf32> to vector<2000xf32>
    %broadcast_in_dim3A_33 = vector.shape_cast %reduce_sum3A_32 : vector<2000xf32> to vector<2000x1xf32>
    %div3A_34 = arith.constant 1.280000e+02 : f32
    %div3A_35 = vector.broadcast %div3A_34 : f32 to vector<2000x1xf32>
    %div3A_36 = arith.divf %broadcast_in_dim3A_33, %div3A_35 : vector<2000x1xf32>
    %sub3A_37 = vector.broadcast %div3A_29 : vector<2000x1xf32> to vector<2000x128xf32>
    %sub3A_38 = arith.subf %add3A_20, %sub3A_37 : vector<2000x128xf32>
    %add3A_39 = arith.constant 9.99999997E-7 : f32
    %add3A_40 = vector.broadcast %add3A_39 : f32 to vector<2000x1xf32>
    %add3A_41 = arith.addf %div3A_36, %add3A_40 : vector<2000x1xf32>
    %rsqrt3A = math.rsqrt %add3A_41 : vector<2000x1xf32>
    %mul3A_42 = vector.broadcast %rsqrt3A : vector<2000x1xf32> to vector<2000x128xf32>
    %mul3A_43 = arith.mulf %sub3A_38, %mul3A_42 : vector<2000x128xf32>
    %mul3A_44 = vector.broadcast %get3A_23 : vector<1x128xf32> to vector<2000x128xf32>
    %mul3A_45 = arith.mulf %mul3A_43, %mul3A_44 : vector<2000x128xf32>
    %add3A_46 = vector.broadcast %get3A_26 : vector<1x128xf32> to vector<2000x128xf32>
    %add3A_47 = arith.addf %mul3A_45, %add3A_46 : vector<2000x128xf32>
    %get3A_48 = arith.constant 0 : index
    %get3A_49 = arith.constant 0 : index
    %get3A_50 = vector.load %arg10[%get3A_48, %get3A_49] : memref<128x128xf32, #tpu.memory_space<vmem>>, vector<128x128xf32>
    %dot_general3A = arith.constant dense<0.000000e+00> : vector<2000x128xf32>
    %dot_general3A_51 = tpu.matmul %add3A_47, %get3A_50, %dot_general3A {dimension_numbers = #tpu.dot_dimension_numbers<[1], [0], [0], [1], [0, 0, 1, 1], [], []>, precision = #tpu.contract_precision<fp32>, transpose_lhs_hint = false} : vector<2000x128xf32>, vector<128x128xf32>, vector<2000x128xf32> -> vector<2000x128xf32>
    %get3A_52 = arith.constant 0 : index
    %get3A_53 = arith.constant 0 : index
    %get3A_54 = vector.load %arg11[%get3A_52, %get3A_53] : memref<1x128xf32, #tpu.memory_space<vmem>>, vector<1x128xf32>
    %add3A_55 = vector.broadcast %get3A_54 : vector<1x128xf32> to vector<2000x128xf32>
    %add3A_56 = arith.addf %dot_general3A_51, %add3A_55 : vector<2000x128xf32>
    %swap3A = arith.constant 0 : index
    %swap3A_57 = arith.constant 0 : index
    %swap3A_58 = vector.load %arg14[%swap3A, %swap3A_57] : memref<2000x128xf32, #tpu.memory_space<vmem>>, vector<2000x128xf32>
    tpu.vector_store %arg14[%swap3A, %swap3A_57], %add3A_56 {strides = array<i32>} : memref<2000x128xf32, #tpu.memory_space<vmem>>, vector<2000x128xf32>,
    %get3A_59 = arith.constant 0 : index
    %get3A_60 = arith.constant 0 : index
    %get3A_61 = vector.load %arg12[%get3A_59, %get3A_60] : memref<128x128xf32, #tpu.memory_space<vmem>>, vector<128x128xf32>
    %dot_general3A_62 = arith.constant dense<0.000000e+00> : vector<2000x128xf32>
    %dot_general3A_63 = tpu.matmul %add3A_47, %get3A_61, %dot_general3A_62 {dimension_numbers = #tpu.dot_dimension_numbers<[1], [0], [0], [1], [0, 0, 1, 1], [], []>, precision = #tpu.contract_precision<fp32>, transpose_lhs_hint = false} : vector<2000x128xf32>, vector<128x128xf32>, vector<2000x128xf32> -> vector<2000x128xf32>
    %get3A_64 = arith.constant 0 : index
    %get3A_65 = arith.constant 0 : index
    %get3A_66 = vector.load %arg13[%get3A_64, %get3A_65] : memref<1x128xf32, #tpu.memory_space<vmem>>, vector<1x128xf32>
    %add3A_67 = vector.broadcast %get3A_66 : vector<1x128xf32> to vector<2000x128xf32>
    %add3A_68 = arith.addf %dot_general3A_63, %add3A_67 : vector<2000x128xf32>
    %swap3A_69 = arith.constant 0 : index
    %swap3A_70 = arith.constant 0 : index
    %swap3A_71 = vector.load %arg15[%swap3A_69, %swap3A_70] : memref<2000x128xf32, #tpu.memory_space<vmem>>, vector<2000x128xf32>
    tpu.vector_store %arg15[%swap3A_69, %swap3A_70], %add3A_68 {strides = array<i32>} : memref<2000x128xf32, #tpu.memory_space<vmem>>, vector<2000x128xf32>,
    %iota3A = tpu.iota {dimensions = array<i32: 0>} : vector<2000x1xi32>
    %mul3A_72 = arith.constant 2000 : i32
    %mul3A_73 = arith.muli %arg0, %mul3A_72 : i32
    %add3A_74 = vector.broadcast %mul3A_73 : i32 to vector<2000x1xi32>
    %add3A_75 = arith.addi %iota3A, %add3A_74 : vector<2000x1xi32>
    %get3A_76 = arith.constant 0 : index
    %get3A_77 = memref.load %arg1[%get3A_76] : memref<1xi32, #tpu.memory_space<smem>>
    %eq3A = vector.broadcast %get3A_77 : i32 to vector<2000x1xi32>
    %eq3A_78 = arith.cmpi eq, %add3A_75, %eq3A : vector<2000x1xi32>
    %convert_element_type3A = arith.extui %eq3A_78 : vector<2000x1xi1> to vector<2000x1xi32>
    %convert_element_type3A_79 = arith.sitofp %convert_element_type3A : vector<2000x1xi32> to vector<2000x1xf32>
    %mul3A_80 = vector.broadcast %convert_element_type3A_79 : vector<2000x1xf32> to vector<2000x128xf32>
    %mul3A_81 = arith.mulf %add3A_20, %mul3A_80 : vector<2000x128xf32>
    %reduce_sum3A_82 = arith.constant dense<0.000000e+00> : vector<128xf32>
    %reduce_sum3A_83 = vector.multi_reduction <add>, %mul3A_81, %reduce_sum3A_82 [0] : vector<2000x128xf32> to vector<128xf32>
    %broadcast_in_dim3A_84 = vector.shape_cast %reduce_sum3A_83 : vector<128xf32> to vector<1x128xf32>
    %eq3A_85 = arith.constant 0 : i32
    %eq3A_86 = arith.cmpi eq, %arg0, %eq3A_85 : i32
    %convert_element_type3A_87 = arith.extui %eq3A_86 : i1 to i32
    %cond3A = arith.constant 0 : i32
    %cond3A_88 = arith.cmpi ne, %convert_element_type3A_87, %cond3A : i32
    scf.if %cond3A_88 {
      %broadcast_in_dim3A_96 = arith.constant 0.000000e+00 : f32
      %broadcast_in_dim3A_97 = vector.broadcast %broadcast_in_dim3A_96 : f32 to vector<1x128xf32>
      %swap3A_98 = arith.constant 0 : index
      %swap3A_99 = arith.constant 0 : index
      %swap3A_100 = vector.load %arg16[%swap3A_98, %swap3A_99] : memref<1x128xf32, #tpu.memory_space<vmem>>, vector<1x128xf32>
      tpu.vector_store %arg16[%swap3A_98, %swap3A_99], %broadcast_in_dim3A_97 {strides = array<i32>} : memref<1x128xf32, #tpu.memory_space<vmem>>, vector<1x128xf32>,
    } else {
    }
    %get3A_89 = arith.constant 0 : index
    %get3A_90 = arith.constant 0 : index
    %get3A_91 = vector.load %arg16[%get3A_89, %get3A_90] : memref<1x128xf32, #tpu.memory_space<vmem>>, vector<1x128xf32>
    %add3A_92 = arith.addf %get3A_91, %broadcast_in_dim3A_84 : vector<1x128xf32>
    %swap3A_93 = arith.constant 0 : index
    %swap3A_94 = arith.constant 0 : index
    %swap3A_95 = vector.load %arg16[%swap3A_93, %swap3A_94] : memref<1x128xf32, #tpu.memory_space<vmem>>, vector<1x128xf32>
    tpu.vector_store %arg16[%swap3A_93, %swap3A_94], %add3A_92 {strides = array<i32>} : memref<1x128xf32, #tpu.memory_space<vmem>>, vector<1x128xf32>,
    return
  }
  func.func @transform_0(%arg0: i32) -> i32 {
    %c0_i32 = arith.constant 0 : i32
    %c0_i32_0 = arith.constant 0 : i32
    return %c0_i32 : i32
  }
  func.func @transform_1(%arg0: i32) -> (i32, i32) {
    %c0_i32 = arith.constant 0 : i32
    %c0_i32_0 = arith.constant 0 : i32
    return %arg0, %c0_i32 : i32, i32
  }
  func.func @transform_2(%arg0: i32) -> (i32, i32) {
    %c0_i32 = arith.constant 0 : i32
    %c0_i32_0 = arith.constant 0 : i32
    return %arg0, %c0_i32 : i32, i32
  }
  func.func @transform_3(%arg0: i32) -> (i32, i32) {
    %c0_i32 = arith.constant 0 : i32
    %c0_i32_0 = arith.constant 0 : i32
    return %arg0, %c0_i32 : i32, i32
  }
  func.func @transform_4(%arg0: i32) -> (i32, i32) {
    %c0_i32 = arith.constant 0 : i32
    %c0_i32_0 = arith.constant 0 : i32
    return %arg0, %c0_i32 : i32, i32
  }
  func.func @transform_5(%arg0: i32) -> (i32, i32) {
    %c0_i32 = arith.constant 0 : i32
    %c0_i32_0 = arith.constant 0 : i32
    return %arg0, %c0_i32 : i32, i32
  }
  func.func @transform_6(%arg0: i32) -> (i32, i32) {
    %c0_i32 = arith.constant 0 : i32
    %c0_i32_0 = arith.constant 0 : i32
    return %arg0, %c0_i32 : i32, i32
  }
  func.func @transform_7(%arg0: i32) -> (i32, i32) {
    %c0_i32 = arith.constant 0 : i32
    %c0_i32_0 = arith.constant 0 : i32
    %c0_i32_1 = arith.constant 0 : i32
    return %c0_i32, %c0_i32_0 : i32, i32
  }
  func.func @transform_8(%arg0: i32) -> (i32, i32) {
    %c0_i32 = arith.constant 0 : i32
    %c0_i32_0 = arith.constant 0 : i32
    %c0_i32_1 = arith.constant 0 : i32
    return %c0_i32, %c0_i32_0 : i32, i32
  }
  func.func @transform_9(%arg0: i32) -> (i32, i32) {
    %c0_i32 = arith.constant 0 : i32
    %c0_i32_0 = arith.constant 0 : i32
    %c0_i32_1 = arith.constant 0 : i32
    return %c0_i32, %c0_i32_0 : i32, i32
  }
  func.func @transform_10(%arg0: i32) -> (i32, i32) {
    %c0_i32 = arith.constant 0 : i32
    %c0_i32_0 = arith.constant 0 : i32
    %c0_i32_1 = arith.constant 0 : i32
    return %c0_i32, %c0_i32_0 : i32, i32
  }
  func.func @transform_11(%arg0: i32) -> (i32, i32) {
    %c0_i32 = arith.constant 0 : i32
    %c0_i32_0 = arith.constant 0 : i32
    %c0_i32_1 = arith.constant 0 : i32
    return %c0_i32, %c0_i32_0 : i32, i32
  }
  func.func @transform_12(%arg0: i32) -> (i32, i32) {
    %c0_i32 = arith.constant 0 : i32
    %c0_i32_0 = arith.constant 0 : i32
    %c0_i32_1 = arith.constant 0 : i32
    return %c0_i32, %c0_i32_0 : i32, i32
  }
  func.func @transform_13(%arg0: i32) -> (i32, i32) {
    %c0_i32 = arith.constant 0 : i32
    %c0_i32_0 = arith.constant 0 : i32
    return %arg0, %c0_i32 : i32, i32
  }
  func.func @transform_14(%arg0: i32) -> (i32, i32) {
    %c0_i32 = arith.constant 0 : i32
    %c0_i32_0 = arith.constant 0 : i32
    return %arg0, %c0_i32 : i32, i32
  }
  func.func @transform_15(%arg0: i32) -> (i32, i32) {
    %c0_i32 = arith.constant 0 : i32
    %c0_i32_0 = arith.constant 0 : i32
    %c0_i32_1 = arith.constant 0 : i32
    return %c0_i32, %c0_i32_0 : i32, i32
  }
}

module attributes {stable_mosaic.version = 14 : i64} {
  func.func @body(%arg0: memref<1x128xf32, #tpu.memory_space<vmem>>, %arg1: memref<10000x128xf32, #tpu.memory_space<vmem>>, %arg2: memref<10000x128xf32, #tpu.memory_space<vmem>>, %arg3: memref<128x8xf32, #tpu.memory_space<vmem>>, %arg4: memref<8x128xf32, #tpu.memory_space<vmem>>, %arg5: memref<1x128xf32, #tpu.memory_space<vmem>>, %arg6: memref<1x128xf32, #tpu.memory_space<vmem>>, %arg7: memref<128x128xf32, #tpu.memory_space<vmem>>, %arg8: memref<1x128xf32, #tpu.memory_space<vmem>>, %arg9: memref<128x128xf32, #tpu.memory_space<vmem>>, %arg10: memref<1x128xf32, #tpu.memory_space<vmem>>, %arg11: memref<1x128xf32, #tpu.memory_space<vmem>>, %arg12: memref<1x128xf32, #tpu.memory_space<vmem>>, %arg13: memref<1x128xf32, #tpu.memory_space<vmem>>) attributes {dimension_semantics = [], scalar_prefetch = 0 : i64, scratch_operands = 0 : i64, tpu.core_type = #tpu.core_type<tc>} {
    %get3A = arith.constant 0 : index
    %get3A_0 = arith.constant 0 : index
    %get3A_1 = vector.load %arg0[%get3A, %get3A_0] : memref<1x128xf32, #tpu.memory_space<vmem>>, vector<1x128xf32>
    %get3A_2 = arith.constant 0 : index
    %get3A_3 = arith.constant 0 : index
    %get3A_4 = vector.load %arg5[%get3A_2, %get3A_3] : memref<1x128xf32, #tpu.memory_space<vmem>>, vector<1x128xf32>
    %get3A_5 = arith.constant 0 : index
    %get3A_6 = arith.constant 0 : index
    %get3A_7 = vector.load %arg6[%get3A_5, %get3A_6] : memref<1x128xf32, #tpu.memory_space<vmem>>, vector<1x128xf32>
    %reduce_sum3A = arith.constant dense<0.000000e+00> : vector<1xf32>
    %reduce_sum3A_8 = vector.multi_reduction <add>, %get3A_1, %reduce_sum3A [1] : vector<1x128xf32> to vector<1xf32>
    %broadcast_in_dim3A = vector.shape_cast %reduce_sum3A_8 : vector<1xf32> to vector<1x1xf32>
    %div3A = arith.constant 1.280000e+02 : f32
    %div3A_9 = vector.broadcast %div3A : f32 to vector<1x1xf32>
    %div3A_10 = arith.divf %broadcast_in_dim3A, %div3A_9 : vector<1x1xf32>
    %sub3A = vector.broadcast %div3A_10 : vector<1x1xf32> to vector<1x128xf32>
    %sub3A_11 = arith.subf %get3A_1, %sub3A : vector<1x128xf32>
    %integer_pow3A = arith.mulf %sub3A_11, %sub3A_11 : vector<1x128xf32>
    %reduce_sum3A_12 = arith.constant dense<0.000000e+00> : vector<1xf32>
    %reduce_sum3A_13 = vector.multi_reduction <add>, %integer_pow3A, %reduce_sum3A_12 [1] : vector<1x128xf32> to vector<1xf32>
    %broadcast_in_dim3A_14 = vector.shape_cast %reduce_sum3A_13 : vector<1xf32> to vector<1x1xf32>
    %div3A_15 = arith.constant 1.280000e+02 : f32
    %div3A_16 = vector.broadcast %div3A_15 : f32 to vector<1x1xf32>
    %div3A_17 = arith.divf %broadcast_in_dim3A_14, %div3A_16 : vector<1x1xf32>
    %sub3A_18 = vector.broadcast %div3A_10 : vector<1x1xf32> to vector<1x128xf32>
    %sub3A_19 = arith.subf %get3A_1, %sub3A_18 : vector<1x128xf32>
    %add3A = arith.constant 9.99999997E-7 : f32
    %add3A_20 = vector.broadcast %add3A : f32 to vector<1x1xf32>
    %add3A_21 = arith.addf %div3A_17, %add3A_20 : vector<1x1xf32>
    %rsqrt3A = math.rsqrt %add3A_21 : vector<1x1xf32>
    %mul3A = vector.broadcast %rsqrt3A : vector<1x1xf32> to vector<1x128xf32>
    %mul3A_22 = arith.mulf %sub3A_19, %mul3A : vector<1x128xf32>
    %mul3A_23 = arith.mulf %mul3A_22, %get3A_4 : vector<1x128xf32>
    %add3A_24 = arith.addf %mul3A_23, %get3A_7 : vector<1x128xf32>
    %get3A_25 = arith.constant 0 : index
    %get3A_26 = arith.constant 0 : index
    %get3A_27 = vector.load %arg7[%get3A_25, %get3A_26] : memref<128x128xf32, #tpu.memory_space<vmem>>, vector<128x128xf32>
    %dot_general3A = arith.constant dense<0.000000e+00> : vector<1x128xf32>
    %dot_general3A_28 = tpu.matmul %add3A_24, %get3A_27, %dot_general3A {dimension_numbers = #tpu.dot_dimension_numbers<[1], [0], [0], [1], [0, 0, 1, 1], [], []>, precision = #tpu.contract_precision<fp32>, transpose_lhs_hint = false} : vector<1x128xf32>, vector<128x128xf32>, vector<1x128xf32> -> vector<1x128xf32>
    %get3A_29 = arith.constant 0 : index
    %get3A_30 = arith.constant 0 : index
    %get3A_31 = vector.load %arg8[%get3A_29, %get3A_30] : memref<1x128xf32, #tpu.memory_space<vmem>>, vector<1x128xf32>
    %add3A_32 = arith.addf %dot_general3A_28, %get3A_31 : vector<1x128xf32>
    %get3A_33 = arith.constant 0 : index
    %get3A_34 = arith.constant 0 : index
    %get3A_35 = vector.load %arg1[%get3A_33, %get3A_34] : memref<10000x128xf32, #tpu.memory_space<vmem>>, vector<10000x128xf32>
    %mul3A_36 = vector.broadcast %add3A_32 : vector<1x128xf32> to vector<10000x128xf32>
    %mul3A_37 = arith.mulf %get3A_35, %mul3A_36 : vector<10000x128xf32>
    %get3A_38 = arith.constant 0 : index
    %get3A_39 = arith.constant 0 : index
    %get3A_40 = vector.load %arg3[%get3A_38, %get3A_39] : memref<128x8xf32, #tpu.memory_space<vmem>>, vector<128x8xf32>
    %dot_general3A_41 = arith.constant dense<0.000000e+00> : vector<10000x8xf32>
    %dot_general3A_42 = tpu.matmul %mul3A_37, %get3A_40, %dot_general3A_41 {dimension_numbers = #tpu.dot_dimension_numbers<[1], [0], [0], [1], [0, 0, 1, 1], [], []>, precision = #tpu.contract_precision<fp32>, transpose_lhs_hint = false} : vector<10000x128xf32>, vector<128x8xf32>, vector<10000x8xf32> -> vector<10000x8xf32>
    %mul3A_43 = arith.constant 2.500000e-01 : f32
    %mul3A_44 = vector.broadcast %mul3A_43 : f32 to vector<10000x8xf32>
    %mul3A_45 = arith.mulf %dot_general3A_42, %mul3A_44 : vector<10000x8xf32>
    %reduce_max3A = arith.constant dense<0xFF800000> : vector<8xf32>
    %reduce_max3A_46 = vector.multi_reduction <maximumf>, %mul3A_45, %reduce_max3A [0] : vector<10000x8xf32> to vector<8xf32>
    %broadcast_in_dim3A_47 = vector.shape_cast %reduce_max3A_46 : vector<8xf32> to vector<1x8xf32>
    %sub3A_48 = vector.broadcast %broadcast_in_dim3A_47 : vector<1x8xf32> to vector<10000x8xf32>
    %sub3A_49 = arith.subf %mul3A_45, %sub3A_48 : vector<10000x8xf32>
    %exp3A = math.exp %sub3A_49 : vector<10000x8xf32>
    %reduce_sum3A_50 = arith.constant dense<0.000000e+00> : vector<8xf32>
    %reduce_sum3A_51 = vector.multi_reduction <add>, %exp3A, %reduce_sum3A_50 [0] : vector<10000x8xf32> to vector<8xf32>
    %broadcast_in_dim3A_52 = vector.shape_cast %reduce_sum3A_51 : vector<8xf32> to vector<1x8xf32>
    %div3A_53 = vector.broadcast %broadcast_in_dim3A_52 : vector<1x8xf32> to vector<10000x8xf32>
    %div3A_54 = arith.divf %exp3A, %div3A_53 : vector<10000x8xf32>
    %get3A_55 = arith.constant 0 : index
    %get3A_56 = arith.constant 0 : index
    %get3A_57 = vector.load %arg4[%get3A_55, %get3A_56] : memref<8x128xf32, #tpu.memory_space<vmem>>, vector<8x128xf32>
    %dot_general3A_58 = arith.constant dense<0.000000e+00> : vector<10000x128xf32>
    %dot_general3A_59 = tpu.matmul %div3A_54, %get3A_57, %dot_general3A_58 {dimension_numbers = #tpu.dot_dimension_numbers<[1], [0], [0], [1], [0, 0, 1, 1], [], []>, precision = #tpu.contract_precision<fp32>, transpose_lhs_hint = false} : vector<10000x8xf32>, vector<8x128xf32>, vector<10000x128xf32> -> vector<10000x128xf32>
    %get3A_60 = arith.constant 0 : index
    %get3A_61 = arith.constant 0 : index
    %get3A_62 = vector.load %arg2[%get3A_60, %get3A_61] : memref<10000x128xf32, #tpu.memory_space<vmem>>, vector<10000x128xf32>
    %mul3A_63 = arith.mulf %get3A_62, %dot_general3A_59 : vector<10000x128xf32>
    %reduce_sum3A_64 = arith.constant dense<0.000000e+00> : vector<128xf32>
    %reduce_sum3A_65 = vector.multi_reduction <add>, %mul3A_63, %reduce_sum3A_64 [0] : vector<10000x128xf32> to vector<128xf32>
    %broadcast_in_dim3A_66 = vector.shape_cast %reduce_sum3A_65 : vector<128xf32> to vector<1x128xf32>
    %get3A_67 = arith.constant 0 : index
    %get3A_68 = arith.constant 0 : index
    %get3A_69 = vector.load %arg9[%get3A_67, %get3A_68] : memref<128x128xf32, #tpu.memory_space<vmem>>, vector<128x128xf32>
    %dot_general3A_70 = arith.constant dense<0.000000e+00> : vector<1x128xf32>
    %dot_general3A_71 = tpu.matmul %broadcast_in_dim3A_66, %get3A_69, %dot_general3A_70 {dimension_numbers = #tpu.dot_dimension_numbers<[1], [0], [0], [1], [0, 0, 1, 1], [], []>, precision = #tpu.contract_precision<fp32>, transpose_lhs_hint = false} : vector<1x128xf32>, vector<128x128xf32>, vector<1x128xf32> -> vector<1x128xf32>
    %get3A_72 = arith.constant 0 : index
    %get3A_73 = arith.constant 0 : index
    %get3A_74 = vector.load %arg10[%get3A_72, %get3A_73] : memref<1x128xf32, #tpu.memory_space<vmem>>, vector<1x128xf32>
    %add3A_75 = arith.addf %dot_general3A_71, %get3A_74 : vector<1x128xf32>
    %add3A_76 = arith.addf %add3A_75, %get3A_1 : vector<1x128xf32>
    %get3A_77 = arith.constant 0 : index
    %get3A_78 = arith.constant 0 : index
    %get3A_79 = vector.load %arg11[%get3A_77, %get3A_78] : memref<1x128xf32, #tpu.memory_space<vmem>>, vector<1x128xf32>
    %get3A_80 = arith.constant 0 : index
    %get3A_81 = arith.constant 0 : index
    %get3A_82 = vector.load %arg12[%get3A_80, %get3A_81] : memref<1x128xf32, #tpu.memory_space<vmem>>, vector<1x128xf32>
    %reduce_sum3A_83 = arith.constant dense<0.000000e+00> : vector<1xf32>
    %reduce_sum3A_84 = vector.multi_reduction <add>, %add3A_76, %reduce_sum3A_83 [1] : vector<1x128xf32> to vector<1xf32>
    %broadcast_in_dim3A_85 = vector.shape_cast %reduce_sum3A_84 : vector<1xf32> to vector<1x1xf32>
    %div3A_86 = arith.constant 1.280000e+02 : f32
    %div3A_87 = vector.broadcast %div3A_86 : f32 to vector<1x1xf32>
    %div3A_88 = arith.divf %broadcast_in_dim3A_85, %div3A_87 : vector<1x1xf32>
    %sub3A_89 = vector.broadcast %div3A_88 : vector<1x1xf32> to vector<1x128xf32>
    %sub3A_90 = arith.subf %add3A_76, %sub3A_89 : vector<1x128xf32>
    %integer_pow3A_91 = arith.mulf %sub3A_90, %sub3A_90 : vector<1x128xf32>
    %reduce_sum3A_92 = arith.constant dense<0.000000e+00> : vector<1xf32>
    %reduce_sum3A_93 = vector.multi_reduction <add>, %integer_pow3A_91, %reduce_sum3A_92 [1] : vector<1x128xf32> to vector<1xf32>
    %broadcast_in_dim3A_94 = vector.shape_cast %reduce_sum3A_93 : vector<1xf32> to vector<1x1xf32>
    %div3A_95 = arith.constant 1.280000e+02 : f32
    %div3A_96 = vector.broadcast %div3A_95 : f32 to vector<1x1xf32>
    %div3A_97 = arith.divf %broadcast_in_dim3A_94, %div3A_96 : vector<1x1xf32>
    %sub3A_98 = vector.broadcast %div3A_88 : vector<1x1xf32> to vector<1x128xf32>
    %sub3A_99 = arith.subf %add3A_76, %sub3A_98 : vector<1x128xf32>
    %add3A_100 = arith.constant 9.99999997E-7 : f32
    %add3A_101 = vector.broadcast %add3A_100 : f32 to vector<1x1xf32>
    %add3A_102 = arith.addf %div3A_97, %add3A_101 : vector<1x1xf32>
    %rsqrt3A_103 = math.rsqrt %add3A_102 : vector<1x1xf32>
    %mul3A_104 = vector.broadcast %rsqrt3A_103 : vector<1x1xf32> to vector<1x128xf32>
    %mul3A_105 = arith.mulf %sub3A_99, %mul3A_104 : vector<1x128xf32>
    %mul3A_106 = arith.mulf %mul3A_105, %get3A_79 : vector<1x128xf32>
    %add3A_107 = arith.addf %mul3A_106, %get3A_82 : vector<1x128xf32>
    %max3A = arith.constant 0.000000e+00 : f32
    %max3A_108 = vector.broadcast %max3A : f32 to vector<1x128xf32>
    %max3A_109 = arith.maximumf %add3A_107, %max3A_108 : vector<1x128xf32>
    %swap3A = arith.constant 0 : index
    %swap3A_110 = arith.constant 0 : index
    %swap3A_111 = vector.load %arg13[%swap3A, %swap3A_110] : memref<1x128xf32, #tpu.memory_space<vmem>>, vector<1x128xf32>
    tpu.vector_store %arg13[%swap3A, %swap3A_110], %max3A_109 {strides = array<i32>} : memref<1x128xf32, #tpu.memory_space<vmem>>, vector<1x128xf32>,
    return
  }
}

</mosaic_0001>

<sc_bundles>
// kernel: kernel.16.cloned.1.call-start
scs
__scs_entry_jumppad:
0x0: {  	(pc) =	sbr.rel $0x88, $3  }
0x1: {  	(tag) =	ssettag $0x0;
	lr =	simm.s32 $0x1  }
0x2: {  	[smem:$0x3F7C] =	sst lr;
	_ =	strace $0xD0000000  }
0x3: {  	_ = 	snop  }
0x4: {  	_ = 	snop  }
0x5: {  	_ = 	snop  }
0x6: {  	_ = 	snop  }
0x7: {  	_ = 	snop  }
__scs_overlays_trampoline_lowered:
0x8: {  	[smem:$0x3F8B] =	sst s0  }
0x9: {  	[smem:$0x3F8C] =	sst s1  }
0xa: {  	[smem:$0x3F8D] =	sst s2  }
0xb: {  	[smem:$0x3F8E] =	sst s3  }
0xc: {  	[smem:$0x3F8F] =	sst s4  }
0xd: {  	[smem:$0x3F90] =	sst s5  }
0xe: {  	[smem:$0x3F91] =	sst s6  }
0xf: {  	[smem:$0x3F92] =	sst s7  }
0x10: {  	[smem:$0x3F93] =	sst s8  }
0x11: {  	[smem:$0x3F94] =	sst s9;
	s0 =	simm.s32 @!p0 $0x0  }
0x12: {  	s1 =	sld [smem:$0x3F7A];
	s0 =	simm.s32 @p0 $0x1  }
0x13: {  	[smem:$0x3F95] =	sst s0;
	s0 =	simm.s32 @!p1 $0x0  }
0x14: {  	s2 =	sld [smem:$0x3F79];
	s0 =	simm.s32 @p1 $0x1  }
0x15: {  	[smem:$0x3F96] =	sst s0;
	s0 =	simm.s32 @!p2 $0x0  }
0x16: {  	s3 =	sld [smem:$0x3FDB];
	s0 =	simm.s32 @p2 $0x1  }
0x17: {  	s4 =	simm.s32 $0x1BF5;
	[smem:$0x3F98] =	sst s0  }
0x18: {  	s0 =	sld [smem:$0x3F7B];
	_ =	swait.ge [sflag:s4], $0x0  }
0x19: {  	s7 =	sld [smem:$0x3F7C]  }
0x1a: {  	s8 =	sadd.s32 $0xFFFFE003, lr  }
0x1b: {  	s9 =	sadd.s32 $0xFFFFFEF7, lr;
	s5 =	simm.s32 $0xFFFFFFFF;
	p2 =	slt.u32 s8, $0xFFFFF086  }
0x1c: {  	p1 =	slt.u32 s9, $0xF7A;
	s5 =	simm.s32 @!p2 $0x0  }
0x1d: {  	s5 =	simm.s32 @p1 $0x1;
	p0 =	seq.s32 s7, s2  }
0x1e: {  	s7 =	smul.u32 @!p0 $0xF7A, s2;
	p2 =	seq.s32 @!p0 s5, $0x0  }
0x1f: {  	s9 =	smul.u32 $0xF7A, s1;
	s8 =	simm.s32 @!p0 $0x1BF5;
	p2 =	por !p2, p0  }
0x20: {  	[sflag:s8] =	ssyncset.s32 @!p0 $0xFFFFF086;
	s6 =	sadd.s32 @!p0 s3, s7;
	s7 =	simm.s32 @!p0 $0x108  }
0x21: {  	s3 =	sadd.s32 s3, s9;
	s6 =	sadd.s32 @!p0 $0x88, s6;
	s7 =	simm.s32 @p2 $0x1082  }
0x22: {  	[simem:s7], [sflag:s8] =	dma.local @!p0 [hbm:s6], $0xF7A  }
0x23: {  	s9 =	sor.u32 $0xD0000000, s2;
	s6 =	simm.s32 $0x108;
	_ =	swait.ge @!p0 [sflag:s8], $0x0  }
0x24: {  	s3 =	sadd.s32 $0x88, s3;
	s6 =	simm.s32 @!p1 $0x1082;
	[sflag:s4] =	ssyncset.s32 $0xFFFFF086  }
0x25: {  	[simem:s6], [sflag:s4] =	dma.local [hbm:s3], $0xF7A  }
0x26: {  	[smem:$0x3F7C] =	sst s1;
	(tag) =	ssettag s2;
	_ =	strace s9  }
0x27: {  	s1 =	sld [smem:$0x3F8C]  }
0x28: {  	s2 =	sld [smem:$0x3F8D]  }
0x29: {  	s4 =	sld [smem:$0x3F8F]  }
0x2a: {  	p0 =	seq.s32 s5, $0x0;
	s5 =	sld [smem:$0x3F90]  }
0x2b: {  	s6 =	sld [smem:$0x3F91]  }
0x2c: {  	s7 =	sld [smem:$0x3F92]  }
0x2d: {  	s3 =	simm.s32 $0x108;
	s8 =	sld [smem:$0x3F93]  }
0x2e: {  	s3 =	simm.s32 @!p0 $0x1082;
	s9 =	sld [smem:$0x3F94]  }
0x2f: {  	lr =	sadd.s32 s0, s3;
	s0 =	sld [smem:$0x3F8B]  }
0x30: {  	s3 =	sld [smem:$0x3F8E]  }
0x31: {  	[smem:$0x3F97] =	sst s10  }
0x32: {  	s10 =	sld [smem:$0x3F95];
	_ =	sdelay $0x3  }
0x33: {  	p0 =	seq.s32 s10, $0x1;
	s10 =	sld [smem:$0x3F97];
	_ =	sdelay $0x3  }
0x34: {  	[smem:$0x3F97] =	sst s10  }
0x35: {  	s10 =	sld [smem:$0x3F96];
	_ =	sdelay $0x3  }
0x36: {  	p1 =	seq.s32 s10, $0x1;
	s10 =	sld [smem:$0x3F97];
	_ =	sdelay $0x3  }
0x37: {  	[smem:$0x3F97] =	sst s10  }
0x38: {  	s10 =	sld [smem:$0x3F98]  }
0x39: {  	_ = 	snop;
	(pc) =	sbr.ind lr, $3  }
0x3a: {  	_ = 	snop  }
0x3b: {  	_ = 	snop  }
0x3c: {  	p2 =	seq.s32 s10, $0x1;
	s10 =	sld [smem:$0x3F97]  }
0x3d: {  	_ =	shalt  }
0x3e: {  	_ =	shalt  }
0x3f: {  	_ =	shalt  }
0x40: {  	_ =	shalt  }
0x41: {  	_ =	shalt  }
0x42: {  	_ =	shalt  }
0x43: {  	_ =	shalt  }
0x44: {  	_ =	shalt  }
0x45: {  	_ =	shalt  }
0x46: {  	_ =	shalt  }
0x47: {  	_ =	shalt  }
0x48: {  	_ =	shalt  }
0x49: {  	_ =	shalt  }
0x4a: {  	_ =	shalt  }
0x4b: {  	_ =	shalt  }
0x4c: {  	_ =	shalt  }
0x4d: {  	_ =	shalt  }
0x4e: {  	_ =	shalt  }
0x4f: {  	_ =	shalt  }
0x50: {  	_ =	shalt  }
0x51: {  	_ =	shalt  }
0x52: {  	_ =	shalt  }
0x53: {  	_ =	shalt  }
0x54: {  	_ =	shalt  }
0x55: {  	_ =	shalt  }
0x56: {  	_ =	shalt  }
0x57: {  	_ =	shalt  }
0x58: {  	_ =	shalt  }
0x59: {  	_ =	shalt  }
0x5a: {  	_ =	shalt  }
0x5b: {  	_ =	shalt  }
0x5c: {  	_ =	shalt  }
0x5d: {  	_ =	shalt  }
0x5e: {  	_ =	shalt  }
0x5f: {  	_ =	shalt  }
0x60: {  	_ =	shalt  }
0x61: {  	_ =	shalt  }
0x62: {  	_ =	shalt  }
0x63: {  	_ =	shalt  }
0x64: {  	_ =	shalt  }
0x65: {  	_ =	shalt  }
0x66: {  	_ =	shalt  }
0x67: {  	_ =	shalt  }
0x68: {  	_ =	shalt  }
0x69: {  	_ =	shalt  }
0x6a: {  	_ =	shalt  }
0x6b: {  	_ =	shalt  }
0x6c: {  	_ =	shalt  }
0x6d: {  	_ =	shalt  }
0x6e: {  	_ =	shalt  }
0x6f: {  	_ =	shalt  }
0x70: {  	_ =	shalt  }
0x71: {  	_ =	shalt  }
0x72: {  	_ =	shalt  }
0x73: {  	_ =	shalt  }
0x74: {  	_ =	shalt  }
0x75: {  	_ =	shalt  }
0x76: {  	_ =	shalt  }
0x77: {  	_ =	shalt  }
0x78: {  	_ =	shalt  }
0x79: {  	_ =	shalt  }
0x7a: {  	_ =	shalt  }
0x7b: {  	_ =	shalt  }
0x7c: {  	_ =	shalt  }
0x7d: {  	_ =	shalt  }
0x7e: {  	_ =	shalt  }
0x7f: {  	_ =	shalt  }
0x80: {  	_ =	shalt  }
0x81: {  	_ =	shalt  }
0x82: {  	_ =	shalt  }
0x83: {  	_ =	shalt  }
0x84: {  	_ =	shalt  }
0x85: {  	_ =	shalt  }
0x86: {  	_ =	shalt  }
0x87: {  	_ =	shalt  }
.Lfunc_end0:
.L_simem_size_0:
called_computation_lowered:
.L_overlay_start_0:
0x88: {  	s2 =	sld [smem:$0x3FD9]  }
0x89: {  	s3 =	sld [smem:$0x3FFE];
	_ =	sdelay $0x1  }
0x8a: {  	s1 =	srdreg.scid  }
0x8b: {  	s0 =	sand.u32 $0x1, s1  }
0x8c: {  	s16 =	sshll.u32 s0, $0xA;
	s2 =	sadd.s32 s3, s2  }
0x8d: {  	s2 =	sadd.s32 s2, s16  }
0x8e: {  	[smem:$0x3FA3] =	sst s2  }
0x8f: {  	_ = 	snop  }
0x90: {  	(tm) =	ssettm $0x1  }
0x91: {  	s17 =	sld [smem:$0x3FFB];
	_ =	sdelay $0x3  }
0x92: {  	_ =	strace s17  }
0x93: {  	s2 =	sld [smem:$0x3FFC];
	_ =	sdelay $0x3  }
0x94: {  	_ =	strace s2  }
0x95: {  	s2 =	sld [smem:$0x3FFD];
	_ =	sdelay $0x3  }
0x96: {  	_ =	strace s2  }
0x97: {  	_ =	strace $0x8FFFFFFF  }
0x98: {  	s18 =	sld [smem:$0x3FDB];
	_ =	sdelay $0x1  }
0x99: {  	s19 =	simm.s32 $_scs_section_size  }
0x9a: {  	s4 =	simm.s32 $_size__tile_overlayer_lowered;
	s5 =	simm.s32 $_tile_overlayer_lowered  }
0x9b: {  	s22 =	simm.s32 $0x1BFF;
	s21 =	sshll.u32 s5, $0x1;
	s2 =	sadd.s32 s19, s18  }
0x9c: {  	s6 =	simm.s32 $0x0;
	s20 =	sshll.u32 s4, $0x1;
	s4 =	sadd.s32 s21, s2  }
0x9d: {  	[timem:s6], [sflag:s22] =	dma.local [hbm:s4], s20  }
0x9e: {  	_ =	swait.ge [sflag:s22], s20  }
0x9f: {  	s3 =	ssub.s32 $0x0, s20;
	[sflag:s22] =	ssyncset.done $0x0  }
0xa0: {  	[sflag:s22] =	ssyncadd.s32 s3;
	_ =	sdelay $0x1  }
0xa1: {  	s23 =	simm.s32 $0x1B8B  }
0xa2: {  	_ =	swait.ge [sflag:s23], $0x1  }
0xa3: {  	[sflag:s23] =	ssyncset.done $0x0  }
0xa4: {  	s25 =	simm.s32 $0x1B8E;
	s24 =	sld [smem:$0x3FFE];
	[sflag:s23] =	ssyncadd.s32 $0xFFFFFFFF  }
0xa5: {  	s26 =	simm.s32 $execute0_lowered;
	[smem:$0x3FD2] =	sst s25  }
0xa6: {  	s4 =	sshll.u32 s26, $0x1;
	_ =	strace $0x80000046;
	[dreg:$0x1] =	wrdreg $0xFFFFFFFF  }
0xa7: {  	s28 =	simm.s32 $_size_execute0_lowered;
	s2 =	sadd.s32 s2, s4;
	[dreg:$0x0] =	wrdreg $0x0  }
0xa8: {  	s4 =	sshll.u32 s28, $0x1;
	[dreg:$0x2] =	wrdreg s2  }
0xa9: {  	[dreg:$0x3] =	wrdreg s4  }
0xaa: {  	[dreg:$0x4] =	wrdreg $0xC0  }
0xab: {  	_ =	task [dreg:s6], $0x5FFFF  }
0xac: {  	[dreg:$0x1] =	wrdreg $0xFFFFFFFF  }
0xad: {  	[dreg:$0x0] =	wrdreg $0x60  }
0xae: {  	[dreg:$0x2] =	wrdreg s24  }
0xaf: {  	[dreg:$0x3] =	wrdreg $0x51000  }
0xb0: {  	[dreg:$0x4] =	wrdreg $0x53800  }
0xb1: {  	[dreg:$0x5] =	wrdreg $0x9  }
0xb2: {  	_ =	task.clear_ibuf [dreg:s6], $0x6FFFF;
	_ =	strace $0x90000046  }
0xb3: {  	s29 =	simm.s32 $0x9;
	_ =	strace $0x80000048  }
0xb4: {  	_ =	swait.ge [sflag:s29], $0x1  }
0xb5: {  	[sflag:s29] =	ssyncadd.s32 $0xFFFFFFFF  }
0xb6: {  	_ =	strace $0x90000048  }
0xb7: {  	_ =	sfence  }
0xb8: {  	s30 =	sld [smem:$0x0];
	_ =	sdelay $0x2  }
0xb9: {  	s31 =	sshll.u32 s1, $0xD;
	s1 =	sshrl.u32 s1, $0x2  }
0xba: {  	s3 =	sand.u32 $0x4000, s31;
	s1 =	sadd.s32 s1, s30  }
0xbb: {  	s0 =	sor.u32 s3, s0;
	s1 =	sshll.u32 s1, $0x11  }
0xbc: {  	s0 =	sor.u32 s1, s0  }
0xbd: {  	s0 =	sadd.s32 $0x8F2B, s0  }
0xbe: {  	[sflag:s0] =	ssyncadd.remote.s32 $0x1  }
0xbf: {  	_ =	sfence.sel $0xFFFF  }
0xc0: {  	[dreg:$0x0] =	wrdreg $0xFFFFFFFF;
	(pc) =	sbr.abs _section_cstart, $3  }
0xc1: {  	[dreg:$0x1] =	wrdreg $0xFFFFFFFF  }
0xc2: {  	_ =	task.clear_ibuf [dreg:s6], $0x2FFFF;
	_ =	strace $0x9FFFFFFF  }
0xc3: {  	(tm) =	ssettm $0x7FFFFFFF  }
tec
execute0_lowered:
.L_overlay_start_1:
0x0: {  	(tag) =	ssettag $0x1  }
0x1: {  	s6 =	rddreg [dreg:$0x0]  }
0x2: {  	s2 =	rddreg [dreg:$0x1]  }
0x3: {  	s0 =	srdreg.scid;
	s3 =	rddreg [dreg:$0x2];
	s4 =	simm.s32 $0x0  }
0x4: {  	s15 =	simm.s32 $0x2800;
	s16 =	simm.s32 $0x80;
	s17 =	simm.s32 $0x5000  }
0x5: {  	s18 =	simm.s32 $0x2700;
	s19 =	simm.s32 $0x5080;
	s20 =	simm.s32 $0x4F00  }
0x6: {  	s21 =	simm.s32 $0x0;
	s5 =	sand.u32 $0x1, s0;
	s0 =	stileid.u32  }
0x7: {  	[smem:$0x7FF] =	sst s4;
	s1 =	sshll.u32 s5, $0x4;
	s8 =	smul.u32 $0x280, s0  }
0x8: {  	s9 =	smul.u32 $0x5000, s5;
	s5 =	ssub.s32 $0x2, s5;
	s1 =	sor.u32 s0, s1  }
0x9: {  	s31 =	sshll.u32 s0, $0x6;
	s30 =	sshrl.u32 s5, $0x1;
	s7 =	smul.u32 $0x500, s1  }
0xa: {  	s1 =	rddreg [dreg:$0x3];
	_ =	strace $0x80000047;
	s28 =	sadd.s32 s8, s9  }
0xb: {  	s29 =	sshrl.u32 s8, $0x3;
	s12 =	ssub.s32 s5, s30;
	s14 =	sadd.s32 s8, s3  }
0xc: {  	s13 =	sadd.s32 s8, s2;
	s9 =	sadd.s32 s29, s6;
	s14 =	sshrl.u32 s14, $0x3  }
0xd: {  	s10 =	sadd.s32 s7, s6;
	s7 =	sshrl.u32 s28, $0x3;
	s5 =	sadd.s32 $0x1DE00, s9  }
0xe: {  	s11 =	sadd.s32 s7, s6;
	s6 =	sor.u32 $0x1C01, s31;
	s7 =	sadd.s32 $0x9E00, s10  }
0xf: {  	s8 =	sadd.s32 $0x13E00, s10;
	s9 =	sadd.s32 $0x1E400, s11;
	s10 =	sadd.s32 $0x1E900, s11  }
0x10: {  	v0 =	vimm.f32 $1.000000000e+00;
	v1 =	vimm.f32 $0.0e+00;
	s11 =	smax.u32 s12, $0x1;
	s12 =	sshrl.u32 s13, $0x3;
	s13 =	simm.s32 $0x1  }
.LBB2_1:
0x11: {  	[tilespmem:$0x5000] =	vst v0  }
0x12: {  	[tilespmem:$0x5080] =	vst v0  }
0x13: {  	[tilespmem:$0x5010] =	vst v0  }
0x14: {  	[tilespmem:$0x5090] =	vst v1  }
0x15: {  	[tilespmem:$0x5020] =	vst v0  }
0x16: {  	[tilespmem:$0x50A0] =	vst v1  }
0x17: {  	[tilespmem:$0x5030] =	vst v0  }
0x18: {  	[tilespmem:$0x50B0] =	vst v1  }
0x19: {  	[tilespmem:$0x5040] =	vst v0  }
0x1a: {  	[tilespmem:$0x50C0] =	vst v1  }
0x1b: {  	[tilespmem:$0x5050] =	vst v0  }
0x1c: {  	[tilespmem:$0x50D0] =	vst v1  }
0x1d: {  	[tilespmem:$0x5060] =	vst v0  }
0x1e: {  	[tilespmem:$0x50E0] =	vst v1  }
0x1f: {  	[tilespmem:$0x5070] =	vst v0  }
0x20: {  	[tilespmem:$0x50F0] =	vst v1  }
0x21: {  	[spmem:s12], [sflag:s6] =	dma.local [hbm:s5], $0x50  }
0x22: {  	_ =	swait.ge [sflag:s13], $0x50  }
0x23: {  	[sflag:s13] =	ssyncset.done $0x0  }
0x24: {  	[sflag:s13] =	ssyncadd.s32 $0xFFFFFFB0  }
0x25: {  	[spmem:s14], [sflag:s6] =	dma.local [hbm:s5], $0x50  }
0x26: {  	_ =	swait.ge [sflag:s13], $0x50  }
0x27: {  	[sflag:s13] =	ssyncset.done $0x0  }
0x28: {  	[sflag:s13] =	ssyncadd.s32 $0xFFFFFFB0  }
0x29: {  	[tilespmem:s4], [sflag:$0x1] =	stream.linear.gather [hbm4b:s7+s4], $0x2800, $0x38;
	[tilespmem:$0x5600] =	vst v63  }
0x2a: {  	_ =	swait.ge [sflag:s13], $0x2800  }
0x2b: {  	[sflag:s13] =	ssyncset.done $0x0  }
0x2c: {  	[sflag:s13] =	ssyncadd.s32 $0xFFFFD800  }
0x2d: {  	[tilespmem:s15], [sflag:$0x1] =	stream.linear.gather [hbm4b:s8+s4], $0x2800, $0x38;
	[tilespmem:$0x5600] =	vst v63  }
0x2e: {  	_ =	swait.ge [sflag:s13], $0x2800  }
0x2f: {  	[sflag:s13] =	ssyncset.done $0x0  }
0x30: {  	[sflag:s13] =	ssyncadd.s32 $0xFFFFD800  }
0x31: {  	s22 =	simm.s32 $0x0;
	[bflag:$0x0] =	sbarrier.arrive $0xFFFF  }
0x32: {  	[spmem:s2] =	stream.indirect.scatter.add.f32 [tilespmem:s17], [sflag:$0x1], $0x1, s22, s16, $0xb8;
	[tilespmem:$0x5600] =	vst v63  }
0x33: {  	_ =	swait.ge [sflag:s13], $0x80  }
0x34: {  	[sflag:s13] =	ssyncset.done $0x0  }
0x35: {  	s31 =	simm.s32 $0x2800;
	[sflag:s13] =	ssyncadd.s32 $0xFFFFFF80  }
0x36: {  	[spmem:s3] =	stream.indirect.scatter.add.f32 [tilespmem:s17], [sflag:$0x1], $0x1, s31, s16, $0xb8;
	[tilespmem:$0x5600] =	vst v63  }
0x37: {  	_ =	swait.ge [sflag:s13], $0x80  }
0x38: {  	s23 =	simm.s32 $0x400;
	s22 =	simm.s32 $0x200;
	[sflag:s13] =	ssyncset.done $0x0  }
.LBB2_2:
0x39: {  	s24 =	sshra.s32 s22, $0x2  }
0x3a: {  	[sflag:s13] =	ssyncadd.s32 $0xFFFFFF80;
	s22 =	smov.u32 s23;
	s25 =	sadd.s32 $0x200, s23  }
0x3b: {  	[spmem:s2] =	stream.indirect.scatter.add.f32 [tilespmem:s17], [sflag:$0x1], $0x1, s24, s16, $0xb8;
	[tilespmem:$0x5600] =	vst v63  }
0x3c: {  	p0 =	sne.s32 s23, $0x9A00;
	_ =	swait.ge [sflag:s13], $0x80  }
.Ltmp0:
0x3d: {  	[sflag:s13] =	ssyncset.done $0x0;
	(pc) =	sbr.rel @p0 .LBB2_2-.Ltmp0, $4  }
0x3e: {  	s23 =	sadd.s32 $0x2800, s24;
	[sflag:s13] =	ssyncadd.s32 $0xFFFFFF80  }
0x3f: {  	[spmem:s3] =	stream.indirect.scatter.add.f32 [tilespmem:s17], [sflag:$0x1], $0x1, s23, s16, $0xb8;
	[tilespmem:$0x5600] =	vst v63  }
0x40: {  	_ =	swait.ge [sflag:s13], $0x80  }
0x41: {  	s23 =	smov.u32 s25;
	[sflag:s13] =	ssyncset.done $0x0  }
0x42: {  	s22 =	sshra.s32 s22, $0x2;
	[sflag:s13] =	ssyncadd.s32 $0xFFFFFF80  }
0x43: {  	[spmem:s2] =	stream.indirect.scatter.add.f32 [tilespmem:s17], [sflag:$0x1], $0x1, s22, s16, $0xb8;
	[tilespmem:$0x5600] =	vst v63  }
0x44: {  	_ =	swait.ge [sflag:s13], $0x80  }
0x45: {  	[sflag:s13] =	ssyncset.done $0x0  }
0x46: {  	s22 =	sadd.s32 $0x2800, s22;
	[sflag:s13] =	ssyncadd.s32 $0xFFFFFF80  }
0x47: {  	[spmem:s3] =	stream.indirect.scatter.add.f32 [tilespmem:s17], [sflag:$0x1], $0x1, s22, s16, $0xb8;
	[tilespmem:$0x5600] =	vst v63  }
0x48: {  	_ =	swait.ge [sflag:s13], $0x80  }
0x49: {  	[sflag:s13] =	ssyncset.done $0x0  }
0x4a: {  	[sflag:s13] =	ssyncadd.s32 $0xFFFFFF80  }
0x4b: {  	[spmem:s2] =	stream.indirect.scatter.add.f32 [tilespmem:s19], [sflag:$0x1], $0x1, s18, s16, $0xb8;
	[tilespmem:$0x5600] =	vst v63  }
0x4c: {  	_ =	swait.ge [sflag:s13], $0x80  }
0x4d: {  	[sflag:s13] =	ssyncset.done $0x0  }
0x4e: {  	[sflag:s13] =	ssyncadd.s32 $0xFFFFFF80  }
0x4f: {  	[spmem:s3] =	stream.indirect.scatter.add.f32 [tilespmem:s19], [sflag:$0x1], $0x1, s20, s16, $0xb8;
	[tilespmem:$0x5600] =	vst v63  }
0x50: {  	_ =	swait.ge [sflag:s13], $0x80  }
0x51: {  	[sflag:s13] =	ssyncset.done $0x0  }
0x52: {  	[sflag:s13] =	ssyncadd.s32 $0xFFFFFF80  }
0x53: {  	[bflag:$0x0] =	sbarrier.arrive $0xFFFF  }
0x54: {  	[hbm:s9], [sflag:s6] =	dma.local [spmem:s12], $0x50  }
0x55: {  	s21 =	sadd.s32 $0x1, s21;
	_ =	swait.ge [sflag:s13], $0x50  }
0x56: {  	p0 =	sne.s32 s21, s11;
	[sflag:s13] =	ssyncset.done $0x0  }
.Ltmp1:
0x57: {  	[sflag:s13] =	ssyncadd.s32 $0xFFFFFFB0;
	(pc) =	sbr.rel @p0 .LBB2_1-.Ltmp1, $4  }
0x58: {  	[hbm:s10], [sflag:s6] =	dma.local [spmem:s14], $0x50  }
0x59: {  	_ =	swait.ge [sflag:s13], $0x50  }
0x5a: {  	[sflag:s13] =	ssyncset.done $0x0  }
0x5b: {  	[sflag:s13] =	ssyncadd.s32 $0xFFFFFFB0  }
0x5c: {  	_ =	sfence.sel $0x180000  }
0x5d: {  	[bflag:$0x0] =	sbarrier.arrive $0xFFFF  }
0x5e: {  	p0 =	sne.s32 s0, $0x0;
	_ =	strace $0x90000047  }
0x5f: {  	s0 =	sadd.s32 @!p0 $0x100000, s1;
	[bflag:$0x2] =	sbarrier.arrive $0xFFFF  }
0x60: {  	[sflag:s0] =	ssyncadd.tile.s32 @!p0 $0x1;
	_ =	shalt  }
.Lfunc_end2:
_tile_overlayer_lowered:
.L_overlay_start_2:
0x61: {  	(tag) =	ssettag $0x2  }
0x62: {  	s0 =	rddreg [dreg:$0x0];
	s2 =	stileid.u32  }
0x63: {  	s1 =	rddreg [dreg:$0x1];
	p0 =	sne.s32 s2, $0x0  }
0x64: {  	s3 =	rddreg [dreg:$0x2];
	[bflag:$0x3] =	sbarrier.arrive $0xFFFF;
	s2 =	simm.s32 @!p0 $0x1C01  }
0x65: {  	[timem:s3], [sflag:s2] =	dma.local @!p0 [hbm:s0], s1  }
0x66: {  	s0 =	simm.s32 @!p0 $0x1  }
0x67: {  	_ =	swait.ge @!p0 [sflag:s0], s1  }
0x68: {  	s1 =	ssub.s32 @!p0 $0x0, s1;
	[sflag:s0] =	ssyncset.done @!p0 $0x0  }
0x69: {  	[sflag:s0] =	ssyncadd.s32 @!p0 s1  }
0x6a: {  	[bflag:$0x3] =	sbarrier.arrive $0xFFFF  }
0x6b: {  	_ =	shalt  }

// kernel: kernel.19.cloned.1.call-start
scs
__scs_entry_jumppad:
0x0: {  	(pc) =	sbr.rel $0x88, $3  }
0x1: {  	(tag) =	ssettag $0x0;
	lr =	simm.s32 $0x1  }
0x2: {  	[smem:$0x3F7C] =	sst lr;
	_ =	strace $0xD0000000  }
0x3: {  	_ = 	snop  }
0x4: {  	_ = 	snop  }
0x5: {  	_ = 	snop  }
0x6: {  	_ = 	snop  }
0x7: {  	_ = 	snop  }
__scs_overlays_trampoline_lowered:
0x8: {  	[smem:$0x3F8B] =	sst s0  }
0x9: {  	[smem:$0x3F8C] =	sst s1  }
0xa: {  	[smem:$0x3F8D] =	sst s2  }
0xb: {  	[smem:$0x3F8E] =	sst s3  }
0xc: {  	[smem:$0x3F8F] =	sst s4  }
0xd: {  	[smem:$0x3F90] =	sst s5  }
0xe: {  	[smem:$0x3F91] =	sst s6  }
0xf: {  	[smem:$0x3F92] =	sst s7  }
0x10: {  	[smem:$0x3F93] =	sst s8  }
0x11: {  	[smem:$0x3F94] =	sst s9;
	s0 =	simm.s32 @!p0 $0x0  }
0x12: {  	s1 =	sld [smem:$0x3F7A];
	s0 =	simm.s32 @p0 $0x1  }
0x13: {  	[smem:$0x3F95] =	sst s0;
	s0 =	simm.s32 @!p1 $0x0  }
0x14: {  	s2 =	sld [smem:$0x3F79];
	s0 =	simm.s32 @p1 $0x1  }
0x15: {  	[smem:$0x3F96] =	sst s0;
	s0 =	simm.s32 @!p2 $0x0  }
0x16: {  	s3 =	sld [smem:$0x3FDB];
	s0 =	simm.s32 @p2 $0x1  }
0x17: {  	s4 =	simm.s32 $0x1BF5;
	[smem:$0x3F98] =	sst s0  }
0x18: {  	s0 =	sld [smem:$0x3F7B];
	_ =	swait.ge [sflag:s4], $0x0  }
0x19: {  	s7 =	sld [smem:$0x3F7C]  }
0x1a: {  	s8 =	sadd.s32 $0xFFFFE003, lr  }
0x1b: {  	s9 =	sadd.s32 $0xFFFFFEF7, lr;
	s5 =	simm.s32 $0xFFFFFFFF;
	p2 =	slt.u32 s8, $0xFFFFF086  }
0x1c: {  	p1 =	slt.u32 s9, $0xF7A;
	s5 =	simm.s32 @!p2 $0x0  }
0x1d: {  	s5 =	simm.s32 @p1 $0x1;
	p0 =	seq.s32 s7, s2  }
0x1e: {  	s7 =	smul.u32 @!p0 $0xF7A, s2;
	p2 =	seq.s32 @!p0 s5, $0x0  }
0x1f: {  	s9 =	smul.u32 $0xF7A, s1;
	s8 =	simm.s32 @!p0 $0x1BF5;
	p2 =	por !p2, p0  }
0x20: {  	[sflag:s8] =	ssyncset.s32 @!p0 $0xFFFFF086;
	s6 =	sadd.s32 @!p0 s3, s7;
	s7 =	simm.s32 @!p0 $0x108  }
0x21: {  	s3 =	sadd.s32 s3, s9;
	s6 =	sadd.s32 @!p0 $0x88, s6;
	s7 =	simm.s32 @p2 $0x1082  }
0x22: {  	[simem:s7], [sflag:s8] =	dma.local @!p0 [hbm:s6], $0xF7A  }
0x23: {  	s9 =	sor.u32 $0xD0000000, s2;
	s6 =	simm.s32 $0x108;
	_ =	swait.ge @!p0 [sflag:s8], $0x0  }
0x24: {  	s3 =	sadd.s32 $0x88, s3;
	s6 =	simm.s32 @!p1 $0x1082;
	[sflag:s4] =	ssyncset.s32 $0xFFFFF086  }
0x25: {  	[simem:s6], [sflag:s4] =	dma.local [hbm:s3], $0xF7A  }
0x26: {  	[smem:$0x3F7C] =	sst s1;
	(tag) =	ssettag s2;
	_ =	strace s9  }
0x27: {  	s1 =	sld [smem:$0x3F8C]  }
0x28: {  	s2 =	sld [smem:$0x3F8D]  }
0x29: {  	s4 =	sld [smem:$0x3F8F]  }
0x2a: {  	p0 =	seq.s32 s5, $0x0;
	s5 =	sld [smem:$0x3F90]  }
0x2b: {  	s6 =	sld [smem:$0x3F91]  }
0x2c: {  	s7 =	sld [smem:$0x3F92]  }
0x2d: {  	s3 =	simm.s32 $0x108;
	s8 =	sld [smem:$0x3F93]  }
0x2e: {  	s3 =	simm.s32 @!p0 $0x1082;
	s9 =	sld [smem:$0x3F94]  }
0x2f: {  	lr =	sadd.s32 s0, s3;
	s0 =	sld [smem:$0x3F8B]  }
0x30: {  	s3 =	sld [smem:$0x3F8E]  }
0x31: {  	[smem:$0x3F97] =	sst s10  }
0x32: {  	s10 =	sld [smem:$0x3F95];
	_ =	sdelay $0x3  }
0x33: {  	p0 =	seq.s32 s10, $0x1;
	s10 =	sld [smem:$0x3F97];
	_ =	sdelay $0x3  }
0x34: {  	[smem:$0x3F97] =	sst s10  }
0x35: {  	s10 =	sld [smem:$0x3F96];
	_ =	sdelay $0x3  }
0x36: {  	p1 =	seq.s32 s10, $0x1;
	s10 =	sld [smem:$0x3F97];
	_ =	sdelay $0x3  }
0x37: {  	[smem:$0x3F97] =	sst s10  }
0x38: {  	s10 =	sld [smem:$0x3F98]  }
0x39: {  	_ = 	snop;
	(pc) =	sbr.ind lr, $3  }
0x3a: {  	_ = 	snop  }
0x3b: {  	_ = 	snop  }
0x3c: {  	p2 =	seq.s32 s10, $0x1;
	s10 =	sld [smem:$0x3F97]  }
0x3d: {  	_ =	shalt  }
0x3e: {  	_ =	shalt  }
0x3f: {  	_ =	shalt  }
0x40: {  	_ =	shalt  }
0x41: {  	_ =	shalt  }
0x42: {  	_ =	shalt  }
0x43: {  	_ =	shalt  }
0x44: {  	_ =	shalt  }
0x45: {  	_ =	shalt  }
0x46: {  	_ =	shalt  }
0x47: {  	_ =	shalt  }
0x48: {  	_ =	shalt  }
0x49: {  	_ =	shalt  }
0x4a: {  	_ =	shalt  }
0x4b: {  	_ =	shalt  }
0x4c: {  	_ =	shalt  }
0x4d: {  	_ =	shalt  }
0x4e: {  	_ =	shalt  }
0x4f: {  	_ =	shalt  }
0x50: {  	_ =	shalt  }
0x51: {  	_ =	shalt  }
0x52: {  	_ =	shalt  }
0x53: {  	_ =	shalt  }
0x54: {  	_ =	shalt  }
0x55: {  	_ =	shalt  }
0x56: {  	_ =	shalt  }
0x57: {  	_ =	shalt  }
0x58: {  	_ =	shalt  }
0x59: {  	_ =	shalt  }
0x5a: {  	_ =	shalt  }
0x5b: {  	_ =	shalt  }
0x5c: {  	_ =	shalt  }
0x5d: {  	_ =	shalt  }
0x5e: {  	_ =	shalt  }
0x5f: {  	_ =	shalt  }
0x60: {  	_ =	shalt  }
0x61: {  	_ =	shalt  }
0x62: {  	_ =	shalt  }
0x63: {  	_ =	shalt  }
0x64: {  	_ =	shalt  }
0x65: {  	_ =	shalt  }
0x66: {  	_ =	shalt  }
0x67: {  	_ =	shalt  }
0x68: {  	_ =	shalt  }
0x69: {  	_ =	shalt  }
0x6a: {  	_ =	shalt  }
0x6b: {  	_ =	shalt  }
0x6c: {  	_ =	shalt  }
0x6d: {  	_ =	shalt  }
0x6e: {  	_ =	shalt  }
0x6f: {  	_ =	shalt  }
0x70: {  	_ =	shalt  }
0x71: {  	_ =	shalt  }
0x72: {  	_ =	shalt  }
0x73: {  	_ =	shalt  }
0x74: {  	_ =	shalt  }
0x75: {  	_ =	shalt  }
0x76: {  	_ =	shalt  }
0x77: {  	_ =	shalt  }
0x78: {  	_ =	shalt  }
0x79: {  	_ =	shalt  }
0x7a: {  	_ =	shalt  }
0x7b: {  	_ =	shalt  }
0x7c: {  	_ =	shalt  }
0x7d: {  	_ =	shalt  }
0x7e: {  	_ =	shalt  }
0x7f: {  	_ =	shalt  }
0x80: {  	_ =	shalt  }
0x81: {  	_ =	shalt  }
0x82: {  	_ =	shalt  }
0x83: {  	_ =	shalt  }
0x84: {  	_ =	shalt  }
0x85: {  	_ =	shalt  }
0x86: {  	_ =	shalt  }
0x87: {  	_ =	shalt  }
.Lfunc_end0:
.L_simem_size_0:
called_computation.1_lowered:
.L_overlay_start_0:
0x88: {  	s2 =	sld [smem:$0x3FD9]  }
0x89: {  	s3 =	sld [smem:$0x3FFE];
	_ =	sdelay $0x1  }
0x8a: {  	s1 =	srdreg.scid  }
0x8b: {  	s0 =	sand.u32 $0x1, s1  }
0x8c: {  	s16 =	sshll.u32 s0, $0xA;
	s2 =	sadd.s32 s3, s2  }
0x8d: {  	s2 =	sadd.s32 s2, s16  }
0x8e: {  	[smem:$0x3FA3] =	sst s2  }
0x8f: {  	_ = 	snop  }
0x90: {  	(tm) =	ssettm $0x1  }
0x91: {  	s17 =	sld [smem:$0x3FFB];
	_ =	sdelay $0x3  }
0x92: {  	_ =	strace s17  }
0x93: {  	s2 =	sld [smem:$0x3FFC];
	_ =	sdelay $0x3  }
0x94: {  	_ =	strace s2  }
0x95: {  	s2 =	sld [smem:$0x3FFD];
	_ =	sdelay $0x3  }
0x96: {  	_ =	strace s2  }
0x97: {  	_ =	strace $0x8FFFFFFF  }
0x98: {  	s18 =	sld [smem:$0x3FDB];
	_ =	sdelay $0x1  }
0x99: {  	s19 =	simm.s32 $_scs_section_size  }
0x9a: {  	s4 =	simm.s32 $_size__tile_overlayer_lowered;
	s5 =	simm.s32 $_tile_overlayer_lowered  }
0x9b: {  	s22 =	simm.s32 $0x1BFF;
	s21 =	sshll.u32 s5, $0x1;
	s2 =	sadd.s32 s19, s18  }
0x9c: {  	s6 =	simm.s32 $0x0;
	s20 =	sshll.u32 s4, $0x1;
	s4 =	sadd.s32 s21, s2  }
0x9d: {  	[timem:s6], [sflag:s22] =	dma.local [hbm:s4], s20  }
0x9e: {  	_ =	swait.ge [sflag:s22], s20  }
0x9f: {  	s3 =	ssub.s32 $0x0, s20;
	[sflag:s22] =	ssyncset.done $0x0  }
0xa0: {  	[sflag:s22] =	ssyncadd.s32 s3;
	_ =	sdelay $0x1  }
0xa1: {  	s23 =	simm.s32 $0x1B8B  }
0xa2: {  	_ =	swait.ge [sflag:s23], $0x1  }
0xa3: {  	[sflag:s23] =	ssyncset.done $0x0  }
0xa4: {  	s25 =	simm.s32 $0x1B8E;
	s24 =	sld [smem:$0x3FFE];
	[sflag:s23] =	ssyncadd.s32 $0xFFFFFFFF  }
0xa5: {  	s26 =	simm.s32 $execute0_lowered;
	[smem:$0x3FD2] =	sst s25  }
0xa6: {  	s4 =	sshll.u32 s26, $0x1;
	_ =	strace $0x80000049;
	[dreg:$0x1] =	wrdreg $0xFFFFFFFF  }
0xa7: {  	s28 =	simm.s32 $_size_execute0_lowered;
	s2 =	sadd.s32 s2, s4;
	[dreg:$0x0] =	wrdreg $0x0  }
0xa8: {  	s4 =	sshll.u32 s28, $0x1;
	[dreg:$0x2] =	wrdreg s2  }
0xa9: {  	[dreg:$0x3] =	wrdreg s4  }
0xaa: {  	[dreg:$0x4] =	wrdreg $0xC0  }
0xab: {  	_ =	task [dreg:s6], $0x5FFFF  }
0xac: {  	[dreg:$0x1] =	wrdreg $0xFFFFFFFF  }
0xad: {  	[dreg:$0x0] =	wrdreg $0x60  }
0xae: {  	[dreg:$0x2] =	wrdreg s24  }
0xaf: {  	[dreg:$0x3] =	wrdreg $0xA  }
0xb0: {  	_ =	task.clear_ibuf [dreg:s6], $0x4FFFF;
	_ =	strace $0x90000049  }
0xb1: {  	s29 =	simm.s32 $0xA;
	_ =	strace $0x8000004B  }
0xb2: {  	_ =	swait.ge [sflag:s29], $0x1  }
0xb3: {  	[sflag:s29] =	ssyncadd.s32 $0xFFFFFFFF  }
0xb4: {  	_ =	strace $0x9000004B  }
0xb5: {  	_ =	sfence  }
0xb6: {  	s30 =	sld [smem:$0x0];
	_ =	sdelay $0x2  }
0xb7: {  	s31 =	sshll.u32 s1, $0xD;
	s1 =	sshrl.u32 s1, $0x2  }
0xb8: {  	s3 =	sand.u32 $0x4000, s31;
	s1 =	sadd.s32 s1, s30  }
0xb9: {  	s0 =	sor.u32 s3, s0;
	s1 =	sshll.u32 s1, $0x11  }
0xba: {  	s0 =	sor.u32 s1, s0  }
0xbb: {  	s0 =	sadd.s32 $0x8F2B, s0  }
0xbc: {  	[sflag:s0] =	ssyncadd.remote.s32 $0x1  }
0xbd: {  	_ =	sfence.sel $0xFFFF  }
0xbe: {  	[dreg:$0x0] =	wrdreg $0xFFFFFFFF;
	(pc) =	sbr.abs _section_cstart, $3  }
0xbf: {  	[dreg:$0x1] =	wrdreg $0xFFFFFFFF  }
0xc0: {  	_ =	task.clear_ibuf [dreg:s6], $0x2FFFF;
	_ =	strace $0x9FFFFFFF  }
0xc1: {  	(tm) =	ssettm $0x7FFFFFFF  }
tec
execute0_lowered:
.L_overlay_start_1:
0x0: {  	(tag) =	ssettag $0x1  }
0x1: {  	s0 =	srdreg.scid  }
0x2: {  	s4 =	rddreg [dreg:$0x0];
	s1 =	stileid.u32  }
0x3: {  	s2 =	simm.s32 $0x0;
	s7 =	simm.s32 $0x2;
	s3 =	sand.u32 $0x1, s0  }
0x4: {  	s8 =	simm.s32 $0x80;
	s9 =	simm.s32 $0x1;
	s5 =	sshll.u32 s3, $0x4  }
0x5: {  	s10 =	simm.s32 $0x2800;
	s11 =	simm.s32 $0x0;
	s5 =	sor.u32 s1, s5  }
0x6: {  	[smem:$0x7FF] =	sst s2;
	s6 =	ssub.s32 $0x2, s3;
	s5 =	smul.u32 $0x500, s5  }
0x7: {  	s0 =	rddreg [dreg:$0x1];
	_ =	strace $0x8000004A;
	s31 =	sshrl.u32 s6, $0x1  }
0x8: {  	s3 =	sadd.s32 $0x1DE00, s4;
	s6 =	ssub.s32 s6, s31;
	s5 =	sadd.s32 s5, s4  }
0x9: {  	s6 =	smax.u32 s6, $0x1;
	s4 =	sadd.s32 $0x9E00, s5;
	s5 =	sadd.s32 $0x1E400, s5  }
.LBB2_1:
0xa: {  	[tilespmem:s2], [sflag:$0x2] =	stream.linear.gather [hbm4b:s4+s2], $0x2800, $0x38;
	[tilespmem:$0x5000] =	vst v63  }
0xb: {  	_ =	swait.ge [sflag:s7], $0x2800  }
0xc: {  	s12 =	simm.s32 $0x200;
	[sflag:s7] =	ssyncset.done $0x0  }
0xd: {  	s13 =	simm.s32 $0x0;
	s14 =	simm.s32 $0x2800;
	[sflag:s7] =	ssyncadd.s32 $0xFFFFD800  }
.LBB2_2:
0xe: {  	[tilespmem:s14], [sflag:$0x1] =	stream.indirect.gather [hbm4b:s3+s8], $0x1, s13, s8, $0xb8;
	[tilespmem:$0x5000] =	vst v63  }
0xf: {  	s13 =	smov.u32 s12;
	p0 =	sne.s32 s12, $0x9E00  }
.Ltmp0:
0x10: {  	s12 =	sadd.s32 $0x200, s12;
	(pc) =	sbr.rel @p0 .LBB2_2-.Ltmp0, $3  }
0x11: {  	_ =	sdelay $0x1  }
0x12: {  	s13 =	sshra.s32 s13, $0x2  }
0x13: {  	s14 =	sadd.s32 $0x2800, s13  }
0x14: {  	[tilespmem:s14], [sflag:$0x1] =	stream.indirect.gather [hbm4b:s3+s8], $0x1, s13, s8, $0xb8;
	[tilespmem:$0x5000] =	vst v63  }
0x15: {  	s11 =	sadd.s32 $0x1, s11;
	_ =	swait.ge [sflag:s9], $0x2800  }
0x16: {  	p0 =	sne.s32 s11, s6;
	[sflag:s9] =	ssyncset.done $0x0  }
.Ltmp1:
0x17: {  	[sflag:s9] =	ssyncadd.s32 $0xFFFFD800;
	(pc) =	sbr.rel @p0 .LBB2_1-.Ltmp1, $4  }
0x18: {  	[hbm4b:s5+s2] =	stream.linear.scatter [tilespmem:s10], [sflag:$0x2], $0x2800, $0x38;
	[tilespmem:$0x5000] =	vst v63  }
0x19: {  	_ =	swait.ge [sflag:s7], $0x2800  }
0x1a: {  	[sflag:s7] =	ssyncset.done $0x0  }
0x1b: {  	[sflag:s7] =	ssyncadd.s32 $0xFFFFD800  }
0x1c: {  	_ =	sfence.sel $0x180000  }
0x1d: {  	[bflag:$0x0] =	sbarrier.arrive $0xFFFF  }
0x1e: {  	p0 =	sne.s32 s1, $0x0;
	_ =	strace $0x9000004A  }
0x1f: {  	s0 =	sadd.s32 @!p0 $0x100000, s0;
	[bflag:$0x2] =	sbarrier.arrive $0xFFFF  }
0x20: {  	[sflag:s0] =	ssyncadd.tile.s32 @!p0 $0x1;
	_ =	shalt  }
.Lfunc_end2:
_tile_overlayer_lowered:
.L_overlay_start_2:
0x21: {  	(tag) =	ssettag $0x2  }
0x22: {  	s0 =	rddreg [dreg:$0x0];
	s2 =	stileid.u32  }
0x23: {  	s1 =	rddreg [dreg:$0x1];
	p0 =	sne.s32 s2, $0x0  }
0x24: {  	s3 =	rddreg [dreg:$0x2];
	[bflag:$0x3] =	sbarrier.arrive $0xFFFF;
	s2 =	simm.s32 @!p0 $0x1C02  }
0x25: {  	[timem:s3], [sflag:s2] =	dma.local @!p0 [hbm:s0], s1  }
0x26: {  	s0 =	simm.s32 @!p0 $0x2  }
0x27: {  	_ =	swait.ge @!p0 [sflag:s0], s1  }
0x28: {  	s1 =	ssub.s32 @!p0 $0x0, s1;
	[sflag:s0] =	ssyncset.done @!p0 $0x0  }
0x29: {  	[sflag:s0] =	ssyncadd.s32 @!p0 s1  }
0x2a: {  	[bflag:$0x3] =	sbarrier.arrive $0xFFFF  }
0x2b: {  	_ =	shalt  }

// kernel: kernel.22.cloned.1.call-start
scs
__scs_entry_jumppad:
0x0: {  	(pc) =	sbr.rel $0x88, $3  }
0x1: {  	(tag) =	ssettag $0x0;
	lr =	simm.s32 $0x1  }
0x2: {  	[smem:$0x3F7C] =	sst lr;
	_ =	strace $0xD0000000  }
0x3: {  	_ = 	snop  }
0x4: {  	_ = 	snop  }
0x5: {  	_ = 	snop  }
0x6: {  	_ = 	snop  }
0x7: {  	_ = 	snop  }
__scs_overlays_trampoline_lowered:
0x8: {  	[smem:$0x3F8B] =	sst s0  }
0x9: {  	[smem:$0x3F8C] =	sst s1  }
0xa: {  	[smem:$0x3F8D] =	sst s2  }
0xb: {  	[smem:$0x3F8E] =	sst s3  }
0xc: {  	[smem:$0x3F8F] =	sst s4  }
0xd: {  	[smem:$0x3F90] =	sst s5  }
0xe: {  	[smem:$0x3F91] =	sst s6  }
0xf: {  	[smem:$0x3F92] =	sst s7  }
0x10: {  	[smem:$0x3F93] =	sst s8  }
0x11: {  	[smem:$0x3F94] =	sst s9;
	s0 =	simm.s32 @!p0 $0x0  }
0x12: {  	s1 =	sld [smem:$0x3F7A];
	s0 =	simm.s32 @p0 $0x1  }
0x13: {  	[smem:$0x3F95] =	sst s0;
	s0 =	simm.s32 @!p1 $0x0  }
0x14: {  	s2 =	sld [smem:$0x3F79];
	s0 =	simm.s32 @p1 $0x1  }
0x15: {  	[smem:$0x3F96] =	sst s0;
	s0 =	simm.s32 @!p2 $0x0  }
0x16: {  	s3 =	sld [smem:$0x3FDB];
	s0 =	simm.s32 @p2 $0x1  }
0x17: {  	s4 =	simm.s32 $0x1BF5;
	[smem:$0x3F98] =	sst s0  }
0x18: {  	s0 =	sld [smem:$0x3F7B];
	_ =	swait.ge [sflag:s4], $0x0  }
0x19: {  	s7 =	sld [smem:$0x3F7C]  }
0x1a: {  	s8 =	sadd.s32 $0xFFFFE003, lr  }
0x1b: {  	s9 =	sadd.s32 $0xFFFFFEF7, lr;
	s5 =	simm.s32 $0xFFFFFFFF;
	p2 =	slt.u32 s8, $0xFFFFF086  }
0x1c: {  	p1 =	slt.u32 s9, $0xF7A;
	s5 =	simm.s32 @!p2 $0x0  }
0x1d: {  	s5 =	simm.s32 @p1 $0x1;
	p0 =	seq.s32 s7, s2  }
0x1e: {  	s7 =	smul.u32 @!p0 $0xF7A, s2;
	p2 =	seq.s32 @!p0 s5, $0x0  }
0x1f: {  	s9 =	smul.u32 $0xF7A, s1;
	s8 =	simm.s32 @!p0 $0x1BF5;
	p2 =	por !p2, p0  }
0x20: {  	[sflag:s8] =	ssyncset.s32 @!p0 $0xFFFFF086;
	s6 =	sadd.s32 @!p0 s3, s7;
	s7 =	simm.s32 @!p0 $0x108  }
0x21: {  	s3 =	sadd.s32 s3, s9;
	s6 =	sadd.s32 @!p0 $0x88, s6;
	s7 =	simm.s32 @p2 $0x1082  }
0x22: {  	[simem:s7], [sflag:s8] =	dma.local @!p0 [hbm:s6], $0xF7A  }
0x23: {  	s9 =	sor.u32 $0xD0000000, s2;
	s6 =	simm.s32 $0x108;
	_ =	swait.ge @!p0 [sflag:s8], $0x0  }
0x24: {  	s3 =	sadd.s32 $0x88, s3;
	s6 =	simm.s32 @!p1 $0x1082;
	[sflag:s4] =	ssyncset.s32 $0xFFFFF086  }
0x25: {  	[simem:s6], [sflag:s4] =	dma.local [hbm:s3], $0xF7A  }
0x26: {  	[smem:$0x3F7C] =	sst s1;
	(tag) =	ssettag s2;
	_ =	strace s9  }
0x27: {  	s1 =	sld [smem:$0x3F8C]  }
0x28: {  	s2 =	sld [smem:$0x3F8D]  }
0x29: {  	s4 =	sld [smem:$0x3F8F]  }
0x2a: {  	p0 =	seq.s32 s5, $0x0;
	s5 =	sld [smem:$0x3F90]  }
0x2b: {  	s6 =	sld [smem:$0x3F91]  }
0x2c: {  	s7 =	sld [smem:$0x3F92]  }
0x2d: {  	s3 =	simm.s32 $0x108;
	s8 =	sld [smem:$0x3F93]  }
0x2e: {  	s3 =	simm.s32 @!p0 $0x1082;
	s9 =	sld [smem:$0x3F94]  }
0x2f: {  	lr =	sadd.s32 s0, s3;
	s0 =	sld [smem:$0x3F8B]  }
0x30: {  	s3 =	sld [smem:$0x3F8E]  }
0x31: {  	[smem:$0x3F97] =	sst s10  }
0x32: {  	s10 =	sld [smem:$0x3F95];
	_ =	sdelay $0x3  }
0x33: {  	p0 =	seq.s32 s10, $0x1;
	s10 =	sld [smem:$0x3F97];
	_ =	sdelay $0x3  }
0x34: {  	[smem:$0x3F97] =	sst s10  }
0x35: {  	s10 =	sld [smem:$0x3F96];
	_ =	sdelay $0x3  }
0x36: {  	p1 =	seq.s32 s10, $0x1;
	s10 =	sld [smem:$0x3F97];
	_ =	sdelay $0x3  }
0x37: {  	[smem:$0x3F97] =	sst s10  }
0x38: {  	s10 =	sld [smem:$0x3F98]  }
0x39: {  	_ = 	snop;
	(pc) =	sbr.ind lr, $3  }
0x3a: {  	_ = 	snop  }
0x3b: {  	_ = 	snop  }
0x3c: {  	p2 =	seq.s32 s10, $0x1;
	s10 =	sld [smem:$0x3F97]  }
0x3d: {  	_ =	shalt  }
0x3e: {  	_ =	shalt  }
0x3f: {  	_ =	shalt  }
0x40: {  	_ =	shalt  }
0x41: {  	_ =	shalt  }
0x42: {  	_ =	shalt  }
0x43: {  	_ =	shalt  }
0x44: {  	_ =	shalt  }
0x45: {  	_ =	shalt  }
0x46: {  	_ =	shalt  }
0x47: {  	_ =	shalt  }
0x48: {  	_ =	shalt  }
0x49: {  	_ =	shalt  }
0x4a: {  	_ =	shalt  }
0x4b: {  	_ =	shalt  }
0x4c: {  	_ =	shalt  }
0x4d: {  	_ =	shalt  }
0x4e: {  	_ =	shalt  }
0x4f: {  	_ =	shalt  }
0x50: {  	_ =	shalt  }
0x51: {  	_ =	shalt  }
0x52: {  	_ =	shalt  }
0x53: {  	_ =	shalt  }
0x54: {  	_ =	shalt  }
0x55: {  	_ =	shalt  }
0x56: {  	_ =	shalt  }
0x57: {  	_ =	shalt  }
0x58: {  	_ =	shalt  }
0x59: {  	_ =	shalt  }
0x5a: {  	_ =	shalt  }
0x5b: {  	_ =	shalt  }
0x5c: {  	_ =	shalt  }
0x5d: {  	_ =	shalt  }
0x5e: {  	_ =	shalt  }
0x5f: {  	_ =	shalt  }
0x60: {  	_ =	shalt  }
0x61: {  	_ =	shalt  }
0x62: {  	_ =	shalt  }
0x63: {  	_ =	shalt  }
0x64: {  	_ =	shalt  }
0x65: {  	_ =	shalt  }
0x66: {  	_ =	shalt  }
0x67: {  	_ =	shalt  }
0x68: {  	_ =	shalt  }
0x69: {  	_ =	shalt  }
0x6a: {  	_ =	shalt  }
0x6b: {  	_ =	shalt  }
0x6c: {  	_ =	shalt  }
0x6d: {  	_ =	shalt  }
0x6e: {  	_ =	shalt  }
0x6f: {  	_ =	shalt  }
0x70: {  	_ =	shalt  }
0x71: {  	_ =	shalt  }
0x72: {  	_ =	shalt  }
0x73: {  	_ =	shalt  }
0x74: {  	_ =	shalt  }
0x75: {  	_ =	shalt  }
0x76: {  	_ =	shalt  }
0x77: {  	_ =	shalt  }
0x78: {  	_ =	shalt  }
0x79: {  	_ =	shalt  }
0x7a: {  	_ =	shalt  }
0x7b: {  	_ =	shalt  }
0x7c: {  	_ =	shalt  }
0x7d: {  	_ =	shalt  }
0x7e: {  	_ =	shalt  }
0x7f: {  	_ =	shalt  }
0x80: {  	_ =	shalt  }
0x81: {  	_ =	shalt  }
0x82: {  	_ =	shalt  }
0x83: {  	_ =	shalt  }
0x84: {  	_ =	shalt  }
0x85: {  	_ =	shalt  }
0x86: {  	_ =	shalt  }
0x87: {  	_ =	shalt  }
.Lfunc_end0:
.L_simem_size_0:
called_computation.2_lowered:
.L_overlay_start_0:
0x88: {  	s2 =	sld [smem:$0x3FD9]  }
0x89: {  	s3 =	sld [smem:$0x3FFE];
	_ =	sdelay $0x1  }
0x8a: {  	s1 =	srdreg.scid  }
0x8b: {  	s0 =	sand.u32 $0x1, s1  }
0x8c: {  	s17 =	sshll.u32 s0, $0xA;
	s2 =	sadd.s32 s3, s2  }
0x8d: {  	s2 =	sadd.s32 s2, s17  }
0x8e: {  	[smem:$0x3FA3] =	sst s2  }
0x8f: {  	_ = 	snop  }
0x90: {  	(tm) =	ssettm $0x1  }
0x91: {  	s18 =	sld [smem:$0x3FFB];
	_ =	sdelay $0x3  }
0x92: {  	_ =	strace s18  }
0x93: {  	s2 =	sld [smem:$0x3FFC];
	_ =	sdelay $0x3  }
0x94: {  	_ =	strace s2  }
0x95: {  	s2 =	sld [smem:$0x3FFD];
	_ =	sdelay $0x3  }
0x96: {  	_ =	strace s2  }
0x97: {  	_ =	strace $0x8FFFFFFF  }
0x98: {  	s19 =	sld [smem:$0x3FDB];
	_ =	sdelay $0x1  }
0x99: {  	s20 =	simm.s32 $_scs_section_size  }
0x9a: {  	s4 =	simm.s32 $_size__tile_overlayer_lowered;
	s5 =	simm.s32 $_tile_overlayer_lowered  }
0x9b: {  	s6 =	simm.s32 $0x1BFF;
	s21 =	sshll.u32 s5, $0x1;
	s3 =	sadd.s32 s20, s19  }
0x9c: {  	s22 =	simm.s32 $0x0;
	s4 =	sshll.u32 s4, $0x1;
	s5 =	sadd.s32 s21, s3  }
0x9d: {  	[timem:s22], [sflag:s6] =	dma.local [hbm:s5], s4  }
0x9e: {  	_ =	swait.ge [sflag:s6], s4  }
0x9f: {  	s4 =	ssub.s32 $0x0, s4;
	[sflag:s6] =	ssyncset.done $0x0  }
0xa0: {  	[sflag:s6] =	ssyncadd.s32 s4;
	_ =	sdelay $0x1  }
0xa1: {  	s23 =	simm.s32 $0x1B8B  }
0xa2: {  	_ =	swait.ge [sflag:s23], $0x1  }
0xa3: {  	[sflag:s23] =	ssyncset.done $0x0  }
0xa4: {  	[sflag:s23] =	ssyncadd.s32 $0xFFFFFFFF  }
0xa5: {  	s4 =	sld [smem:$0x0]  }
0xa6: {  	s5 =	sand.u32 $0xFFFFFFFE, s1  }
0xa7: {  	p0 =	sne.s32 s1, s5  }
0xa8: {  	s5 =	sshll.u32 @p0 s5, $0xE  }
0xa9: {  	s5 =	sadd.s32 @p0 $0x11B8D, s5;
	s6 =	sshll.u32 @p0 s4, $0x11  }
0xaa: {  	s5 =	sor.u32 @p0 s6, s5  }
0xab: {  	[sflag:s5] =	ssyncadd.remote.s32 @p0 $0x1;
	_ =	sdelay $0x1  }
0xac: {  	s5 =	simm.s32 @p0 $0x1B8D  }
0xad: {  	_ =	swait.eq @p0 [sflag:s5], $0x1  }
0xae: {  	[sflag:s5] =	ssyncadd.s32 @p0 $0xFFFFFFFF  }
0xaf: {  	s6 =	sshll.u32 @!p0 s1, $0xE  }
0xb0: {  	s6 =	sor.u32 @!p0 $0x4000, s6;
	s5 =	simm.s32 @!p0 $0x1B8D  }
0xb1: {  	s4 =	sshll.u32 @!p0 s4, $0x11;
	s6 =	sadd.s32 @!p0 $0x11B8D, s6;
	_ =	swait.eq @!p0 [sflag:s5], $0x1  }
0xb2: {  	s4 =	sor.u32 @!p0 s4, s6;
	[sflag:s5] =	ssyncadd.s32 @!p0 $0xFFFFFFFF  }
0xb3: {  	s25 =	simm.s32 $0x1B8E;
	s24 =	sld [smem:$0x3FFE];
	[sflag:s4] =	ssyncadd.remote.s32 @!p0 $0x1  }
0xb4: {  	s26 =	simm.s32 $execute0_lowered;
	[smem:$0x3FD2] =	sst s25  }
0xb5: {  	s5 =	sshll.u32 s26, $0x1;
	_ =	strace $0x8000004F;
	[dreg:$0x1] =	wrdreg $0xFFFFFFFF  }
0xb6: {  	s28 =	simm.s32 $_size_execute0_lowered;
	s3 =	sadd.s32 s3, s5;
	[dreg:$0x0] =	wrdreg $0x0  }
0xb7: {  	s5 =	sshll.u32 s28, $0x1;
	[dreg:$0x2] =	wrdreg s3  }
0xb8: {  	[dreg:$0x3] =	wrdreg s5  }
0xb9: {  	[dreg:$0x4] =	wrdreg $0xC0  }
0xba: {  	_ =	task [dreg:s22], $0x5FFFF  }
0xbb: {  	[dreg:$0x1] =	wrdreg $0xFFFFFFFF  }
0xbc: {  	[dreg:$0x0] =	wrdreg $0x60  }
0xbd: {  	[dreg:$0x2] =	wrdreg s24  }
0xbe: {  	[dreg:$0x3] =	wrdreg $0xA8000  }
0xbf: {  	[dreg:$0x4] =	wrdreg $0xA  }
0xc0: {  	_ =	task.clear_ibuf [dreg:s22], $0x5FFFF;
	_ =	strace $0x9000004F  }
0xc1: {  	s29 =	simm.s32 $0xA;
	_ =	strace $0x80000051  }
0xc2: {  	_ =	swait.ge [sflag:s29], $0x1  }
0xc3: {  	[sflag:s29] =	ssyncadd.s32 $0xFFFFFFFF  }
0xc4: {  	_ =	strace $0x90000051  }
0xc5: {  	_ =	sfence  }
0xc6: {  	s30 =	sld [smem:$0x0];
	_ =	sdelay $0x2  }
0xc7: {  	s31 =	sshll.u32 s1, $0xD;
	s1 =	sshrl.u32 s1, $0x2  }
0xc8: {  	s4 =	sand.u32 $0x4000, s31;
	s1 =	sadd.s32 s1, s30  }
0xc9: {  	s0 =	sor.u32 s4, s0;
	s1 =	sshll.u32 s1, $0x11  }
0xca: {  	s0 =	sor.u32 s1, s0  }
0xcb: {  	s0 =	sadd.s32 $0x8F2B, s0  }
0xcc: {  	[sflag:s0] =	ssyncadd.remote.s32 $0x1  }
0xcd: {  	_ =	sfence.sel $0xFFFF  }
0xce: {  	[dreg:$0x0] =	wrdreg $0xFFFFFFFF;
	(pc) =	sbr.abs _section_cstart, $3  }
0xcf: {  	[dreg:$0x1] =	wrdreg $0xFFFFFFFF  }
0xd0: {  	_ =	task.clear_ibuf [dreg:s22], $0x2FFFF;
	_ =	strace $0x9FFFFFFF  }
0xd1: {  	(tm) =	ssettm $0x7FFFFFFF  }
tec
execute0_lowered:
.L_overlay_start_1:
0x0: {  	(tag) =	ssettag $0x1  }
0x1: {  	s0 =	srdreg.scid;
	s5 =	rddreg [dreg:$0x0]  }
0x2: {  	s2 =	rddreg [dreg:$0x1];
	s4 =	sand.u32 $0x1, s0;
	s0 =	stileid.u32  }
0x3: {  	s3 =	simm.s32 $0x0;
	s16 =	simm.s32 $0x2780;
	s8 =	smul.u32 $0x2800, s0  }
0x4: {  	s17 =	simm.s32 $0x6800;
	s18 =	simm.s32 $0x0;
	s9 =	smul.u32 $0x28000, s4  }
0x5: {  	[smem:$0x7FF] =	sst s3;
	s10 =	sadd.s32 $0x100C000, s5;
	s12 =	smul.u32 $0x50000, s0  }
0x6: {  	s1 =	sshll.u32 s4, $0x4;
	s25 =	ssub.s32 $0x2, s4;
	s13 =	smul.u32 $0x1400000, s4  }
0x7: {  	s29 =	smul.u32 $0x140000, s0;
	s30 =	sshll.u32 s0, $0x6;
	s6 =	sor.u32 s0, s1  }
0x8: {  	s1 =	rddreg [dreg:$0x2];
	_ =	strace $0x80000050;
	s26 =	sshrl.u32 s25, $0x1  }
0x9: {  	s7 =	smul.u32 $0x500, s6;
	s11 =	sadd.s32 s8, s5;
	s8 =	sadd.s32 s8, s9  }
0xa: {  	s9 =	ssub.s32 s25, s26;
	s28 =	sshrl.u32 s12, $0x2;
	s15 =	smul.u32 $0x28000, s6  }
0xb: {  	s31 =	sadd.s32 s29, s13;
	s12 =	simm.s32 $0x3;
	s13 =	simm.s32 $0x2800  }
0xc: {  	s8 =	sadd.s32 s8, s5;
	s14 =	sadd.s32 s28, s2;
	s4 =	sadd.s32 $0xB2000, s11  }
0xd: {  	s11 =	sor.u32 $0x4000, s31;
	s9 =	smax.u32 s9, $0x1;
	s7 =	sadd.s32 s7, s5  }
0xe: {  	s5 =	sor.u32 $0x1C03, s30;
	s8 =	sadd.s32 $0x12A000, s8;
	s11 =	sshrl.u32 s11, $0x3  }
0xf: {  	s6 =	sadd.s32 $0x13E00, s7;
	s7 =	sadd.s32 s10, s15;
	s10 =	sadd.s32 s11, s10  }
0x10: {  	s11 =	sshrl.u32 s14, $0x3;
	s14 =	simm.s32 $0x2;
	s15 =	simm.s32 $0x80  }
.LBB2_1:
0x11: {  	[spmem:s11], [sflag:s5] =	dma.local [hbm:s4], $0x2800  }
0x12: {  	_ =	swait.ge [sflag:s12], $0x2800  }
0x13: {  	[sflag:s12] =	ssyncset.done $0x0  }
0x14: {  	[sflag:s12] =	ssyncadd.s32 $0xFFFFD800  }
0x15: {  	[tilespmem:s3], [sflag:$0x3] =	stream.linear.gather [hbm4b:s6+s3], $0x2800, $0x38;
	[tilespmem:$0x1E800] =	vst v63  }
0x16: {  	_ =	swait.ge [sflag:s12], $0x2800  }
0x17: {  	[sflag:s12] =	ssyncset.done $0x0  }
0x18: {  	s19 =	sand.u32 $0x1, s3;
	[sflag:s12] =	ssyncadd.s32 $0xFFFFD800  }
0x19: {  	p0 =	seq.s32 s19, $0x1;
	p1 =	seq.s32 s19, $0x0;
	[bflag:$0x0] =	sbarrier.arrive $0xFFFF  }
0x1a: {  	[tilespmem:s13], [sflag:$0x1] =	stream.linear.gather [hbm4b:s7+s3], $0x4000, $0x38;
	[tilespmem:$0x1E800] =	vst v63  }
0x1b: {  	p2 =	sne.s32 s19, $0x0;
	s20 =	simm.s32 @!p0 $0x0;
	s21 =	simm.s32 @!p0 $0x6800  }
0x1c: {  	[tilespmem:s21], [sflag:$0x2] =	stream.linear.gather @!p0 [hbm4b:s10+s20], $0x4000, $0x38;
	[tilespmem:$0x1E800] =	vst v63  }
0x1d: {  	s19 =	simm.s32 @!p2 $0x1;
	s20 =	simm.s32 @!p1 $0x0;
	s21 =	simm.s32 @!p1 $0x2800  }
0x1e: {  	[tilespmem:s21], [sflag:$0x1] =	stream.linear.gather @!p1 [hbm4b:s10+s20], $0x4000, $0x38;
	[tilespmem:$0x1E800] =	vst v63  }
0x1f: {  	_ =	swait.ge @!p2 [sflag:s19], $0x4000  }
0x20: {  	s20 =	simm.s32 @!p2 $0x80;
	[sflag:s19] =	ssyncset.done @!p2 $0x0  }
0x21: {  	s21 =	simm.s32 @!p2 $0x2800;
	[sflag:s19] =	ssyncadd.s32 @!p2 $0xFFFFC000;
	s19 =	simm.s32 @!p2 $0x4  }
0x22: {  	[spmem:s2] =	stream.indirect.scatter.add.f32 @!p2 [tilespmem:s21], [sflag:$0x4], $0x80, s3, s20, $0xb8;
	[tilespmem:$0x1E800] =	vst v63  }
0x23: {  	_ =	swait.ge @!p2 [sflag:s19], $0x4000  }
0x24: {  	p0 =	por p0, p0;
	[sflag:s19] =	ssyncset.done @!p2 $0x0  }
0x25: {  	s20 =	simm.s32 @p0 $0x2;
	[sflag:s19] =	ssyncadd.s32 @!p2 $0xFFFFC000  }
0x26: {  	s31 =	simm.s32 $0x1;
	s22 =	simm.s32 @p0 $0x6800;
	_ =	swait.ge @p0 [sflag:s20], $0x4000  }
0x27: {  	s23 =	simm.s32 @p0 $0x3;
	s21 =	simm.s32 @p0 $0x80;
	[sflag:s20] =	ssyncset.done @p0 $0x0  }
0x28: {  	s19 =	simm.s32 $0x80;
	[sflag:s20] =	ssyncadd.s32 @p0 $0xFFFFC000;
	s20 =	sadd.s32 $0x800, s10  }
0x29: {  	[spmem:s2] =	stream.indirect.scatter.add.f32 @p0 [tilespmem:s22], [sflag:$0x3], $0x80, s3, s21, $0xb8;
	[tilespmem:$0x1E800] =	vst v63  }
0x2a: {  	s21 =	simm.s32 $0x2;
	s22 =	sand.u32 $0x1, s31;
	_ =	swait.ge @p0 [sflag:s23], $0x4000  }
.LBB2_2:
0x2b: {  	p3 =	seq.s32 s22, $0x1;
	p1 =	seq.s32 s22, $0x0;
	[sflag:s23] =	ssyncset.done @p0 $0x0  }
0x2c: {  	s24 =	simm.s32 @!p3 $0x0;
	s25 =	simm.s32 @!p3 $0x6800;
	[sflag:s23] =	ssyncadd.s32 @p0 $0xFFFFC000  }
0x2d: {  	[tilespmem:s25], [sflag:$0x2] =	stream.linear.gather @!p3 [hbm4b:s20+s24], $0x4000, $0x38;
	[tilespmem:$0x1E800] =	vst v63  }
0x2e: {  	p2 =	sne.s32 s22, $0x0;
	s23 =	simm.s32 @!p1 $0x0;
	s24 =	simm.s32 @!p1 $0x2800  }
0x2f: {  	[tilespmem:s24], [sflag:$0x1] =	stream.linear.gather @!p1 [hbm4b:s20+s23], $0x4000, $0x38;
	[tilespmem:$0x1E800] =	vst v63  }
0x30: {  	s22 =	simm.s32 @!p2 $0x1;
	s24 =	smov.u32 s21;
	s21 =	sadd.s32 $0x1, s21  }
0x31: {  	p0 =	por p3, p3;
	p1 =	sne.s32 s21, $0x4F;
	_ =	swait.ge @!p2 [sflag:s22], $0x4000  }
0x32: {  	s25 =	simm.s32 @!p2 $0x2800;
	s23 =	simm.s32 @!p2 $0x80;
	[sflag:s22] =	ssyncset.done @!p2 $0x0  }
0x33: {  	[sflag:s22] =	ssyncadd.s32 @!p2 $0xFFFFC000;
	s22 =	simm.s32 @!p2 $0x4  }
0x34: {  	[spmem:s2] =	stream.indirect.scatter.add.f32 @!p2 [tilespmem:s25], [sflag:$0x4], $0x80, s19, s23, $0xb8;
	[tilespmem:$0x1E800] =	vst v63  }
0x35: {  	_ =	swait.ge @!p2 [sflag:s22], $0x4000  }
0x36: {  	s23 =	simm.s32 @p0 $0x2;
	[sflag:s22] =	ssyncset.done @!p2 $0x0  }
0x37: {  	[sflag:s22] =	ssyncadd.s32 @!p2 $0xFFFFC000  }
.Ltmp0:
0x38: {  	_ =	swait.ge @p0 [sflag:s23], $0x4000;
	(pc) =	sbr.rel @p1 .LBB2_2-.Ltmp0, $4  }
0x39: {  	s25 =	simm.s32 @p0 $0x6800;
	s22 =	simm.s32 @p0 $0x80;
	[sflag:s23] =	ssyncset.done @p0 $0x0  }
0x3a: {  	s20 =	sadd.s32 $0x800, s20;
	[sflag:s23] =	ssyncadd.s32 @p0 $0xFFFFC000;
	s23 =	simm.s32 @p0 $0x3  }
0x3b: {  	[spmem:s2] =	stream.indirect.scatter.add.f32 @p0 [tilespmem:s25], [sflag:$0x3], $0x80, s19, s22, $0xb8;
	[tilespmem:$0x1E800] =	vst v63  }
0x3c: {  	s22 =	sand.u32 $0x1, s24;
	s19 =	sadd.s32 $0x80, s19;
	_ =	swait.ge @p0 [sflag:s23], $0x4000  }
0x3d: {  	p1 =	seq.s32 s22, $0x1;
	p2 =	seq.s32 s22, $0x0;
	[sflag:s23] =	ssyncset.done @p0 $0x0  }
0x3e: {  	s21 =	simm.s32 @!p1 $0x0;
	s24 =	simm.s32 @!p1 $0x6800;
	[sflag:s23] =	ssyncadd.s32 @p0 $0xFFFFC000  }
0x3f: {  	[tilespmem:s24], [sflag:$0x2] =	stream.linear.gather @!p1 [hbm4b:s20+s21], $0x4000, $0x38;
	[tilespmem:$0x1E800] =	vst v63  }
0x40: {  	s23 =	simm.s32 @!p2 $0x2800;
	p0 =	sne.s32 s22, $0x0;
	s21 =	simm.s32 @!p2 $0x0  }
0x41: {  	[tilespmem:s23], [sflag:$0x1] =	stream.linear.gather @!p2 [hbm4b:s20+s21], $0x4000, $0x38;
	[tilespmem:$0x1E800] =	vst v63  }
0x42: {  	s20 =	simm.s32 @!p0 $0x1  }
0x43: {  	_ =	swait.ge @!p0 [sflag:s20], $0x4000  }
0x44: {  	s22 =	simm.s32 @!p0 $0x2800;
	[sflag:s20] =	ssyncset.done @!p0 $0x0  }
0x45: {  	s21 =	simm.s32 @!p0 $0x80;
	[sflag:s20] =	ssyncadd.s32 @!p0 $0xFFFFC000;
	s20 =	simm.s32 @!p0 $0x4  }
0x46: {  	[spmem:s2] =	stream.indirect.scatter.add.f32 @!p0 [tilespmem:s22], [sflag:$0x4], $0x80, s19, s21, $0xb8;
	[tilespmem:$0x1E800] =	vst v63  }
0x47: {  	_ =	swait.ge @!p0 [sflag:s20], $0x4000  }
0x48: {  	p1 =	por p1, p1;
	[sflag:s20] =	ssyncset.done @!p0 $0x0  }
0x49: {  	s21 =	simm.s32 @p1 $0x2;
	[sflag:s20] =	ssyncadd.s32 @!p0 $0xFFFFC000  }
0x4a: {  	_ =	swait.ge @p1 [sflag:s21], $0x4000  }
0x4b: {  	s22 =	simm.s32 @p1 $0x6800;
	[sflag:s21] =	ssyncset.done @p1 $0x0  }
0x4c: {  	s20 =	simm.s32 @p1 $0x80;
	[sflag:s21] =	ssyncadd.s32 @p1 $0xFFFFC000;
	s21 =	simm.s32 @p1 $0x3  }
0x4d: {  	[spmem:s2] =	stream.indirect.scatter.add.f32 @p1 [tilespmem:s22], [sflag:$0x3], $0x80, s19, s20, $0xb8;
	[tilespmem:$0x1E800] =	vst v63  }
0x4e: {  	_ =	swait.ge @p1 [sflag:s21], $0x4000  }
0x4f: {  	[sflag:s21] =	ssyncset.done @p1 $0x0  }
0x50: {  	[sflag:s21] =	ssyncadd.s32 @p1 $0xFFFFC000  }
0x51: {  	_ =	swait.ge [sflag:s14], $0x4000  }
0x52: {  	[sflag:s14] =	ssyncset.done $0x0  }
0x53: {  	[sflag:s14] =	ssyncadd.s32 $0xFFFFC000  }
0x54: {  	[spmem:s2] =	stream.indirect.scatter.add.f32 [tilespmem:s17], [sflag:$0x3], $0x80, s16, s15, $0xb8;
	[tilespmem:$0x1E800] =	vst v63  }
0x55: {  	_ =	swait.ge [sflag:s12], $0x4000  }
0x56: {  	s18 =	sadd.s32 $0x1, s18;
	[sflag:s12] =	ssyncset.done $0x0  }
0x57: {  	p0 =	sne.s32 s18, s9;
	[sflag:s12] =	ssyncadd.s32 $0xFFFFC000  }
.Ltmp1:
0x58: {  	[bflag:$0x0] =	sbarrier.arrive $0xFFFF;
	(pc) =	sbr.rel @p0 .LBB2_1-.Ltmp1, $4  }
0x59: {  	[hbm:s8], [sflag:s5] =	dma.local [spmem:s11], $0x2800  }
0x5a: {  	_ =	swait.ge [sflag:s12], $0x2800  }
0x5b: {  	[sflag:s12] =	ssyncset.done $0x0  }
0x5c: {  	[sflag:s12] =	ssyncadd.s32 $0xFFFFD800  }
0x5d: {  	_ =	sfence.sel $0x180000  }
0x5e: {  	[bflag:$0x0] =	sbarrier.arrive $0xFFFF  }
0x5f: {  	p0 =	sne.s32 s0, $0x0;
	_ =	strace $0x90000050  }
0x60: {  	s0 =	sadd.s32 @!p0 $0x100000, s1;
	[bflag:$0x2] =	sbarrier.arrive $0xFFFF  }
0x61: {  	[sflag:s0] =	ssyncadd.tile.s32 @!p0 $0x1;
	_ =	shalt  }
.Lfunc_end2:
_tile_overlayer_lowered:
.L_overlay_start_2:
0x62: {  	(tag) =	ssettag $0x2  }
0x63: {  	s0 =	rddreg [dreg:$0x0];
	s2 =	stileid.u32  }
0x64: {  	s1 =	rddreg [dreg:$0x1];
	p0 =	sne.s32 s2, $0x0  }
0x65: {  	s3 =	rddreg [dreg:$0x2];
	[bflag:$0x3] =	sbarrier.arrive $0xFFFF;
	s2 =	simm.s32 @!p0 $0x1C03  }
0x66: {  	[timem:s3], [sflag:s2] =	dma.local @!p0 [hbm:s0], s1  }
0x67: {  	s0 =	simm.s32 @!p0 $0x3  }
0x68: {  	_ =	swait.ge @!p0 [sflag:s0], s1  }
0x69: {  	s1 =	ssub.s32 @!p0 $0x0, s1;
	[sflag:s0] =	ssyncset.done @!p0 $0x0  }
0x6a: {  	[sflag:s0] =	ssyncadd.s32 @!p0 s1  }
0x6b: {  	[bflag:$0x3] =	sbarrier.arrive $0xFFFF  }
0x6c: {  	_ =	shalt  }

// kernel: kernel.25.cloned.1.call-start
scs
__scs_entry_jumppad:
0x0: {  	(pc) =	sbr.rel $0x88, $3  }
0x1: {  	(tag) =	ssettag $0x0;
	lr =	simm.s32 $0x1  }
0x2: {  	[smem:$0x3F7C] =	sst lr;
	_ =	strace $0xD0000000  }
0x3: {  	_ = 	snop  }
0x4: {  	_ = 	snop  }
0x5: {  	_ = 	snop  }
0x6: {  	_ = 	snop  }
0x7: {  	_ = 	snop  }
__scs_overlays_trampoline_lowered:
0x8: {  	[smem:$0x3F8B] =	sst s0  }
0x9: {  	[smem:$0x3F8C] =	sst s1  }
0xa: {  	[smem:$0x3F8D] =	sst s2  }
0xb: {  	[smem:$0x3F8E] =	sst s3  }
0xc: {  	[smem:$0x3F8F] =	sst s4  }
0xd: {  	[smem:$0x3F90] =	sst s5  }
0xe: {  	[smem:$0x3F91] =	sst s6  }
0xf: {  	[smem:$0x3F92] =	sst s7  }
0x10: {  	[smem:$0x3F93] =	sst s8  }
0x11: {  	[smem:$0x3F94] =	sst s9;
	s0 =	simm.s32 @!p0 $0x0  }
0x12: {  	s1 =	sld [smem:$0x3F7A];
	s0 =	simm.s32 @p0 $0x1  }
0x13: {  	[smem:$0x3F95] =	sst s0;
	s0 =	simm.s32 @!p1 $0x0  }
0x14: {  	s2 =	sld [smem:$0x3F79];
	s0 =	simm.s32 @p1 $0x1  }
0x15: {  	[smem:$0x3F96] =	sst s0;
	s0 =	simm.s32 @!p2 $0x0  }
0x16: {  	s3 =	sld [smem:$0x3FDB];
	s0 =	simm.s32 @p2 $0x1  }
0x17: {  	s4 =	simm.s32 $0x1BF5;
	[smem:$0x3F98] =	sst s0  }
0x18: {  	s0 =	sld [smem:$0x3F7B];
	_ =	swait.ge [sflag:s4], $0x0  }
0x19: {  	s7 =	sld [smem:$0x3F7C]  }
0x1a: {  	s8 =	sadd.s32 $0xFFFFE003, lr  }
0x1b: {  	s9 =	sadd.s32 $0xFFFFFEF7, lr;
	s5 =	simm.s32 $0xFFFFFFFF;
	p2 =	slt.u32 s8, $0xFFFFF086  }
0x1c: {  	p1 =	slt.u32 s9, $0xF7A;
	s5 =	simm.s32 @!p2 $0x0  }
0x1d: {  	s5 =	simm.s32 @p1 $0x1;
	p0 =	seq.s32 s7, s2  }
0x1e: {  	s7 =	smul.u32 @!p0 $0xF7A, s2;
	p2 =	seq.s32 @!p0 s5, $0x0  }
0x1f: {  	s9 =	smul.u32 $0xF7A, s1;
	s8 =	simm.s32 @!p0 $0x1BF5;
	p2 =	por !p2, p0  }
0x20: {  	[sflag:s8] =	ssyncset.s32 @!p0 $0xFFFFF086;
	s6 =	sadd.s32 @!p0 s3, s7;
	s7 =	simm.s32 @!p0 $0x108  }
0x21: {  	s3 =	sadd.s32 s3, s9;
	s6 =	sadd.s32 @!p0 $0x88, s6;
	s7 =	simm.s32 @p2 $0x1082  }
0x22: {  	[simem:s7], [sflag:s8] =	dma.local @!p0 [hbm:s6], $0xF7A  }
0x23: {  	s9 =	sor.u32 $0xD0000000, s2;
	s6 =	simm.s32 $0x108;
	_ =	swait.ge @!p0 [sflag:s8], $0x0  }
0x24: {  	s3 =	sadd.s32 $0x88, s3;
	s6 =	simm.s32 @!p1 $0x1082;
	[sflag:s4] =	ssyncset.s32 $0xFFFFF086  }
0x25: {  	[simem:s6], [sflag:s4] =	dma.local [hbm:s3], $0xF7A  }
0x26: {  	[smem:$0x3F7C] =	sst s1;
	(tag) =	ssettag s2;
	_ =	strace s9  }
0x27: {  	s1 =	sld [smem:$0x3F8C]  }
0x28: {  	s2 =	sld [smem:$0x3F8D]  }
0x29: {  	s4 =	sld [smem:$0x3F8F]  }
0x2a: {  	p0 =	seq.s32 s5, $0x0;
	s5 =	sld [smem:$0x3F90]  }
0x2b: {  	s6 =	sld [smem:$0x3F91]  }
0x2c: {  	s7 =	sld [smem:$0x3F92]  }
0x2d: {  	s3 =	simm.s32 $0x108;
	s8 =	sld [smem:$0x3F93]  }
0x2e: {  	s3 =	simm.s32 @!p0 $0x1082;
	s9 =	sld [smem:$0x3F94]  }
0x2f: {  	lr =	sadd.s32 s0, s3;
	s0 =	sld [smem:$0x3F8B]  }
0x30: {  	s3 =	sld [smem:$0x3F8E]  }
0x31: {  	[smem:$0x3F97] =	sst s10  }
0x32: {  	s10 =	sld [smem:$0x3F95];
	_ =	sdelay $0x3  }
0x33: {  	p0 =	seq.s32 s10, $0x1;
	s10 =	sld [smem:$0x3F97];
	_ =	sdelay $0x3  }
0x34: {  	[smem:$0x3F97] =	sst s10  }
0x35: {  	s10 =	sld [smem:$0x3F96];
	_ =	sdelay $0x3  }
0x36: {  	p1 =	seq.s32 s10, $0x1;
	s10 =	sld [smem:$0x3F97];
	_ =	sdelay $0x3  }
0x37: {  	[smem:$0x3F97] =	sst s10  }
0x38: {  	s10 =	sld [smem:$0x3F98]  }
0x39: {  	_ = 	snop;
	(pc) =	sbr.ind lr, $3  }
0x3a: {  	_ = 	snop  }
0x3b: {  	_ = 	snop  }
0x3c: {  	p2 =	seq.s32 s10, $0x1;
	s10 =	sld [smem:$0x3F97]  }
0x3d: {  	_ =	shalt  }
0x3e: {  	_ =	shalt  }
0x3f: {  	_ =	shalt  }
0x40: {  	_ =	shalt  }
0x41: {  	_ =	shalt  }
0x42: {  	_ =	shalt  }
0x43: {  	_ =	shalt  }
0x44: {  	_ =	shalt  }
0x45: {  	_ =	shalt  }
0x46: {  	_ =	shalt  }
0x47: {  	_ =	shalt  }
0x48: {  	_ =	shalt  }
0x49: {  	_ =	shalt  }
0x4a: {  	_ =	shalt  }
0x4b: {  	_ =	shalt  }
0x4c: {  	_ =	shalt  }
0x4d: {  	_ =	shalt  }
0x4e: {  	_ =	shalt  }
0x4f: {  	_ =	shalt  }
0x50: {  	_ =	shalt  }
0x51: {  	_ =	shalt  }
0x52: {  	_ =	shalt  }
0x53: {  	_ =	shalt  }
0x54: {  	_ =	shalt  }
0x55: {  	_ =	shalt  }
0x56: {  	_ =	shalt  }
0x57: {  	_ =	shalt  }
0x58: {  	_ =	shalt  }
0x59: {  	_ =	shalt  }
0x5a: {  	_ =	shalt  }
0x5b: {  	_ =	shalt  }
0x5c: {  	_ =	shalt  }
0x5d: {  	_ =	shalt  }
0x5e: {  	_ =	shalt  }
0x5f: {  	_ =	shalt  }
0x60: {  	_ =	shalt  }
0x61: {  	_ =	shalt  }
0x62: {  	_ =	shalt  }
0x63: {  	_ =	shalt  }
0x64: {  	_ =	shalt  }
0x65: {  	_ =	shalt  }
0x66: {  	_ =	shalt  }
0x67: {  	_ =	shalt  }
0x68: {  	_ =	shalt  }
0x69: {  	_ =	shalt  }
0x6a: {  	_ =	shalt  }
0x6b: {  	_ =	shalt  }
0x6c: {  	_ =	shalt  }
0x6d: {  	_ =	shalt  }
0x6e: {  	_ =	shalt  }
0x6f: {  	_ =	shalt  }
0x70: {  	_ =	shalt  }
0x71: {  	_ =	shalt  }
0x72: {  	_ =	shalt  }
0x73: {  	_ =	shalt  }
0x74: {  	_ =	shalt  }
0x75: {  	_ =	shalt  }
0x76: {  	_ =	shalt  }
0x77: {  	_ =	shalt  }
0x78: {  	_ =	shalt  }
0x79: {  	_ =	shalt  }
0x7a: {  	_ =	shalt  }
0x7b: {  	_ =	shalt  }
0x7c: {  	_ =	shalt  }
0x7d: {  	_ =	shalt  }
0x7e: {  	_ =	shalt  }
0x7f: {  	_ =	shalt  }
0x80: {  	_ =	shalt  }
0x81: {  	_ =	shalt  }
0x82: {  	_ =	shalt  }
0x83: {  	_ =	shalt  }
0x84: {  	_ =	shalt  }
0x85: {  	_ =	shalt  }
0x86: {  	_ =	shalt  }
0x87: {  	_ =	shalt  }
.Lfunc_end0:
.L_simem_size_0:
called_computation.3_lowered:
.L_overlay_start_0:
0x88: {  	s2 =	sld [smem:$0x3FD9]  }
0x89: {  	s3 =	sld [smem:$0x3FFE];
	_ =	sdelay $0x1  }
0x8a: {  	s1 =	srdreg.scid  }
0x8b: {  	s0 =	sand.u32 $0x1, s1  }
0x8c: {  	s17 =	sshll.u32 s0, $0xA;
	s2 =	sadd.s32 s3, s2  }
0x8d: {  	s2 =	sadd.s32 s2, s17  }
0x8e: {  	[smem:$0x3FA3] =	sst s2  }
0x8f: {  	_ = 	snop  }
0x90: {  	(tm) =	ssettm $0x1  }
0x91: {  	s18 =	sld [smem:$0x3FFB];
	_ =	sdelay $0x3  }
0x92: {  	_ =	strace s18  }
0x93: {  	s2 =	sld [smem:$0x3FFC];
	_ =	sdelay $0x3  }
0x94: {  	_ =	strace s2  }
0x95: {  	s2 =	sld [smem:$0x3FFD];
	_ =	sdelay $0x3  }
0x96: {  	_ =	strace s2  }
0x97: {  	_ =	strace $0x8FFFFFFF  }
0x98: {  	s19 =	sld [smem:$0x3FDB];
	_ =	sdelay $0x1  }
0x99: {  	s20 =	simm.s32 $_scs_section_size  }
0x9a: {  	s4 =	simm.s32 $_size__tile_overlayer_lowered;
	s5 =	simm.s32 $_tile_overlayer_lowered  }
0x9b: {  	s6 =	simm.s32 $0x1BFF;
	s21 =	sshll.u32 s5, $0x1;
	s3 =	sadd.s32 s20, s19  }
0x9c: {  	s22 =	simm.s32 $0x0;
	s4 =	sshll.u32 s4, $0x1;
	s5 =	sadd.s32 s21, s3  }
0x9d: {  	[timem:s22], [sflag:s6] =	dma.local [hbm:s5], s4  }
0x9e: {  	_ =	swait.ge [sflag:s6], s4  }
0x9f: {  	s4 =	ssub.s32 $0x0, s4;
	[sflag:s6] =	ssyncset.done $0x0  }
0xa0: {  	[sflag:s6] =	ssyncadd.s32 s4;
	_ =	sdelay $0x1  }
0xa1: {  	s23 =	simm.s32 $0x1B8B  }
0xa2: {  	_ =	swait.ge [sflag:s23], $0x1  }
0xa3: {  	[sflag:s23] =	ssyncset.done $0x0  }
0xa4: {  	[sflag:s23] =	ssyncadd.s32 $0xFFFFFFFF  }
0xa5: {  	s4 =	sld [smem:$0x0]  }
0xa6: {  	s5 =	sand.u32 $0xFFFFFFFE, s1  }
0xa7: {  	p0 =	sne.s32 s1, s5  }
0xa8: {  	s5 =	sshll.u32 @p0 s5, $0xE  }
0xa9: {  	s5 =	sadd.s32 @p0 $0x11B8D, s5;
	s6 =	sshll.u32 @p0 s4, $0x11  }
0xaa: {  	s5 =	sor.u32 @p0 s6, s5  }
0xab: {  	[sflag:s5] =	ssyncadd.remote.s32 @p0 $0x1;
	_ =	sdelay $0x1  }
0xac: {  	s5 =	simm.s32 @p0 $0x1B8D  }
0xad: {  	_ =	swait.eq @p0 [sflag:s5], $0x1  }
0xae: {  	[sflag:s5] =	ssyncadd.s32 @p0 $0xFFFFFFFF  }
0xaf: {  	s6 =	sshll.u32 @!p0 s1, $0xE  }
0xb0: {  	s6 =	sor.u32 @!p0 $0x4000, s6;
	s5 =	simm.s32 @!p0 $0x1B8D  }
0xb1: {  	s4 =	sshll.u32 @!p0 s4, $0x11;
	s6 =	sadd.s32 @!p0 $0x11B8D, s6;
	_ =	swait.eq @!p0 [sflag:s5], $0x1  }
0xb2: {  	s4 =	sor.u32 @!p0 s4, s6;
	[sflag:s5] =	ssyncadd.s32 @!p0 $0xFFFFFFFF  }
0xb3: {  	s25 =	simm.s32 $0x1B8E;
	s24 =	sld [smem:$0x3FFE];
	[sflag:s4] =	ssyncadd.remote.s32 @!p0 $0x1  }
0xb4: {  	s26 =	simm.s32 $execute0_lowered;
	[smem:$0x3FD2] =	sst s25  }
0xb5: {  	s5 =	sshll.u32 s26, $0x1;
	_ =	strace $0x8000004C;
	[dreg:$0x1] =	wrdreg $0xFFFFFFFF  }
0xb6: {  	s28 =	simm.s32 $_size_execute0_lowered;
	s3 =	sadd.s32 s3, s5;
	[dreg:$0x0] =	wrdreg $0x0  }
0xb7: {  	s5 =	sshll.u32 s28, $0x1;
	[dreg:$0x2] =	wrdreg s3  }
0xb8: {  	[dreg:$0x3] =	wrdreg s5  }
0xb9: {  	[dreg:$0x4] =	wrdreg $0xC0  }
0xba: {  	_ =	task [dreg:s22], $0x5FFFF  }
0xbb: {  	[dreg:$0x1] =	wrdreg $0xFFFFFFFF  }
0xbc: {  	[dreg:$0x0] =	wrdreg $0x60  }
0xbd: {  	[dreg:$0x2] =	wrdreg s24  }
0xbe: {  	[dreg:$0x3] =	wrdreg $0xA8000  }
0xbf: {  	[dreg:$0x4] =	wrdreg $0x9  }
0xc0: {  	_ =	task.clear_ibuf [dreg:s22], $0x5FFFF;
	_ =	strace $0x9000004C  }
0xc1: {  	s29 =	simm.s32 $0x9;
	_ =	strace $0x8000004E  }
0xc2: {  	_ =	swait.ge [sflag:s29], $0x1  }
0xc3: {  	[sflag:s29] =	ssyncadd.s32 $0xFFFFFFFF  }
0xc4: {  	_ =	strace $0x9000004E  }
0xc5: {  	_ =	sfence  }
0xc6: {  	s30 =	sld [smem:$0x0];
	_ =	sdelay $0x2  }
0xc7: {  	s31 =	sshll.u32 s1, $0xD;
	s1 =	sshrl.u32 s1, $0x2  }
0xc8: {  	s4 =	sand.u32 $0x4000, s31;
	s1 =	sadd.s32 s1, s30  }
0xc9: {  	s0 =	sor.u32 s4, s0;
	s1 =	sshll.u32 s1, $0x11  }
0xca: {  	s0 =	sor.u32 s1, s0  }
0xcb: {  	s0 =	sadd.s32 $0x8F2B, s0  }
0xcc: {  	[sflag:s0] =	ssyncadd.remote.s32 $0x1  }
0xcd: {  	_ =	sfence.sel $0xFFFF  }
0xce: {  	[dreg:$0x0] =	wrdreg $0xFFFFFFFF;
	(pc) =	sbr.abs _section_cstart, $3  }
0xcf: {  	[dreg:$0x1] =	wrdreg $0xFFFFFFFF  }
0xd0: {  	_ =	task.clear_ibuf [dreg:s22], $0x2FFFF;
	_ =	strace $0x9FFFFFFF  }
0xd1: {  	(tm) =	ssettm $0x7FFFFFFF  }
tec
execute0_lowered:
.L_overlay_start_1:
0x0: {  	(tag) =	ssettag $0x1  }
0x1: {  	s5 =	rddreg [dreg:$0x0]  }
0x2: {  	s2 =	rddreg [dreg:$0x1]  }
0x3: {  	s0 =	rddreg [dreg:$0x2];
	s3 =	simm.s32 $0x0;
	s1 =	stileid.u32  }
0x4: {  	s4 =	srdreg.scid;
	s16 =	simm.s32 $0x2;
	s17 =	simm.s32 $0x2780  }
0x5: {  	s18 =	simm.s32 $0x6800;
	s19 =	simm.s32 $0x80;
	s20 =	simm.s32 $0x0  }
0x6: {  	[smem:$0x7FF] =	sst s3;
	s6 =	smul.u32 $0x2800, s1;
	s7 =	sand.u32 $0x1, s4  }
0x7: {  	s4 =	sadd.s32 $0x63C00, s5;
	s9 =	sadd.s32 $0x28400, s5;
	s10 =	sadd.s32 $0x32400, s5  }
0x8: {  	s12 =	smul.u32 $0x50000, s1;
	s13 =	sshll.u32 s1, $0x1;
	s29 =	sshll.u32 s1, $0x6  }
0x9: {  	_ =	strace $0x8000004D;
	s8 =	smul.u32 $0x28000, s7;
	s23 =	ssub.s32 $0x2, s7  }
0xa: {  	s7 =	sshll.u32 s7, $0x5;
	s11 =	sadd.s32 s6, s5;
	s24 =	sshrl.u32 s23, $0x1  }
0xb: {  	s25 =	sor.u32 s13, s7;
	s28 =	sshrl.u32 s12, $0x2;
	s6 =	sadd.s32 s6, s8  }
0xc: {  	s26 =	ssub.s32 s23, s24;
	s7 =	smul.u32 $0x1400, s25;
	s15 =	sadd.s32 s28, s2  }
0xd: {  	s30 =	smul.u32 $0x280, s25;
	s14 =	sadd.s32 s6, s5;
	s5 =	sadd.s32 $0xB2000, s11  }
0xe: {  	s6 =	sor.u32 $0x1C03, s29;
	s12 =	smax.u32 s26, $0x1;
	s31 =	sshrl.u32 s7, $0x3  }
0xf: {  	s13 =	sshrl.u32 s15, $0x3;
	s15 =	simm.s32 $0x2800;
	s11 =	sadd.s32 $0x280, s31  }
0x10: {  	s7 =	sadd.s32 s9, s30;
	s8 =	sadd.s32 s10, s30;
	s9 =	sadd.s32 s9, s11  }
0x11: {  	s10 =	sadd.s32 s10, s11;
	s11 =	sadd.s32 $0xDA000, s14;
	s14 =	simm.s32 $0x3  }
.LBB2_1:
0x12: {  	[spmem:s13], [sflag:s6] =	dma.local [hbm:s5], $0x2800  }
0x13: {  	_ =	swait.ge [sflag:s14], $0x2800  }
0x14: {  	[sflag:s14] =	ssyncset.done $0x0  }
0x15: {  	[sflag:s14] =	ssyncadd.s32 $0xFFFFD800  }
0x16: {  	[bflag:$0x0] =	sbarrier.arrive $0xFFFF  }
0x17: {  	[tilespmem:s3], [sflag:$0x3] =	stream.linear.gather [hbm4b:s7+s3], $0x1400, $0x38;
	[tilespmem:$0x1E800] =	vst v63  }
0x18: {  	_ =	swait.ge [sflag:s14], $0x1400  }
0x19: {  	[sflag:s14] =	ssyncset.done $0x0  }
0x1a: {  	s21 =	simm.s32 $0x1400;
	[sflag:s14] =	ssyncadd.s32 $0xFFFFEC00  }
0x1b: {  	[tilespmem:s21], [sflag:$0x3] =	stream.linear.gather [hbm4b:s8+s3], $0x1400, $0x38;
	[tilespmem:$0x1E800] =	vst v63  }
0x1c: {  	_ =	swait.ge [sflag:s14], $0x1400  }
0x1d: {  	s22 =	sand.u32 $0x1, s3;
	[sflag:s14] =	ssyncset.done $0x0  }
0x1e: {  	p0 =	seq.s32 s22, $0x1;
	p1 =	seq.s32 s22, $0x0;
	[sflag:s14] =	ssyncadd.s32 $0xFFFFEC00  }
0x1f: {  	[tilespmem:s15], [sflag:$0x1] =	stream.indirect.gather [hbm4b:s4+s19], $0x80, s3, s19, $0xb8;
	[tilespmem:$0x1E800] =	vst v63  }
0x20: {  	p2 =	sne.s32 s22, $0x0;
	s23 =	simm.s32 @!p0 $0x80;
	s24 =	simm.s32 @!p0 $0x6800  }
0x21: {  	[tilespmem:s24], [sflag:$0x2] =	stream.indirect.gather @!p0 [hbm4b:s4+s23], $0x80, s19, s23, $0xb8;
	[tilespmem:$0x1E800] =	vst v63  }
0x22: {  	s22 =	simm.s32 @!p2 $0x1;
	s23 =	simm.s32 @!p1 $0x80;
	s24 =	simm.s32 @!p1 $0x2800  }
0x23: {  	[tilespmem:s24], [sflag:$0x1] =	stream.indirect.gather @!p1 [hbm4b:s4+s23], $0x80, s19, s23, $0xb8;
	[tilespmem:$0x1E800] =	vst v63  }
0x24: {  	_ =	swait.ge @!p2 [sflag:s22], $0x4000  }
0x25: {  	s23 =	simm.s32 @!p2 $0x80;
	[sflag:s22] =	ssyncset.done @!p2 $0x0  }
0x26: {  	s24 =	simm.s32 @!p2 $0x2800;
	[sflag:s22] =	ssyncadd.s32 @!p2 $0xFFFFC000;
	s22 =	simm.s32 @!p2 $0x4  }
0x27: {  	[spmem:s2] =	stream.indirect.scatter.add.f32 @!p2 [tilespmem:s24], [sflag:$0x4], $0x80, s21, s23, $0xb8;
	[tilespmem:$0x1E800] =	vst v63  }
0x28: {  	_ =	swait.ge @!p2 [sflag:s22], $0x4000  }
0x29: {  	p0 =	por p0, p0;
	[sflag:s22] =	ssyncset.done @!p2 $0x0  }
0x2a: {  	s23 =	simm.s32 @p0 $0x2;
	[sflag:s22] =	ssyncadd.s32 @!p2 $0xFFFFC000  }
0x2b: {  	_ =	swait.ge @p0 [sflag:s23], $0x4000  }
0x2c: {  	s31 =	simm.s32 $0x1;
	[sflag:s23] =	ssyncset.done @p0 $0x0  }
0x2d: {  	s25 =	simm.s32 @p0 $0x6800;
	s22 =	simm.s32 @p0 $0x80;
	[sflag:s23] =	ssyncadd.s32 @p0 $0xFFFFC000  }
0x2e: {  	[spmem:s2] =	stream.indirect.scatter.add.f32 @p0 [tilespmem:s25], [sflag:$0x3], $0x80, s21, s22, $0xb8;
	[tilespmem:$0x1E800] =	vst v63  }
0x2f: {  	s24 =	sand.u32 $0x1, s31;
	s23 =	simm.s32 $0x2;
	s25 =	simm.s32 @p0 $0x3  }
0x30: {  	s22 =	simm.s32 $0x100;
	s21 =	simm.s32 $0x1480;
	_ =	swait.ge @p0 [sflag:s25], $0x4000  }
.LBB2_2:
0x31: {  	p3 =	seq.s32 s24, $0x1;
	p1 =	seq.s32 s24, $0x0;
	[sflag:s25] =	ssyncset.done @p0 $0x0  }
0x32: {  	s26 =	simm.s32 @!p3 $0x80;
	s28 =	simm.s32 @!p3 $0x6800;
	[sflag:s25] =	ssyncadd.s32 @p0 $0xFFFFC000  }
0x33: {  	[tilespmem:s28], [sflag:$0x2] =	stream.indirect.gather @!p3 [hbm4b:s4+s26], $0x80, s22, s26, $0xb8;
	[tilespmem:$0x1E800] =	vst v63  }
0x34: {  	p2 =	sne.s32 s24, $0x0;
	s25 =	simm.s32 @!p1 $0x80;
	s26 =	simm.s32 @!p1 $0x2800  }
0x35: {  	[tilespmem:s26], [sflag:$0x1] =	stream.indirect.gather @!p1 [hbm4b:s4+s25], $0x80, s22, s25, $0xb8;
	[tilespmem:$0x1E800] =	vst v63  }
0x36: {  	s24 =	simm.s32 @!p2 $0x1;
	s26 =	smov.u32 s23;
	s23 =	sadd.s32 $0x1, s23  }
0x37: {  	p0 =	por p3, p3;
	p1 =	sne.s32 s23, $0x27;
	_ =	swait.ge @!p2 [sflag:s24], $0x4000  }
0x38: {  	s28 =	simm.s32 @!p2 $0x2800;
	s25 =	simm.s32 @!p2 $0x80;
	[sflag:s24] =	ssyncset.done @!p2 $0x0  }
0x39: {  	[sflag:s24] =	ssyncadd.s32 @!p2 $0xFFFFC000;
	s24 =	simm.s32 @!p2 $0x4  }
0x3a: {  	[spmem:s2] =	stream.indirect.scatter.add.f32 @!p2 [tilespmem:s28], [sflag:$0x4], $0x80, s21, s25, $0xb8;
	[tilespmem:$0x1E800] =	vst v63  }
0x3b: {  	_ =	swait.ge @!p2 [sflag:s24], $0x4000  }
0x3c: {  	s25 =	simm.s32 @p0 $0x2;
	[sflag:s24] =	ssyncset.done @!p2 $0x0  }
0x3d: {  	[sflag:s24] =	ssyncadd.s32 @!p2 $0xFFFFC000  }
.Ltmp0:
0x3e: {  	_ =	swait.ge @p0 [sflag:s25], $0x4000;
	(pc) =	sbr.rel @p1 .LBB2_2-.Ltmp0, $4  }
0x3f: {  	s28 =	simm.s32 @p0 $0x6800;
	s24 =	simm.s32 @p0 $0x80;
	[sflag:s25] =	ssyncset.done @p0 $0x0  }
0x40: {  	s22 =	sadd.s32 $0x80, s22;
	[sflag:s25] =	ssyncadd.s32 @p0 $0xFFFFC000;
	s25 =	simm.s32 @p0 $0x3  }
0x41: {  	[spmem:s2] =	stream.indirect.scatter.add.f32 @p0 [tilespmem:s28], [sflag:$0x3], $0x80, s21, s24, $0xb8;
	[tilespmem:$0x1E800] =	vst v63  }
0x42: {  	s24 =	sand.u32 $0x1, s26;
	s21 =	sadd.s32 $0x80, s21;
	_ =	swait.ge @p0 [sflag:s25], $0x4000  }
0x43: {  	p1 =	seq.s32 s24, $0x1;
	p2 =	seq.s32 s24, $0x0;
	[sflag:s25] =	ssyncset.done @p0 $0x0  }
0x44: {  	s23 =	simm.s32 @!p1 $0x80;
	s26 =	simm.s32 @!p1 $0x6800;
	[sflag:s25] =	ssyncadd.s32 @p0 $0xFFFFC000  }
0x45: {  	[tilespmem:s26], [sflag:$0x2] =	stream.indirect.gather @!p1 [hbm4b:s4+s23], $0x80, s22, s23, $0xb8;
	[tilespmem:$0x1E800] =	vst v63  }
0x46: {  	s25 =	simm.s32 @!p2 $0x2800;
	p0 =	sne.s32 s24, $0x0;
	s23 =	simm.s32 @!p2 $0x80  }
0x47: {  	[tilespmem:s25], [sflag:$0x1] =	stream.indirect.gather @!p2 [hbm4b:s4+s23], $0x80, s22, s23, $0xb8;
	[tilespmem:$0x1E800] =	vst v63  }
0x48: {  	s22 =	simm.s32 @!p0 $0x1  }
0x49: {  	_ =	swait.ge @!p0 [sflag:s22], $0x4000  }
0x4a: {  	s24 =	simm.s32 @!p0 $0x2800;
	[sflag:s22] =	ssyncset.done @!p0 $0x0  }
0x4b: {  	s23 =	simm.s32 @!p0 $0x80;
	[sflag:s22] =	ssyncadd.s32 @!p0 $0xFFFFC000;
	s22 =	simm.s32 @!p0 $0x4  }
0x4c: {  	[spmem:s2] =	stream.indirect.scatter.add.f32 @!p0 [tilespmem:s24], [sflag:$0x4], $0x80, s21, s23, $0xb8;
	[tilespmem:$0x1E800] =	vst v63  }
0x4d: {  	_ =	swait.ge @!p0 [sflag:s22], $0x4000  }
0x4e: {  	p1 =	por p1, p1;
	[sflag:s22] =	ssyncset.done @!p0 $0x0  }
0x4f: {  	s23 =	simm.s32 @p1 $0x2;
	[sflag:s22] =	ssyncadd.s32 @!p0 $0xFFFFC000  }
0x50: {  	_ =	swait.ge @p1 [sflag:s23], $0x4000  }
0x51: {  	s24 =	simm.s32 @p1 $0x6800;
	[sflag:s23] =	ssyncset.done @p1 $0x0  }
0x52: {  	s22 =	simm.s32 @p1 $0x80;
	[sflag:s23] =	ssyncadd.s32 @p1 $0xFFFFC000;
	s23 =	simm.s32 @p1 $0x3  }
0x53: {  	[spmem:s2] =	stream.indirect.scatter.add.f32 @p1 [tilespmem:s24], [sflag:$0x3], $0x80, s21, s22, $0xb8;
	[tilespmem:$0x1E800] =	vst v63  }
0x54: {  	_ =	swait.ge @p1 [sflag:s23], $0x4000  }
0x55: {  	[sflag:s23] =	ssyncset.done @p1 $0x0  }
0x56: {  	[sflag:s23] =	ssyncadd.s32 @p1 $0xFFFFC000  }
0x57: {  	_ =	swait.ge [sflag:s16], $0x4000  }
0x58: {  	[sflag:s16] =	ssyncset.done $0x0  }
0x59: {  	s21 =	simm.s32 $0x80;
	[sflag:s16] =	ssyncadd.s32 $0xFFFFC000  }
0x5a: {  	[spmem:s2] =	stream.indirect.scatter.add.f32 [tilespmem:s18], [sflag:$0x3], $0x80, s17, s21, $0xb8;
	[tilespmem:$0x1E800] =	vst v63  }
0x5b: {  	_ =	swait.ge [sflag:s14], $0x4000  }
0x5c: {  	[sflag:s14] =	ssyncset.done $0x0  }
0x5d: {  	s30 =	simm.s32 $0x0;
	[sflag:s14] =	ssyncadd.s32 $0xFFFFC000  }
0x5e: {  	[tilespmem:s30], [sflag:$0x3] =	stream.linear.gather [hbm4b:s9+s30], $0x1400, $0x38;
	[tilespmem:$0x1E800] =	vst v63  }
0x5f: {  	_ =	swait.ge [sflag:s14], $0x1400  }
0x60: {  	[sflag:s14] =	ssyncset.done $0x0  }
0x61: {  	s23 =	simm.s32 $0x1400;
	[sflag:s14] =	ssyncadd.s32 $0xFFFFEC00  }
0x62: {  	[tilespmem:s23], [sflag:$0x3] =	stream.linear.gather [hbm4b:s10+s30], $0x1400, $0x38;
	[tilespmem:$0x1E800] =	vst v63  }
0x63: {  	_ =	swait.ge [sflag:s14], $0x1400  }
0x64: {  	s22 =	sand.u32 $0x1, s30;
	[sflag:s14] =	ssyncset.done $0x0  }
0x65: {  	p0 =	seq.s32 s22, $0x1;
	[sflag:s14] =	ssyncadd.s32 $0xFFFFEC00  }
0x66: {  	[tilespmem:s15], [sflag:$0x1] =	stream.indirect.gather [hbm4b:s4+s21], $0x80, s30, s21, $0xb8;
	[tilespmem:$0x1E800] =	vst v63  }
0x67: {  	s24 =	simm.s32 @!p0 $0x80;
	s25 =	simm.s32 @!p0 $0x6800;
	p1 =	seq.s32 s22, $0x0  }
0x68: {  	[tilespmem:s25], [sflag:$0x2] =	stream.indirect.gather @!p0 [hbm4b:s4+s24], $0x80, s21, s24, $0xb8;
	[tilespmem:$0x1E800] =	vst v63  }
0x69: {  	p2 =	sne.s32 s22, $0x0;
	s24 =	simm.s32 @!p1 $0x80;
	s25 =	simm.s32 @!p1 $0x2800  }
0x6a: {  	[tilespmem:s25], [sflag:$0x1] =	stream.indirect.gather @!p1 [hbm4b:s4+s24], $0x80, s21, s24, $0xb8;
	[tilespmem:$0x1E800] =	vst v63  }
0x6b: {  	s21 =	simm.s32 @!p2 $0x1  }
0x6c: {  	_ =	swait.ge @!p2 [sflag:s21], $0x4000  }
0x6d: {  	s22 =	simm.s32 @!p2 $0x80;
	[sflag:s21] =	ssyncset.done @!p2 $0x0  }
0x6e: {  	s24 =	simm.s32 @!p2 $0x2800;
	[sflag:s21] =	ssyncadd.s32 @!p2 $0xFFFFC000;
	s21 =	simm.s32 @!p2 $0x4  }
0x6f: {  	[spmem:s2] =	stream.indirect.scatter.add.f32 @!p2 [tilespmem:s24], [sflag:$0x4], $0x80, s23, s22, $0xb8;
	[tilespmem:$0x1E800] =	vst v63  }
0x70: {  	_ =	swait.ge @!p2 [sflag:s21], $0x4000  }
0x71: {  	p0 =	por p0, p0;
	[sflag:s21] =	ssyncset.done @!p2 $0x0  }
0x72: {  	s22 =	simm.s32 @p0 $0x2;
	[sflag:s21] =	ssyncadd.s32 @!p2 $0xFFFFC000  }
0x73: {  	_ =	swait.ge @p0 [sflag:s22], $0x4000  }
0x74: {  	s31 =	simm.s32 $0x1;
	[sflag:s22] =	ssyncset.done @p0 $0x0  }
0x75: {  	s25 =	simm.s32 @p0 $0x6800;
	s24 =	simm.s32 @p0 $0x80;
	[sflag:s22] =	ssyncadd.s32 @p0 $0xFFFFC000  }
0x76: {  	[spmem:s2] =	stream.indirect.scatter.add.f32 @p0 [tilespmem:s25], [sflag:$0x3], $0x80, s23, s24, $0xb8;
	[tilespmem:$0x1E800] =	vst v63  }
0x77: {  	s21 =	simm.s32 $0x1480;
	s22 =	simm.s32 $0x100;
	s25 =	simm.s32 @p0 $0x3  }
0x78: {  	s23 =	simm.s32 $0x2;
	s24 =	sand.u32 $0x1, s31;
	_ =	swait.ge @p0 [sflag:s25], $0x4000  }
.LBB2_4:
0x79: {  	p3 =	seq.s32 s24, $0x1;
	p1 =	seq.s32 s24, $0x0;
	[sflag:s25] =	ssyncset.done @p0 $0x0  }
0x7a: {  	s26 =	simm.s32 @!p3 $0x80;
	s28 =	simm.s32 @!p3 $0x6800;
	[sflag:s25] =	ssyncadd.s32 @p0 $0xFFFFC000  }
0x7b: {  	[tilespmem:s28], [sflag:$0x2] =	stream.indirect.gather @!p3 [hbm4b:s4+s26], $0x80, s22, s26, $0xb8;
	[tilespmem:$0x1E800] =	vst v63  }
0x7c: {  	p2 =	sne.s32 s24, $0x0;
	s25 =	simm.s32 @!p1 $0x80;
	s26 =	simm.s32 @!p1 $0x2800  }
0x7d: {  	[tilespmem:s26], [sflag:$0x1] =	stream.indirect.gather @!p1 [hbm4b:s4+s25], $0x80, s22, s25, $0xb8;
	[tilespmem:$0x1E800] =	vst v63  }
0x7e: {  	s24 =	simm.s32 @!p2 $0x1;
	s26 =	smov.u32 s23;
	s23 =	sadd.s32 $0x1, s23  }
0x7f: {  	p0 =	por p3, p3;
	p1 =	sne.s32 s23, $0x27;
	_ =	swait.ge @!p2 [sflag:s24], $0x4000  }
0x80: {  	s28 =	simm.s32 @!p2 $0x2800;
	s25 =	simm.s32 @!p2 $0x80;
	[sflag:s24] =	ssyncset.done @!p2 $0x0  }
0x81: {  	[sflag:s24] =	ssyncadd.s32 @!p2 $0xFFFFC000;
	s24 =	simm.s32 @!p2 $0x4  }
0x82: {  	[spmem:s2] =	stream.indirect.scatter.add.f32 @!p2 [tilespmem:s28], [sflag:$0x4], $0x80, s21, s25, $0xb8;
	[tilespmem:$0x1E800] =	vst v63  }
0x83: {  	_ =	swait.ge @!p2 [sflag:s24], $0x4000  }
0x84: {  	s25 =	simm.s32 @p0 $0x2;
	[sflag:s24] =	ssyncset.done @!p2 $0x0  }
0x85: {  	[sflag:s24] =	ssyncadd.s32 @!p2 $0xFFFFC000  }
.Ltmp1:
0x86: {  	_ =	swait.ge @p0 [sflag:s25], $0x4000;
	(pc) =	sbr.rel @p1 .LBB2_4-.Ltmp1, $4  }
0x87: {  	s28 =	simm.s32 @p0 $0x6800;
	s24 =	simm.s32 @p0 $0x80;
	[sflag:s25] =	ssyncset.done @p0 $0x0  }
0x88: {  	s22 =	sadd.s32 $0x80, s22;
	[sflag:s25] =	ssyncadd.s32 @p0 $0xFFFFC000;
	s25 =	simm.s32 @p0 $0x3  }
0x89: {  	[spmem:s2] =	stream.indirect.scatter.add.f32 @p0 [tilespmem:s28], [sflag:$0x3], $0x80, s21, s24, $0xb8;
	[tilespmem:$0x1E800] =	vst v63  }
0x8a: {  	s24 =	sand.u32 $0x1, s26;
	s21 =	sadd.s32 $0x80, s21;
	_ =	swait.ge @p0 [sflag:s25], $0x4000  }
0x8b: {  	p1 =	seq.s32 s24, $0x1;
	p2 =	seq.s32 s24, $0x0;
	[sflag:s25] =	ssyncset.done @p0 $0x0  }
0x8c: {  	s23 =	simm.s32 @!p1 $0x80;
	s26 =	simm.s32 @!p1 $0x6800;
	[sflag:s25] =	ssyncadd.s32 @p0 $0xFFFFC000  }
0x8d: {  	[tilespmem:s26], [sflag:$0x2] =	stream.indirect.gather @!p1 [hbm4b:s4+s23], $0x80, s22, s23, $0xb8;
	[tilespmem:$0x1E800] =	vst v63  }
0x8e: {  	s25 =	simm.s32 @!p2 $0x2800;
	p0 =	sne.s32 s24, $0x0;
	s23 =	simm.s32 @!p2 $0x80  }
0x8f: {  	[tilespmem:s25], [sflag:$0x1] =	stream.indirect.gather @!p2 [hbm4b:s4+s23], $0x80, s22, s23, $0xb8;
	[tilespmem:$0x1E800] =	vst v63  }
0x90: {  	s22 =	simm.s32 @!p0 $0x1  }
0x91: {  	_ =	swait.ge @!p0 [sflag:s22], $0x4000  }
0x92: {  	s24 =	simm.s32 @!p0 $0x2800;
	[sflag:s22] =	ssyncset.done @!p0 $0x0  }
0x93: {  	s23 =	simm.s32 @!p0 $0x80;
	[sflag:s22] =	ssyncadd.s32 @!p0 $0xFFFFC000;
	s22 =	simm.s32 @!p0 $0x4  }
0x94: {  	[spmem:s2] =	stream.indirect.scatter.add.f32 @!p0 [tilespmem:s24], [sflag:$0x4], $0x80, s21, s23, $0xb8;
	[tilespmem:$0x1E800] =	vst v63  }
0x95: {  	_ =	swait.ge @!p0 [sflag:s22], $0x4000  }
0x96: {  	p1 =	por p1, p1;
	[sflag:s22] =	ssyncset.done @!p0 $0x0  }
0x97: {  	s23 =	simm.s32 @p1 $0x2;
	[sflag:s22] =	ssyncadd.s32 @!p0 $0xFFFFC000  }
0x98: {  	_ =	swait.ge @p1 [sflag:s23], $0x4000  }
0x99: {  	s24 =	simm.s32 @p1 $0x6800;
	[sflag:s23] =	ssyncset.done @p1 $0x0  }
0x9a: {  	s22 =	simm.s32 @p1 $0x80;
	[sflag:s23] =	ssyncadd.s32 @p1 $0xFFFFC000;
	s23 =	simm.s32 @p1 $0x3  }
0x9b: {  	[spmem:s2] =	stream.indirect.scatter.add.f32 @p1 [tilespmem:s24], [sflag:$0x3], $0x80, s21, s22, $0xb8;
	[tilespmem:$0x1E800] =	vst v63  }
0x9c: {  	_ =	swait.ge @p1 [sflag:s23], $0x4000  }
0x9d: {  	[sflag:s23] =	ssyncset.done @p1 $0x0  }
0x9e: {  	[sflag:s23] =	ssyncadd.s32 @p1 $0xFFFFC000  }
0x9f: {  	_ =	swait.ge [sflag:s16], $0x4000  }
0xa0: {  	[sflag:s16] =	ssyncset.done $0x0  }
0xa1: {  	[sflag:s16] =	ssyncadd.s32 $0xFFFFC000  }
0xa2: {  	[spmem:s2] =	stream.indirect.scatter.add.f32 [tilespmem:s18], [sflag:$0x3], $0x80, s17, s19, $0xb8;
	[tilespmem:$0x1E800] =	vst v63  }
0xa3: {  	_ =	swait.ge [sflag:s14], $0x4000  }
0xa4: {  	s20 =	sadd.s32 $0x1, s20;
	[sflag:s14] =	ssyncset.done $0x0  }
0xa5: {  	p0 =	sne.s32 s20, s12;
	[sflag:s14] =	ssyncadd.s32 $0xFFFFC000  }
.Ltmp2:
0xa6: {  	[bflag:$0x0] =	sbarrier.arrive $0xFFFF;
	(pc) =	sbr.rel @p0 .LBB2_1-.Ltmp2, $4  }
0xa7: {  	[hbm:s11], [sflag:s6] =	dma.local [spmem:s13], $0x2800  }
0xa8: {  	_ =	swait.ge [sflag:s14], $0x2800  }
0xa9: {  	[sflag:s14] =	ssyncset.done $0x0  }
0xaa: {  	[sflag:s14] =	ssyncadd.s32 $0xFFFFD800  }
0xab: {  	_ =	sfence.sel $0x180000  }
0xac: {  	[bflag:$0x0] =	sbarrier.arrive $0xFFFF  }
0xad: {  	p0 =	sne.s32 s1, $0x0;
	_ =	strace $0x9000004D  }
0xae: {  	s0 =	sadd.s32 @!p0 $0x100000, s0;
	[bflag:$0x2] =	sbarrier.arrive $0xFFFF  }
0xaf: {  	[sflag:s0] =	ssyncadd.tile.s32 @!p0 $0x1;
	_ =	shalt  }
.Lfunc_end2:
_tile_overlayer_lowered:
.L_overlay_start_2:
0xb0: {  	(tag) =	ssettag $0x2  }
0xb1: {  	s0 =	rddreg [dreg:$0x0];
	s2 =	stileid.u32  }
0xb2: {  	s1 =	rddreg [dreg:$0x1];
	p0 =	sne.s32 s2, $0x0  }
0xb3: {  	s3 =	rddreg [dreg:$0x2];
	[bflag:$0x3] =	sbarrier.arrive $0xFFFF;
	s2 =	simm.s32 @!p0 $0x1C03  }
0xb4: {  	[timem:s3], [sflag:s2] =	dma.local @!p0 [hbm:s0], s1  }
0xb5: {  	s0 =	simm.s32 @!p0 $0x3  }
0xb6: {  	_ =	swait.ge @!p0 [sflag:s0], s1  }
0xb7: {  	s1 =	ssub.s32 @!p0 $0x0, s1;
	[sflag:s0] =	ssyncset.done @!p0 $0x0  }
0xb8: {  	[sflag:s0] =	ssyncadd.s32 @!p0 s1  }
0xb9: {  	[bflag:$0x3] =	sbarrier.arrive $0xFFFF  }
0xba: {  	_ =	shalt  }

// kernel: kernel.28.cloned.1.call-start
scs
__scs_entry_jumppad:
0x0: {  	(pc) =	sbr.rel $0x88, $3  }
0x1: {  	(tag) =	ssettag $0x0;
	lr =	simm.s32 $0x1  }
0x2: {  	[smem:$0x3F7C] =	sst lr;
	_ =	strace $0xD0000000  }
0x3: {  	_ = 	snop  }
0x4: {  	_ = 	snop  }
0x5: {  	_ = 	snop  }
0x6: {  	_ = 	snop  }
0x7: {  	_ = 	snop  }
__scs_overlays_trampoline_lowered:
0x8: {  	[smem:$0x3F8B] =	sst s0  }
0x9: {  	[smem:$0x3F8C] =	sst s1  }
0xa: {  	[smem:$0x3F8D] =	sst s2  }
0xb: {  	[smem:$0x3F8E] =	sst s3  }
0xc: {  	[smem:$0x3F8F] =	sst s4  }
0xd: {  	[smem:$0x3F90] =	sst s5  }
0xe: {  	[smem:$0x3F91] =	sst s6  }
0xf: {  	[smem:$0x3F92] =	sst s7  }
0x10: {  	[smem:$0x3F93] =	sst s8  }
0x11: {  	[smem:$0x3F94] =	sst s9;
	s0 =	simm.s32 @!p0 $0x0  }
0x12: {  	s1 =	sld [smem:$0x3F7A];
	s0 =	simm.s32 @p0 $0x1  }
0x13: {  	[smem:$0x3F95] =	sst s0;
	s0 =	simm.s32 @!p1 $0x0  }
0x14: {  	s2 =	sld [smem:$0x3F79];
	s0 =	simm.s32 @p1 $0x1  }
0x15: {  	[smem:$0x3F96] =	sst s0;
	s0 =	simm.s32 @!p2 $0x0  }
0x16: {  	s3 =	sld [smem:$0x3FDB];
	s0 =	simm.s32 @p2 $0x1  }
0x17: {  	s4 =	simm.s32 $0x1BF5;
	[smem:$0x3F98] =	sst s0  }
0x18: {  	s0 =	sld [smem:$0x3F7B];
	_ =	swait.ge [sflag:s4], $0x0  }
0x19: {  	s7 =	sld [smem:$0x3F7C]  }
0x1a: {  	s8 =	sadd.s32 $0xFFFFE003, lr  }
0x1b: {  	s9 =	sadd.s32 $0xFFFFFEF7, lr;
	s5 =	simm.s32 $0xFFFFFFFF;
	p2 =	slt.u32 s8, $0xFFFFF086  }
0x1c: {  	p1 =	slt.u32 s9, $0xF7A;
	s5 =	simm.s32 @!p2 $0x0  }
0x1d: {  	s5 =	simm.s32 @p1 $0x1;
	p0 =	seq.s32 s7, s2  }
0x1e: {  	s7 =	smul.u32 @!p0 $0xF7A, s2;
	p2 =	seq.s32 @!p0 s5, $0x0  }
0x1f: {  	s9 =	smul.u32 $0xF7A, s1;
	s8 =	simm.s32 @!p0 $0x1BF5;
	p2 =	por !p2, p0  }
0x20: {  	[sflag:s8] =	ssyncset.s32 @!p0 $0xFFFFF086;
	s6 =	sadd.s32 @!p0 s3, s7;
	s7 =	simm.s32 @!p0 $0x108  }
0x21: {  	s3 =	sadd.s32 s3, s9;
	s6 =	sadd.s32 @!p0 $0x88, s6;
	s7 =	simm.s32 @p2 $0x1082  }
0x22: {  	[simem:s7], [sflag:s8] =	dma.local @!p0 [hbm:s6], $0xF7A  }
0x23: {  	s9 =	sor.u32 $0xD0000000, s2;
	s6 =	simm.s32 $0x108;
	_ =	swait.ge @!p0 [sflag:s8], $0x0  }
0x24: {  	s3 =	sadd.s32 $0x88, s3;
	s6 =	simm.s32 @!p1 $0x1082;
	[sflag:s4] =	ssyncset.s32 $0xFFFFF086  }
0x25: {  	[simem:s6], [sflag:s4] =	dma.local [hbm:s3], $0xF7A  }
0x26: {  	[smem:$0x3F7C] =	sst s1;
	(tag) =	ssettag s2;
	_ =	strace s9  }
0x27: {  	s1 =	sld [smem:$0x3F8C]  }
0x28: {  	s2 =	sld [smem:$0x3F8D]  }
0x29: {  	s4 =	sld [smem:$0x3F8F]  }
0x2a: {  	p0 =	seq.s32 s5, $0x0;
	s5 =	sld [smem:$0x3F90]  }
0x2b: {  	s6 =	sld [smem:$0x3F91]  }
0x2c: {  	s7 =	sld [smem:$0x3F92]  }
0x2d: {  	s3 =	simm.s32 $0x108;
	s8 =	sld [smem:$0x3F93]  }
0x2e: {  	s3 =	simm.s32 @!p0 $0x1082;
	s9 =	sld [smem:$0x3F94]  }
0x2f: {  	lr =	sadd.s32 s0, s3;
	s0 =	sld [smem:$0x3F8B]  }
0x30: {  	s3 =	sld [smem:$0x3F8E]  }
0x31: {  	[smem:$0x3F97] =	sst s10  }
0x32: {  	s10 =	sld [smem:$0x3F95];
	_ =	sdelay $0x3  }
0x33: {  	p0 =	seq.s32 s10, $0x1;
	s10 =	sld [smem:$0x3F97];
	_ =	sdelay $0x3  }
0x34: {  	[smem:$0x3F97] =	sst s10  }
0x35: {  	s10 =	sld [smem:$0x3F96];
	_ =	sdelay $0x3  }
0x36: {  	p1 =	seq.s32 s10, $0x1;
	s10 =	sld [smem:$0x3F97];
	_ =	sdelay $0x3  }
0x37: {  	[smem:$0x3F97] =	sst s10  }
0x38: {  	s10 =	sld [smem:$0x3F98]  }
0x39: {  	_ = 	snop;
	(pc) =	sbr.ind lr, $3  }
0x3a: {  	_ = 	snop  }
0x3b: {  	_ = 	snop  }
0x3c: {  	p2 =	seq.s32 s10, $0x1;
	s10 =	sld [smem:$0x3F97]  }
0x3d: {  	_ =	shalt  }
0x3e: {  	_ =	shalt  }
0x3f: {  	_ =	shalt  }
0x40: {  	_ =	shalt  }
0x41: {  	_ =	shalt  }
0x42: {  	_ =	shalt  }
0x43: {  	_ =	shalt  }
0x44: {  	_ =	shalt  }
0x45: {  	_ =	shalt  }
0x46: {  	_ =	shalt  }
0x47: {  	_ =	shalt  }
0x48: {  	_ =	shalt  }
0x49: {  	_ =	shalt  }
0x4a: {  	_ =	shalt  }
0x4b: {  	_ =	shalt  }
0x4c: {  	_ =	shalt  }
0x4d: {  	_ =	shalt  }
0x4e: {  	_ =	shalt  }
0x4f: {  	_ =	shalt  }
0x50: {  	_ =	shalt  }
0x51: {  	_ =	shalt  }
0x52: {  	_ =	shalt  }
0x53: {  	_ =	shalt  }
0x54: {  	_ =	shalt  }
0x55: {  	_ =	shalt  }
0x56: {  	_ =	shalt  }
0x57: {  	_ =	shalt  }
0x58: {  	_ =	shalt  }
0x59: {  	_ =	shalt  }
0x5a: {  	_ =	shalt  }
0x5b: {  	_ =	shalt  }
0x5c: {  	_ =	shalt  }
0x5d: {  	_ =	shalt  }
0x5e: {  	_ =	shalt  }
0x5f: {  	_ =	shalt  }
0x60: {  	_ =	shalt  }
0x61: {  	_ =	shalt  }
0x62: {  	_ =	shalt  }
0x63: {  	_ =	shalt  }
0x64: {  	_ =	shalt  }
0x65: {  	_ =	shalt  }
0x66: {  	_ =	shalt  }
0x67: {  	_ =	shalt  }
0x68: {  	_ =	shalt  }
0x69: {  	_ =	shalt  }
0x6a: {  	_ =	shalt  }
0x6b: {  	_ =	shalt  }
0x6c: {  	_ =	shalt  }
0x6d: {  	_ =	shalt  }
0x6e: {  	_ =	shalt  }
0x6f: {  	_ =	shalt  }
0x70: {  	_ =	shalt  }
0x71: {  	_ =	shalt  }
0x72: {  	_ =	shalt  }
0x73: {  	_ =	shalt  }
0x74: {  	_ =	shalt  }
0x75: {  	_ =	shalt  }
0x76: {  	_ =	shalt  }
0x77: {  	_ =	shalt  }
0x78: {  	_ =	shalt  }
0x79: {  	_ =	shalt  }
0x7a: {  	_ =	shalt  }
0x7b: {  	_ =	shalt  }
0x7c: {  	_ =	shalt  }
0x7d: {  	_ =	shalt  }
0x7e: {  	_ =	shalt  }
0x7f: {  	_ =	shalt  }
0x80: {  	_ =	shalt  }
0x81: {  	_ =	shalt  }
0x82: {  	_ =	shalt  }
0x83: {  	_ =	shalt  }
0x84: {  	_ =	shalt  }
0x85: {  	_ =	shalt  }
0x86: {  	_ =	shalt  }
0x87: {  	_ =	shalt  }
.Lfunc_end0:
.L_simem_size_0:
called_computation.4_lowered:
.L_overlay_start_0:
0x88: {  	s2 =	sld [smem:$0x3FD9]  }
0x89: {  	s3 =	sld [smem:$0x3FFE];
	_ =	sdelay $0x1  }
0x8a: {  	s1 =	srdreg.scid  }
0x8b: {  	s0 =	sand.u32 $0x1, s1  }
0x8c: {  	s16 =	sshll.u32 s0, $0xA;
	s2 =	sadd.s32 s3, s2  }
0x8d: {  	s2 =	sadd.s32 s2, s16  }
0x8e: {  	[smem:$0x3FA3] =	sst s2  }
0x8f: {  	_ = 	snop  }
0x90: {  	(tm) =	ssettm $0x1  }
0x91: {  	s17 =	sld [smem:$0x3FFB];
	_ =	sdelay $0x3  }
0x92: {  	_ =	strace s17  }
0x93: {  	s2 =	sld [smem:$0x3FFC];
	_ =	sdelay $0x3  }
0x94: {  	_ =	strace s2  }
0x95: {  	s2 =	sld [smem:$0x3FFD];
	_ =	sdelay $0x3  }
0x96: {  	_ =	strace s2  }
0x97: {  	_ =	strace $0x8FFFFFFF  }
0x98: {  	s18 =	sld [smem:$0x3FDB];
	_ =	sdelay $0x1  }
0x99: {  	s19 =	simm.s32 $_scs_section_size  }
0x9a: {  	s4 =	simm.s32 $_size__tile_overlayer_lowered;
	s5 =	simm.s32 $_tile_overlayer_lowered  }
0x9b: {  	s22 =	simm.s32 $0x1BFF;
	s21 =	sshll.u32 s5, $0x1;
	s2 =	sadd.s32 s19, s18  }
0x9c: {  	s6 =	simm.s32 $0x0;
	s20 =	sshll.u32 s4, $0x1;
	s4 =	sadd.s32 s21, s2  }
0x9d: {  	[timem:s6], [sflag:s22] =	dma.local [hbm:s4], s20  }
0x9e: {  	_ =	swait.ge [sflag:s22], s20  }
0x9f: {  	s3 =	ssub.s32 $0x0, s20;
	[sflag:s22] =	ssyncset.done $0x0  }
0xa0: {  	[sflag:s22] =	ssyncadd.s32 s3;
	_ =	sdelay $0x1  }
0xa1: {  	s23 =	simm.s32 $0x1B8B  }
0xa2: {  	_ =	swait.ge [sflag:s23], $0x1  }
0xa3: {  	[sflag:s23] =	ssyncset.done $0x0  }
0xa4: {  	s25 =	simm.s32 $0x1B8E;
	s24 =	sld [smem:$0x3FFE];
	[sflag:s23] =	ssyncadd.s32 $0xFFFFFFFF  }
0xa5: {  	s26 =	simm.s32 $execute0_lowered;
	[smem:$0x3FD2] =	sst s25  }
0xa6: {  	s4 =	sshll.u32 s26, $0x1;
	_ =	strace $0x80000052;
	[dreg:$0x1] =	wrdreg $0xFFFFFFFF  }
0xa7: {  	s28 =	simm.s32 $_size_execute0_lowered;
	s2 =	sadd.s32 s2, s4;
	[dreg:$0x0] =	wrdreg $0x0  }
0xa8: {  	s4 =	sshll.u32 s28, $0x1;
	[dreg:$0x2] =	wrdreg s2  }
0xa9: {  	[dreg:$0x3] =	wrdreg s4  }
0xaa: {  	[dreg:$0x4] =	wrdreg $0xC0  }
0xab: {  	_ =	task [dreg:s6], $0x5FFFF  }
0xac: {  	[dreg:$0x1] =	wrdreg $0xFFFFFFFF  }
0xad: {  	[dreg:$0x0] =	wrdreg $0x60  }
0xae: {  	[dreg:$0x2] =	wrdreg s24  }
0xaf: {  	[dreg:$0x3] =	wrdreg $0xA8000  }
0xb0: {  	[dreg:$0x4] =	wrdreg $0x9  }
0xb1: {  	_ =	task.clear_ibuf [dreg:s6], $0x5FFFF;
	_ =	strace $0x90000052  }
0xb2: {  	s29 =	simm.s32 $0x9;
	_ =	strace $0x80000054  }
0xb3: {  	_ =	swait.ge [sflag:s29], $0x1  }
0xb4: {  	[sflag:s29] =	ssyncadd.s32 $0xFFFFFFFF  }
0xb5: {  	_ =	strace $0x90000054  }
0xb6: {  	_ =	sfence  }
0xb7: {  	s30 =	sld [smem:$0x0];
	_ =	sdelay $0x2  }
0xb8: {  	s31 =	sshll.u32 s1, $0xD;
	s1 =	sshrl.u32 s1, $0x2  }
0xb9: {  	s3 =	sand.u32 $0x4000, s31;
	s1 =	sadd.s32 s1, s30  }
0xba: {  	s0 =	sor.u32 s3, s0;
	s1 =	sshll.u32 s1, $0x11  }
0xbb: {  	s0 =	sor.u32 s1, s0  }
0xbc: {  	s0 =	sadd.s32 $0x8F2B, s0  }
0xbd: {  	[sflag:s0] =	ssyncadd.remote.s32 $0x1  }
0xbe: {  	_ =	sfence.sel $0xFFFF  }
0xbf: {  	[dreg:$0x0] =	wrdreg $0xFFFFFFFF;
	(pc) =	sbr.abs _section_cstart, $3  }
0xc0: {  	[dreg:$0x1] =	wrdreg $0xFFFFFFFF  }
0xc1: {  	_ =	task.clear_ibuf [dreg:s6], $0x2FFFF;
	_ =	strace $0x9FFFFFFF  }
0xc2: {  	(tm) =	ssettm $0x7FFFFFFF  }
0xc3: {  	_ =	shalt  }
tec
execute0_lowered:
.L_overlay_start_1:
0x0: {  	(tag) =	ssettag $0x1  }
0x1: {  	s5 =	rddreg [dreg:$0x0]  }
0x2: {  	s2 =	rddreg [dreg:$0x1]  }
0x3: {  	s0 =	rddreg [dreg:$0x2];
	s3 =	simm.s32 $0x0;
	s1 =	stileid.u32  }
0x4: {  	s4 =	srdreg.scid;
	s16 =	simm.s32 $0x2;
	s17 =	simm.s32 $0x2780  }
0x5: {  	s18 =	simm.s32 $0x6800;
	s19 =	simm.s32 $0x80;
	s20 =	simm.s32 $0x0  }
0x6: {  	[smem:$0x7FF] =	sst s3;
	s6 =	smul.u32 $0x2800, s1;
	s7 =	sand.u32 $0x1, s4  }
0x7: {  	s4 =	sadd.s32 $0x63C00, s5;
	s9 =	sadd.s32 $0x28400, s5;
	s10 =	sadd.s32 $0x32400, s5  }
0x8: {  	s12 =	smul.u32 $0x50000, s1;
	s13 =	sshll.u32 s1, $0x1;
	s29 =	sshll.u32 s1, $0x6  }
0x9: {  	_ =	strace $0x80000053;
	s8 =	smul.u32 $0x28000, s7;
	s23 =	ssub.s32 $0x2, s7  }
0xa: {  	s7 =	sshll.u32 s7, $0x5;
	s11 =	sadd.s32 s6, s5;
	s24 =	sshrl.u32 s23, $0x1  }
0xb: {  	s25 =	sor.u32 s13, s7;
	s28 =	sshrl.u32 s12, $0x2;
	s6 =	sadd.s32 s6, s8  }
0xc: {  	s26 =	ssub.s32 s23, s24;
	s7 =	smul.u32 $0x1400, s25;
	s15 =	sadd.s32 s28, s2  }
0xd: {  	s30 =	smul.u32 $0x280, s25;
	s14 =	sadd.s32 s6, s5;
	s5 =	sadd.s32 $0xB2000, s11  }
0xe: {  	s6 =	sor.u32 $0x1C03, s29;
	s12 =	smax.u32 s26, $0x1;
	s31 =	sshrl.u32 s7, $0x3  }
0xf: {  	s13 =	sshrl.u32 s15, $0x3;
	s15 =	simm.s32 $0x2800;
	s11 =	sadd.s32 $0x280, s31  }
0x10: {  	s7 =	sadd.s32 s9, s30;
	s8 =	sadd.s32 s10, s30;
	s9 =	sadd.s32 s9, s11  }
0x11: {  	s10 =	sadd.s32 s10, s11;
	s11 =	sadd.s32 $0x128400, s14;
	s14 =	simm.s32 $0x3  }
.LBB2_1:
0x12: {  	[spmem:s13], [sflag:s6] =	dma.local [hbm:s5], $0x2800  }
0x13: {  	_ =	swait.ge [sflag:s14], $0x2800  }
0x14: {  	[sflag:s14] =	ssyncset.done $0x0  }
0x15: {  	[sflag:s14] =	ssyncadd.s32 $0xFFFFD800  }
0x16: {  	[bflag:$0x0] =	sbarrier.arrive $0xFFFF  }
0x17: {  	[tilespmem:s3], [sflag:$0x3] =	stream.linear.gather [hbm4b:s7+s3], $0x1400, $0x38;
	[tilespmem:$0x1E800] =	vst v63  }
0x18: {  	_ =	swait.ge [sflag:s14], $0x1400  }
0x19: {  	[sflag:s14] =	ssyncset.done $0x0  }
0x1a: {  	s21 =	simm.s32 $0x1400;
	[sflag:s14] =	ssyncadd.s32 $0xFFFFEC00  }
0x1b: {  	[tilespmem:s21], [sflag:$0x3] =	stream.linear.gather [hbm4b:s8+s3], $0x1400, $0x38;
	[tilespmem:$0x1E800] =	vst v63  }
0x1c: {  	_ =	swait.ge [sflag:s14], $0x1400  }
0x1d: {  	s22 =	sand.u32 $0x1, s3;
	[sflag:s14] =	ssyncset.done $0x0  }
0x1e: {  	p0 =	seq.s32 s22, $0x1;
	p1 =	seq.s32 s22, $0x0;
	[sflag:s14] =	ssyncadd.s32 $0xFFFFEC00  }
0x1f: {  	[tilespmem:s15], [sflag:$0x1] =	stream.indirect.gather [hbm4b:s4+s19], $0x80, s3, s19, $0xb8;
	[tilespmem:$0x1E800] =	vst v63  }
0x20: {  	p2 =	sne.s32 s22, $0x0;
	s23 =	simm.s32 @!p0 $0x80;
	s24 =	simm.s32 @!p0 $0x6800  }
0x21: {  	[tilespmem:s24], [sflag:$0x2] =	stream.indirect.gather @!p0 [hbm4b:s4+s23], $0x80, s19, s23, $0xb8;
	[tilespmem:$0x1E800] =	vst v63  }
0x22: {  	s22 =	simm.s32 @!p2 $0x1;
	s23 =	simm.s32 @!p1 $0x80;
	s24 =	simm.s32 @!p1 $0x2800  }
0x23: {  	[tilespmem:s24], [sflag:$0x1] =	stream.indirect.gather @!p1 [hbm4b:s4+s23], $0x80, s19, s23, $0xb8;
	[tilespmem:$0x1E800] =	vst v63  }
0x24: {  	_ =	swait.ge @!p2 [sflag:s22], $0x4000  }
0x25: {  	s23 =	simm.s32 @!p2 $0x80;
	[sflag:s22] =	ssyncset.done @!p2 $0x0  }
0x26: {  	s24 =	simm.s32 @!p2 $0x2800;
	[sflag:s22] =	ssyncadd.s32 @!p2 $0xFFFFC000;
	s22 =	simm.s32 @!p2 $0x4  }
0x27: {  	[spmem:s2] =	stream.indirect.scatter.add.f32 @!p2 [tilespmem:s24], [sflag:$0x4], $0x80, s21, s23, $0xb8;
	[tilespmem:$0x1E800] =	vst v63  }
0x28: {  	_ =	swait.ge @!p2 [sflag:s22], $0x4000  }
0x29: {  	p0 =	por p0, p0;
	[sflag:s22] =	ssyncset.done @!p2 $0x0  }
0x2a: {  	s23 =	simm.s32 @p0 $0x2;
	[sflag:s22] =	ssyncadd.s32 @!p2 $0xFFFFC000  }
0x2b: {  	_ =	swait.ge @p0 [sflag:s23], $0x4000  }
0x2c: {  	s31 =	simm.s32 $0x1;
	[sflag:s23] =	ssyncset.done @p0 $0x0  }
0x2d: {  	s25 =	simm.s32 @p0 $0x6800;
	s22 =	simm.s32 @p0 $0x80;
	[sflag:s23] =	ssyncadd.s32 @p0 $0xFFFFC000  }
0x2e: {  	[spmem:s2] =	stream.indirect.scatter.add.f32 @p0 [tilespmem:s25], [sflag:$0x3], $0x80, s21, s22, $0xb8;
	[tilespmem:$0x1E800] =	vst v63  }
0x2f: {  	s24 =	sand.u32 $0x1, s31;
	s23 =	simm.s32 $0x2;
	s25 =	simm.s32 @p0 $0x3  }
0x30: {  	s22 =	simm.s32 $0x100;
	s21 =	simm.s32 $0x1480;
	_ =	swait.ge @p0 [sflag:s25], $0x4000  }
.LBB2_2:
0x31: {  	p3 =	seq.s32 s24, $0x1;
	p1 =	seq.s32 s24, $0x0;
	[sflag:s25] =	ssyncset.done @p0 $0x0  }
0x32: {  	s26 =	simm.s32 @!p3 $0x80;
	s28 =	simm.s32 @!p3 $0x6800;
	[sflag:s25] =	ssyncadd.s32 @p0 $0xFFFFC000  }
0x33: {  	[tilespmem:s28], [sflag:$0x2] =	stream.indirect.gather @!p3 [hbm4b:s4+s26], $0x80, s22, s26, $0xb8;
	[tilespmem:$0x1E800] =	vst v63  }
0x34: {  	p2 =	sne.s32 s24, $0x0;
	s25 =	simm.s32 @!p1 $0x80;
	s26 =	simm.s32 @!p1 $0x2800  }
0x35: {  	[tilespmem:s26], [sflag:$0x1] =	stream.indirect.gather @!p1 [hbm4b:s4+s25], $0x80, s22, s25, $0xb8;
	[tilespmem:$0x1E800] =	vst v63  }
0x36: {  	s24 =	simm.s32 @!p2 $0x1;
	s26 =	smov.u32 s23;
	s23 =	sadd.s32 $0x1, s23  }
0x37: {  	p0 =	por p3, p3;
	p1 =	sne.s32 s23, $0x27;
	_ =	swait.ge @!p2 [sflag:s24], $0x4000  }
0x38: {  	s28 =	simm.s32 @!p2 $0x2800;
	s25 =	simm.s32 @!p2 $0x80;
	[sflag:s24] =	ssyncset.done @!p2 $0x0  }
0x39: {  	[sflag:s24] =	ssyncadd.s32 @!p2 $0xFFFFC000;
	s24 =	simm.s32 @!p2 $0x4  }
0x3a: {  	[spmem:s2] =	stream.indirect.scatter.add.f32 @!p2 [tilespmem:s28], [sflag:$0x4], $0x80, s21, s25, $0xb8;
	[tilespmem:$0x1E800] =	vst v63  }
0x3b: {  	_ =	swait.ge @!p2 [sflag:s24], $0x4000  }
0x3c: {  	s25 =	simm.s32 @p0 $0x2;
	[sflag:s24] =	ssyncset.done @!p2 $0x0  }
0x3d: {  	[sflag:s24] =	ssyncadd.s32 @!p2 $0xFFFFC000  }
.Ltmp0:
0x3e: {  	_ =	swait.ge @p0 [sflag:s25], $0x4000;
	(pc) =	sbr.rel @p1 .LBB2_2-.Ltmp0, $4  }
0x3f: {  	s28 =	simm.s32 @p0 $0x6800;
	s24 =	simm.s32 @p0 $0x80;
	[sflag:s25] =	ssyncset.done @p0 $0x0  }
0x40: {  	s22 =	sadd.s32 $0x80, s22;
	[sflag:s25] =	ssyncadd.s32 @p0 $0xFFFFC000;
	s25 =	simm.s32 @p0 $0x3  }
0x41: {  	[spmem:s2] =	stream.indirect.scatter.add.f32 @p0 [tilespmem:s28], [sflag:$0x3], $0x80, s21, s24, $0xb8;
	[tilespmem:$0x1E800] =	vst v63  }
0x42: {  	s24 =	sand.u32 $0x1, s26;
	s21 =	sadd.s32 $0x80, s21;
	_ =	swait.ge @p0 [sflag:s25], $0x4000  }
0x43: {  	p1 =	seq.s32 s24, $0x1;
	p2 =	seq.s32 s24, $0x0;
	[sflag:s25] =	ssyncset.done @p0 $0x0  }
0x44: {  	s23 =	simm.s32 @!p1 $0x80;
	s26 =	simm.s32 @!p1 $0x6800;
	[sflag:s25] =	ssyncadd.s32 @p0 $0xFFFFC000  }
0x45: {  	[tilespmem:s26], [sflag:$0x2] =	stream.indirect.gather @!p1 [hbm4b:s4+s23], $0x80, s22, s23, $0xb8;
	[tilespmem:$0x1E800] =	vst v63  }
0x46: {  	s25 =	simm.s32 @!p2 $0x2800;
	p0 =	sne.s32 s24, $0x0;
	s23 =	simm.s32 @!p2 $0x80  }
0x47: {  	[tilespmem:s25], [sflag:$0x1] =	stream.indirect.gather @!p2 [hbm4b:s4+s23], $0x80, s22, s23, $0xb8;
	[tilespmem:$0x1E800] =	vst v63  }
0x48: {  	s22 =	simm.s32 @!p0 $0x1  }
0x49: {  	_ =	swait.ge @!p0 [sflag:s22], $0x4000  }
0x4a: {  	s24 =	simm.s32 @!p0 $0x2800;
	[sflag:s22] =	ssyncset.done @!p0 $0x0  }
0x4b: {  	s23 =	simm.s32 @!p0 $0x80;
	[sflag:s22] =	ssyncadd.s32 @!p0 $0xFFFFC000;
	s22 =	simm.s32 @!p0 $0x4  }
0x4c: {  	[spmem:s2] =	stream.indirect.scatter.add.f32 @!p0 [tilespmem:s24], [sflag:$0x4], $0x80, s21, s23, $0xb8;
	[tilespmem:$0x1E800] =	vst v63  }
0x4d: {  	_ =	swait.ge @!p0 [sflag:s22], $0x4000  }
0x4e: {  	p1 =	por p1, p1;
	[sflag:s22] =	ssyncset.done @!p0 $0x0  }
0x4f: {  	s23 =	simm.s32 @p1 $0x2;
	[sflag:s22] =	ssyncadd.s32 @!p0 $0xFFFFC000  }
0x50: {  	_ =	swait.ge @p1 [sflag:s23], $0x4000  }
0x51: {  	s24 =	simm.s32 @p1 $0x6800;
	[sflag:s23] =	ssyncset.done @p1 $0x0  }
0x52: {  	s22 =	simm.s32 @p1 $0x80;
	[sflag:s23] =	ssyncadd.s32 @p1 $0xFFFFC000;
	s23 =	simm.s32 @p1 $0x3  }
0x53: {  	[spmem:s2] =	stream.indirect.scatter.add.f32 @p1 [tilespmem:s24], [sflag:$0x3], $0x80, s21, s22, $0xb8;
	[tilespmem:$0x1E800] =	vst v63  }
0x54: {  	_ =	swait.ge @p1 [sflag:s23], $0x4000  }
0x55: {  	[sflag:s23] =	ssyncset.done @p1 $0x0  }
0x56: {  	[sflag:s23] =	ssyncadd.s32 @p1 $0xFFFFC000  }
0x57: {  	_ =	swait.ge [sflag:s16], $0x4000  }
0x58: {  	[sflag:s16] =	ssyncset.done $0x0  }
0x59: {  	s21 =	simm.s32 $0x80;
	[sflag:s16] =	ssyncadd.s32 $0xFFFFC000  }
0x5a: {  	[spmem:s2] =	stream.indirect.scatter.add.f32 [tilespmem:s18], [sflag:$0x3], $0x80, s17, s21, $0xb8;
	[tilespmem:$0x1E800] =	vst v63  }
0x5b: {  	_ =	swait.ge [sflag:s14], $0x4000  }
0x5c: {  	[sflag:s14] =	ssyncset.done $0x0  }
0x5d: {  	s30 =	simm.s32 $0x0;
	[sflag:s14] =	ssyncadd.s32 $0xFFFFC000  }
0x5e: {  	[tilespmem:s30], [sflag:$0x3] =	stream.linear.gather [hbm4b:s9+s30], $0x1400, $0x38;
	[tilespmem:$0x1E800] =	vst v63  }
0x5f: {  	_ =	swait.ge [sflag:s14], $0x1400  }
0x60: {  	[sflag:s14] =	ssyncset.done $0x0  }
0x61: {  	s23 =	simm.s32 $0x1400;
	[sflag:s14] =	ssyncadd.s32 $0xFFFFEC00  }
0x62: {  	[tilespmem:s23], [sflag:$0x3] =	stream.linear.gather [hbm4b:s10+s30], $0x1400, $0x38;
	[tilespmem:$0x1E800] =	vst v63  }
0x63: {  	_ =	swait.ge [sflag:s14], $0x1400  }
0x64: {  	s22 =	sand.u32 $0x1, s30;
	[sflag:s14] =	ssyncset.done $0x0  }
0x65: {  	p0 =	seq.s32 s22, $0x1;
	[sflag:s14] =	ssyncadd.s32 $0xFFFFEC00  }
0x66: {  	[tilespmem:s15], [sflag:$0x1] =	stream.indirect.gather [hbm4b:s4+s21], $0x80, s30, s21, $0xb8;
	[tilespmem:$0x1E800] =	vst v63  }
0x67: {  	s24 =	simm.s32 @!p0 $0x80;
	s25 =	simm.s32 @!p0 $0x6800;
	p1 =	seq.s32 s22, $0x0  }
0x68: {  	[tilespmem:s25], [sflag:$0x2] =	stream.indirect.gather @!p0 [hbm4b:s4+s24], $0x80, s21, s24, $0xb8;
	[tilespmem:$0x1E800] =	vst v63  }
0x69: {  	p2 =	sne.s32 s22, $0x0;
	s24 =	simm.s32 @!p1 $0x80;
	s25 =	simm.s32 @!p1 $0x2800  }
0x6a: {  	[tilespmem:s25], [sflag:$0x1] =	stream.indirect.gather @!p1 [hbm4b:s4+s24], $0x80, s21, s24, $0xb8;
	[tilespmem:$0x1E800] =	vst v63  }
0x6b: {  	s21 =	simm.s32 @!p2 $0x1  }
0x6c: {  	_ =	swait.ge @!p2 [sflag:s21], $0x4000  }
0x6d: {  	s22 =	simm.s32 @!p2 $0x80;
	[sflag:s21] =	ssyncset.done @!p2 $0x0  }
0x6e: {  	s24 =	simm.s32 @!p2 $0x2800;
	[sflag:s21] =	ssyncadd.s32 @!p2 $0xFFFFC000;
	s21 =	simm.s32 @!p2 $0x4  }
0x6f: {  	[spmem:s2] =	stream.indirect.scatter.add.f32 @!p2 [tilespmem:s24], [sflag:$0x4], $0x80, s23, s22, $0xb8;
	[tilespmem:$0x1E800] =	vst v63  }
0x70: {  	_ =	swait.ge @!p2 [sflag:s21], $0x4000  }
0x71: {  	p0 =	por p0, p0;
	[sflag:s21] =	ssyncset.done @!p2 $0x0  }
0x72: {  	s22 =	simm.s32 @p0 $0x2;
	[sflag:s21] =	ssyncadd.s32 @!p2 $0xFFFFC000  }
0x73: {  	_ =	swait.ge @p0 [sflag:s22], $0x4000  }
0x74: {  	s31 =	simm.s32 $0x1;
	[sflag:s22] =	ssyncset.done @p0 $0x0  }
0x75: {  	s25 =	simm.s32 @p0 $0x6800;
	s24 =	simm.s32 @p0 $0x80;
	[sflag:s22] =	ssyncadd.s32 @p0 $0xFFFFC000  }
0x76: {  	[spmem:s2] =	stream.indirect.scatter.add.f32 @p0 [tilespmem:s25], [sflag:$0x3], $0x80, s23, s24, $0xb8;
	[tilespmem:$0x1E800] =	vst v63  }
0x77: {  	s21 =	simm.s32 $0x1480;
	s22 =	simm.s32 $0x100;
	s25 =	simm.s32 @p0 $0x3  }
0x78: {  	s23 =	simm.s32 $0x2;
	s24 =	sand.u32 $0x1, s31;
	_ =	swait.ge @p0 [sflag:s25], $0x4000  }
.LBB2_4:
0x79: {  	p3 =	seq.s32 s24, $0x1;
	p1 =	seq.s32 s24, $0x0;
	[sflag:s25] =	ssyncset.done @p0 $0x0  }
0x7a: {  	s26 =	simm.s32 @!p3 $0x80;
	s28 =	simm.s32 @!p3 $0x6800;
	[sflag:s25] =	ssyncadd.s32 @p0 $0xFFFFC000  }
0x7b: {  	[tilespmem:s28], [sflag:$0x2] =	stream.indirect.gather @!p3 [hbm4b:s4+s26], $0x80, s22, s26, $0xb8;
	[tilespmem:$0x1E800] =	vst v63  }
0x7c: {  	p2 =	sne.s32 s24, $0x0;
	s25 =	simm.s32 @!p1 $0x80;
	s26 =	simm.s32 @!p1 $0x2800  }
0x7d: {  	[tilespmem:s26], [sflag:$0x1] =	stream.indirect.gather @!p1 [hbm4b:s4+s25], $0x80, s22, s25, $0xb8;
	[tilespmem:$0x1E800] =	vst v63  }
0x7e: {  	s24 =	simm.s32 @!p2 $0x1;
	s26 =	smov.u32 s23;
	s23 =	sadd.s32 $0x1, s23  }
0x7f: {  	p0 =	por p3, p3;
	p1 =	sne.s32 s23, $0x27;
	_ =	swait.ge @!p2 [sflag:s24], $0x4000  }
0x80: {  	s28 =	simm.s32 @!p2 $0x2800;
	s25 =	simm.s32 @!p2 $0x80;
	[sflag:s24] =	ssyncset.done @!p2 $0x0  }
0x81: {  	[sflag:s24] =	ssyncadd.s32 @!p2 $0xFFFFC000;
	s24 =	simm.s32 @!p2 $0x4  }
0x82: {  	[spmem:s2] =	stream.indirect.scatter.add.f32 @!p2 [tilespmem:s28], [sflag:$0x4], $0x80, s21, s25, $0xb8;
	[tilespmem:$0x1E800] =	vst v63  }
0x83: {  	_ =	swait.ge @!p2 [sflag:s24], $0x4000  }
0x84: {  	s25 =	simm.s32 @p0 $0x2;
	[sflag:s24] =	ssyncset.done @!p2 $0x0  }
0x85: {  	[sflag:s24] =	ssyncadd.s32 @!p2 $0xFFFFC000  }
.Ltmp1:
0x86: {  	_ =	swait.ge @p0 [sflag:s25], $0x4000;
	(pc) =	sbr.rel @p1 .LBB2_4-.Ltmp1, $4  }
0x87: {  	s28 =	simm.s32 @p0 $0x6800;
	s24 =	simm.s32 @p0 $0x80;
	[sflag:s25] =	ssyncset.done @p0 $0x0  }
0x88: {  	s22 =	sadd.s32 $0x80, s22;
	[sflag:s25] =	ssyncadd.s32 @p0 $0xFFFFC000;
	s25 =	simm.s32 @p0 $0x3  }
0x89: {  	[spmem:s2] =	stream.indirect.scatter.add.f32 @p0 [tilespmem:s28], [sflag:$0x3], $0x80, s21, s24, $0xb8;
	[tilespmem:$0x1E800] =	vst v63  }
0x8a: {  	s24 =	sand.u32 $0x1, s26;
	s21 =	sadd.s32 $0x80, s21;
	_ =	swait.ge @p0 [sflag:s25], $0x4000  }
0x8b: {  	p1 =	seq.s32 s24, $0x1;
	p2 =	seq.s32 s24, $0x0;
	[sflag:s25] =	ssyncset.done @p0 $0x0  }
0x8c: {  	s23 =	simm.s32 @!p1 $0x80;
	s26 =	simm.s32 @!p1 $0x6800;
	[sflag:s25] =	ssyncadd.s32 @p0 $0xFFFFC000  }
0x8d: {  	[tilespmem:s26], [sflag:$0x2] =	stream.indirect.gather @!p1 [hbm4b:s4+s23], $0x80, s22, s23, $0xb8;
	[tilespmem:$0x1E800] =	vst v63  }
0x8e: {  	s25 =	simm.s32 @!p2 $0x2800;
	p0 =	sne.s32 s24, $0x0;
	s23 =	simm.s32 @!p2 $0x80  }
0x8f: {  	[tilespmem:s25], [sflag:$0x1] =	stream.indirect.gather @!p2 [hbm4b:s4+s23], $0x80, s22, s23, $0xb8;
	[tilespmem:$0x1E800] =	vst v63  }
0x90: {  	s22 =	simm.s32 @!p0 $0x1  }
0x91: {  	_ =	swait.ge @!p0 [sflag:s22], $0x4000  }
0x92: {  	s24 =	simm.s32 @!p0 $0x2800;
	[sflag:s22] =	ssyncset.done @!p0 $0x0  }
0x93: {  	s23 =	simm.s32 @!p0 $0x80;
	[sflag:s22] =	ssyncadd.s32 @!p0 $0xFFFFC000;
	s22 =	simm.s32 @!p0 $0x4  }
0x94: {  	[spmem:s2] =	stream.indirect.scatter.add.f32 @!p0 [tilespmem:s24], [sflag:$0x4], $0x80, s21, s23, $0xb8;
	[tilespmem:$0x1E800] =	vst v63  }
0x95: {  	_ =	swait.ge @!p0 [sflag:s22], $0x4000  }
0x96: {  	p1 =	por p1, p1;
	[sflag:s22] =	ssyncset.done @!p0 $0x0  }
0x97: {  	s23 =	simm.s32 @p1 $0x2;
	[sflag:s22] =	ssyncadd.s32 @!p0 $0xFFFFC000  }
0x98: {  	_ =	swait.ge @p1 [sflag:s23], $0x4000  }
0x99: {  	s24 =	simm.s32 @p1 $0x6800;
	[sflag:s23] =	ssyncset.done @p1 $0x0  }
0x9a: {  	s22 =	simm.s32 @p1 $0x80;
	[sflag:s23] =	ssyncadd.s32 @p1 $0xFFFFC000;
	s23 =	simm.s32 @p1 $0x3  }
0x9b: {  	[spmem:s2] =	stream.indirect.scatter.add.f32 @p1 [tilespmem:s24], [sflag:$0x3], $0x80, s21, s22, $0xb8;
	[tilespmem:$0x1E800] =	vst v63  }
0x9c: {  	_ =	swait.ge @p1 [sflag:s23], $0x4000  }
0x9d: {  	[sflag:s23] =	ssyncset.done @p1 $0x0  }
0x9e: {  	[sflag:s23] =	ssyncadd.s32 @p1 $0xFFFFC000  }
0x9f: {  	_ =	swait.ge [sflag:s16], $0x4000  }
0xa0: {  	[sflag:s16] =	ssyncset.done $0x0  }
0xa1: {  	[sflag:s16] =	ssyncadd.s32 $0xFFFFC000  }
0xa2: {  	[spmem:s2] =	stream.indirect.scatter.add.f32 [tilespmem:s18], [sflag:$0x3], $0x80, s17, s19, $0xb8;
	[tilespmem:$0x1E800] =	vst v63  }
0xa3: {  	_ =	swait.ge [sflag:s14], $0x4000  }
0xa4: {  	s20 =	sadd.s32 $0x1, s20;
	[sflag:s14] =	ssyncset.done $0x0  }
0xa5: {  	p0 =	sne.s32 s20, s12;
	[sflag:s14] =	ssyncadd.s32 $0xFFFFC000  }
.Ltmp2:
0xa6: {  	[bflag:$0x0] =	sbarrier.arrive $0xFFFF;
	(pc) =	sbr.rel @p0 .LBB2_1-.Ltmp2, $4  }
0xa7: {  	[hbm:s11], [sflag:s6] =	dma.local [spmem:s13], $0x2800  }
0xa8: {  	_ =	swait.ge [sflag:s14], $0x2800  }
0xa9: {  	[sflag:s14] =	ssyncset.done $0x0  }
0xaa: {  	[sflag:s14] =	ssyncadd.s32 $0xFFFFD800  }
0xab: {  	_ =	sfence.sel $0x180000  }
0xac: {  	[bflag:$0x0] =	sbarrier.arrive $0xFFFF  }
0xad: {  	p0 =	sne.s32 s1, $0x0;
	_ =	strace $0x90000053  }
0xae: {  	s0 =	sadd.s32 @!p0 $0x100000, s0;
	[bflag:$0x2] =	sbarrier.arrive $0xFFFF  }
0xaf: {  	[sflag:s0] =	ssyncadd.tile.s32 @!p0 $0x1;
	_ =	shalt  }
.Lfunc_end2:
_tile_overlayer_lowered:
.L_overlay_start_2:
0xb0: {  	(tag) =	ssettag $0x2  }
0xb1: {  	s0 =	rddreg [dreg:$0x0];
	s2 =	stileid.u32  }
0xb2: {  	s1 =	rddreg [dreg:$0x1];
	p0 =	sne.s32 s2, $0x0  }
0xb3: {  	s3 =	rddreg [dreg:$0x2];
	[bflag:$0x3] =	sbarrier.arrive $0xFFFF;
	s2 =	simm.s32 @!p0 $0x1C03  }
0xb4: {  	[timem:s3], [sflag:s2] =	dma.local @!p0 [hbm:s0], s1  }
0xb5: {  	s0 =	simm.s32 @!p0 $0x3  }
0xb6: {  	_ =	swait.ge @!p0 [sflag:s0], s1  }
0xb7: {  	s1 =	ssub.s32 @!p0 $0x0, s1;
	[sflag:s0] =	ssyncset.done @!p0 $0x0  }
0xb8: {  	[sflag:s0] =	ssyncadd.s32 @!p0 s1  }
0xb9: {  	[bflag:$0x3] =	sbarrier.arrive $0xFFFF  }
0xba: {  	_ =	shalt  }

// kernel: kernel.31.cloned.1.call-start
scs
__scs_entry_jumppad:
0x0: {  	(pc) =	sbr.rel $0x88, $3  }
0x1: {  	(tag) =	ssettag $0x0;
	lr =	simm.s32 $0x1  }
0x2: {  	[smem:$0x3F7C] =	sst lr;
	_ =	strace $0xD0000000  }
0x3: {  	_ = 	snop  }
0x4: {  	_ = 	snop  }
0x5: {  	_ = 	snop  }
0x6: {  	_ = 	snop  }
0x7: {  	_ = 	snop  }
__scs_overlays_trampoline_lowered:
0x8: {  	[smem:$0x3F8B] =	sst s0  }
0x9: {  	[smem:$0x3F8C] =	sst s1  }
0xa: {  	[smem:$0x3F8D] =	sst s2  }
0xb: {  	[smem:$0x3F8E] =	sst s3  }
0xc: {  	[smem:$0x3F8F] =	sst s4  }
0xd: {  	[smem:$0x3F90] =	sst s5  }
0xe: {  	[smem:$0x3F91] =	sst s6  }
0xf: {  	[smem:$0x3F92] =	sst s7  }
0x10: {  	[smem:$0x3F93] =	sst s8  }
0x11: {  	[smem:$0x3F94] =	sst s9;
	s0 =	simm.s32 @!p0 $0x0  }
0x12: {  	s1 =	sld [smem:$0x3F7A];
	s0 =	simm.s32 @p0 $0x1  }
0x13: {  	[smem:$0x3F95] =	sst s0;
	s0 =	simm.s32 @!p1 $0x0  }
0x14: {  	s2 =	sld [smem:$0x3F79];
	s0 =	simm.s32 @p1 $0x1  }
0x15: {  	[smem:$0x3F96] =	sst s0;
	s0 =	simm.s32 @!p2 $0x0  }
0x16: {  	s3 =	sld [smem:$0x3FDB];
	s0 =	simm.s32 @p2 $0x1  }
0x17: {  	s4 =	simm.s32 $0x1BF5;
	[smem:$0x3F98] =	sst s0  }
0x18: {  	s0 =	sld [smem:$0x3F7B];
	_ =	swait.ge [sflag:s4], $0x0  }
0x19: {  	s7 =	sld [smem:$0x3F7C]  }
0x1a: {  	s8 =	sadd.s32 $0xFFFFE003, lr  }
0x1b: {  	s9 =	sadd.s32 $0xFFFFFEF7, lr;
	s5 =	simm.s32 $0xFFFFFFFF;
	p2 =	slt.u32 s8, $0xFFFFF086  }
0x1c: {  	p1 =	slt.u32 s9, $0xF7A;
	s5 =	simm.s32 @!p2 $0x0  }
0x1d: {  	s5 =	simm.s32 @p1 $0x1;
	p0 =	seq.s32 s7, s2  }
0x1e: {  	s7 =	smul.u32 @!p0 $0xF7A, s2;
	p2 =	seq.s32 @!p0 s5, $0x0  }
0x1f: {  	s9 =	smul.u32 $0xF7A, s1;
	s8 =	simm.s32 @!p0 $0x1BF5;
	p2 =	por !p2, p0  }
0x20: {  	[sflag:s8] =	ssyncset.s32 @!p0 $0xFFFFF086;
	s6 =	sadd.s32 @!p0 s3, s7;
	s7 =	simm.s32 @!p0 $0x108  }
0x21: {  	s3 =	sadd.s32 s3, s9;
	s6 =	sadd.s32 @!p0 $0x88, s6;
	s7 =	simm.s32 @p2 $0x1082  }
0x22: {  	[simem:s7], [sflag:s8] =	dma.local @!p0 [hbm:s6], $0xF7A  }
0x23: {  	s9 =	sor.u32 $0xD0000000, s2;
	s6 =	simm.s32 $0x108;
	_ =	swait.ge @!p0 [sflag:s8], $0x0  }
0x24: {  	s3 =	sadd.s32 $0x88, s3;
	s6 =	simm.s32 @!p1 $0x1082;
	[sflag:s4] =	ssyncset.s32 $0xFFFFF086  }
0x25: {  	[simem:s6], [sflag:s4] =	dma.local [hbm:s3], $0xF7A  }
0x26: {  	[smem:$0x3F7C] =	sst s1;
	(tag) =	ssettag s2;
	_ =	strace s9  }
0x27: {  	s1 =	sld [smem:$0x3F8C]  }
0x28: {  	s2 =	sld [smem:$0x3F8D]  }
0x29: {  	s4 =	sld [smem:$0x3F8F]  }
0x2a: {  	p0 =	seq.s32 s5, $0x0;
	s5 =	sld [smem:$0x3F90]  }
0x2b: {  	s6 =	sld [smem:$0x3F91]  }
0x2c: {  	s7 =	sld [smem:$0x3F92]  }
0x2d: {  	s3 =	simm.s32 $0x108;
	s8 =	sld [smem:$0x3F93]  }
0x2e: {  	s3 =	simm.s32 @!p0 $0x1082;
	s9 =	sld [smem:$0x3F94]  }
0x2f: {  	lr =	sadd.s32 s0, s3;
	s0 =	sld [smem:$0x3F8B]  }
0x30: {  	s3 =	sld [smem:$0x3F8E]  }
0x31: {  	[smem:$0x3F97] =	sst s10  }
0x32: {  	s10 =	sld [smem:$0x3F95];
	_ =	sdelay $0x3  }
0x33: {  	p0 =	seq.s32 s10, $0x1;
	s10 =	sld [smem:$0x3F97];
	_ =	sdelay $0x3  }
0x34: {  	[smem:$0x3F97] =	sst s10  }
0x35: {  	s10 =	sld [smem:$0x3F96];
	_ =	sdelay $0x3  }
0x36: {  	p1 =	seq.s32 s10, $0x1;
	s10 =	sld [smem:$0x3F97];
	_ =	sdelay $0x3  }
0x37: {  	[smem:$0x3F97] =	sst s10  }
0x38: {  	s10 =	sld [smem:$0x3F98]  }
0x39: {  	_ = 	snop;
	(pc) =	sbr.ind lr, $3  }
0x3a: {  	_ = 	snop  }
0x3b: {  	_ = 	snop  }
0x3c: {  	p2 =	seq.s32 s10, $0x1;
	s10 =	sld [smem:$0x3F97]  }
0x3d: {  	_ =	shalt  }
0x3e: {  	_ =	shalt  }
0x3f: {  	_ =	shalt  }
0x40: {  	_ =	shalt  }
0x41: {  	_ =	shalt  }
0x42: {  	_ =	shalt  }
0x43: {  	_ =	shalt  }
0x44: {  	_ =	shalt  }
0x45: {  	_ =	shalt  }
0x46: {  	_ =	shalt  }
0x47: {  	_ =	shalt  }
0x48: {  	_ =	shalt  }
0x49: {  	_ =	shalt  }
0x4a: {  	_ =	shalt  }
0x4b: {  	_ =	shalt  }
0x4c: {  	_ =	shalt  }
0x4d: {  	_ =	shalt  }
0x4e: {  	_ =	shalt  }
0x4f: {  	_ =	shalt  }
0x50: {  	_ =	shalt  }
0x51: {  	_ =	shalt  }
0x52: {  	_ =	shalt  }
0x53: {  	_ =	shalt  }
0x54: {  	_ =	shalt  }
0x55: {  	_ =	shalt  }
0x56: {  	_ =	shalt  }
0x57: {  	_ =	shalt  }
0x58: {  	_ =	shalt  }
0x59: {  	_ =	shalt  }
0x5a: {  	_ =	shalt  }
0x5b: {  	_ =	shalt  }
0x5c: {  	_ =	shalt  }
0x5d: {  	_ =	shalt  }
0x5e: {  	_ =	shalt  }
0x5f: {  	_ =	shalt  }
0x60: {  	_ =	shalt  }
0x61: {  	_ =	shalt  }
0x62: {  	_ =	shalt  }
0x63: {  	_ =	shalt  }
0x64: {  	_ =	shalt  }
0x65: {  	_ =	shalt  }
0x66: {  	_ =	shalt  }
0x67: {  	_ =	shalt  }
0x68: {  	_ =	shalt  }
0x69: {  	_ =	shalt  }
0x6a: {  	_ =	shalt  }
0x6b: {  	_ =	shalt  }
0x6c: {  	_ =	shalt  }
0x6d: {  	_ =	shalt  }
0x6e: {  	_ =	shalt  }
0x6f: {  	_ =	shalt  }
0x70: {  	_ =	shalt  }
0x71: {  	_ =	shalt  }
0x72: {  	_ =	shalt  }
0x73: {  	_ =	shalt  }
0x74: {  	_ =	shalt  }
0x75: {  	_ =	shalt  }
0x76: {  	_ =	shalt  }
0x77: {  	_ =	shalt  }
0x78: {  	_ =	shalt  }
0x79: {  	_ =	shalt  }
0x7a: {  	_ =	shalt  }
0x7b: {  	_ =	shalt  }
0x7c: {  	_ =	shalt  }
0x7d: {  	_ =	shalt  }
0x7e: {  	_ =	shalt  }
0x7f: {  	_ =	shalt  }
0x80: {  	_ =	shalt  }
0x81: {  	_ =	shalt  }
0x82: {  	_ =	shalt  }
0x83: {  	_ =	shalt  }
0x84: {  	_ =	shalt  }
0x85: {  	_ =	shalt  }
0x86: {  	_ =	shalt  }
0x87: {  	_ =	shalt  }
.Lfunc_end0:
.L_simem_size_0:
called_computation.5_lowered:
.L_overlay_start_0:
0x88: {  	s2 =	sld [smem:$0x3FD9]  }
0x89: {  	s3 =	sld [smem:$0x3FFE];
	_ =	sdelay $0x1  }
0x8a: {  	s1 =	srdreg.scid  }
0x8b: {  	s0 =	sand.u32 $0x1, s1  }
0x8c: {  	s16 =	sshll.u32 s0, $0xA;
	s2 =	sadd.s32 s3, s2  }
0x8d: {  	s2 =	sadd.s32 s2, s16  }
0x8e: {  	[smem:$0x3FA3] =	sst s2  }
0x8f: {  	_ = 	snop  }
0x90: {  	(tm) =	ssettm $0x1  }
0x91: {  	s17 =	sld [smem:$0x3FFB];
	_ =	sdelay $0x3  }
0x92: {  	_ =	strace s17  }
0x93: {  	s2 =	sld [smem:$0x3FFC];
	_ =	sdelay $0x3  }
0x94: {  	_ =	strace s2  }
0x95: {  	s2 =	sld [smem:$0x3FFD];
	_ =	sdelay $0x3  }
0x96: {  	_ =	strace s2  }
0x97: {  	_ =	strace $0x8FFFFFFF  }
0x98: {  	s18 =	sld [smem:$0x3FDB];
	_ =	sdelay $0x1  }
0x99: {  	s19 =	simm.s32 $_scs_section_size  }
0x9a: {  	s4 =	simm.s32 $_size__tile_overlayer_lowered;
	s5 =	simm.s32 $_tile_overlayer_lowered  }
0x9b: {  	s22 =	simm.s32 $0x1BFF;
	s21 =	sshll.u32 s5, $0x1;
	s2 =	sadd.s32 s19, s18  }
0x9c: {  	s6 =	simm.s32 $0x0;
	s20 =	sshll.u32 s4, $0x1;
	s4 =	sadd.s32 s21, s2  }
0x9d: {  	[timem:s6], [sflag:s22] =	dma.local [hbm:s4], s20  }
0x9e: {  	_ =	swait.ge [sflag:s22], s20  }
0x9f: {  	s3 =	ssub.s32 $0x0, s20;
	[sflag:s22] =	ssyncset.done $0x0  }
0xa0: {  	[sflag:s22] =	ssyncadd.s32 s3;
	_ =	sdelay $0x1  }
0xa1: {  	s23 =	simm.s32 $0x1B8B  }
0xa2: {  	_ =	swait.ge [sflag:s23], $0x1  }
0xa3: {  	[sflag:s23] =	ssyncset.done $0x0  }
0xa4: {  	s25 =	simm.s32 $0x1B8E;
	s24 =	sld [smem:$0x3FFE];
	[sflag:s23] =	ssyncadd.s32 $0xFFFFFFFF  }
0xa5: {  	s26 =	simm.s32 $execute0_lowered;
	[smem:$0x3FD2] =	sst s25  }
0xa6: {  	s4 =	sshll.u32 s26, $0x1;
	_ =	strace $0x80000055;
	[dreg:$0x1] =	wrdreg $0xFFFFFFFF  }
0xa7: {  	s28 =	simm.s32 $_size_execute0_lowered;
	s2 =	sadd.s32 s2, s4;
	[dreg:$0x0] =	wrdreg $0x0  }
0xa8: {  	s4 =	sshll.u32 s28, $0x1;
	[dreg:$0x2] =	wrdreg s2  }
0xa9: {  	[dreg:$0x3] =	wrdreg s4  }
0xaa: {  	[dreg:$0x4] =	wrdreg $0xC0  }
0xab: {  	_ =	task [dreg:s6], $0x5FFFF  }
0xac: {  	[dreg:$0x1] =	wrdreg $0xFFFFFFFF  }
0xad: {  	[dreg:$0x0] =	wrdreg $0x60  }
0xae: {  	[dreg:$0x2] =	wrdreg s24  }
0xaf: {  	[dreg:$0x3] =	wrdreg $0xA8000  }
0xb0: {  	[dreg:$0x4] =	wrdreg $0x9  }
0xb1: {  	_ =	task.clear_ibuf [dreg:s6], $0x5FFFF;
	_ =	strace $0x90000055  }
0xb2: {  	s29 =	simm.s32 $0x9;
	_ =	strace $0x80000057  }
0xb3: {  	_ =	swait.ge [sflag:s29], $0x1  }
0xb4: {  	[sflag:s29] =	ssyncadd.s32 $0xFFFFFFFF  }
0xb5: {  	_ =	strace $0x90000057  }
0xb6: {  	_ =	sfence  }
0xb7: {  	s30 =	sld [smem:$0x0];
	_ =	sdelay $0x2  }
0xb8: {  	s31 =	sshll.u32 s1, $0xD;
	s1 =	sshrl.u32 s1, $0x2  }
0xb9: {  	s3 =	sand.u32 $0x4000, s31;
	s1 =	sadd.s32 s1, s30  }
0xba: {  	s0 =	sor.u32 s3, s0;
	s1 =	sshll.u32 s1, $0x11  }
0xbb: {  	s0 =	sor.u32 s1, s0  }
0xbc: {  	s0 =	sadd.s32 $0x8F2B, s0  }
0xbd: {  	[sflag:s0] =	ssyncadd.remote.s32 $0x1  }
0xbe: {  	_ =	sfence.sel $0xFFFF  }
0xbf: {  	[dreg:$0x0] =	wrdreg $0xFFFFFFFF;
	(pc) =	sbr.abs _section_cstart, $3  }
0xc0: {  	[dreg:$0x1] =	wrdreg $0xFFFFFFFF  }
0xc1: {  	_ =	task.clear_ibuf [dreg:s6], $0x2FFFF;
	_ =	strace $0x9FFFFFFF  }
0xc2: {  	(tm) =	ssettm $0x7FFFFFFF  }
0xc3: {  	_ =	shalt  }
tec
execute0_lowered:
.L_overlay_start_1:
0x0: {  	(tag) =	ssettag $0x1  }
0x1: {  	s5 =	rddreg [dreg:$0x0]  }
0x2: {  	s2 =	rddreg [dreg:$0x1]  }
0x3: {  	s0 =	rddreg [dreg:$0x2];
	s3 =	simm.s32 $0x0;
	s1 =	stileid.u32  }
0x4: {  	s4 =	srdreg.scid;
	s16 =	simm.s32 $0x2;
	s17 =	simm.s32 $0x2780  }
0x5: {  	s18 =	simm.s32 $0x6800;
	s19 =	simm.s32 $0x80;
	s20 =	simm.s32 $0x0  }
0x6: {  	[smem:$0x7FF] =	sst s3;
	s6 =	smul.u32 $0x2800, s1;
	s7 =	sand.u32 $0x1, s4  }
0x7: {  	s4 =	sadd.s32 $0x128400, s5;
	s9 =	sadd.s32 $0x28400, s5;
	s10 =	sadd.s32 $0x32400, s5  }
0x8: {  	s12 =	smul.u32 $0x50000, s1;
	s13 =	sshll.u32 s1, $0x1;
	s29 =	sshll.u32 s1, $0x6  }
0x9: {  	_ =	strace $0x80000056;
	s8 =	smul.u32 $0x28000, s7;
	s23 =	ssub.s32 $0x2, s7  }
0xa: {  	s7 =	sshll.u32 s7, $0x5;
	s11 =	sadd.s32 s6, s5;
	s24 =	sshrl.u32 s23, $0x1  }
0xb: {  	s25 =	sor.u32 s13, s7;
	s28 =	sshrl.u32 s12, $0x2;
	s6 =	sadd.s32 s6, s8  }
0xc: {  	s26 =	ssub.s32 s23, s24;
	s7 =	smul.u32 $0x1400, s25;
	s15 =	sadd.s32 s28, s2  }
0xd: {  	s30 =	smul.u32 $0x280, s25;
	s14 =	sadd.s32 s6, s5;
	s5 =	sadd.s32 $0xB2000, s11  }
0xe: {  	s6 =	sor.u32 $0x1C03, s29;
	s12 =	smax.u32 s26, $0x1;
	s31 =	sshrl.u32 s7, $0x3  }
0xf: {  	s13 =	sshrl.u32 s15, $0x3;
	s15 =	simm.s32 $0x2800;
	s11 =	sadd.s32 $0x280, s31  }
0x10: {  	s7 =	sadd.s32 s9, s30;
	s8 =	sadd.s32 s10, s30;
	s9 =	sadd.s32 s9, s11  }
0x11: {  	s10 =	sadd.s32 s10, s11;
	s11 =	sadd.s32 $0x3C400, s14;
	s14 =	simm.s32 $0x3  }
.LBB2_1:
0x12: {  	[spmem:s13], [sflag:s6] =	dma.local [hbm:s5], $0x2800  }
0x13: {  	_ =	swait.ge [sflag:s14], $0x2800  }
0x14: {  	[sflag:s14] =	ssyncset.done $0x0  }
0x15: {  	[sflag:s14] =	ssyncadd.s32 $0xFFFFD800  }
0x16: {  	[bflag:$0x0] =	sbarrier.arrive $0xFFFF  }
0x17: {  	[tilespmem:s3], [sflag:$0x3] =	stream.linear.gather [hbm4b:s7+s3], $0x1400, $0x38;
	[tilespmem:$0x1E800] =	vst v63  }
0x18: {  	_ =	swait.ge [sflag:s14], $0x1400  }
0x19: {  	[sflag:s14] =	ssyncset.done $0x0  }
0x1a: {  	s21 =	simm.s32 $0x1400;
	[sflag:s14] =	ssyncadd.s32 $0xFFFFEC00  }
0x1b: {  	[tilespmem:s21], [sflag:$0x3] =	stream.linear.gather [hbm4b:s8+s3], $0x1400, $0x38;
	[tilespmem:$0x1E800] =	vst v63  }
0x1c: {  	_ =	swait.ge [sflag:s14], $0x1400  }
0x1d: {  	s22 =	sand.u32 $0x1, s3;
	[sflag:s14] =	ssyncset.done $0x0  }
0x1e: {  	p0 =	seq.s32 s22, $0x1;
	p1 =	seq.s32 s22, $0x0;
	[sflag:s14] =	ssyncadd.s32 $0xFFFFEC00  }
0x1f: {  	[tilespmem:s15], [sflag:$0x1] =	stream.indirect.gather [hbm4b:s4+s19], $0x80, s3, s19, $0xb8;
	[tilespmem:$0x1E800] =	vst v63  }
0x20: {  	p2 =	sne.s32 s22, $0x0;
	s23 =	simm.s32 @!p0 $0x80;
	s24 =	simm.s32 @!p0 $0x6800  }
0x21: {  	[tilespmem:s24], [sflag:$0x2] =	stream.indirect.gather @!p0 [hbm4b:s4+s23], $0x80, s19, s23, $0xb8;
	[tilespmem:$0x1E800] =	vst v63  }
0x22: {  	s22 =	simm.s32 @!p2 $0x1;
	s23 =	simm.s32 @!p1 $0x80;
	s24 =	simm.s32 @!p1 $0x2800  }
0x23: {  	[tilespmem:s24], [sflag:$0x1] =	stream.indirect.gather @!p1 [hbm4b:s4+s23], $0x80, s19, s23, $0xb8;
	[tilespmem:$0x1E800] =	vst v63  }
0x24: {  	_ =	swait.ge @!p2 [sflag:s22], $0x4000  }
0x25: {  	s23 =	simm.s32 @!p2 $0x80;
	[sflag:s22] =	ssyncset.done @!p2 $0x0  }
0x26: {  	s24 =	simm.s32 @!p2 $0x2800;
	[sflag:s22] =	ssyncadd.s32 @!p2 $0xFFFFC000;
	s22 =	simm.s32 @!p2 $0x4  }
0x27: {  	[spmem:s2] =	stream.indirect.scatter.add.f32 @!p2 [tilespmem:s24], [sflag:$0x4], $0x80, s21, s23, $0xb8;
	[tilespmem:$0x1E800] =	vst v63  }
0x28: {  	_ =	swait.ge @!p2 [sflag:s22], $0x4000  }
0x29: {  	p0 =	por p0, p0;
	[sflag:s22] =	ssyncset.done @!p2 $0x0  }
0x2a: {  	s23 =	simm.s32 @p0 $0x2;
	[sflag:s22] =	ssyncadd.s32 @!p2 $0xFFFFC000  }
0x2b: {  	_ =	swait.ge @p0 [sflag:s23], $0x4000  }
0x2c: {  	s31 =	simm.s32 $0x1;
	[sflag:s23] =	ssyncset.done @p0 $0x0  }
0x2d: {  	s25 =	simm.s32 @p0 $0x6800;
	s22 =	simm.s32 @p0 $0x80;
	[sflag:s23] =	ssyncadd.s32 @p0 $0xFFFFC000  }
0x2e: {  	[spmem:s2] =	stream.indirect.scatter.add.f32 @p0 [tilespmem:s25], [sflag:$0x3], $0x80, s21, s22, $0xb8;
	[tilespmem:$0x1E800] =	vst v63  }
0x2f: {  	s24 =	sand.u32 $0x1, s31;
	s23 =	simm.s32 $0x2;
	s25 =	simm.s32 @p0 $0x3  }
0x30: {  	s22 =	simm.s32 $0x100;
	s21 =	simm.s32 $0x1480;
	_ =	swait.ge @p0 [sflag:s25], $0x4000  }
.LBB2_2:
0x31: {  	p3 =	seq.s32 s24, $0x1;
	p1 =	seq.s32 s24, $0x0;
	[sflag:s25] =	ssyncset.done @p0 $0x0  }
0x32: {  	s26 =	simm.s32 @!p3 $0x80;
	s28 =	simm.s32 @!p3 $0x6800;
	[sflag:s25] =	ssyncadd.s32 @p0 $0xFFFFC000  }
0x33: {  	[tilespmem:s28], [sflag:$0x2] =	stream.indirect.gather @!p3 [hbm4b:s4+s26], $0x80, s22, s26, $0xb8;
	[tilespmem:$0x1E800] =	vst v63  }
0x34: {  	p2 =	sne.s32 s24, $0x0;
	s25 =	simm.s32 @!p1 $0x80;
	s26 =	simm.s32 @!p1 $0x2800  }
0x35: {  	[tilespmem:s26], [sflag:$0x1] =	stream.indirect.gather @!p1 [hbm4b:s4+s25], $0x80, s22, s25, $0xb8;
	[tilespmem:$0x1E800] =	vst v63  }
0x36: {  	s24 =	simm.s32 @!p2 $0x1;
	s26 =	smov.u32 s23;
	s23 =	sadd.s32 $0x1, s23  }
0x37: {  	p0 =	por p3, p3;
	p1 =	sne.s32 s23, $0x27;
	_ =	swait.ge @!p2 [sflag:s24], $0x4000  }
0x38: {  	s28 =	simm.s32 @!p2 $0x2800;
	s25 =	simm.s32 @!p2 $0x80;
	[sflag:s24] =	ssyncset.done @!p2 $0x0  }
0x39: {  	[sflag:s24] =	ssyncadd.s32 @!p2 $0xFFFFC000;
	s24 =	simm.s32 @!p2 $0x4  }
0x3a: {  	[spmem:s2] =	stream.indirect.scatter.add.f32 @!p2 [tilespmem:s28], [sflag:$0x4], $0x80, s21, s25, $0xb8;
	[tilespmem:$0x1E800] =	vst v63  }
0x3b: {  	_ =	swait.ge @!p2 [sflag:s24], $0x4000  }
0x3c: {  	s25 =	simm.s32 @p0 $0x2;
	[sflag:s24] =	ssyncset.done @!p2 $0x0  }
0x3d: {  	[sflag:s24] =	ssyncadd.s32 @!p2 $0xFFFFC000  }
.Ltmp0:
0x3e: {  	_ =	swait.ge @p0 [sflag:s25], $0x4000;
	(pc) =	sbr.rel @p1 .LBB2_2-.Ltmp0, $4  }
0x3f: {  	s28 =	simm.s32 @p0 $0x6800;
	s24 =	simm.s32 @p0 $0x80;
	[sflag:s25] =	ssyncset.done @p0 $0x0  }
0x40: {  	s22 =	sadd.s32 $0x80, s22;
	[sflag:s25] =	ssyncadd.s32 @p0 $0xFFFFC000;
	s25 =	simm.s32 @p0 $0x3  }
0x41: {  	[spmem:s2] =	stream.indirect.scatter.add.f32 @p0 [tilespmem:s28], [sflag:$0x3], $0x80, s21, s24, $0xb8;
	[tilespmem:$0x1E800] =	vst v63  }
0x42: {  	s24 =	sand.u32 $0x1, s26;
	s21 =	sadd.s32 $0x80, s21;
	_ =	swait.ge @p0 [sflag:s25], $0x4000  }
0x43: {  	p1 =	seq.s32 s24, $0x1;
	p2 =	seq.s32 s24, $0x0;
	[sflag:s25] =	ssyncset.done @p0 $0x0  }
0x44: {  	s23 =	simm.s32 @!p1 $0x80;
	s26 =	simm.s32 @!p1 $0x6800;
	[sflag:s25] =	ssyncadd.s32 @p0 $0xFFFFC000  }
0x45: {  	[tilespmem:s26], [sflag:$0x2] =	stream.indirect.gather @!p1 [hbm4b:s4+s23], $0x80, s22, s23, $0xb8;
	[tilespmem:$0x1E800] =	vst v63  }
0x46: {  	s25 =	simm.s32 @!p2 $0x2800;
	p0 =	sne.s32 s24, $0x0;
	s23 =	simm.s32 @!p2 $0x80  }
0x47: {  	[tilespmem:s25], [sflag:$0x1] =	stream.indirect.gather @!p2 [hbm4b:s4+s23], $0x80, s22, s23, $0xb8;
	[tilespmem:$0x1E800] =	vst v63  }
0x48: {  	s22 =	simm.s32 @!p0 $0x1  }
0x49: {  	_ =	swait.ge @!p0 [sflag:s22], $0x4000  }
0x4a: {  	s24 =	simm.s32 @!p0 $0x2800;
	[sflag:s22] =	ssyncset.done @!p0 $0x0  }
0x4b: {  	s23 =	simm.s32 @!p0 $0x80;
	[sflag:s22] =	ssyncadd.s32 @!p0 $0xFFFFC000;
	s22 =	simm.s32 @!p0 $0x4  }
0x4c: {  	[spmem:s2] =	stream.indirect.scatter.add.f32 @!p0 [tilespmem:s24], [sflag:$0x4], $0x80, s21, s23, $0xb8;
	[tilespmem:$0x1E800] =	vst v63  }
0x4d: {  	_ =	swait.ge @!p0 [sflag:s22], $0x4000  }
0x4e: {  	p1 =	por p1, p1;
	[sflag:s22] =	ssyncset.done @!p0 $0x0  }
0x4f: {  	s23 =	simm.s32 @p1 $0x2;
	[sflag:s22] =	ssyncadd.s32 @!p0 $0xFFFFC000  }
0x50: {  	_ =	swait.ge @p1 [sflag:s23], $0x4000  }
0x51: {  	s24 =	simm.s32 @p1 $0x6800;
	[sflag:s23] =	ssyncset.done @p1 $0x0  }
0x52: {  	s22 =	simm.s32 @p1 $0x80;
	[sflag:s23] =	ssyncadd.s32 @p1 $0xFFFFC000;
	s23 =	simm.s32 @p1 $0x3  }
0x53: {  	[spmem:s2] =	stream.indirect.scatter.add.f32 @p1 [tilespmem:s24], [sflag:$0x3], $0x80, s21, s22, $0xb8;
	[tilespmem:$0x1E800] =	vst v63  }
0x54: {  	_ =	swait.ge @p1 [sflag:s23], $0x4000  }
0x55: {  	[sflag:s23] =	ssyncset.done @p1 $0x0  }
0x56: {  	[sflag:s23] =	ssyncadd.s32 @p1 $0xFFFFC000  }
0x57: {  	_ =	swait.ge [sflag:s16], $0x4000  }
0x58: {  	[sflag:s16] =	ssyncset.done $0x0  }
0x59: {  	s21 =	simm.s32 $0x80;
	[sflag:s16] =	ssyncadd.s32 $0xFFFFC000  }
0x5a: {  	[spmem:s2] =	stream.indirect.scatter.add.f32 [tilespmem:s18], [sflag:$0x3], $0x80, s17, s21, $0xb8;
	[tilespmem:$0x1E800] =	vst v63  }
0x5b: {  	_ =	swait.ge [sflag:s14], $0x4000  }
0x5c: {  	[sflag:s14] =	ssyncset.done $0x0  }
0x5d: {  	s30 =	simm.s32 $0x0;
	[sflag:s14] =	ssyncadd.s32 $0xFFFFC000  }
0x5e: {  	[tilespmem:s30], [sflag:$0x3] =	stream.linear.gather [hbm4b:s9+s30], $0x1400, $0x38;
	[tilespmem:$0x1E800] =	vst v63  }
0x5f: {  	_ =	swait.ge [sflag:s14], $0x1400  }
0x60: {  	[sflag:s14] =	ssyncset.done $0x0  }
0x61: {  	s23 =	simm.s32 $0x1400;
	[sflag:s14] =	ssyncadd.s32 $0xFFFFEC00  }
0x62: {  	[tilespmem:s23], [sflag:$0x3] =	stream.linear.gather [hbm4b:s10+s30], $0x1400, $0x38;
	[tilespmem:$0x1E800] =	vst v63  }
0x63: {  	_ =	swait.ge [sflag:s14], $0x1400  }
0x64: {  	s22 =	sand.u32 $0x1, s30;
	[sflag:s14] =	ssyncset.done $0x0  }
0x65: {  	p0 =	seq.s32 s22, $0x1;
	[sflag:s14] =	ssyncadd.s32 $0xFFFFEC00  }
0x66: {  	[tilespmem:s15], [sflag:$0x1] =	stream.indirect.gather [hbm4b:s4+s21], $0x80, s30, s21, $0xb8;
	[tilespmem:$0x1E800] =	vst v63  }
0x67: {  	s24 =	simm.s32 @!p0 $0x80;
	s25 =	simm.s32 @!p0 $0x6800;
	p1 =	seq.s32 s22, $0x0  }
0x68: {  	[tilespmem:s25], [sflag:$0x2] =	stream.indirect.gather @!p0 [hbm4b:s4+s24], $0x80, s21, s24, $0xb8;
	[tilespmem:$0x1E800] =	vst v63  }
0x69: {  	p2 =	sne.s32 s22, $0x0;
	s24 =	simm.s32 @!p1 $0x80;
	s25 =	simm.s32 @!p1 $0x2800  }
0x6a: {  	[tilespmem:s25], [sflag:$0x1] =	stream.indirect.gather @!p1 [hbm4b:s4+s24], $0x80, s21, s24, $0xb8;
	[tilespmem:$0x1E800] =	vst v63  }
0x6b: {  	s21 =	simm.s32 @!p2 $0x1  }
0x6c: {  	_ =	swait.ge @!p2 [sflag:s21], $0x4000  }
0x6d: {  	s22 =	simm.s32 @!p2 $0x80;
	[sflag:s21] =	ssyncset.done @!p2 $0x0  }
0x6e: {  	s24 =	simm.s32 @!p2 $0x2800;
	[sflag:s21] =	ssyncadd.s32 @!p2 $0xFFFFC000;
	s21 =	simm.s32 @!p2 $0x4  }
0x6f: {  	[spmem:s2] =	stream.indirect.scatter.add.f32 @!p2 [tilespmem:s24], [sflag:$0x4], $0x80, s23, s22, $0xb8;
	[tilespmem:$0x1E800] =	vst v63  }
0x70: {  	_ =	swait.ge @!p2 [sflag:s21], $0x4000  }
0x71: {  	p0 =	por p0, p0;
	[sflag:s21] =	ssyncset.done @!p2 $0x0  }
0x72: {  	s22 =	simm.s32 @p0 $0x2;
	[sflag:s21] =	ssyncadd.s32 @!p2 $0xFFFFC000  }
0x73: {  	_ =	swait.ge @p0 [sflag:s22], $0x4000  }
0x74: {  	s31 =	simm.s32 $0x1;
	[sflag:s22] =	ssyncset.done @p0 $0x0  }
0x75: {  	s25 =	simm.s32 @p0 $0x6800;
	s24 =	simm.s32 @p0 $0x80;
	[sflag:s22] =	ssyncadd.s32 @p0 $0xFFFFC000  }
0x76: {  	[spmem:s2] =	stream.indirect.scatter.add.f32 @p0 [tilespmem:s25], [sflag:$0x3], $0x80, s23, s24, $0xb8;
	[tilespmem:$0x1E800] =	vst v63  }
0x77: {  	s21 =	simm.s32 $0x1480;
	s22 =	simm.s32 $0x100;
	s25 =	simm.s32 @p0 $0x3  }
0x78: {  	s23 =	simm.s32 $0x2;
	s24 =	sand.u32 $0x1, s31;
	_ =	swait.ge @p0 [sflag:s25], $0x4000  }
.LBB2_4:
0x79: {  	p3 =	seq.s32 s24, $0x1;
	p1 =	seq.s32 s24, $0x0;
	[sflag:s25] =	ssyncset.done @p0 $0x0  }
0x7a: {  	s26 =	simm.s32 @!p3 $0x80;
	s28 =	simm.s32 @!p3 $0x6800;
	[sflag:s25] =	ssyncadd.s32 @p0 $0xFFFFC000  }
0x7b: {  	[tilespmem:s28], [sflag:$0x2] =	stream.indirect.gather @!p3 [hbm4b:s4+s26], $0x80, s22, s26, $0xb8;
	[tilespmem:$0x1E800] =	vst v63  }
0x7c: {  	p2 =	sne.s32 s24, $0x0;
	s25 =	simm.s32 @!p1 $0x80;
	s26 =	simm.s32 @!p1 $0x2800  }
0x7d: {  	[tilespmem:s26], [sflag:$0x1] =	stream.indirect.gather @!p1 [hbm4b:s4+s25], $0x80, s22, s25, $0xb8;
	[tilespmem:$0x1E800] =	vst v63  }
0x7e: {  	s24 =	simm.s32 @!p2 $0x1;
	s26 =	smov.u32 s23;
	s23 =	sadd.s32 $0x1, s23  }
0x7f: {  	p0 =	por p3, p3;
	p1 =	sne.s32 s23, $0x27;
	_ =	swait.ge @!p2 [sflag:s24], $0x4000  }
0x80: {  	s28 =	simm.s32 @!p2 $0x2800;
	s25 =	simm.s32 @!p2 $0x80;
	[sflag:s24] =	ssyncset.done @!p2 $0x0  }
0x81: {  	[sflag:s24] =	ssyncadd.s32 @!p2 $0xFFFFC000;
	s24 =	simm.s32 @!p2 $0x4  }
0x82: {  	[spmem:s2] =	stream.indirect.scatter.add.f32 @!p2 [tilespmem:s28], [sflag:$0x4], $0x80, s21, s25, $0xb8;
	[tilespmem:$0x1E800] =	vst v63  }
0x83: {  	_ =	swait.ge @!p2 [sflag:s24], $0x4000  }
0x84: {  	s25 =	simm.s32 @p0 $0x2;
	[sflag:s24] =	ssyncset.done @!p2 $0x0  }
0x85: {  	[sflag:s24] =	ssyncadd.s32 @!p2 $0xFFFFC000  }
.Ltmp1:
0x86: {  	_ =	swait.ge @p0 [sflag:s25], $0x4000;
	(pc) =	sbr.rel @p1 .LBB2_4-.Ltmp1, $4  }
0x87: {  	s28 =	simm.s32 @p0 $0x6800;
	s24 =	simm.s32 @p0 $0x80;
	[sflag:s25] =	ssyncset.done @p0 $0x0  }
0x88: {  	s22 =	sadd.s32 $0x80, s22;
	[sflag:s25] =	ssyncadd.s32 @p0 $0xFFFFC000;
	s25 =	simm.s32 @p0 $0x3  }
0x89: {  	[spmem:s2] =	stream.indirect.scatter.add.f32 @p0 [tilespmem:s28], [sflag:$0x3], $0x80, s21, s24, $0xb8;
	[tilespmem:$0x1E800] =	vst v63  }
0x8a: {  	s24 =	sand.u32 $0x1, s26;
	s21 =	sadd.s32 $0x80, s21;
	_ =	swait.ge @p0 [sflag:s25], $0x4000  }
0x8b: {  	p1 =	seq.s32 s24, $0x1;
	p2 =	seq.s32 s24, $0x0;
	[sflag:s25] =	ssyncset.done @p0 $0x0  }
0x8c: {  	s23 =	simm.s32 @!p1 $0x80;
	s26 =	simm.s32 @!p1 $0x6800;
	[sflag:s25] =	ssyncadd.s32 @p0 $0xFFFFC000  }
0x8d: {  	[tilespmem:s26], [sflag:$0x2] =	stream.indirect.gather @!p1 [hbm4b:s4+s23], $0x80, s22, s23, $0xb8;
	[tilespmem:$0x1E800] =	vst v63  }
0x8e: {  	s25 =	simm.s32 @!p2 $0x2800;
	p0 =	sne.s32 s24, $0x0;
	s23 =	simm.s32 @!p2 $0x80  }
0x8f: {  	[tilespmem:s25], [sflag:$0x1] =	stream.indirect.gather @!p2 [hbm4b:s4+s23], $0x80, s22, s23, $0xb8;
	[tilespmem:$0x1E800] =	vst v63  }
0x90: {  	s22 =	simm.s32 @!p0 $0x1  }
0x91: {  	_ =	swait.ge @!p0 [sflag:s22], $0x4000  }
0x92: {  	s24 =	simm.s32 @!p0 $0x2800;
	[sflag:s22] =	ssyncset.done @!p0 $0x0  }
0x93: {  	s23 =	simm.s32 @!p0 $0x80;
	[sflag:s22] =	ssyncadd.s32 @!p0 $0xFFFFC000;
	s22 =	simm.s32 @!p0 $0x4  }
0x94: {  	[spmem:s2] =	stream.indirect.scatter.add.f32 @!p0 [tilespmem:s24], [sflag:$0x4], $0x80, s21, s23, $0xb8;
	[tilespmem:$0x1E800] =	vst v63  }
0x95: {  	_ =	swait.ge @!p0 [sflag:s22], $0x4000  }
0x96: {  	p1 =	por p1, p1;
	[sflag:s22] =	ssyncset.done @!p0 $0x0  }
0x97: {  	s23 =	simm.s32 @p1 $0x2;
	[sflag:s22] =	ssyncadd.s32 @!p0 $0xFFFFC000  }
0x98: {  	_ =	swait.ge @p1 [sflag:s23], $0x4000  }
0x99: {  	s24 =	simm.s32 @p1 $0x6800;
	[sflag:s23] =	ssyncset.done @p1 $0x0  }
0x9a: {  	s22 =	simm.s32 @p1 $0x80;
	[sflag:s23] =	ssyncadd.s32 @p1 $0xFFFFC000;
	s23 =	simm.s32 @p1 $0x3  }
0x9b: {  	[spmem:s2] =	stream.indirect.scatter.add.f32 @p1 [tilespmem:s24], [sflag:$0x3], $0x80, s21, s22, $0xb8;
	[tilespmem:$0x1E800] =	vst v63  }
0x9c: {  	_ =	swait.ge @p1 [sflag:s23], $0x4000  }
0x9d: {  	[sflag:s23] =	ssyncset.done @p1 $0x0  }
0x9e: {  	[sflag:s23] =	ssyncadd.s32 @p1 $0xFFFFC000  }
0x9f: {  	_ =	swait.ge [sflag:s16], $0x4000  }
0xa0: {  	[sflag:s16] =	ssyncset.done $0x0  }
0xa1: {  	[sflag:s16] =	ssyncadd.s32 $0xFFFFC000  }
0xa2: {  	[spmem:s2] =	stream.indirect.scatter.add.f32 [tilespmem:s18], [sflag:$0x3], $0x80, s17, s19, $0xb8;
	[tilespmem:$0x1E800] =	vst v63  }
0xa3: {  	_ =	swait.ge [sflag:s14], $0x4000  }
0xa4: {  	s20 =	sadd.s32 $0x1, s20;
	[sflag:s14] =	ssyncset.done $0x0  }
0xa5: {  	p0 =	sne.s32 s20, s12;
	[sflag:s14] =	ssyncadd.s32 $0xFFFFC000  }
.Ltmp2:
0xa6: {  	[bflag:$0x0] =	sbarrier.arrive $0xFFFF;
	(pc) =	sbr.rel @p0 .LBB2_1-.Ltmp2, $4  }
0xa7: {  	[hbm:s11], [sflag:s6] =	dma.local [spmem:s13], $0x2800  }
0xa8: {  	_ =	swait.ge [sflag:s14], $0x2800  }
0xa9: {  	[sflag:s14] =	ssyncset.done $0x0  }
0xaa: {  	[sflag:s14] =	ssyncadd.s32 $0xFFFFD800  }
0xab: {  	_ =	sfence.sel $0x180000  }
0xac: {  	[bflag:$0x0] =	sbarrier.arrive $0xFFFF  }
0xad: {  	p0 =	sne.s32 s1, $0x0;
	_ =	strace $0x90000056  }
0xae: {  	s0 =	sadd.s32 @!p0 $0x100000, s0;
	[bflag:$0x2] =	sbarrier.arrive $0xFFFF  }
0xaf: {  	[sflag:s0] =	ssyncadd.tile.s32 @!p0 $0x1;
	_ =	shalt  }
.Lfunc_end2:
_tile_overlayer_lowered:
.L_overlay_start_2:
0xb0: {  	(tag) =	ssettag $0x2  }
0xb1: {  	s0 =	rddreg [dreg:$0x0];
	s2 =	stileid.u32  }
0xb2: {  	s1 =	rddreg [dreg:$0x1];
	p0 =	sne.s32 s2, $0x0  }
0xb3: {  	s3 =	rddreg [dreg:$0x2];
	[bflag:$0x3] =	sbarrier.arrive $0xFFFF;
	s2 =	simm.s32 @!p0 $0x1C03  }
0xb4: {  	[timem:s3], [sflag:s2] =	dma.local @!p0 [hbm:s0], s1  }
0xb5: {  	s0 =	simm.s32 @!p0 $0x3  }
0xb6: {  	_ =	swait.ge @!p0 [sflag:s0], s1  }
0xb7: {  	s1 =	ssub.s32 @!p0 $0x0, s1;
	[sflag:s0] =	ssyncset.done @!p0 $0x0  }
0xb8: {  	[sflag:s0] =	ssyncadd.s32 @!p0 s1  }
0xb9: {  	[bflag:$0x3] =	sbarrier.arrive $0xFFFF  }
0xba: {  	_ =	shalt  }

</sc_bundles>
